<compile_context>
chip_gen: v7x
topology: tpu7x:2x2x1
jax: 0.10.2.dev20260603
libtpu: 0.0.44.dev20260713+nightly
codegen_flags: <defaults>
</compile_context>

<pallas_src>
import functools

import jax
import jax.numpy as jnp
import numpy as np
from jax import lax
from jax.experimental import pallas as pl
from jax.experimental.pallas import tpu as pltpu
from jax.experimental.pallas import tpu_sc as plsc

N = 10000
E = 320000
D = 128
NSTEPS = 4
NC, NS, L = 2, 16, 16
NW = NC * NS
EPT = E // NW
K = 80
NCH = EPT // K
NP = 10112
RPT = NP // NS

_MESH = plsc.VectorSubcoreMesh(core_axis_name="c", subcore_axis_name="s",
                               num_cores=NC, num_subcores=NS)
_SC_PARAMS = pltpu.CompilerParams(needs_layout_passes=False)


def _wid():
    return lax.axis_index("c") * NS + lax.axis_index("s")


def _sc_deg_body(dst_hbm, out_hbm, dst_v, acc_v):
    w = _wid()
    pltpu.sync_copy(dst_hbm.at[pl.ds(w * EPT, EPT)], dst_v)

    def zero(j, carry):
        acc_v[pl.ds(j * L, L)] = jnp.zeros((L,), jnp.float32)
        return carry

    lax.fori_loop(0, N // L, zero, 0)
    ones = jnp.full((L,), 1.0, jnp.float32)

    def body(j, carry):
        didx = dst_v[pl.ds(j * L, L)]
        plsc.addupdate_scatter(acc_v, [didx], ones)
        return carry

    lax.fori_loop(0, EPT // L, body, 0)
    pltpu.sync_copy(acc_v, out_hbm.at[w, 0])


_sc_deg = pl.kernel(
    _sc_deg_body,
    out_type=jax.ShapeDtypeStruct((NW, 1, N), jnp.float32),
    mesh=_MESH,
    scratch_types=[
        pltpu.VMEM((EPT,), jnp.int32),
        pltpu.VMEM((N,), jnp.float32),
    ],
    compiler_params=_SC_PARAMS,
)


def _sc_g_body(src_hbm, dst_hbm, dinv_hbm, out_hbm, src_v, dst_v, dinv_v, acc_v):
    w = _wid()
    pltpu.sync_copy(src_hbm.at[pl.ds(w * EPT, EPT)], src_v)
    pltpu.sync_copy(dst_hbm.at[pl.ds(w * EPT, EPT)], dst_v)
    pltpu.sync_copy(dinv_hbm, dinv_v)

    def zero(j, carry):
        acc_v[pl.ds(j * L, L)] = jnp.zeros((L,), jnp.float32)
        return carry

    lax.fori_loop(0, N // L, zero, 0)

    def body(j, carry):
        sidx = src_v[pl.ds(j * L, L)]
        didx = dst_v[pl.ds(j * L, L)]
        vals = plsc.load_gather(dinv_v, [sidx])
        plsc.addupdate_scatter(acc_v, [didx], vals)
        return carry

    lax.fori_loop(0, EPT // L, body, 0)
    pltpu.sync_copy(acc_v, out_hbm.at[w, 0])


_sc_g = pl.kernel(
    _sc_g_body,
    out_type=jax.ShapeDtypeStruct((NW, 1, N), jnp.float32),
    mesh=_MESH,
    scratch_types=[
        pltpu.VMEM((EPT,), jnp.int32),
        pltpu.VMEM((EPT,), jnp.int32),
        pltpu.VMEM((N,), jnp.float32),
        pltpu.VMEM((N,), jnp.float32),
    ],
    compiler_params=_SC_PARAMS,
)


NBUF = 5
GLAG = 2


def _sc_agg_body(pk_hbm, yp_hbm, zrows_hbm, out_hbm,
                 pk_v, rows_a, rows_b, rows_c,
                 sidx_a, didx_a, sidx_b, didx_b, sidx_c, didx_c,
                 acc_sh, sem_ga, sem_gb, sem_gc, sem_sa, sem_sb, sem_sc):
    c = lax.axis_index("c")
    s = lax.axis_index("s")
    w = c * NS + s
    pltpu.sync_copy(pk_hbm.at[w, 0], pk_v)
    pltpu.sync_copy(zrows_hbm, acc_sh.at[pl.ds(s * RPT, RPT)])
    plsc.subcore_barrier()

    bufs = [(sidx_a, didx_a, rows_a, sem_ga, sem_sa),
            (sidx_b, didx_b, rows_b, sem_gb, sem_sb),
            (sidx_c, didx_c, rows_c, sem_gc, sem_sc)]

    def unpack(j, sidx_st, didx_st):
        for i in range(K // L):
            v = pk_v[pl.ds(j * K + i * L, L)]
            sidx_st[0, pl.ds(i * L, L)] = jnp.right_shift(v, 14)
            didx_st[0, pl.ds(i * L, L)] = jnp.bitwise_and(v, 16383)

    def start_gather(j, b):
        sx, dx, rx, gx, sx2 = bufs[b]
        unpack(j, sx, dx)
        pltpu.async_copy(yp_hbm.at[sx.at[0]], rx, gx)

    def fwd(b):
        sx, dx, rx, gx, sx2 = bufs[b]
        pltpu.make_async_copy(yp_hbm.at[sx.at[0]], rx, gx).wait()
        pltpu.async_copy(rx, acc_sh.at[dx.at[0]], sx2, add=True)

    def wait_scatter(b):
        sx, dx, rx, gx, sx2 = bufs[b]
        pltpu.make_async_copy(rx, acc_sh.at[dx.at[0]], sx2).wait()

    def body(m, carry):
        for r in range(3):
            j = 3 * m + r
            if r < 2:
                pl.when(m > 0)(lambda b=(r + 1) % 3: fwd(b))
                pl.when(m > 0)(lambda b=r: wait_scatter(b))
            else:
                fwd(0)
                pl.when(m > 0)(lambda: wait_scatter(2))
            start_gather(j, r)
        return carry

    lax.fori_loop(0, NCH // 3, body, 0)
    for j in (NCH - 2, NCH - 1):
        b = j % 3
        fwd((j - 2) % 3)
        wait_scatter(b)
        start_gather(j, b)
    fwd((NCH - 2) % 3)
    fwd((NCH - 1) % 3)
    for b in range(3):
        wait_scatter(b)
    plsc.subcore_barrier()
    pltpu.sync_copy(acc_sh.at[pl.ds(s * RPT, RPT)], out_hbm.at[c, pl.ds(s * RPT, RPT)])


_sc_agg = pl.kernel(
    _sc_agg_body,
    out_type=jax.ShapeDtypeStruct((NC, NP, D), jnp.float32),
    mesh=_MESH,
    scratch_types=[
        pltpu.VMEM((EPT,), jnp.int32),
        pltpu.VMEM((K, D), jnp.float32),
        pltpu.VMEM((K, D), jnp.float32),
        pltpu.VMEM((K, D), jnp.float32),
        pltpu.VMEM((1, K), jnp.int32),
        pltpu.VMEM((1, K), jnp.int32),
        pltpu.VMEM((1, K), jnp.int32),
        pltpu.VMEM((1, K), jnp.int32),
        pltpu.VMEM((1, K), jnp.int32),
        pltpu.VMEM((1, K), jnp.int32),
        pltpu.VMEM_SHARED((NP, D), jnp.float32),
        pltpu.SemaphoreType.DMA,
        pltpu.SemaphoreType.DMA,
        pltpu.SemaphoreType.DMA,
        pltpu.SemaphoreType.DMA,
        pltpu.SemaphoreType.DMA,
        pltpu.SemaphoreType.DMA,
    ],
    compiler_params=_SC_PARAMS,
)


def _tc_emb_body(x_ref, ew_ref, eb_ref, pdeg_ref, h_ref, hp_ref, dinv_ref, dsq_ref):
    h = jnp.dot(x_ref[...], ew_ref[...], preferred_element_type=jnp.float32)
    h = h + eb_ref[...]
    deg = jnp.sum(pdeg_ref[...], axis=0) + 1.0
    dinv = lax.rsqrt(deg)
    h_ref[...] = h
    hp_ref[...] = h * dinv[:, None]
    dinv_ref[...] = dinv
    dsq_ref[...] = 1.0 / deg


_tc_emb = pl.pallas_call(
    _tc_emb_body,
    out_shape=[
        jax.ShapeDtypeStruct((N, D), jnp.float32),
        jax.ShapeDtypeStruct((N, D), jnp.float32),
        jax.ShapeDtypeStruct((N,), jnp.float32),
        jax.ShapeDtypeStruct((N,), jnp.float32),
    ],
)


def _tc_s_body(g_ref, dinv_ref, dsq_ref, s_ref):
    s_ref[...] = dinv_ref[...] * jnp.sum(g_ref[...], axis=0) + dsq_ref[...]


_tc_s = pl.pallas_call(
    _tc_s_body,
    out_shape=jax.ShapeDtypeStruct((N,), jnp.float32),
)


def _tc_step_body(t, dt, p_ref, y_ref, dinv_ref, dsq_ref, s_ref,
                  w1_ref, w0_ref, b_ref, ynew_ref, ypnew_ref):
    dinv = dinv_ref[...]
    y = y_ref[...]
    p = p_ref[0, :N] + p_ref[1, :N]
    agg = dinv[:, None] * p + dsq_ref[...][:, None] * y
    conv = jnp.dot(agg, w1_ref[...], preferred_element_type=jnp.float32)
    conv = conv + (t * s_ref[...])[:, None] * w0_ref[...][None, :] + b_ref[...]
    ynew = y + dt * conv
    ynew_ref[...] = ynew
    ypnew_ref[...] = ynew * dinv[:, None]


def _make_tc_step(t, dt):
    return pl.pallas_call(
        functools.partial(_tc_step_body, t, dt),
        out_shape=[
            jax.ShapeDtypeStruct((N, D), jnp.float32),
            jax.ShapeDtypeStruct((N, D), jnp.float32),
        ],
    )


_TS = np.linspace(0.0, 1.0, NSTEPS)
_TC_STEPS = [_make_tc_step(float(_TS[i - 1]), float(_TS[i] - _TS[i - 1]))
             for i in range(1, NSTEPS)]


def kernel(x, edge_index, emb_W, emb_b, gcn_W, gcn_b):
    src = edge_index[0].astype(jnp.int32)
    dst = edge_index[1].astype(jnp.int32)
    packed = ((src << 14) | dst).reshape(NW, 1, EPT)
    zrows = jnp.zeros((RPT, D), jnp.float32)

    pdeg = _sc_deg(dst).reshape(NW, N)
    h, hp, dinv, dsq = _tc_emb(x, emb_W, emb_b, pdeg)
    g = _sc_g(src, dst, dinv).reshape(NW, N)
    s = _tc_s(g, dinv, dsq)

    w0 = gcn_W[0]
    w1 = gcn_W[1:]
    outs = [h]
    y, yp = h, hp
    for i in range(1, NSTEPS):
        p = _sc_agg(packed, yp, zrows)
        y, yp = _TC_STEPS[i - 1](p, y, dinv, dsq, s, w1, w0, gcn_b)
        outs.append(y)
    return jnp.stack(outs, axis=0)

# --- scband reference (transcript-rebuilt; emitter-appended) ---
"""Pipeline reference for scband-gnn-cont-65816078844127 (READ-ONLY COPY).

The authoritative reference and input builder live on the scoring server;
editing this copy changes nothing except your own understanding.
"""

import jax, jax.numpy as jnp
import numpy as np

N_NODES = 10000
N_EDGES = 320000
D_FEAT = 128
HIDDEN = 128
N_STEPS = 4


def setup_inputs(seed: int = 0):
    key = jax.random.key(seed)
    k1, k2, k3, k4 = jax.random.split(key, 4)
    x = jax.random.normal(k1, (N_NODES, D_FEAT), dtype=jnp.float32)
    edge_index = jax.random.randint(k2, (2, N_EDGES), 0, N_NODES)
    emb_W = jax.random.normal(k3, (D_FEAT, HIDDEN), dtype=jnp.float32) / np.sqrt(D_FEAT)
    emb_b = jnp.zeros((HIDDEN,), dtype=jnp.float32)
    gcn_W = jax.random.normal(k4, (HIDDEN + 1, HIDDEN), dtype=jnp.float32) / np.sqrt(HIDDEN + 1)
    gcn_b = jnp.zeros((HIDDEN,), dtype=jnp.float32)
    return {"x": x, "edge_index": edge_index, "emb_W": emb_W, "emb_b": emb_b, "gcn_W": gcn_W, "gcn_b": gcn_b}


def _gcn_conv(x, edge_index, W, b, num_nodes):
    # PyG-style GCNConv: add self-loops, symmetric deg^-1/2 normalization,
    # linear transform, gather messages on src, scatter-add into dst.
    loop = jnp.arange(num_nodes, dtype=edge_index.dtype)
    src = jnp.concatenate([edge_index[0], loop])
    dst = jnp.concatenate([edge_index[1], loop])
    deg = jnp.zeros((num_nodes,), dtype=x.dtype).at[dst].add(1.0)
    dinv = jnp.where(deg > 0, deg ** -0.5, 0.0)
    norm = dinv[src] * dinv[dst]
    h = x @ W
    msg = h[src] * norm[:, None]
    out = jnp.zeros((num_nodes, h.shape[1]), dtype=h.dtype).at[dst].add(msg)
    return out + b


def _forward(x, edge_index, emb_W, emb_b, gcn_W, gcn_b):
    n = x.shape[0]
    h = x @ emb_W + emb_b
    ts = jnp.linspace(0.0, 1.0, N_STEPS)

    def ode(t, y):
        tt = jnp.ones((n, 1), dtype=y.dtype) * t
        z = jnp.concatenate([tt, y], axis=1)
        return _gcn_conv(z, edge_index, gcn_W, gcn_b, n)

    outs = [h]
    y = h
    for i in range(1, N_STEPS):
        dt = ts[i] - ts[i - 1]
        y = y + dt * ode(ts[i - 1], y)
        outs.append(y)
    return jnp.stack(outs, axis=0)


def reference(x, edge_index, emb_W, emb_b, gcn_W, gcn_b):
    return _forward(x, edge_index, emb_W, emb_b, gcn_W, gcn_b)

if __name__ == "__main__":
    import jax
    _d = setup_inputs()
    print(jax.jit(kernel)(*tuple(_d.values())))

</pallas_src>

<mosaic_0001>
#map = affine_map<(d0, d1) -> (0, 0, 0)>
#map1 = affine_map<(d0, d1) -> (0, 0)>
module attributes {stable_mosaic.version = 14 : i64} {
  func.func @_sc_agg_body(%arg0: i32, %arg1: i32, %arg2: memref<32x1x10000xi32, #tpu.memory_space<hbm>>, %arg3: memref<10000x128xf32, #tpu.memory_space<hbm>>, %arg4: memref<632x128xf32, #tpu.memory_space<hbm>>, %arg5: memref<2x10112x128xf32, #tpu.memory_space<hbm>>, %arg6: memref<10000xi32, #tpu.memory_space<vmem>>, %arg7: memref<80x128xf32, #tpu.memory_space<vmem>>, %arg8: memref<80x128xf32, #tpu.memory_space<vmem>>, %arg9: memref<80x128xf32, #tpu.memory_space<vmem>>, %arg10: memref<1x80xi32, #tpu.memory_space<vmem>>, %arg11: memref<1x80xi32, #tpu.memory_space<vmem>>, %arg12: memref<1x80xi32, #tpu.memory_space<vmem>>, %arg13: memref<1x80xi32, #tpu.memory_space<vmem>>, %arg14: memref<1x80xi32, #tpu.memory_space<vmem>>, %arg15: memref<1x80xi32, #tpu.memory_space<vmem>>, %arg16: memref<10112x128xf32, #tpu.memory_space<vmem_shared>>, %arg17: memref<!tpu.dma_semaphore, #tpu.memory_space<semaphore_mem>>, %arg18: memref<!tpu.dma_semaphore, #tpu.memory_space<semaphore_mem>>, %arg19: memref<!tpu.dma_semaphore, #tpu.memory_space<semaphore_mem>>, %arg20: memref<!tpu.dma_semaphore, #tpu.memory_space<semaphore_mem>>, %arg21: memref<!tpu.dma_semaphore, #tpu.memory_space<semaphore_mem>>, %arg22: memref<!tpu.dma_semaphore, #tpu.memory_space<semaphore_mem>>) attributes {dimension_semantics = [#tpu.dimension_semantics<core_parallel>, #tpu.dimension_semantics<subcore_parallel>], iteration_bounds = array<i64: 2, 16>, scalar_prefetch = 0 : i64, scratch_operands = 17 : i64, tpu.core_type = #tpu.core_type<sc_vector_subcore>, window_params = [{transform_indices = #map}, {transform_indices = #map1}, {transform_indices = #map1}, {transform_indices = #map}]} {
    %mul3A = arith.constant 16 : i32
    %mul3A_0 = arith.muli %arg0, %mul3A : i32
    %add3A = arith.addi %mul3A_0, %arg1 : i32
    %run_scoped3A = arith.constant 0 : i32
    "tpu.region"() ({
      %run_scoped3A_272 = tpu.sem_alloc : memref<!tpu.dma_semaphore, #tpu.memory_space<semaphore_mem>>
      %dma_start3A_273 = arith.constant 0 : i32
      %dma_start3A_274 = tpu.memref_slice %arg2[%add3A, %run_scoped3A, %dma_start3A_273] : memref<32x1x10000xi32, #tpu.memory_space<hbm>> -> memref<1x1x10000xi32, #tpu.memory_space<hbm>>
      %dma_start3A_275 = tpu.memref_squeeze %dma_start3A_274 : memref<1x1x10000xi32, #tpu.memory_space<hbm>> -> memref<10000xi32, #tpu.memory_space<hbm>>
      %dma_start3A_276 = arith.constant 0 : i32
      %dma_start3A_277 = tpu.memref_slice %arg2[%add3A, %run_scoped3A, %dma_start3A_276] : memref<32x1x10000xi32, #tpu.memory_space<hbm>> -> memref<1x1x10000xi32, #tpu.memory_space<hbm>>
      %dma_start3A_278 = tpu.memref_squeeze %dma_start3A_277 : memref<1x1x10000xi32, #tpu.memory_space<hbm>> -> memref<10000xi32, #tpu.memory_space<hbm>>
      tpu.enqueue_dma source(%dma_start3A_278 : memref<10000xi32, #tpu.memory_space<hbm>>) target(%arg6 : memref<10000xi32, #tpu.memory_space<vmem>>) target_semaphore(%run_scoped3A_272 : memref<!tpu.dma_semaphore, #tpu.memory_space<semaphore_mem>>)
      %dma_wait3A_279 = arith.constant 0 : i32
      %dma_wait3A_280 = tpu.memref_slice %arg2[%add3A, %run_scoped3A, %dma_wait3A_279] : memref<32x1x10000xi32, #tpu.memory_space<hbm>> -> memref<1x1x10000xi32, #tpu.memory_space<hbm>>
      %dma_wait3A_281 = tpu.memref_squeeze %dma_wait3A_280 : memref<1x1x10000xi32, #tpu.memory_space<hbm>> -> memref<10000xi32, #tpu.memory_space<hbm>>
      %dma_wait3A_282 = arith.constant 0 : i32
      %dma_wait3A_283 = tpu.memref_slice %arg2[%add3A, %run_scoped3A, %dma_wait3A_282] : memref<32x1x10000xi32, #tpu.memory_space<hbm>> -> memref<1x1x10000xi32, #tpu.memory_space<hbm>>
      %dma_wait3A_284 = tpu.memref_squeeze %dma_wait3A_283 : memref<1x1x10000xi32, #tpu.memory_space<hbm>> -> memref<10000xi32, #tpu.memory_space<hbm>>
      tpu.wait_dma2 semaphore(%run_scoped3A_272 : memref<!tpu.dma_semaphore, #tpu.memory_space<semaphore_mem>>) src(%dma_wait3A_284 : memref<10000xi32, #tpu.memory_space<hbm>>) dst(%arg6 : memref<10000xi32, #tpu.memory_space<vmem>>)
      tpu.yield
    }) : () -> ()
    %mul3A_1 = arith.constant 632 : i32
    %mul3A_2 = arith.muli %arg1, %mul3A_1 : i32
    "tpu.region"() ({
      %run_scoped3A_272 = tpu.sem_alloc : memref<!tpu.dma_semaphore, #tpu.memory_space<semaphore_mem>>
      %dma_start3A_273 = arith.constant 0 : i32
      %dma_start3A_274 = tpu.memref_slice %arg16[%mul3A_2, %dma_start3A_273] : memref<10112x128xf32, #tpu.memory_space<vmem_shared>> -> memref<632x128xf32, #tpu.memory_space<vmem_shared>>
      tpu.enqueue_dma source(%arg4 : memref<632x128xf32, #tpu.memory_space<hbm>>) target(%dma_start3A_274 : memref<632x128xf32, #tpu.memory_space<vmem_shared>>) target_semaphore(%run_scoped3A_272 : memref<!tpu.dma_semaphore, #tpu.memory_space<semaphore_mem>>)
      %dma_wait3A_275 = arith.constant 0 : i32
      %dma_wait3A_276 = tpu.memref_slice %arg16[%mul3A_2, %dma_wait3A_275] : memref<10112x128xf32, #tpu.memory_space<vmem_shared>> -> memref<632x128xf32, #tpu.memory_space<vmem_shared>>
      tpu.wait_dma2 semaphore(%run_scoped3A_272 : memref<!tpu.dma_semaphore, #tpu.memory_space<semaphore_mem>>) src(%arg4 : memref<632x128xf32, #tpu.memory_space<hbm>>) dst(%dma_wait3A_276 : memref<632x128xf32, #tpu.memory_space<vmem_shared>>)
      tpu.yield
    }) : () -> ()
    %barrier3A = arith.constant 0 : index
    tpu.barrier barrier_id(%barrier3A)
    %scan3A = arith.constant 0 : i32
    %scan3A_3 = arith.constant 0 : i32
    %scan3A_4 = arith.constant 41 : i32
    %scan3A_5 = arith.addi %scan3A_3, %scan3A_4 : i32
    %scan3A_6 = arith.constant 1 : i32
    scf.for %scan3A_272 = %scan3A_3 to %scan3A_5 step %scan3A_6  : i32 {
      %mul3A_273 = arith.constant 3 : i32
      %mul3A_274 = arith.muli %mul3A_273, %scan3A_272 : i32
      %add3A_275 = arith.constant 0 : i32
      %add3A_276 = arith.addi %mul3A_274, %add3A_275 : i32
      %gt3A = arith.constant 0 : i32
      %gt3A_277 = arith.cmpi sgt, %scan3A_272, %gt3A : i32
      %convert_element_type3A = arith.extui %gt3A_277 : i1 to i32
      %cond3A = arith.constant 0 : i32
      %cond3A_278 = arith.cmpi ne, %convert_element_type3A, %cond3A : i32
      scf.if %cond3A_278 {
        %dma_wait3A_642 = arith.constant 0 : i32
        %dma_wait3A_643 = arith.constant 0 : i32
        %dma_wait3A_644 = tpu.memref_slice %arg12[%dma_wait3A_642, %dma_wait3A_643] : memref<1x80xi32, #tpu.memory_space<vmem>> -> memref<1x80xi32, #tpu.memory_space<vmem>>
        %dma_wait3A_645 = tpu.memref_squeeze %dma_wait3A_644 : memref<1x80xi32, #tpu.memory_space<vmem>> -> memref<80xi32, #tpu.memory_space<vmem>>
        %dma_wait3A_646 = arith.constant 0 : i32
        %dma_wait3A_647 = arith.constant 0 : i32
        %dma_wait3A_648 = tpu.memref_slice %arg3[%dma_wait3A_646, %dma_wait3A_647] : memref<10000x128xf32, #tpu.memory_space<hbm>> -> memref<10000x128xf32, #tpu.memory_space<hbm>>
        tpu.wait_indirect_dma semaphore(%arg18 : memref<!tpu.dma_semaphore, #tpu.memory_space<semaphore_mem>>) src(%dma_wait3A_648 : memref<10000x128xf32, #tpu.memory_space<hbm>>) dst(%arg8 : memref<80x128xf32, #tpu.memory_space<vmem>>)
        %dma_start3A_649 = arith.constant 0 : i32
        %dma_start3A_650 = arith.constant 0 : i32
        %dma_start3A_651 = tpu.memref_slice %arg13[%dma_start3A_649, %dma_start3A_650] : memref<1x80xi32, #tpu.memory_space<vmem>> -> memref<1x80xi32, #tpu.memory_space<vmem>>
        %dma_start3A_652 = tpu.memref_squeeze %dma_start3A_651 : memref<1x80xi32, #tpu.memory_space<vmem>> -> memref<80xi32, #tpu.memory_space<vmem>>
        %dma_start3A_653 = arith.constant 0 : i32
        %dma_start3A_654 = arith.constant 0 : i32
        %dma_start3A_655 = tpu.memref_slice %arg16[%dma_start3A_653, %dma_start3A_654] : memref<10112x128xf32, #tpu.memory_space<vmem_shared>> -> memref<10112x128xf32, #tpu.memory_space<vmem_shared>>
        tpu.enqueue_indirect_dma source(%arg8 : memref<80x128xf32, #tpu.memory_space<vmem>>) target(%dma_start3A_655 : memref<10112x128xf32, #tpu.memory_space<vmem_shared>>) offsets(%dma_start3A_652 : memref<80xi32, #tpu.memory_space<vmem>>) semaphore(%arg21 : memref<!tpu.dma_semaphore, #tpu.memory_space<semaphore_mem>>) {add = true}
      } else {
      }
      %gt3A_279 = arith.constant 0 : i32
      %gt3A_280 = arith.cmpi sgt, %scan3A_272, %gt3A_279 : i32
      %convert_element_type3A_281 = arith.extui %gt3A_280 : i1 to i32
      %cond3A_282 = arith.constant 0 : i32
      %cond3A_283 = arith.cmpi ne, %convert_element_type3A_281, %cond3A_282 : i32
      scf.if %cond3A_283 {
        %dma_wait3A_642 = arith.constant 0 : i32
        %dma_wait3A_643 = arith.constant 0 : i32
        %dma_wait3A_644 = tpu.memref_slice %arg11[%dma_wait3A_642, %dma_wait3A_643] : memref<1x80xi32, #tpu.memory_space<vmem>> -> memref<1x80xi32, #tpu.memory_space<vmem>>
        %dma_wait3A_645 = tpu.memref_squeeze %dma_wait3A_644 : memref<1x80xi32, #tpu.memory_space<vmem>> -> memref<80xi32, #tpu.memory_space<vmem>>
        %dma_wait3A_646 = arith.constant 0 : i32
        %dma_wait3A_647 = arith.constant 0 : i32
        %dma_wait3A_648 = tpu.memref_slice %arg16[%dma_wait3A_646, %dma_wait3A_647] : memref<10112x128xf32, #tpu.memory_space<vmem_shared>> -> memref<10112x128xf32, #tpu.memory_space<vmem_shared>>
        tpu.wait_indirect_dma semaphore(%arg20 : memref<!tpu.dma_semaphore, #tpu.memory_space<semaphore_mem>>) src(%arg7 : memref<80x128xf32, #tpu.memory_space<vmem>>) dst(%dma_wait3A_648 : memref<10112x128xf32, #tpu.memory_space<vmem_shared>>)
      } else {
      }
      %mul3A_284 = arith.constant 80 : i32
      %mul3A_285 = arith.muli %add3A_276, %mul3A_284 : i32
      %add3A_286 = arith.constant 0 : i32
      %add3A_287 = arith.addi %mul3A_285, %add3A_286 : i32
      %get3A_288 = arith.index_cast %add3A_287 : i32 to index
      %get3A_289 = tpu.vector_load %arg6[%get3A_288] {strides = array<i32>} : memref<10000xi32, #tpu.memory_space<vmem>>, vector<16xi32>,
      %shift_right_arithmetic3A_290 = arith.constant 14 : i32
      %shift_right_arithmetic3A_291 = vector.broadcast %shift_right_arithmetic3A_290 : i32 to vector<16xi32>
      %shift_right_arithmetic3A_292 = arith.shrsi %get3A_289, %shift_right_arithmetic3A_291 : vector<16xi32>
      %swap3A_293 = arith.constant 0 : i32
      %swap3A_294 = arith.index_cast %swap3A_293 : i32 to index
      %swap3A_295 = arith.constant 0 : index
      %swap3A_296 = tpu.vector_load %arg10[%swap3A_294, %swap3A_295] {strides = array<i32>} : memref<1x80xi32, #tpu.memory_space<vmem>>, vector<16xi32>,
      tpu.vector_store %arg10[%swap3A_294, %swap3A_295], %shift_right_arithmetic3A_292 {strides = array<i32>} : memref<1x80xi32, #tpu.memory_space<vmem>>, vector<16xi32>,
      %and3A_297 = arith.constant 16383 : i32
      %and3A_298 = vector.broadcast %and3A_297 : i32 to vector<16xi32>
      %and3A_299 = arith.andi %get3A_289, %and3A_298 : vector<16xi32>
      %swap3A_300 = arith.constant 0 : i32
      %swap3A_301 = arith.index_cast %swap3A_300 : i32 to index
      %swap3A_302 = arith.constant 0 : index
      %swap3A_303 = tpu.vector_load %arg11[%swap3A_301, %swap3A_302] {strides = array<i32>} : memref<1x80xi32, #tpu.memory_space<vmem>>, vector<16xi32>,
      tpu.vector_store %arg11[%swap3A_301, %swap3A_302], %and3A_299 {strides = array<i32>} : memref<1x80xi32, #tpu.memory_space<vmem>>, vector<16xi32>,
      %mul3A_304 = arith.constant 80 : i32
      %mul3A_305 = arith.muli %add3A_276, %mul3A_304 : i32
      %add3A_306 = arith.constant 16 : i32
      %add3A_307 = arith.addi %mul3A_305, %add3A_306 : i32
      %get3A_308 = arith.index_cast %add3A_307 : i32 to index
      %get3A_309 = tpu.vector_load %arg6[%get3A_308] {strides = array<i32>} : memref<10000xi32, #tpu.memory_space<vmem>>, vector<16xi32>,
      %shift_right_arithmetic3A_310 = arith.constant 14 : i32
      %shift_right_arithmetic3A_311 = vector.broadcast %shift_right_arithmetic3A_310 : i32 to vector<16xi32>
      %shift_right_arithmetic3A_312 = arith.shrsi %get3A_309, %shift_right_arithmetic3A_311 : vector<16xi32>
      %swap3A_313 = arith.constant 0 : i32
      %swap3A_314 = arith.index_cast %swap3A_313 : i32 to index
      %swap3A_315 = arith.constant 16 : index
      %swap3A_316 = tpu.vector_load %arg10[%swap3A_314, %swap3A_315] {strides = array<i32>} : memref<1x80xi32, #tpu.memory_space<vmem>>, vector<16xi32>,
      tpu.vector_store %arg10[%swap3A_314, %swap3A_315], %shift_right_arithmetic3A_312 {strides = array<i32>} : memref<1x80xi32, #tpu.memory_space<vmem>>, vector<16xi32>,
      %and3A_317 = arith.constant 16383 : i32
      %and3A_318 = vector.broadcast %and3A_317 : i32 to vector<16xi32>
      %and3A_319 = arith.andi %get3A_309, %and3A_318 : vector<16xi32>
      %swap3A_320 = arith.constant 0 : i32
      %swap3A_321 = arith.index_cast %swap3A_320 : i32 to index
      %swap3A_322 = arith.constant 16 : index
      %swap3A_323 = tpu.vector_load %arg11[%swap3A_321, %swap3A_322] {strides = array<i32>} : memref<1x80xi32, #tpu.memory_space<vmem>>, vector<16xi32>,
      tpu.vector_store %arg11[%swap3A_321, %swap3A_322], %and3A_319 {strides = array<i32>} : memref<1x80xi32, #tpu.memory_space<vmem>>, vector<16xi32>,
      %mul3A_324 = arith.constant 80 : i32
      %mul3A_325 = arith.muli %add3A_276, %mul3A_324 : i32
      %add3A_326 = arith.constant 32 : i32
      %add3A_327 = arith.addi %mul3A_325, %add3A_326 : i32
      %get3A_328 = arith.index_cast %add3A_327 : i32 to index
      %get3A_329 = tpu.vector_load %arg6[%get3A_328] {strides = array<i32>} : memref<10000xi32, #tpu.memory_space<vmem>>, vector<16xi32>,
      %shift_right_arithmetic3A_330 = arith.constant 14 : i32
      %shift_right_arithmetic3A_331 = vector.broadcast %shift_right_arithmetic3A_330 : i32 to vector<16xi32>
      %shift_right_arithmetic3A_332 = arith.shrsi %get3A_329, %shift_right_arithmetic3A_331 : vector<16xi32>
      %swap3A_333 = arith.constant 0 : i32
      %swap3A_334 = arith.index_cast %swap3A_333 : i32 to index
      %swap3A_335 = arith.constant 32 : index
      %swap3A_336 = tpu.vector_load %arg10[%swap3A_334, %swap3A_335] {strides = array<i32>} : memref<1x80xi32, #tpu.memory_space<vmem>>, vector<16xi32>,
      tpu.vector_store %arg10[%swap3A_334, %swap3A_335], %shift_right_arithmetic3A_332 {strides = array<i32>} : memref<1x80xi32, #tpu.memory_space<vmem>>, vector<16xi32>,
      %and3A_337 = arith.constant 16383 : i32
      %and3A_338 = vector.broadcast %and3A_337 : i32 to vector<16xi32>
      %and3A_339 = arith.andi %get3A_329, %and3A_338 : vector<16xi32>
      %swap3A_340 = arith.constant 0 : i32
      %swap3A_341 = arith.index_cast %swap3A_340 : i32 to index
      %swap3A_342 = arith.constant 32 : index
      %swap3A_343 = tpu.vector_load %arg11[%swap3A_341, %swap3A_342] {strides = array<i32>} : memref<1x80xi32, #tpu.memory_space<vmem>>, vector<16xi32>,
      tpu.vector_store %arg11[%swap3A_341, %swap3A_342], %and3A_339 {strides = array<i32>} : memref<1x80xi32, #tpu.memory_space<vmem>>, vector<16xi32>,
      %mul3A_344 = arith.constant 80 : i32
      %mul3A_345 = arith.muli %add3A_276, %mul3A_344 : i32
      %add3A_346 = arith.constant 48 : i32
      %add3A_347 = arith.addi %mul3A_345, %add3A_346 : i32
      %get3A_348 = arith.index_cast %add3A_347 : i32 to index
      %get3A_349 = tpu.vector_load %arg6[%get3A_348] {strides = array<i32>} : memref<10000xi32, #tpu.memory_space<vmem>>, vector<16xi32>,
      %shift_right_arithmetic3A_350 = arith.constant 14 : i32
      %shift_right_arithmetic3A_351 = vector.broadcast %shift_right_arithmetic3A_350 : i32 to vector<16xi32>
      %shift_right_arithmetic3A_352 = arith.shrsi %get3A_349, %shift_right_arithmetic3A_351 : vector<16xi32>
      %swap3A_353 = arith.constant 0 : i32
      %swap3A_354 = arith.index_cast %swap3A_353 : i32 to index
      %swap3A_355 = arith.constant 48 : index
      %swap3A_356 = tpu.vector_load %arg10[%swap3A_354, %swap3A_355] {strides = array<i32>} : memref<1x80xi32, #tpu.memory_space<vmem>>, vector<16xi32>,
      tpu.vector_store %arg10[%swap3A_354, %swap3A_355], %shift_right_arithmetic3A_352 {strides = array<i32>} : memref<1x80xi32, #tpu.memory_space<vmem>>, vector<16xi32>,
      %and3A_357 = arith.constant 16383 : i32
      %and3A_358 = vector.broadcast %and3A_357 : i32 to vector<16xi32>
      %and3A_359 = arith.andi %get3A_349, %and3A_358 : vector<16xi32>
      %swap3A_360 = arith.constant 0 : i32
      %swap3A_361 = arith.index_cast %swap3A_360 : i32 to index
      %swap3A_362 = arith.constant 48 : index
      %swap3A_363 = tpu.vector_load %arg11[%swap3A_361, %swap3A_362] {strides = array<i32>} : memref<1x80xi32, #tpu.memory_space<vmem>>, vector<16xi32>,
      tpu.vector_store %arg11[%swap3A_361, %swap3A_362], %and3A_359 {strides = array<i32>} : memref<1x80xi32, #tpu.memory_space<vmem>>, vector<16xi32>,
      %mul3A_364 = arith.constant 80 : i32
      %mul3A_365 = arith.muli %add3A_276, %mul3A_364 : i32
      %add3A_366 = arith.constant 64 : i32
      %add3A_367 = arith.addi %mul3A_365, %add3A_366 : i32
      %get3A_368 = arith.index_cast %add3A_367 : i32 to index
      %get3A_369 = tpu.vector_load %arg6[%get3A_368] {strides = array<i32>} : memref<10000xi32, #tpu.memory_space<vmem>>, vector<16xi32>,
      %shift_right_arithmetic3A_370 = arith.constant 14 : i32
      %shift_right_arithmetic3A_371 = vector.broadcast %shift_right_arithmetic3A_370 : i32 to vector<16xi32>
      %shift_right_arithmetic3A_372 = arith.shrsi %get3A_369, %shift_right_arithmetic3A_371 : vector<16xi32>
      %swap3A_373 = arith.constant 0 : i32
      %swap3A_374 = arith.index_cast %swap3A_373 : i32 to index
      %swap3A_375 = arith.constant 64 : index
      %swap3A_376 = tpu.vector_load %arg10[%swap3A_374, %swap3A_375] {strides = array<i32>} : memref<1x80xi32, #tpu.memory_space<vmem>>, vector<16xi32>,
      tpu.vector_store %arg10[%swap3A_374, %swap3A_375], %shift_right_arithmetic3A_372 {strides = array<i32>} : memref<1x80xi32, #tpu.memory_space<vmem>>, vector<16xi32>,
      %and3A_377 = arith.constant 16383 : i32
      %and3A_378 = vector.broadcast %and3A_377 : i32 to vector<16xi32>
      %and3A_379 = arith.andi %get3A_369, %and3A_378 : vector<16xi32>
      %swap3A_380 = arith.constant 0 : i32
      %swap3A_381 = arith.index_cast %swap3A_380 : i32 to index
      %swap3A_382 = arith.constant 64 : index
      %swap3A_383 = tpu.vector_load %arg11[%swap3A_381, %swap3A_382] {strides = array<i32>} : memref<1x80xi32, #tpu.memory_space<vmem>>, vector<16xi32>,
      tpu.vector_store %arg11[%swap3A_381, %swap3A_382], %and3A_379 {strides = array<i32>} : memref<1x80xi32, #tpu.memory_space<vmem>>, vector<16xi32>,
      %dma_start3A_384 = arith.constant 0 : i32
      %dma_start3A_385 = arith.constant 0 : i32
      %dma_start3A_386 = tpu.memref_slice %arg10[%dma_start3A_384, %dma_start3A_385] : memref<1x80xi32, #tpu.memory_space<vmem>> -> memref<1x80xi32, #tpu.memory_space<vmem>>
      %dma_start3A_387 = tpu.memref_squeeze %dma_start3A_386 : memref<1x80xi32, #tpu.memory_space<vmem>> -> memref<80xi32, #tpu.memory_space<vmem>>
      %dma_start3A_388 = arith.constant 0 : i32
      %dma_start3A_389 = arith.constant 0 : i32
      %dma_start3A_390 = tpu.memref_slice %arg3[%dma_start3A_388, %dma_start3A_389] : memref<10000x128xf32, #tpu.memory_space<hbm>> -> memref<10000x128xf32, #tpu.memory_space<hbm>>
      tpu.enqueue_indirect_dma source(%dma_start3A_390 : memref<10000x128xf32, #tpu.memory_space<hbm>>) target(%arg7 : memref<80x128xf32, #tpu.memory_space<vmem>>) offsets(%dma_start3A_387 : memref<80xi32, #tpu.memory_space<vmem>>) semaphore(%arg17 : memref<!tpu.dma_semaphore, #tpu.memory_space<semaphore_mem>>)
      %mul3A_391 = arith.constant 3 : i32
      %mul3A_392 = arith.muli %mul3A_391, %scan3A_272 : i32
      %add3A_393 = arith.constant 1 : i32
      %add3A_394 = arith.addi %mul3A_392, %add3A_393 : i32
      %gt3A_395 = arith.constant 0 : i32
      %gt3A_396 = arith.cmpi sgt, %scan3A_272, %gt3A_395 : i32
      %convert_element_type3A_397 = arith.extui %gt3A_396 : i1 to i32
      %cond3A_398 = arith.constant 0 : i32
      %cond3A_399 = arith.cmpi ne, %convert_element_type3A_397, %cond3A_398 : i32
      scf.if %cond3A_399 {
        %dma_wait3A_642 = arith.constant 0 : i32
        %dma_wait3A_643 = arith.constant 0 : i32
        %dma_wait3A_644 = tpu.memref_slice %arg14[%dma_wait3A_642, %dma_wait3A_643] : memref<1x80xi32, #tpu.memory_space<vmem>> -> memref<1x80xi32, #tpu.memory_space<vmem>>
        %dma_wait3A_645 = tpu.memref_squeeze %dma_wait3A_644 : memref<1x80xi32, #tpu.memory_space<vmem>> -> memref<80xi32, #tpu.memory_space<vmem>>
        %dma_wait3A_646 = arith.constant 0 : i32
        %dma_wait3A_647 = arith.constant 0 : i32
        %dma_wait3A_648 = tpu.memref_slice %arg3[%dma_wait3A_646, %dma_wait3A_647] : memref<10000x128xf32, #tpu.memory_space<hbm>> -> memref<10000x128xf32, #tpu.memory_space<hbm>>
        tpu.wait_indirect_dma semaphore(%arg19 : memref<!tpu.dma_semaphore, #tpu.memory_space<semaphore_mem>>) src(%dma_wait3A_648 : memref<10000x128xf32, #tpu.memory_space<hbm>>) dst(%arg9 : memref<80x128xf32, #tpu.memory_space<vmem>>)
        %dma_start3A_649 = arith.constant 0 : i32
        %dma_start3A_650 = arith.constant 0 : i32
        %dma_start3A_651 = tpu.memref_slice %arg15[%dma_start3A_649, %dma_start3A_650] : memref<1x80xi32, #tpu.memory_space<vmem>> -> memref<1x80xi32, #tpu.memory_space<vmem>>
        %dma_start3A_652 = tpu.memref_squeeze %dma_start3A_651 : memref<1x80xi32, #tpu.memory_space<vmem>> -> memref<80xi32, #tpu.memory_space<vmem>>
        %dma_start3A_653 = arith.constant 0 : i32
        %dma_start3A_654 = arith.constant 0 : i32
        %dma_start3A_655 = tpu.memref_slice %arg16[%dma_start3A_653, %dma_start3A_654] : memref<10112x128xf32, #tpu.memory_space<vmem_shared>> -> memref<10112x128xf32, #tpu.memory_space<vmem_shared>>
        tpu.enqueue_indirect_dma source(%arg9 : memref<80x128xf32, #tpu.memory_space<vmem>>) target(%dma_start3A_655 : memref<10112x128xf32, #tpu.memory_space<vmem_shared>>) offsets(%dma_start3A_652 : memref<80xi32, #tpu.memory_space<vmem>>) semaphore(%arg22 : memref<!tpu.dma_semaphore, #tpu.memory_space<semaphore_mem>>) {add = true}
      } else {
      }
      %gt3A_400 = arith.constant 0 : i32
      %gt3A_401 = arith.cmpi sgt, %scan3A_272, %gt3A_400 : i32
      %convert_element_type3A_402 = arith.extui %gt3A_401 : i1 to i32
      %cond3A_403 = arith.constant 0 : i32
      %cond3A_404 = arith.cmpi ne, %convert_element_type3A_402, %cond3A_403 : i32
      scf.if %cond3A_404 {
        %dma_wait3A_642 = arith.constant 0 : i32
        %dma_wait3A_643 = arith.constant 0 : i32
        %dma_wait3A_644 = tpu.memref_slice %arg13[%dma_wait3A_642, %dma_wait3A_643] : memref<1x80xi32, #tpu.memory_space<vmem>> -> memref<1x80xi32, #tpu.memory_space<vmem>>
        %dma_wait3A_645 = tpu.memref_squeeze %dma_wait3A_644 : memref<1x80xi32, #tpu.memory_space<vmem>> -> memref<80xi32, #tpu.memory_space<vmem>>
        %dma_wait3A_646 = arith.constant 0 : i32
        %dma_wait3A_647 = arith.constant 0 : i32
        %dma_wait3A_648 = tpu.memref_slice %arg16[%dma_wait3A_646, %dma_wait3A_647] : memref<10112x128xf32, #tpu.memory_space<vmem_shared>> -> memref<10112x128xf32, #tpu.memory_space<vmem_shared>>
        tpu.wait_indirect_dma semaphore(%arg21 : memref<!tpu.dma_semaphore, #tpu.memory_space<semaphore_mem>>) src(%arg8 : memref<80x128xf32, #tpu.memory_space<vmem>>) dst(%dma_wait3A_648 : memref<10112x128xf32, #tpu.memory_space<vmem_shared>>)
      } else {
      }
      %mul3A_405 = arith.constant 80 : i32
      %mul3A_406 = arith.muli %add3A_394, %mul3A_405 : i32
      %add3A_407 = arith.constant 0 : i32
      %add3A_408 = arith.addi %mul3A_406, %add3A_407 : i32
      %get3A_409 = arith.index_cast %add3A_408 : i32 to index
      %get3A_410 = tpu.vector_load %arg6[%get3A_409] {strides = array<i32>} : memref<10000xi32, #tpu.memory_space<vmem>>, vector<16xi32>,
      %shift_right_arithmetic3A_411 = arith.constant 14 : i32
      %shift_right_arithmetic3A_412 = vector.broadcast %shift_right_arithmetic3A_411 : i32 to vector<16xi32>
      %shift_right_arithmetic3A_413 = arith.shrsi %get3A_410, %shift_right_arithmetic3A_412 : vector<16xi32>
      %swap3A_414 = arith.constant 0 : i32
      %swap3A_415 = arith.index_cast %swap3A_414 : i32 to index
      %swap3A_416 = arith.constant 0 : index
      %swap3A_417 = tpu.vector_load %arg12[%swap3A_415, %swap3A_416] {strides = array<i32>} : memref<1x80xi32, #tpu.memory_space<vmem>>, vector<16xi32>,
      tpu.vector_store %arg12[%swap3A_415, %swap3A_416], %shift_right_arithmetic3A_413 {strides = array<i32>} : memref<1x80xi32, #tpu.memory_space<vmem>>, vector<16xi32>,
      %and3A_418 = arith.constant 16383 : i32
      %and3A_419 = vector.broadcast %and3A_418 : i32 to vector<16xi32>
      %and3A_420 = arith.andi %get3A_410, %and3A_419 : vector<16xi32>
      %swap3A_421 = arith.constant 0 : i32
      %swap3A_422 = arith.index_cast %swap3A_421 : i32 to index
      %swap3A_423 = arith.constant 0 : index
      %swap3A_424 = tpu.vector_load %arg13[%swap3A_422, %swap3A_423] {strides = array<i32>} : memref<1x80xi32, #tpu.memory_space<vmem>>, vector<16xi32>,
      tpu.vector_store %arg13[%swap3A_422, %swap3A_423], %and3A_420 {strides = array<i32>} : memref<1x80xi32, #tpu.memory_space<vmem>>, vector<16xi32>,
      %mul3A_425 = arith.constant 80 : i32
      %mul3A_426 = arith.muli %add3A_394, %mul3A_425 : i32
      %add3A_427 = arith.constant 16 : i32
      %add3A_428 = arith.addi %mul3A_426, %add3A_427 : i32
      %get3A_429 = arith.index_cast %add3A_428 : i32 to index
      %get3A_430 = tpu.vector_load %arg6[%get3A_429] {strides = array<i32>} : memref<10000xi32, #tpu.memory_space<vmem>>, vector<16xi32>,
      %shift_right_arithmetic3A_431 = arith.constant 14 : i32
      %shift_right_arithmetic3A_432 = vector.broadcast %shift_right_arithmetic3A_431 : i32 to vector<16xi32>
      %shift_right_arithmetic3A_433 = arith.shrsi %get3A_430, %shift_right_arithmetic3A_432 : vector<16xi32>
      %swap3A_434 = arith.constant 0 : i32
      %swap3A_435 = arith.index_cast %swap3A_434 : i32 to index
      %swap3A_436 = arith.constant 16 : index
      %swap3A_437 = tpu.vector_load %arg12[%swap3A_435, %swap3A_436] {strides = array<i32>} : memref<1x80xi32, #tpu.memory_space<vmem>>, vector<16xi32>,
      tpu.vector_store %arg12[%swap3A_435, %swap3A_436], %shift_right_arithmetic3A_433 {strides = array<i32>} : memref<1x80xi32, #tpu.memory_space<vmem>>, vector<16xi32>,
      %and3A_438 = arith.constant 16383 : i32
      %and3A_439 = vector.broadcast %and3A_438 : i32 to vector<16xi32>
      %and3A_440 = arith.andi %get3A_430, %and3A_439 : vector<16xi32>
      %swap3A_441 = arith.constant 0 : i32
      %swap3A_442 = arith.index_cast %swap3A_441 : i32 to index
      %swap3A_443 = arith.constant 16 : index
      %swap3A_444 = tpu.vector_load %arg13[%swap3A_442, %swap3A_443] {strides = array<i32>} : memref<1x80xi32, #tpu.memory_space<vmem>>, vector<16xi32>,
      tpu.vector_store %arg13[%swap3A_442, %swap3A_443], %and3A_440 {strides = array<i32>} : memref<1x80xi32, #tpu.memory_space<vmem>>, vector<16xi32>,
      %mul3A_445 = arith.constant 80 : i32
      %mul3A_446 = arith.muli %add3A_394, %mul3A_445 : i32
      %add3A_447 = arith.constant 32 : i32
      %add3A_448 = arith.addi %mul3A_446, %add3A_447 : i32
      %get3A_449 = arith.index_cast %add3A_448 : i32 to index
      %get3A_450 = tpu.vector_load %arg6[%get3A_449] {strides = array<i32>} : memref<10000xi32, #tpu.memory_space<vmem>>, vector<16xi32>,
      %shift_right_arithmetic3A_451 = arith.constant 14 : i32
      %shift_right_arithmetic3A_452 = vector.broadcast %shift_right_arithmetic3A_451 : i32 to vector<16xi32>
      %shift_right_arithmetic3A_453 = arith.shrsi %get3A_450, %shift_right_arithmetic3A_452 : vector<16xi32>
      %swap3A_454 = arith.constant 0 : i32
      %swap3A_455 = arith.index_cast %swap3A_454 : i32 to index
      %swap3A_456 = arith.constant 32 : index
      %swap3A_457 = tpu.vector_load %arg12[%swap3A_455, %swap3A_456] {strides = array<i32>} : memref<1x80xi32, #tpu.memory_space<vmem>>, vector<16xi32>,
      tpu.vector_store %arg12[%swap3A_455, %swap3A_456], %shift_right_arithmetic3A_453 {strides = array<i32>} : memref<1x80xi32, #tpu.memory_space<vmem>>, vector<16xi32>,
      %and3A_458 = arith.constant 16383 : i32
      %and3A_459 = vector.broadcast %and3A_458 : i32 to vector<16xi32>
      %and3A_460 = arith.andi %get3A_450, %and3A_459 : vector<16xi32>
      %swap3A_461 = arith.constant 0 : i32
      %swap3A_462 = arith.index_cast %swap3A_461 : i32 to index
      %swap3A_463 = arith.constant 32 : index
      %swap3A_464 = tpu.vector_load %arg13[%swap3A_462, %swap3A_463] {strides = array<i32>} : memref<1x80xi32, #tpu.memory_space<vmem>>, vector<16xi32>,
      tpu.vector_store %arg13[%swap3A_462, %swap3A_463], %and3A_460 {strides = array<i32>} : memref<1x80xi32, #tpu.memory_space<vmem>>, vector<16xi32>,
      %mul3A_465 = arith.constant 80 : i32
      %mul3A_466 = arith.muli %add3A_394, %mul3A_465 : i32
      %add3A_467 = arith.constant 48 : i32
      %add3A_468 = arith.addi %mul3A_466, %add3A_467 : i32
      %get3A_469 = arith.index_cast %add3A_468 : i32 to index
      %get3A_470 = tpu.vector_load %arg6[%get3A_469] {strides = array<i32>} : memref<10000xi32, #tpu.memory_space<vmem>>, vector<16xi32>,
      %shift_right_arithmetic3A_471 = arith.constant 14 : i32
      %shift_right_arithmetic3A_472 = vector.broadcast %shift_right_arithmetic3A_471 : i32 to vector<16xi32>
      %shift_right_arithmetic3A_473 = arith.shrsi %get3A_470, %shift_right_arithmetic3A_472 : vector<16xi32>
      %swap3A_474 = arith.constant 0 : i32
      %swap3A_475 = arith.index_cast %swap3A_474 : i32 to index
      %swap3A_476 = arith.constant 48 : index
      %swap3A_477 = tpu.vector_load %arg12[%swap3A_475, %swap3A_476] {strides = array<i32>} : memref<1x80xi32, #tpu.memory_space<vmem>>, vector<16xi32>,
      tpu.vector_store %arg12[%swap3A_475, %swap3A_476], %shift_right_arithmetic3A_473 {strides = array<i32>} : memref<1x80xi32, #tpu.memory_space<vmem>>, vector<16xi32>,
      %and3A_478 = arith.constant 16383 : i32
      %and3A_479 = vector.broadcast %and3A_478 : i32 to vector<16xi32>
      %and3A_480 = arith.andi %get3A_470, %and3A_479 : vector<16xi32>
      %swap3A_481 = arith.constant 0 : i32
      %swap3A_482 = arith.index_cast %swap3A_481 : i32 to index
      %swap3A_483 = arith.constant 48 : index
      %swap3A_484 = tpu.vector_load %arg13[%swap3A_482, %swap3A_483] {strides = array<i32>} : memref<1x80xi32, #tpu.memory_space<vmem>>, vector<16xi32>,
      tpu.vector_store %arg13[%swap3A_482, %swap3A_483], %and3A_480 {strides = array<i32>} : memref<1x80xi32, #tpu.memory_space<vmem>>, vector<16xi32>,
      %mul3A_485 = arith.constant 80 : i32
      %mul3A_486 = arith.muli %add3A_394, %mul3A_485 : i32
      %add3A_487 = arith.constant 64 : i32
      %add3A_488 = arith.addi %mul3A_486, %add3A_487 : i32
      %get3A_489 = arith.index_cast %add3A_488 : i32 to index
      %get3A_490 = tpu.vector_load %arg6[%get3A_489] {strides = array<i32>} : memref<10000xi32, #tpu.memory_space<vmem>>, vector<16xi32>,
      %shift_right_arithmetic3A_491 = arith.constant 14 : i32
      %shift_right_arithmetic3A_492 = vector.broadcast %shift_right_arithmetic3A_491 : i32 to vector<16xi32>
      %shift_right_arithmetic3A_493 = arith.shrsi %get3A_490, %shift_right_arithmetic3A_492 : vector<16xi32>
      %swap3A_494 = arith.constant 0 : i32
      %swap3A_495 = arith.index_cast %swap3A_494 : i32 to index
      %swap3A_496 = arith.constant 64 : index
      %swap3A_497 = tpu.vector_load %arg12[%swap3A_495, %swap3A_496] {strides = array<i32>} : memref<1x80xi32, #tpu.memory_space<vmem>>, vector<16xi32>,
      tpu.vector_store %arg12[%swap3A_495, %swap3A_496], %shift_right_arithmetic3A_493 {strides = array<i32>} : memref<1x80xi32, #tpu.memory_space<vmem>>, vector<16xi32>,
      %and3A_498 = arith.constant 16383 : i32
      %and3A_499 = vector.broadcast %and3A_498 : i32 to vector<16xi32>
      %and3A_500 = arith.andi %get3A_490, %and3A_499 : vector<16xi32>
      %swap3A_501 = arith.constant 0 : i32
      %swap3A_502 = arith.index_cast %swap3A_501 : i32 to index
      %swap3A_503 = arith.constant 64 : index
      %swap3A_504 = tpu.vector_load %arg13[%swap3A_502, %swap3A_503] {strides = array<i32>} : memref<1x80xi32, #tpu.memory_space<vmem>>, vector<16xi32>,
      tpu.vector_store %arg13[%swap3A_502, %swap3A_503], %and3A_500 {strides = array<i32>} : memref<1x80xi32, #tpu.memory_space<vmem>>, vector<16xi32>,
      %dma_start3A_505 = arith.constant 0 : i32
      %dma_start3A_506 = arith.constant 0 : i32
      %dma_start3A_507 = tpu.memref_slice %arg12[%dma_start3A_505, %dma_start3A_506] : memref<1x80xi32, #tpu.memory_space<vmem>> -> memref<1x80xi32, #tpu.memory_space<vmem>>
      %dma_start3A_508 = tpu.memref_squeeze %dma_start3A_507 : memref<1x80xi32, #tpu.memory_space<vmem>> -> memref<80xi32, #tpu.memory_space<vmem>>
      %dma_start3A_509 = arith.constant 0 : i32
      %dma_start3A_510 = arith.constant 0 : i32
      %dma_start3A_511 = tpu.memref_slice %arg3[%dma_start3A_509, %dma_start3A_510] : memref<10000x128xf32, #tpu.memory_space<hbm>> -> memref<10000x128xf32, #tpu.memory_space<hbm>>
      tpu.enqueue_indirect_dma source(%dma_start3A_511 : memref<10000x128xf32, #tpu.memory_space<hbm>>) target(%arg8 : memref<80x128xf32, #tpu.memory_space<vmem>>) offsets(%dma_start3A_508 : memref<80xi32, #tpu.memory_space<vmem>>) semaphore(%arg18 : memref<!tpu.dma_semaphore, #tpu.memory_space<semaphore_mem>>)
      %mul3A_512 = arith.constant 3 : i32
      %mul3A_513 = arith.muli %mul3A_512, %scan3A_272 : i32
      %add3A_514 = arith.constant 2 : i32
      %add3A_515 = arith.addi %mul3A_513, %add3A_514 : i32
      %dma_wait3A_516 = arith.constant 0 : i32
      %dma_wait3A_517 = arith.constant 0 : i32
      %dma_wait3A_518 = tpu.memref_slice %arg10[%dma_wait3A_516, %dma_wait3A_517] : memref<1x80xi32, #tpu.memory_space<vmem>> -> memref<1x80xi32, #tpu.memory_space<vmem>>
      %dma_wait3A_519 = tpu.memref_squeeze %dma_wait3A_518 : memref<1x80xi32, #tpu.memory_space<vmem>> -> memref<80xi32, #tpu.memory_space<vmem>>
      %dma_wait3A_520 = arith.constant 0 : i32
      %dma_wait3A_521 = arith.constant 0 : i32
      %dma_wait3A_522 = tpu.memref_slice %arg3[%dma_wait3A_520, %dma_wait3A_521] : memref<10000x128xf32, #tpu.memory_space<hbm>> -> memref<10000x128xf32, #tpu.memory_space<hbm>>
      tpu.wait_indirect_dma semaphore(%arg17 : memref<!tpu.dma_semaphore, #tpu.memory_space<semaphore_mem>>) src(%dma_wait3A_522 : memref<10000x128xf32, #tpu.memory_space<hbm>>) dst(%arg7 : memref<80x128xf32, #tpu.memory_space<vmem>>)
      %dma_start3A_523 = arith.constant 0 : i32
      %dma_start3A_524 = arith.constant 0 : i32
      %dma_start3A_525 = tpu.memref_slice %arg11[%dma_start3A_523, %dma_start3A_524] : memref<1x80xi32, #tpu.memory_space<vmem>> -> memref<1x80xi32, #tpu.memory_space<vmem>>
      %dma_start3A_526 = tpu.memref_squeeze %dma_start3A_525 : memref<1x80xi32, #tpu.memory_space<vmem>> -> memref<80xi32, #tpu.memory_space<vmem>>
      %dma_start3A_527 = arith.constant 0 : i32
      %dma_start3A_528 = arith.constant 0 : i32
      %dma_start3A_529 = tpu.memref_slice %arg16[%dma_start3A_527, %dma_start3A_528] : memref<10112x128xf32, #tpu.memory_space<vmem_shared>> -> memref<10112x128xf32, #tpu.memory_space<vmem_shared>>
      tpu.enqueue_indirect_dma source(%arg7 : memref<80x128xf32, #tpu.memory_space<vmem>>) target(%dma_start3A_529 : memref<10112x128xf32, #tpu.memory_space<vmem_shared>>) offsets(%dma_start3A_526 : memref<80xi32, #tpu.memory_space<vmem>>) semaphore(%arg20 : memref<!tpu.dma_semaphore, #tpu.memory_space<semaphore_mem>>) {add = true}
      %gt3A_530 = arith.constant 0 : i32
      %gt3A_531 = arith.cmpi sgt, %scan3A_272, %gt3A_530 : i32
      %convert_element_type3A_532 = arith.extui %gt3A_531 : i1 to i32
      %cond3A_533 = arith.constant 0 : i32
      %cond3A_534 = arith.cmpi ne, %convert_element_type3A_532, %cond3A_533 : i32
      scf.if %cond3A_534 {
        %dma_wait3A_642 = arith.constant 0 : i32
        %dma_wait3A_643 = arith.constant 0 : i32
        %dma_wait3A_644 = tpu.memref_slice %arg15[%dma_wait3A_642, %dma_wait3A_643] : memref<1x80xi32, #tpu.memory_space<vmem>> -> memref<1x80xi32, #tpu.memory_space<vmem>>
        %dma_wait3A_645 = tpu.memref_squeeze %dma_wait3A_644 : memref<1x80xi32, #tpu.memory_space<vmem>> -> memref<80xi32, #tpu.memory_space<vmem>>
        %dma_wait3A_646 = arith.constant 0 : i32
        %dma_wait3A_647 = arith.constant 0 : i32
        %dma_wait3A_648 = tpu.memref_slice %arg16[%dma_wait3A_646, %dma_wait3A_647] : memref<10112x128xf32, #tpu.memory_space<vmem_shared>> -> memref<10112x128xf32, #tpu.memory_space<vmem_shared>>
        tpu.wait_indirect_dma semaphore(%arg22 : memref<!tpu.dma_semaphore, #tpu.memory_space<semaphore_mem>>) src(%arg9 : memref<80x128xf32, #tpu.memory_space<vmem>>) dst(%dma_wait3A_648 : memref<10112x128xf32, #tpu.memory_space<vmem_shared>>)
      } else {
      }
      %mul3A_535 = arith.constant 80 : i32
      %mul3A_536 = arith.muli %add3A_515, %mul3A_535 : i32
      %add3A_537 = arith.constant 0 : i32
      %add3A_538 = arith.addi %mul3A_536, %add3A_537 : i32
      %get3A_539 = arith.index_cast %add3A_538 : i32 to index
      %get3A_540 = tpu.vector_load %arg6[%get3A_539] {strides = array<i32>} : memref<10000xi32, #tpu.memory_space<vmem>>, vector<16xi32>,
      %shift_right_arithmetic3A_541 = arith.constant 14 : i32
      %shift_right_arithmetic3A_542 = vector.broadcast %shift_right_arithmetic3A_541 : i32 to vector<16xi32>
      %shift_right_arithmetic3A_543 = arith.shrsi %get3A_540, %shift_right_arithmetic3A_542 : vector<16xi32>
      %swap3A_544 = arith.constant 0 : i32
      %swap3A_545 = arith.index_cast %swap3A_544 : i32 to index
      %swap3A_546 = arith.constant 0 : index
      %swap3A_547 = tpu.vector_load %arg14[%swap3A_545, %swap3A_546] {strides = array<i32>} : memref<1x80xi32, #tpu.memory_space<vmem>>, vector<16xi32>,
      tpu.vector_store %arg14[%swap3A_545, %swap3A_546], %shift_right_arithmetic3A_543 {strides = array<i32>} : memref<1x80xi32, #tpu.memory_space<vmem>>, vector<16xi32>,
      %and3A_548 = arith.constant 16383 : i32
      %and3A_549 = vector.broadcast %and3A_548 : i32 to vector<16xi32>
      %and3A_550 = arith.andi %get3A_540, %and3A_549 : vector<16xi32>
      %swap3A_551 = arith.constant 0 : i32
      %swap3A_552 = arith.index_cast %swap3A_551 : i32 to index
      %swap3A_553 = arith.constant 0 : index
      %swap3A_554 = tpu.vector_load %arg15[%swap3A_552, %swap3A_553] {strides = array<i32>} : memref<1x80xi32, #tpu.memory_space<vmem>>, vector<16xi32>,
      tpu.vector_store %arg15[%swap3A_552, %swap3A_553], %and3A_550 {strides = array<i32>} : memref<1x80xi32, #tpu.memory_space<vmem>>, vector<16xi32>,
      %mul3A_555 = arith.constant 80 : i32
      %mul3A_556 = arith.muli %add3A_515, %mul3A_555 : i32
      %add3A_557 = arith.constant 16 : i32
      %add3A_558 = arith.addi %mul3A_556, %add3A_557 : i32
      %get3A_559 = arith.index_cast %add3A_558 : i32 to index
      %get3A_560 = tpu.vector_load %arg6[%get3A_559] {strides = array<i32>} : memref<10000xi32, #tpu.memory_space<vmem>>, vector<16xi32>,
      %shift_right_arithmetic3A_561 = arith.constant 14 : i32
      %shift_right_arithmetic3A_562 = vector.broadcast %shift_right_arithmetic3A_561 : i32 to vector<16xi32>
      %shift_right_arithmetic3A_563 = arith.shrsi %get3A_560, %shift_right_arithmetic3A_562 : vector<16xi32>
      %swap3A_564 = arith.constant 0 : i32
      %swap3A_565 = arith.index_cast %swap3A_564 : i32 to index
      %swap3A_566 = arith.constant 16 : index
      %swap3A_567 = tpu.vector_load %arg14[%swap3A_565, %swap3A_566] {strides = array<i32>} : memref<1x80xi32, #tpu.memory_space<vmem>>, vector<16xi32>,
      tpu.vector_store %arg14[%swap3A_565, %swap3A_566], %shift_right_arithmetic3A_563 {strides = array<i32>} : memref<1x80xi32, #tpu.memory_space<vmem>>, vector<16xi32>,
      %and3A_568 = arith.constant 16383 : i32
      %and3A_569 = vector.broadcast %and3A_568 : i32 to vector<16xi32>
      %and3A_570 = arith.andi %get3A_560, %and3A_569 : vector<16xi32>
      %swap3A_571 = arith.constant 0 : i32
      %swap3A_572 = arith.index_cast %swap3A_571 : i32 to index
      %swap3A_573 = arith.constant 16 : index
      %swap3A_574 = tpu.vector_load %arg15[%swap3A_572, %swap3A_573] {strides = array<i32>} : memref<1x80xi32, #tpu.memory_space<vmem>>, vector<16xi32>,
      tpu.vector_store %arg15[%swap3A_572, %swap3A_573], %and3A_570 {strides = array<i32>} : memref<1x80xi32, #tpu.memory_space<vmem>>, vector<16xi32>,
      %mul3A_575 = arith.constant 80 : i32
      %mul3A_576 = arith.muli %add3A_515, %mul3A_575 : i32
      %add3A_577 = arith.constant 32 : i32
      %add3A_578 = arith.addi %mul3A_576, %add3A_577 : i32
      %get3A_579 = arith.index_cast %add3A_578 : i32 to index
      %get3A_580 = tpu.vector_load %arg6[%get3A_579] {strides = array<i32>} : memref<10000xi32, #tpu.memory_space<vmem>>, vector<16xi32>,
      %shift_right_arithmetic3A_581 = arith.constant 14 : i32
      %shift_right_arithmetic3A_582 = vector.broadcast %shift_right_arithmetic3A_581 : i32 to vector<16xi32>
      %shift_right_arithmetic3A_583 = arith.shrsi %get3A_580, %shift_right_arithmetic3A_582 : vector<16xi32>
      %swap3A_584 = arith.constant 0 : i32
      %swap3A_585 = arith.index_cast %swap3A_584 : i32 to index
      %swap3A_586 = arith.constant 32 : index
      %swap3A_587 = tpu.vector_load %arg14[%swap3A_585, %swap3A_586] {strides = array<i32>} : memref<1x80xi32, #tpu.memory_space<vmem>>, vector<16xi32>,
      tpu.vector_store %arg14[%swap3A_585, %swap3A_586], %shift_right_arithmetic3A_583 {strides = array<i32>} : memref<1x80xi32, #tpu.memory_space<vmem>>, vector<16xi32>,
      %and3A_588 = arith.constant 16383 : i32
      %and3A_589 = vector.broadcast %and3A_588 : i32 to vector<16xi32>
      %and3A_590 = arith.andi %get3A_580, %and3A_589 : vector<16xi32>
      %swap3A_591 = arith.constant 0 : i32
      %swap3A_592 = arith.index_cast %swap3A_591 : i32 to index
      %swap3A_593 = arith.constant 32 : index
      %swap3A_594 = tpu.vector_load %arg15[%swap3A_592, %swap3A_593] {strides = array<i32>} : memref<1x80xi32, #tpu.memory_space<vmem>>, vector<16xi32>,
      tpu.vector_store %arg15[%swap3A_592, %swap3A_593], %and3A_590 {strides = array<i32>} : memref<1x80xi32, #tpu.memory_space<vmem>>, vector<16xi32>,
      %mul3A_595 = arith.constant 80 : i32
      %mul3A_596 = arith.muli %add3A_515, %mul3A_595 : i32
      %add3A_597 = arith.constant 48 : i32
      %add3A_598 = arith.addi %mul3A_596, %add3A_597 : i32
      %get3A_599 = arith.index_cast %add3A_598 : i32 to index
      %get3A_600 = tpu.vector_load %arg6[%get3A_599] {strides = array<i32>} : memref<10000xi32, #tpu.memory_space<vmem>>, vector<16xi32>,
      %shift_right_arithmetic3A_601 = arith.constant 14 : i32
      %shift_right_arithmetic3A_602 = vector.broadcast %shift_right_arithmetic3A_601 : i32 to vector<16xi32>
      %shift_right_arithmetic3A_603 = arith.shrsi %get3A_600, %shift_right_arithmetic3A_602 : vector<16xi32>
      %swap3A_604 = arith.constant 0 : i32
      %swap3A_605 = arith.index_cast %swap3A_604 : i32 to index
      %swap3A_606 = arith.constant 48 : index
      %swap3A_607 = tpu.vector_load %arg14[%swap3A_605, %swap3A_606] {strides = array<i32>} : memref<1x80xi32, #tpu.memory_space<vmem>>, vector<16xi32>,
      tpu.vector_store %arg14[%swap3A_605, %swap3A_606], %shift_right_arithmetic3A_603 {strides = array<i32>} : memref<1x80xi32, #tpu.memory_space<vmem>>, vector<16xi32>,
      %and3A_608 = arith.constant 16383 : i32
      %and3A_609 = vector.broadcast %and3A_608 : i32 to vector<16xi32>
      %and3A_610 = arith.andi %get3A_600, %and3A_609 : vector<16xi32>
      %swap3A_611 = arith.constant 0 : i32
      %swap3A_612 = arith.index_cast %swap3A_611 : i32 to index
      %swap3A_613 = arith.constant 48 : index
      %swap3A_614 = tpu.vector_load %arg15[%swap3A_612, %swap3A_613] {strides = array<i32>} : memref<1x80xi32, #tpu.memory_space<vmem>>, vector<16xi32>,
      tpu.vector_store %arg15[%swap3A_612, %swap3A_613], %and3A_610 {strides = array<i32>} : memref<1x80xi32, #tpu.memory_space<vmem>>, vector<16xi32>,
      %mul3A_615 = arith.constant 80 : i32
      %mul3A_616 = arith.muli %add3A_515, %mul3A_615 : i32
      %add3A_617 = arith.constant 64 : i32
      %add3A_618 = arith.addi %mul3A_616, %add3A_617 : i32
      %get3A_619 = arith.index_cast %add3A_618 : i32 to index
      %get3A_620 = tpu.vector_load %arg6[%get3A_619] {strides = array<i32>} : memref<10000xi32, #tpu.memory_space<vmem>>, vector<16xi32>,
      %shift_right_arithmetic3A_621 = arith.constant 14 : i32
      %shift_right_arithmetic3A_622 = vector.broadcast %shift_right_arithmetic3A_621 : i32 to vector<16xi32>
      %shift_right_arithmetic3A_623 = arith.shrsi %get3A_620, %shift_right_arithmetic3A_622 : vector<16xi32>
      %swap3A_624 = arith.constant 0 : i32
      %swap3A_625 = arith.index_cast %swap3A_624 : i32 to index
      %swap3A_626 = arith.constant 64 : index
      %swap3A_627 = tpu.vector_load %arg14[%swap3A_625, %swap3A_626] {strides = array<i32>} : memref<1x80xi32, #tpu.memory_space<vmem>>, vector<16xi32>,
      tpu.vector_store %arg14[%swap3A_625, %swap3A_626], %shift_right_arithmetic3A_623 {strides = array<i32>} : memref<1x80xi32, #tpu.memory_space<vmem>>, vector<16xi32>,
      %and3A_628 = arith.constant 16383 : i32
      %and3A_629 = vector.broadcast %and3A_628 : i32 to vector<16xi32>
      %and3A_630 = arith.andi %get3A_620, %and3A_629 : vector<16xi32>
      %swap3A_631 = arith.constant 0 : i32
      %swap3A_632 = arith.index_cast %swap3A_631 : i32 to index
      %swap3A_633 = arith.constant 64 : index
      %swap3A_634 = tpu.vector_load %arg15[%swap3A_632, %swap3A_633] {strides = array<i32>} : memref<1x80xi32, #tpu.memory_space<vmem>>, vector<16xi32>,
      tpu.vector_store %arg15[%swap3A_632, %swap3A_633], %and3A_630 {strides = array<i32>} : memref<1x80xi32, #tpu.memory_space<vmem>>, vector<16xi32>,
      %dma_start3A_635 = arith.constant 0 : i32
      %dma_start3A_636 = arith.constant 0 : i32
      %dma_start3A_637 = tpu.memref_slice %arg14[%dma_start3A_635, %dma_start3A_636] : memref<1x80xi32, #tpu.memory_space<vmem>> -> memref<1x80xi32, #tpu.memory_space<vmem>>
      %dma_start3A_638 = tpu.memref_squeeze %dma_start3A_637 : memref<1x80xi32, #tpu.memory_space<vmem>> -> memref<80xi32, #tpu.memory_space<vmem>>
      %dma_start3A_639 = arith.constant 0 : i32
      %dma_start3A_640 = arith.constant 0 : i32
      %dma_start3A_641 = tpu.memref_slice %arg3[%dma_start3A_639, %dma_start3A_640] : memref<10000x128xf32, #tpu.memory_space<hbm>> -> memref<10000x128xf32, #tpu.memory_space<hbm>>
      tpu.enqueue_indirect_dma source(%dma_start3A_641 : memref<10000x128xf32, #tpu.memory_space<hbm>>) target(%arg9 : memref<80x128xf32, #tpu.memory_space<vmem>>) offsets(%dma_start3A_638 : memref<80xi32, #tpu.memory_space<vmem>>) semaphore(%arg19 : memref<!tpu.dma_semaphore, #tpu.memory_space<semaphore_mem>>)
    }
    %scan3A_7 = arith.constant 41 : i32
    %dma_wait3A = arith.constant 0 : i32
    %dma_wait3A_8 = arith.constant 0 : i32
    %dma_wait3A_9 = tpu.memref_slice %arg12[%dma_wait3A, %dma_wait3A_8] : memref<1x80xi32, #tpu.memory_space<vmem>> -> memref<1x80xi32, #tpu.memory_space<vmem>>
    %dma_wait3A_10 = tpu.memref_squeeze %dma_wait3A_9 : memref<1x80xi32, #tpu.memory_space<vmem>> -> memref<80xi32, #tpu.memory_space<vmem>>
    %dma_wait3A_11 = arith.constant 0 : i32
    %dma_wait3A_12 = arith.constant 0 : i32
    %dma_wait3A_13 = tpu.memref_slice %arg3[%dma_wait3A_11, %dma_wait3A_12] : memref<10000x128xf32, #tpu.memory_space<hbm>> -> memref<10000x128xf32, #tpu.memory_space<hbm>>
    tpu.wait_indirect_dma semaphore(%arg18 : memref<!tpu.dma_semaphore, #tpu.memory_space<semaphore_mem>>) src(%dma_wait3A_13 : memref<10000x128xf32, #tpu.memory_space<hbm>>) dst(%arg8 : memref<80x128xf32, #tpu.memory_space<vmem>>)
    %dma_start3A = arith.constant 0 : i32
    %dma_start3A_14 = arith.constant 0 : i32
    %dma_start3A_15 = tpu.memref_slice %arg13[%dma_start3A, %dma_start3A_14] : memref<1x80xi32, #tpu.memory_space<vmem>> -> memref<1x80xi32, #tpu.memory_space<vmem>>
    %dma_start3A_16 = tpu.memref_squeeze %dma_start3A_15 : memref<1x80xi32, #tpu.memory_space<vmem>> -> memref<80xi32, #tpu.memory_space<vmem>>
    %dma_start3A_17 = arith.constant 0 : i32
    %dma_start3A_18 = arith.constant 0 : i32
    %dma_start3A_19 = tpu.memref_slice %arg16[%dma_start3A_17, %dma_start3A_18] : memref<10112x128xf32, #tpu.memory_space<vmem_shared>> -> memref<10112x128xf32, #tpu.memory_space<vmem_shared>>
    tpu.enqueue_indirect_dma source(%arg8 : memref<80x128xf32, #tpu.memory_space<vmem>>) target(%dma_start3A_19 : memref<10112x128xf32, #tpu.memory_space<vmem_shared>>) offsets(%dma_start3A_16 : memref<80xi32, #tpu.memory_space<vmem>>) semaphore(%arg21 : memref<!tpu.dma_semaphore, #tpu.memory_space<semaphore_mem>>) {add = true}
    %dma_wait3A_20 = arith.constant 0 : i32
    %dma_wait3A_21 = arith.constant 0 : i32
    %dma_wait3A_22 = tpu.memref_slice %arg11[%dma_wait3A_20, %dma_wait3A_21] : memref<1x80xi32, #tpu.memory_space<vmem>> -> memref<1x80xi32, #tpu.memory_space<vmem>>
    %dma_wait3A_23 = tpu.memref_squeeze %dma_wait3A_22 : memref<1x80xi32, #tpu.memory_space<vmem>> -> memref<80xi32, #tpu.memory_space<vmem>>
    %dma_wait3A_24 = arith.constant 0 : i32
    %dma_wait3A_25 = arith.constant 0 : i32
    %dma_wait3A_26 = tpu.memref_slice %arg16[%dma_wait3A_24, %dma_wait3A_25] : memref<10112x128xf32, #tpu.memory_space<vmem_shared>> -> memref<10112x128xf32, #tpu.memory_space<vmem_shared>>
    tpu.wait_indirect_dma semaphore(%arg20 : memref<!tpu.dma_semaphore, #tpu.memory_space<semaphore_mem>>) src(%arg7 : memref<80x128xf32, #tpu.memory_space<vmem>>) dst(%dma_wait3A_26 : memref<10112x128xf32, #tpu.memory_space<vmem_shared>>)
    %get3A = arith.constant 9840 : index
    %get3A_27 = tpu.vector_load %arg6[%get3A] {strides = array<i32>} : memref<10000xi32, #tpu.memory_space<vmem>>, vector<16xi32>,
    %shift_right_arithmetic3A = arith.constant 14 : i32
    %shift_right_arithmetic3A_28 = vector.broadcast %shift_right_arithmetic3A : i32 to vector<16xi32>
    %shift_right_arithmetic3A_29 = arith.shrsi %get3A_27, %shift_right_arithmetic3A_28 : vector<16xi32>
    %swap3A = arith.constant 0 : i32
    %swap3A_30 = arith.index_cast %swap3A : i32 to index
    %swap3A_31 = arith.constant 0 : index
    %swap3A_32 = tpu.vector_load %arg10[%swap3A_30, %swap3A_31] {strides = array<i32>} : memref<1x80xi32, #tpu.memory_space<vmem>>, vector<16xi32>,
    tpu.vector_store %arg10[%swap3A_30, %swap3A_31], %shift_right_arithmetic3A_29 {strides = array<i32>} : memref<1x80xi32, #tpu.memory_space<vmem>>, vector<16xi32>,
    %and3A = arith.constant 16383 : i32
    %and3A_33 = vector.broadcast %and3A : i32 to vector<16xi32>
    %and3A_34 = arith.andi %get3A_27, %and3A_33 : vector<16xi32>
    %swap3A_35 = arith.constant 0 : i32
    %swap3A_36 = arith.index_cast %swap3A_35 : i32 to index
    %swap3A_37 = arith.constant 0 : index
    %swap3A_38 = tpu.vector_load %arg11[%swap3A_36, %swap3A_37] {strides = array<i32>} : memref<1x80xi32, #tpu.memory_space<vmem>>, vector<16xi32>,
    tpu.vector_store %arg11[%swap3A_36, %swap3A_37], %and3A_34 {strides = array<i32>} : memref<1x80xi32, #tpu.memory_space<vmem>>, vector<16xi32>,
    %get3A_39 = arith.constant 9856 : index
    %get3A_40 = tpu.vector_load %arg6[%get3A_39] {strides = array<i32>} : memref<10000xi32, #tpu.memory_space<vmem>>, vector<16xi32>,
    %shift_right_arithmetic3A_41 = arith.constant 14 : i32
    %shift_right_arithmetic3A_42 = vector.broadcast %shift_right_arithmetic3A_41 : i32 to vector<16xi32>
    %shift_right_arithmetic3A_43 = arith.shrsi %get3A_40, %shift_right_arithmetic3A_42 : vector<16xi32>
    %swap3A_44 = arith.constant 0 : i32
    %swap3A_45 = arith.index_cast %swap3A_44 : i32 to index
    %swap3A_46 = arith.constant 16 : index
    %swap3A_47 = tpu.vector_load %arg10[%swap3A_45, %swap3A_46] {strides = array<i32>} : memref<1x80xi32, #tpu.memory_space<vmem>>, vector<16xi32>,
    tpu.vector_store %arg10[%swap3A_45, %swap3A_46], %shift_right_arithmetic3A_43 {strides = array<i32>} : memref<1x80xi32, #tpu.memory_space<vmem>>, vector<16xi32>,
    %and3A_48 = arith.constant 16383 : i32
    %and3A_49 = vector.broadcast %and3A_48 : i32 to vector<16xi32>
    %and3A_50 = arith.andi %get3A_40, %and3A_49 : vector<16xi32>
    %swap3A_51 = arith.constant 0 : i32
    %swap3A_52 = arith.index_cast %swap3A_51 : i32 to index
    %swap3A_53 = arith.constant 16 : index
    %swap3A_54 = tpu.vector_load %arg11[%swap3A_52, %swap3A_53] {strides = array<i32>} : memref<1x80xi32, #tpu.memory_space<vmem>>, vector<16xi32>,
    tpu.vector_store %arg11[%swap3A_52, %swap3A_53], %and3A_50 {strides = array<i32>} : memref<1x80xi32, #tpu.memory_space<vmem>>, vector<16xi32>,
    %get3A_55 = arith.constant 9872 : index
    %get3A_56 = tpu.vector_load %arg6[%get3A_55] {strides = array<i32>} : memref<10000xi32, #tpu.memory_space<vmem>>, vector<16xi32>,
    %shift_right_arithmetic3A_57 = arith.constant 14 : i32
    %shift_right_arithmetic3A_58 = vector.broadcast %shift_right_arithmetic3A_57 : i32 to vector<16xi32>
    %shift_right_arithmetic3A_59 = arith.shrsi %get3A_56, %shift_right_arithmetic3A_58 : vector<16xi32>
    %swap3A_60 = arith.constant 0 : i32
    %swap3A_61 = arith.index_cast %swap3A_60 : i32 to index
    %swap3A_62 = arith.constant 32 : index
    %swap3A_63 = tpu.vector_load %arg10[%swap3A_61, %swap3A_62] {strides = array<i32>} : memref<1x80xi32, #tpu.memory_space<vmem>>, vector<16xi32>,
    tpu.vector_store %arg10[%swap3A_61, %swap3A_62], %shift_right_arithmetic3A_59 {strides = array<i32>} : memref<1x80xi32, #tpu.memory_space<vmem>>, vector<16xi32>,
    %and3A_64 = arith.constant 16383 : i32
    %and3A_65 = vector.broadcast %and3A_64 : i32 to vector<16xi32>
    %and3A_66 = arith.andi %get3A_56, %and3A_65 : vector<16xi32>
    %swap3A_67 = arith.constant 0 : i32
    %swap3A_68 = arith.index_cast %swap3A_67 : i32 to index
    %swap3A_69 = arith.constant 32 : index
    %swap3A_70 = tpu.vector_load %arg11[%swap3A_68, %swap3A_69] {strides = array<i32>} : memref<1x80xi32, #tpu.memory_space<vmem>>, vector<16xi32>,
    tpu.vector_store %arg11[%swap3A_68, %swap3A_69], %and3A_66 {strides = array<i32>} : memref<1x80xi32, #tpu.memory_space<vmem>>, vector<16xi32>,
    %get3A_71 = arith.constant 9888 : index
    %get3A_72 = tpu.vector_load %arg6[%get3A_71] {strides = array<i32>} : memref<10000xi32, #tpu.memory_space<vmem>>, vector<16xi32>,
    %shift_right_arithmetic3A_73 = arith.constant 14 : i32
    %shift_right_arithmetic3A_74 = vector.broadcast %shift_right_arithmetic3A_73 : i32 to vector<16xi32>
    %shift_right_arithmetic3A_75 = arith.shrsi %get3A_72, %shift_right_arithmetic3A_74 : vector<16xi32>
    %swap3A_76 = arith.constant 0 : i32
    %swap3A_77 = arith.index_cast %swap3A_76 : i32 to index
    %swap3A_78 = arith.constant 48 : index
    %swap3A_79 = tpu.vector_load %arg10[%swap3A_77, %swap3A_78] {strides = array<i32>} : memref<1x80xi32, #tpu.memory_space<vmem>>, vector<16xi32>,
    tpu.vector_store %arg10[%swap3A_77, %swap3A_78], %shift_right_arithmetic3A_75 {strides = array<i32>} : memref<1x80xi32, #tpu.memory_space<vmem>>, vector<16xi32>,
    %and3A_80 = arith.constant 16383 : i32
    %and3A_81 = vector.broadcast %and3A_80 : i32 to vector<16xi32>
    %and3A_82 = arith.andi %get3A_72, %and3A_81 : vector<16xi32>
    %swap3A_83 = arith.constant 0 : i32
    %swap3A_84 = arith.index_cast %swap3A_83 : i32 to index
    %swap3A_85 = arith.constant 48 : index
    %swap3A_86 = tpu.vector_load %arg11[%swap3A_84, %swap3A_85] {strides = array<i32>} : memref<1x80xi32, #tpu.memory_space<vmem>>, vector<16xi32>,
    tpu.vector_store %arg11[%swap3A_84, %swap3A_85], %and3A_82 {strides = array<i32>} : memref<1x80xi32, #tpu.memory_space<vmem>>, vector<16xi32>,
    %get3A_87 = arith.constant 9904 : index
    %get3A_88 = tpu.vector_load %arg6[%get3A_87] {strides = array<i32>} : memref<10000xi32, #tpu.memory_space<vmem>>, vector<16xi32>,
    %shift_right_arithmetic3A_89 = arith.constant 14 : i32
    %shift_right_arithmetic3A_90 = vector.broadcast %shift_right_arithmetic3A_89 : i32 to vector<16xi32>
    %shift_right_arithmetic3A_91 = arith.shrsi %get3A_88, %shift_right_arithmetic3A_90 : vector<16xi32>
    %swap3A_92 = arith.constant 0 : i32
    %swap3A_93 = arith.index_cast %swap3A_92 : i32 to index
    %swap3A_94 = arith.constant 64 : index
    %swap3A_95 = tpu.vector_load %arg10[%swap3A_93, %swap3A_94] {strides = array<i32>} : memref<1x80xi32, #tpu.memory_space<vmem>>, vector<16xi32>,
    tpu.vector_store %arg10[%swap3A_93, %swap3A_94], %shift_right_arithmetic3A_91 {strides = array<i32>} : memref<1x80xi32, #tpu.memory_space<vmem>>, vector<16xi32>,
    %and3A_96 = arith.constant 16383 : i32
    %and3A_97 = vector.broadcast %and3A_96 : i32 to vector<16xi32>
    %and3A_98 = arith.andi %get3A_88, %and3A_97 : vector<16xi32>
    %swap3A_99 = arith.constant 0 : i32
    %swap3A_100 = arith.index_cast %swap3A_99 : i32 to index
    %swap3A_101 = arith.constant 64 : index
    %swap3A_102 = tpu.vector_load %arg11[%swap3A_100, %swap3A_101] {strides = array<i32>} : memref<1x80xi32, #tpu.memory_space<vmem>>, vector<16xi32>,
    tpu.vector_store %arg11[%swap3A_100, %swap3A_101], %and3A_98 {strides = array<i32>} : memref<1x80xi32, #tpu.memory_space<vmem>>, vector<16xi32>,
    %dma_start3A_103 = arith.constant 0 : i32
    %dma_start3A_104 = arith.constant 0 : i32
    %dma_start3A_105 = tpu.memref_slice %arg10[%dma_start3A_103, %dma_start3A_104] : memref<1x80xi32, #tpu.memory_space<vmem>> -> memref<1x80xi32, #tpu.memory_space<vmem>>
    %dma_start3A_106 = tpu.memref_squeeze %dma_start3A_105 : memref<1x80xi32, #tpu.memory_space<vmem>> -> memref<80xi32, #tpu.memory_space<vmem>>
    %dma_start3A_107 = arith.constant 0 : i32
    %dma_start3A_108 = arith.constant 0 : i32
    %dma_start3A_109 = tpu.memref_slice %arg3[%dma_start3A_107, %dma_start3A_108] : memref<10000x128xf32, #tpu.memory_space<hbm>> -> memref<10000x128xf32, #tpu.memory_space<hbm>>
    tpu.enqueue_indirect_dma source(%dma_start3A_109 : memref<10000x128xf32, #tpu.memory_space<hbm>>) target(%arg7 : memref<80x128xf32, #tpu.memory_space<vmem>>) offsets(%dma_start3A_106 : memref<80xi32, #tpu.memory_space<vmem>>) semaphore(%arg17 : memref<!tpu.dma_semaphore, #tpu.memory_space<semaphore_mem>>)
    %dma_wait3A_110 = arith.constant 0 : i32
    %dma_wait3A_111 = arith.constant 0 : i32
    %dma_wait3A_112 = tpu.memref_slice %arg14[%dma_wait3A_110, %dma_wait3A_111] : memref<1x80xi32, #tpu.memory_space<vmem>> -> memref<1x80xi32, #tpu.memory_space<vmem>>
    %dma_wait3A_113 = tpu.memref_squeeze %dma_wait3A_112 : memref<1x80xi32, #tpu.memory_space<vmem>> -> memref<80xi32, #tpu.memory_space<vmem>>
    %dma_wait3A_114 = arith.constant 0 : i32
    %dma_wait3A_115 = arith.constant 0 : i32
    %dma_wait3A_116 = tpu.memref_slice %arg3[%dma_wait3A_114, %dma_wait3A_115] : memref<10000x128xf32, #tpu.memory_space<hbm>> -> memref<10000x128xf32, #tpu.memory_space<hbm>>
    tpu.wait_indirect_dma semaphore(%arg19 : memref<!tpu.dma_semaphore, #tpu.memory_space<semaphore_mem>>) src(%dma_wait3A_116 : memref<10000x128xf32, #tpu.memory_space<hbm>>) dst(%arg9 : memref<80x128xf32, #tpu.memory_space<vmem>>)
    %dma_start3A_117 = arith.constant 0 : i32
    %dma_start3A_118 = arith.constant 0 : i32
    %dma_start3A_119 = tpu.memref_slice %arg15[%dma_start3A_117, %dma_start3A_118] : memref<1x80xi32, #tpu.memory_space<vmem>> -> memref<1x80xi32, #tpu.memory_space<vmem>>
    %dma_start3A_120 = tpu.memref_squeeze %dma_start3A_119 : memref<1x80xi32, #tpu.memory_space<vmem>> -> memref<80xi32, #tpu.memory_space<vmem>>
    %dma_start3A_121 = arith.constant 0 : i32
    %dma_start3A_122 = arith.constant 0 : i32
    %dma_start3A_123 = tpu.memref_slice %arg16[%dma_start3A_121, %dma_start3A_122] : memref<10112x128xf32, #tpu.memory_space<vmem_shared>> -> memref<10112x128xf32, #tpu.memory_space<vmem_shared>>
    tpu.enqueue_indirect_dma source(%arg9 : memref<80x128xf32, #tpu.memory_space<vmem>>) target(%dma_start3A_123 : memref<10112x128xf32, #tpu.memory_space<vmem_shared>>) offsets(%dma_start3A_120 : memref<80xi32, #tpu.memory_space<vmem>>) semaphore(%arg22 : memref<!tpu.dma_semaphore, #tpu.memory_space<semaphore_mem>>) {add = true}
    %dma_wait3A_124 = arith.constant 0 : i32
    %dma_wait3A_125 = arith.constant 0 : i32
    %dma_wait3A_126 = tpu.memref_slice %arg13[%dma_wait3A_124, %dma_wait3A_125] : memref<1x80xi32, #tpu.memory_space<vmem>> -> memref<1x80xi32, #tpu.memory_space<vmem>>
    %dma_wait3A_127 = tpu.memref_squeeze %dma_wait3A_126 : memref<1x80xi32, #tpu.memory_space<vmem>> -> memref<80xi32, #tpu.memory_space<vmem>>
    %dma_wait3A_128 = arith.constant 0 : i32
    %dma_wait3A_129 = arith.constant 0 : i32
    %dma_wait3A_130 = tpu.memref_slice %arg16[%dma_wait3A_128, %dma_wait3A_129] : memref<10112x128xf32, #tpu.memory_space<vmem_shared>> -> memref<10112x128xf32, #tpu.memory_space<vmem_shared>>
    tpu.wait_indirect_dma semaphore(%arg21 : memref<!tpu.dma_semaphore, #tpu.memory_space<semaphore_mem>>) src(%arg8 : memref<80x128xf32, #tpu.memory_space<vmem>>) dst(%dma_wait3A_130 : memref<10112x128xf32, #tpu.memory_space<vmem_shared>>)
    %get3A_131 = arith.constant 9920 : index
    %get3A_132 = tpu.vector_load %arg6[%get3A_131] {strides = array<i32>} : memref<10000xi32, #tpu.memory_space<vmem>>, vector<16xi32>,
    %shift_right_arithmetic3A_133 = arith.constant 14 : i32
    %shift_right_arithmetic3A_134 = vector.broadcast %shift_right_arithmetic3A_133 : i32 to vector<16xi32>
    %shift_right_arithmetic3A_135 = arith.shrsi %get3A_132, %shift_right_arithmetic3A_134 : vector<16xi32>
    %swap3A_136 = arith.constant 0 : i32
    %swap3A_137 = arith.index_cast %swap3A_136 : i32 to index
    %swap3A_138 = arith.constant 0 : index
    %swap3A_139 = tpu.vector_load %arg12[%swap3A_137, %swap3A_138] {strides = array<i32>} : memref<1x80xi32, #tpu.memory_space<vmem>>, vector<16xi32>,
    tpu.vector_store %arg12[%swap3A_137, %swap3A_138], %shift_right_arithmetic3A_135 {strides = array<i32>} : memref<1x80xi32, #tpu.memory_space<vmem>>, vector<16xi32>,
    %and3A_140 = arith.constant 16383 : i32
    %and3A_141 = vector.broadcast %and3A_140 : i32 to vector<16xi32>
    %and3A_142 = arith.andi %get3A_132, %and3A_141 : vector<16xi32>
    %swap3A_143 = arith.constant 0 : i32
    %swap3A_144 = arith.index_cast %swap3A_143 : i32 to index
    %swap3A_145 = arith.constant 0 : index
    %swap3A_146 = tpu.vector_load %arg13[%swap3A_144, %swap3A_145] {strides = array<i32>} : memref<1x80xi32, #tpu.memory_space<vmem>>, vector<16xi32>,
    tpu.vector_store %arg13[%swap3A_144, %swap3A_145], %and3A_142 {strides = array<i32>} : memref<1x80xi32, #tpu.memory_space<vmem>>, vector<16xi32>,
    %get3A_147 = arith.constant 9936 : index
    %get3A_148 = tpu.vector_load %arg6[%get3A_147] {strides = array<i32>} : memref<10000xi32, #tpu.memory_space<vmem>>, vector<16xi32>,
    %shift_right_arithmetic3A_149 = arith.constant 14 : i32
    %shift_right_arithmetic3A_150 = vector.broadcast %shift_right_arithmetic3A_149 : i32 to vector<16xi32>
    %shift_right_arithmetic3A_151 = arith.shrsi %get3A_148, %shift_right_arithmetic3A_150 : vector<16xi32>
    %swap3A_152 = arith.constant 0 : i32
    %swap3A_153 = arith.index_cast %swap3A_152 : i32 to index
    %swap3A_154 = arith.constant 16 : index
    %swap3A_155 = tpu.vector_load %arg12[%swap3A_153, %swap3A_154] {strides = array<i32>} : memref<1x80xi32, #tpu.memory_space<vmem>>, vector<16xi32>,
    tpu.vector_store %arg12[%swap3A_153, %swap3A_154], %shift_right_arithmetic3A_151 {strides = array<i32>} : memref<1x80xi32, #tpu.memory_space<vmem>>, vector<16xi32>,
    %and3A_156 = arith.constant 16383 : i32
    %and3A_157 = vector.broadcast %and3A_156 : i32 to vector<16xi32>
    %and3A_158 = arith.andi %get3A_148, %and3A_157 : vector<16xi32>
    %swap3A_159 = arith.constant 0 : i32
    %swap3A_160 = arith.index_cast %swap3A_159 : i32 to index
    %swap3A_161 = arith.constant 16 : index
    %swap3A_162 = tpu.vector_load %arg13[%swap3A_160, %swap3A_161] {strides = array<i32>} : memref<1x80xi32, #tpu.memory_space<vmem>>, vector<16xi32>,
    tpu.vector_store %arg13[%swap3A_160, %swap3A_161], %and3A_158 {strides = array<i32>} : memref<1x80xi32, #tpu.memory_space<vmem>>, vector<16xi32>,
    %get3A_163 = arith.constant 9952 : index
    %get3A_164 = tpu.vector_load %arg6[%get3A_163] {strides = array<i32>} : memref<10000xi32, #tpu.memory_space<vmem>>, vector<16xi32>,
    %shift_right_arithmetic3A_165 = arith.constant 14 : i32
    %shift_right_arithmetic3A_166 = vector.broadcast %shift_right_arithmetic3A_165 : i32 to vector<16xi32>
    %shift_right_arithmetic3A_167 = arith.shrsi %get3A_164, %shift_right_arithmetic3A_166 : vector<16xi32>
    %swap3A_168 = arith.constant 0 : i32
    %swap3A_169 = arith.index_cast %swap3A_168 : i32 to index
    %swap3A_170 = arith.constant 32 : index
    %swap3A_171 = tpu.vector_load %arg12[%swap3A_169, %swap3A_170] {strides = array<i32>} : memref<1x80xi32, #tpu.memory_space<vmem>>, vector<16xi32>,
    tpu.vector_store %arg12[%swap3A_169, %swap3A_170], %shift_right_arithmetic3A_167 {strides = array<i32>} : memref<1x80xi32, #tpu.memory_space<vmem>>, vector<16xi32>,
    %and3A_172 = arith.constant 16383 : i32
    %and3A_173 = vector.broadcast %and3A_172 : i32 to vector<16xi32>
    %and3A_174 = arith.andi %get3A_164, %and3A_173 : vector<16xi32>
    %swap3A_175 = arith.constant 0 : i32
    %swap3A_176 = arith.index_cast %swap3A_175 : i32 to index
    %swap3A_177 = arith.constant 32 : index
    %swap3A_178 = tpu.vector_load %arg13[%swap3A_176, %swap3A_177] {strides = array<i32>} : memref<1x80xi32, #tpu.memory_space<vmem>>, vector<16xi32>,
    tpu.vector_store %arg13[%swap3A_176, %swap3A_177], %and3A_174 {strides = array<i32>} : memref<1x80xi32, #tpu.memory_space<vmem>>, vector<16xi32>,
    %get3A_179 = arith.constant 9968 : index
    %get3A_180 = tpu.vector_load %arg6[%get3A_179] {strides = array<i32>} : memref<10000xi32, #tpu.memory_space<vmem>>, vector<16xi32>,
    %shift_right_arithmetic3A_181 = arith.constant 14 : i32
    %shift_right_arithmetic3A_182 = vector.broadcast %shift_right_arithmetic3A_181 : i32 to vector<16xi32>
    %shift_right_arithmetic3A_183 = arith.shrsi %get3A_180, %shift_right_arithmetic3A_182 : vector<16xi32>
    %swap3A_184 = arith.constant 0 : i32
    %swap3A_185 = arith.index_cast %swap3A_184 : i32 to index
    %swap3A_186 = arith.constant 48 : index
    %swap3A_187 = tpu.vector_load %arg12[%swap3A_185, %swap3A_186] {strides = array<i32>} : memref<1x80xi32, #tpu.memory_space<vmem>>, vector<16xi32>,
    tpu.vector_store %arg12[%swap3A_185, %swap3A_186], %shift_right_arithmetic3A_183 {strides = array<i32>} : memref<1x80xi32, #tpu.memory_space<vmem>>, vector<16xi32>,
    %and3A_188 = arith.constant 16383 : i32
    %and3A_189 = vector.broadcast %and3A_188 : i32 to vector<16xi32>
    %and3A_190 = arith.andi %get3A_180, %and3A_189 : vector<16xi32>
    %swap3A_191 = arith.constant 0 : i32
    %swap3A_192 = arith.index_cast %swap3A_191 : i32 to index
    %swap3A_193 = arith.constant 48 : index
    %swap3A_194 = tpu.vector_load %arg13[%swap3A_192, %swap3A_193] {strides = array<i32>} : memref<1x80xi32, #tpu.memory_space<vmem>>, vector<16xi32>,
    tpu.vector_store %arg13[%swap3A_192, %swap3A_193], %and3A_190 {strides = array<i32>} : memref<1x80xi32, #tpu.memory_space<vmem>>, vector<16xi32>,
    %get3A_195 = arith.constant 9984 : index
    %get3A_196 = tpu.vector_load %arg6[%get3A_195] {strides = array<i32>} : memref<10000xi32, #tpu.memory_space<vmem>>, vector<16xi32>,
    %shift_right_arithmetic3A_197 = arith.constant 14 : i32
    %shift_right_arithmetic3A_198 = vector.broadcast %shift_right_arithmetic3A_197 : i32 to vector<16xi32>
    %shift_right_arithmetic3A_199 = arith.shrsi %get3A_196, %shift_right_arithmetic3A_198 : vector<16xi32>
    %swap3A_200 = arith.constant 0 : i32
    %swap3A_201 = arith.index_cast %swap3A_200 : i32 to index
    %swap3A_202 = arith.constant 64 : index
    %swap3A_203 = tpu.vector_load %arg12[%swap3A_201, %swap3A_202] {strides = array<i32>} : memref<1x80xi32, #tpu.memory_space<vmem>>, vector<16xi32>,
    tpu.vector_store %arg12[%swap3A_201, %swap3A_202], %shift_right_arithmetic3A_199 {strides = array<i32>} : memref<1x80xi32, #tpu.memory_space<vmem>>, vector<16xi32>,
    %and3A_204 = arith.constant 16383 : i32
    %and3A_205 = vector.broadcast %and3A_204 : i32 to vector<16xi32>
    %and3A_206 = arith.andi %get3A_196, %and3A_205 : vector<16xi32>
    %swap3A_207 = arith.constant 0 : i32
    %swap3A_208 = arith.index_cast %swap3A_207 : i32 to index
    %swap3A_209 = arith.constant 64 : index
    %swap3A_210 = tpu.vector_load %arg13[%swap3A_208, %swap3A_209] {strides = array<i32>} : memref<1x80xi32, #tpu.memory_space<vmem>>, vector<16xi32>,
    tpu.vector_store %arg13[%swap3A_208, %swap3A_209], %and3A_206 {strides = array<i32>} : memref<1x80xi32, #tpu.memory_space<vmem>>, vector<16xi32>,
    %dma_start3A_211 = arith.constant 0 : i32
    %dma_start3A_212 = arith.constant 0 : i32
    %dma_start3A_213 = tpu.memref_slice %arg12[%dma_start3A_211, %dma_start3A_212] : memref<1x80xi32, #tpu.memory_space<vmem>> -> memref<1x80xi32, #tpu.memory_space<vmem>>
    %dma_start3A_214 = tpu.memref_squeeze %dma_start3A_213 : memref<1x80xi32, #tpu.memory_space<vmem>> -> memref<80xi32, #tpu.memory_space<vmem>>
    %dma_start3A_215 = arith.constant 0 : i32
    %dma_start3A_216 = arith.constant 0 : i32
    %dma_start3A_217 = tpu.memref_slice %arg3[%dma_start3A_215, %dma_start3A_216] : memref<10000x128xf32, #tpu.memory_space<hbm>> -> memref<10000x128xf32, #tpu.memory_space<hbm>>
    tpu.enqueue_indirect_dma source(%dma_start3A_217 : memref<10000x128xf32, #tpu.memory_space<hbm>>) target(%arg8 : memref<80x128xf32, #tpu.memory_space<vmem>>) offsets(%dma_start3A_214 : memref<80xi32, #tpu.memory_space<vmem>>) semaphore(%arg18 : memref<!tpu.dma_semaphore, #tpu.memory_space<semaphore_mem>>)
    %dma_wait3A_218 = arith.constant 0 : i32
    %dma_wait3A_219 = arith.constant 0 : i32
    %dma_wait3A_220 = tpu.memref_slice %arg10[%dma_wait3A_218, %dma_wait3A_219] : memref<1x80xi32, #tpu.memory_space<vmem>> -> memref<1x80xi32, #tpu.memory_space<vmem>>
    %dma_wait3A_221 = tpu.memref_squeeze %dma_wait3A_220 : memref<1x80xi32, #tpu.memory_space<vmem>> -> memref<80xi32, #tpu.memory_space<vmem>>
    %dma_wait3A_222 = arith.constant 0 : i32
    %dma_wait3A_223 = arith.constant 0 : i32
    %dma_wait3A_224 = tpu.memref_slice %arg3[%dma_wait3A_222, %dma_wait3A_223] : memref<10000x128xf32, #tpu.memory_space<hbm>> -> memref<10000x128xf32, #tpu.memory_space<hbm>>
    tpu.wait_indirect_dma semaphore(%arg17 : memref<!tpu.dma_semaphore, #tpu.memory_space<semaphore_mem>>) src(%dma_wait3A_224 : memref<10000x128xf32, #tpu.memory_space<hbm>>) dst(%arg7 : memref<80x128xf32, #tpu.memory_space<vmem>>)
    %dma_start3A_225 = arith.constant 0 : i32
    %dma_start3A_226 = arith.constant 0 : i32
    %dma_start3A_227 = tpu.memref_slice %arg11[%dma_start3A_225, %dma_start3A_226] : memref<1x80xi32, #tpu.memory_space<vmem>> -> memref<1x80xi32, #tpu.memory_space<vmem>>
    %dma_start3A_228 = tpu.memref_squeeze %dma_start3A_227 : memref<1x80xi32, #tpu.memory_space<vmem>> -> memref<80xi32, #tpu.memory_space<vmem>>
    %dma_start3A_229 = arith.constant 0 : i32
    %dma_start3A_230 = arith.constant 0 : i32
    %dma_start3A_231 = tpu.memref_slice %arg16[%dma_start3A_229, %dma_start3A_230] : memref<10112x128xf32, #tpu.memory_space<vmem_shared>> -> memref<10112x128xf32, #tpu.memory_space<vmem_shared>>
    tpu.enqueue_indirect_dma source(%arg7 : memref<80x128xf32, #tpu.memory_space<vmem>>) target(%dma_start3A_231 : memref<10112x128xf32, #tpu.memory_space<vmem_shared>>) offsets(%dma_start3A_228 : memref<80xi32, #tpu.memory_space<vmem>>) semaphore(%arg20 : memref<!tpu.dma_semaphore, #tpu.memory_space<semaphore_mem>>) {add = true}
    %dma_wait3A_232 = arith.constant 0 : i32
    %dma_wait3A_233 = arith.constant 0 : i32
    %dma_wait3A_234 = tpu.memref_slice %arg12[%dma_wait3A_232, %dma_wait3A_233] : memref<1x80xi32, #tpu.memory_space<vmem>> -> memref<1x80xi32, #tpu.memory_space<vmem>>
    %dma_wait3A_235 = tpu.memref_squeeze %dma_wait3A_234 : memref<1x80xi32, #tpu.memory_space<vmem>> -> memref<80xi32, #tpu.memory_space<vmem>>
    %dma_wait3A_236 = arith.constant 0 : i32
    %dma_wait3A_237 = arith.constant 0 : i32
    %dma_wait3A_238 = tpu.memref_slice %arg3[%dma_wait3A_236, %dma_wait3A_237] : memref<10000x128xf32, #tpu.memory_space<hbm>> -> memref<10000x128xf32, #tpu.memory_space<hbm>>
    tpu.wait_indirect_dma semaphore(%arg18 : memref<!tpu.dma_semaphore, #tpu.memory_space<semaphore_mem>>) src(%dma_wait3A_238 : memref<10000x128xf32, #tpu.memory_space<hbm>>) dst(%arg8 : memref<80x128xf32, #tpu.memory_space<vmem>>)
    %dma_start3A_239 = arith.constant 0 : i32
    %dma_start3A_240 = arith.constant 0 : i32
    %dma_start3A_241 = tpu.memref_slice %arg13[%dma_start3A_239, %dma_start3A_240] : memref<1x80xi32, #tpu.memory_space<vmem>> -> memref<1x80xi32, #tpu.memory_space<vmem>>
    %dma_start3A_242 = tpu.memref_squeeze %dma_start3A_241 : memref<1x80xi32, #tpu.memory_space<vmem>> -> memref<80xi32, #tpu.memory_space<vmem>>
    %dma_start3A_243 = arith.constant 0 : i32
    %dma_start3A_244 = arith.constant 0 : i32
    %dma_start3A_245 = tpu.memref_slice %arg16[%dma_start3A_243, %dma_start3A_244] : memref<10112x128xf32, #tpu.memory_space<vmem_shared>> -> memref<10112x128xf32, #tpu.memory_space<vmem_shared>>
    tpu.enqueue_indirect_dma source(%arg8 : memref<80x128xf32, #tpu.memory_space<vmem>>) target(%dma_start3A_245 : memref<10112x128xf32, #tpu.memory_space<vmem_shared>>) offsets(%dma_start3A_242 : memref<80xi32, #tpu.memory_space<vmem>>) semaphore(%arg21 : memref<!tpu.dma_semaphore, #tpu.memory_space<semaphore_mem>>) {add = true}
    %dma_wait3A_246 = arith.constant 0 : i32
    %dma_wait3A_247 = arith.constant 0 : i32
    %dma_wait3A_248 = tpu.memref_slice %arg11[%dma_wait3A_246, %dma_wait3A_247] : memref<1x80xi32, #tpu.memory_space<vmem>> -> memref<1x80xi32, #tpu.memory_space<vmem>>
    %dma_wait3A_249 = tpu.memref_squeeze %dma_wait3A_248 : memref<1x80xi32, #tpu.memory_space<vmem>> -> memref<80xi32, #tpu.memory_space<vmem>>
    %dma_wait3A_250 = arith.constant 0 : i32
    %dma_wait3A_251 = arith.constant 0 : i32
    %dma_wait3A_252 = tpu.memref_slice %arg16[%dma_wait3A_250, %dma_wait3A_251] : memref<10112x128xf32, #tpu.memory_space<vmem_shared>> -> memref<10112x128xf32, #tpu.memory_space<vmem_shared>>
    tpu.wait_indirect_dma semaphore(%arg20 : memref<!tpu.dma_semaphore, #tpu.memory_space<semaphore_mem>>) src(%arg7 : memref<80x128xf32, #tpu.memory_space<vmem>>) dst(%dma_wait3A_252 : memref<10112x128xf32, #tpu.memory_space<vmem_shared>>)
    %dma_wait3A_253 = arith.constant 0 : i32
    %dma_wait3A_254 = arith.constant 0 : i32
    %dma_wait3A_255 = tpu.memref_slice %arg13[%dma_wait3A_253, %dma_wait3A_254] : memref<1x80xi32, #tpu.memory_space<vmem>> -> memref<1x80xi32, #tpu.memory_space<vmem>>
    %dma_wait3A_256 = tpu.memref_squeeze %dma_wait3A_255 : memref<1x80xi32, #tpu.memory_space<vmem>> -> memref<80xi32, #tpu.memory_space<vmem>>
    %dma_wait3A_257 = arith.constant 0 : i32
    %dma_wait3A_258 = arith.constant 0 : i32
    %dma_wait3A_259 = tpu.memref_slice %arg16[%dma_wait3A_257, %dma_wait3A_258] : memref<10112x128xf32, #tpu.memory_space<vmem_shared>> -> memref<10112x128xf32, #tpu.memory_space<vmem_shared>>
    tpu.wait_indirect_dma semaphore(%arg21 : memref<!tpu.dma_semaphore, #tpu.memory_space<semaphore_mem>>) src(%arg8 : memref<80x128xf32, #tpu.memory_space<vmem>>) dst(%dma_wait3A_259 : memref<10112x128xf32, #tpu.memory_space<vmem_shared>>)
    %dma_wait3A_260 = arith.constant 0 : i32
    %dma_wait3A_261 = arith.constant 0 : i32
    %dma_wait3A_262 = tpu.memref_slice %arg15[%dma_wait3A_260, %dma_wait3A_261] : memref<1x80xi32, #tpu.memory_space<vmem>> -> memref<1x80xi32, #tpu.memory_space<vmem>>
    %dma_wait3A_263 = tpu.memref_squeeze %dma_wait3A_262 : memref<1x80xi32, #tpu.memory_space<vmem>> -> memref<80xi32, #tpu.memory_space<vmem>>
    %dma_wait3A_264 = arith.constant 0 : i32
    %dma_wait3A_265 = arith.constant 0 : i32
    %dma_wait3A_266 = tpu.memref_slice %arg16[%dma_wait3A_264, %dma_wait3A_265] : memref<10112x128xf32, #tpu.memory_space<vmem_shared>> -> memref<10112x128xf32, #tpu.memory_space<vmem_shared>>
    tpu.wait_indirect_dma semaphore(%arg22 : memref<!tpu.dma_semaphore, #tpu.memory_space<semaphore_mem>>) src(%arg9 : memref<80x128xf32, #tpu.memory_space<vmem>>) dst(%dma_wait3A_266 : memref<10112x128xf32, #tpu.memory_space<vmem_shared>>)
    %barrier3A_267 = arith.constant 0 : index
    tpu.barrier barrier_id(%barrier3A_267)
    %mul3A_268 = arith.constant 632 : i32
    %mul3A_269 = arith.muli %arg1, %mul3A_268 : i32
    %mul3A_270 = arith.constant 632 : i32
    %mul3A_271 = arith.muli %arg1, %mul3A_270 : i32
    "tpu.region"() ({
      %run_scoped3A_272 = tpu.sem_alloc : memref<!tpu.dma_semaphore, #tpu.memory_space<semaphore_mem>>
      %dma_start3A_273 = arith.constant 0 : i32
      %dma_start3A_274 = tpu.memref_slice %arg5[%arg0, %mul3A_271, %dma_start3A_273] : memref<2x10112x128xf32, #tpu.memory_space<hbm>> -> memref<1x632x128xf32, #tpu.memory_space<hbm>>
      %dma_start3A_275 = tpu.memref_squeeze %dma_start3A_274 : memref<1x632x128xf32, #tpu.memory_space<hbm>> -> memref<632x128xf32, #tpu.memory_space<hbm>>
      %dma_start3A_276 = arith.constant 0 : i32
      %dma_start3A_277 = tpu.memref_slice %arg16[%mul3A_269, %dma_start3A_276] : memref<10112x128xf32, #tpu.memory_space<vmem_shared>> -> memref<632x128xf32, #tpu.memory_space<vmem_shared>>
      tpu.enqueue_dma source(%dma_start3A_277 : memref<632x128xf32, #tpu.memory_space<vmem_shared>>) target(%dma_start3A_275 : memref<632x128xf32, #tpu.memory_space<hbm>>) target_semaphore(%run_scoped3A_272 : memref<!tpu.dma_semaphore, #tpu.memory_space<semaphore_mem>>)
      %dma_wait3A_278 = arith.constant 0 : i32
      %dma_wait3A_279 = tpu.memref_slice %arg5[%arg0, %mul3A_271, %dma_wait3A_278] : memref<2x10112x128xf32, #tpu.memory_space<hbm>> -> memref<1x632x128xf32, #tpu.memory_space<hbm>>
      %dma_wait3A_280 = tpu.memref_squeeze %dma_wait3A_279 : memref<1x632x128xf32, #tpu.memory_space<hbm>> -> memref<632x128xf32, #tpu.memory_space<hbm>>
      %dma_wait3A_281 = arith.constant 0 : i32
      %dma_wait3A_282 = tpu.memref_slice %arg16[%mul3A_269, %dma_wait3A_281] : memref<10112x128xf32, #tpu.memory_space<vmem_shared>> -> memref<632x128xf32, #tpu.memory_space<vmem_shared>>
      tpu.wait_dma2 semaphore(%run_scoped3A_272 : memref<!tpu.dma_semaphore, #tpu.memory_space<semaphore_mem>>) src(%dma_wait3A_282 : memref<632x128xf32, #tpu.memory_space<vmem_shared>>) dst(%dma_wait3A_280 : memref<632x128xf32, #tpu.memory_space<hbm>>)
      tpu.yield
    }) : () -> ()
    return
  }
}

#map = affine_map<(d0, d1) -> (0)>
#map1 = affine_map<(d0, d1) -> (0, 0, 0)>
module attributes {stable_mosaic.version = 14 : i64} {
  func.func @_sc_deg_body(%arg0: i32, %arg1: i32, %arg2: memref<320000xi32, #tpu.memory_space<hbm>>, %arg3: memref<32x1x10000xf32, #tpu.memory_space<hbm>>, %arg4: memref<10000xi32, #tpu.memory_space<vmem>>, %arg5: memref<10000xf32, #tpu.memory_space<vmem>>) attributes {dimension_semantics = [#tpu.dimension_semantics<core_parallel>, #tpu.dimension_semantics<subcore_parallel>], iteration_bounds = array<i64: 2, 16>, scalar_prefetch = 0 : i64, scratch_operands = 2 : i64, tpu.core_type = #tpu.core_type<sc_vector_subcore>, window_params = [{transform_indices = #map}, {transform_indices = #map1}]} {
    %mul3A = arith.constant 16 : i32
    %mul3A_0 = arith.muli %arg0, %mul3A : i32
    %add3A = arith.addi %mul3A_0, %arg1 : i32
    %mul3A_1 = arith.constant 10000 : i32
    %mul3A_2 = arith.muli %add3A, %mul3A_1 : i32
    "tpu.region"() ({
      %run_scoped3A_15 = tpu.sem_alloc : memref<!tpu.dma_semaphore, #tpu.memory_space<semaphore_mem>>
      %dma_start3A = tpu.memref_slice %arg2[%mul3A_2] : memref<320000xi32, #tpu.memory_space<hbm>> -> memref<10000xi32, #tpu.memory_space<hbm>>
      %dma_start3A_16 = tpu.memref_slice %arg2[%mul3A_2] : memref<320000xi32, #tpu.memory_space<hbm>> -> memref<10000xi32, #tpu.memory_space<hbm>>
      tpu.enqueue_dma source(%dma_start3A_16 : memref<10000xi32, #tpu.memory_space<hbm>>) target(%arg4 : memref<10000xi32, #tpu.memory_space<vmem>>) target_semaphore(%run_scoped3A_15 : memref<!tpu.dma_semaphore, #tpu.memory_space<semaphore_mem>>)
      %dma_wait3A = tpu.memref_slice %arg2[%mul3A_2] : memref<320000xi32, #tpu.memory_space<hbm>> -> memref<10000xi32, #tpu.memory_space<hbm>>
      %dma_wait3A_17 = tpu.memref_slice %arg2[%mul3A_2] : memref<320000xi32, #tpu.memory_space<hbm>> -> memref<10000xi32, #tpu.memory_space<hbm>>
      tpu.wait_dma2 semaphore(%run_scoped3A_15 : memref<!tpu.dma_semaphore, #tpu.memory_space<semaphore_mem>>) src(%dma_wait3A_17 : memref<10000xi32, #tpu.memory_space<hbm>>) dst(%arg4 : memref<10000xi32, #tpu.memory_space<vmem>>)
      tpu.yield
    }) : () -> ()
    %scan3A = arith.constant 0 : i32
    %scan3A_3 = arith.constant 0 : i32
    %scan3A_4 = arith.constant 625 : i32
    %scan3A_5 = arith.addi %scan3A_3, %scan3A_4 : i32
    %scan3A_6 = arith.constant 1 : i32
    scf.for %scan3A_15 = %scan3A_3 to %scan3A_5 step %scan3A_6  : i32 {
      %broadcast_in_dim3A_16 = arith.constant 0.000000e+00 : f32
      %broadcast_in_dim3A_17 = vector.broadcast %broadcast_in_dim3A_16 : f32 to vector<16xf32>
      %mul3A_18 = arith.constant 16 : i32
      %mul3A_19 = arith.muli %scan3A_15, %mul3A_18 : i32
      %swap3A = arith.index_cast %mul3A_19 : i32 to index
      %swap3A_20 = tpu.vector_load %arg5[%swap3A] {strides = array<i32>} : memref<10000xf32, #tpu.memory_space<vmem>>, vector<16xf32>,
      tpu.vector_store %arg5[%swap3A], %broadcast_in_dim3A_17 {strides = array<i32>} : memref<10000xf32, #tpu.memory_space<vmem>>, vector<16xf32>,
    }
    %scan3A_7 = arith.constant 625 : i32
    %broadcast_in_dim3A = arith.constant 1.000000e+00 : f32
    %broadcast_in_dim3A_8 = vector.broadcast %broadcast_in_dim3A : f32 to vector<16xf32>
    %scan3A_9 = arith.constant 0 : i32
    %scan3A_10 = arith.constant 0 : i32
    %scan3A_11 = arith.constant 625 : i32
    %scan3A_12 = arith.addi %scan3A_10, %scan3A_11 : i32
    %scan3A_13 = arith.constant 1 : i32
    scf.for %scan3A_15 = %scan3A_10 to %scan3A_12 step %scan3A_13  : i32 {
      %mul3A_16 = arith.constant 16 : i32
      %mul3A_17 = arith.muli %scan3A_15, %mul3A_16 : i32
      %get3A = arith.index_cast %mul3A_17 : i32 to index
      %get3A_18 = tpu.vector_load %arg4[%get3A] {strides = array<i32>} : memref<10000xi32, #tpu.memory_space<vmem>>, vector<16xi32>,
      tpu.vector_store_idx %arg5[%get3A_18], %broadcast_in_dim3A_8 {add = true} : memref<10000xf32, #tpu.memory_space<vmem>>[vector<16xi32>], vector<16xf32>,
    }
    %scan3A_14 = arith.constant 625 : i32
    %run_scoped3A = arith.constant 0 : i32
    "tpu.region"() ({
      %run_scoped3A_15 = tpu.sem_alloc : memref<!tpu.dma_semaphore, #tpu.memory_space<semaphore_mem>>
      %dma_start3A = arith.constant 0 : i32
      %dma_start3A_16 = tpu.memref_slice %arg3[%add3A, %run_scoped3A, %dma_start3A] : memref<32x1x10000xf32, #tpu.memory_space<hbm>> -> memref<1x1x10000xf32, #tpu.memory_space<hbm>>
      %dma_start3A_17 = tpu.memref_squeeze %dma_start3A_16 : memref<1x1x10000xf32, #tpu.memory_space<hbm>> -> memref<10000xf32, #tpu.memory_space<hbm>>
      %dma_start3A_18 = arith.constant 0 : i32
      %dma_start3A_19 = tpu.memref_slice %arg3[%add3A, %run_scoped3A, %dma_start3A_18] : memref<32x1x10000xf32, #tpu.memory_space<hbm>> -> memref<1x1x10000xf32, #tpu.memory_space<hbm>>
      %dma_start3A_20 = tpu.memref_squeeze %dma_start3A_19 : memref<1x1x10000xf32, #tpu.memory_space<hbm>> -> memref<10000xf32, #tpu.memory_space<hbm>>
      tpu.enqueue_dma source(%arg5 : memref<10000xf32, #tpu.memory_space<vmem>>) target(%dma_start3A_20 : memref<10000xf32, #tpu.memory_space<hbm>>) target_semaphore(%run_scoped3A_15 : memref<!tpu.dma_semaphore, #tpu.memory_space<semaphore_mem>>)
      %dma_wait3A = arith.constant 0 : i32
      %dma_wait3A_21 = tpu.memref_slice %arg3[%add3A, %run_scoped3A, %dma_wait3A] : memref<32x1x10000xf32, #tpu.memory_space<hbm>> -> memref<1x1x10000xf32, #tpu.memory_space<hbm>>
      %dma_wait3A_22 = tpu.memref_squeeze %dma_wait3A_21 : memref<1x1x10000xf32, #tpu.memory_space<hbm>> -> memref<10000xf32, #tpu.memory_space<hbm>>
      %dma_wait3A_23 = arith.constant 0 : i32
      %dma_wait3A_24 = tpu.memref_slice %arg3[%add3A, %run_scoped3A, %dma_wait3A_23] : memref<32x1x10000xf32, #tpu.memory_space<hbm>> -> memref<1x1x10000xf32, #tpu.memory_space<hbm>>
      %dma_wait3A_25 = tpu.memref_squeeze %dma_wait3A_24 : memref<1x1x10000xf32, #tpu.memory_space<hbm>> -> memref<10000xf32, #tpu.memory_space<hbm>>
      tpu.wait_dma2 semaphore(%run_scoped3A_15 : memref<!tpu.dma_semaphore, #tpu.memory_space<semaphore_mem>>) src(%arg5 : memref<10000xf32, #tpu.memory_space<vmem>>) dst(%dma_wait3A_25 : memref<10000xf32, #tpu.memory_space<hbm>>)
      tpu.yield
    }) : () -> ()
    return
  }
}

#map = affine_map<(d0, d1) -> (0)>
#map1 = affine_map<(d0, d1) -> (0, 0, 0)>
module attributes {stable_mosaic.version = 14 : i64} {
  func.func @_sc_g_body(%arg0: i32, %arg1: i32, %arg2: memref<320000xi32, #tpu.memory_space<hbm>>, %arg3: memref<320000xi32, #tpu.memory_space<hbm>>, %arg4: memref<10000xf32, #tpu.memory_space<hbm>>, %arg5: memref<32x1x10000xf32, #tpu.memory_space<hbm>>, %arg6: memref<10000xi32, #tpu.memory_space<vmem>>, %arg7: memref<10000xi32, #tpu.memory_space<vmem>>, %arg8: memref<10000xf32, #tpu.memory_space<vmem>>, %arg9: memref<10000xf32, #tpu.memory_space<vmem>>) attributes {dimension_semantics = [#tpu.dimension_semantics<core_parallel>, #tpu.dimension_semantics<subcore_parallel>], iteration_bounds = array<i64: 2, 16>, scalar_prefetch = 0 : i64, scratch_operands = 4 : i64, tpu.core_type = #tpu.core_type<sc_vector_subcore>, window_params = [{transform_indices = #map}, {transform_indices = #map}, {transform_indices = #map}, {transform_indices = #map1}]} {
    %mul3A = arith.constant 16 : i32
    %mul3A_0 = arith.muli %arg0, %mul3A : i32
    %add3A = arith.addi %mul3A_0, %arg1 : i32
    %mul3A_1 = arith.constant 10000 : i32
    %mul3A_2 = arith.muli %add3A, %mul3A_1 : i32
    "tpu.region"() ({
      %run_scoped3A_16 = tpu.sem_alloc : memref<!tpu.dma_semaphore, #tpu.memory_space<semaphore_mem>>
      %dma_start3A = tpu.memref_slice %arg2[%mul3A_2] : memref<320000xi32, #tpu.memory_space<hbm>> -> memref<10000xi32, #tpu.memory_space<hbm>>
      %dma_start3A_17 = tpu.memref_slice %arg2[%mul3A_2] : memref<320000xi32, #tpu.memory_space<hbm>> -> memref<10000xi32, #tpu.memory_space<hbm>>
      tpu.enqueue_dma source(%dma_start3A_17 : memref<10000xi32, #tpu.memory_space<hbm>>) target(%arg6 : memref<10000xi32, #tpu.memory_space<vmem>>) target_semaphore(%run_scoped3A_16 : memref<!tpu.dma_semaphore, #tpu.memory_space<semaphore_mem>>)
      %dma_wait3A = tpu.memref_slice %arg2[%mul3A_2] : memref<320000xi32, #tpu.memory_space<hbm>> -> memref<10000xi32, #tpu.memory_space<hbm>>
      %dma_wait3A_18 = tpu.memref_slice %arg2[%mul3A_2] : memref<320000xi32, #tpu.memory_space<hbm>> -> memref<10000xi32, #tpu.memory_space<hbm>>
      tpu.wait_dma2 semaphore(%run_scoped3A_16 : memref<!tpu.dma_semaphore, #tpu.memory_space<semaphore_mem>>) src(%dma_wait3A_18 : memref<10000xi32, #tpu.memory_space<hbm>>) dst(%arg6 : memref<10000xi32, #tpu.memory_space<vmem>>)
      tpu.yield
    }) : () -> ()
    %mul3A_3 = arith.constant 10000 : i32
    %mul3A_4 = arith.muli %add3A, %mul3A_3 : i32
    "tpu.region"() ({
      %run_scoped3A_16 = tpu.sem_alloc : memref<!tpu.dma_semaphore, #tpu.memory_space<semaphore_mem>>
      %dma_start3A = tpu.memref_slice %arg3[%mul3A_4] : memref<320000xi32, #tpu.memory_space<hbm>> -> memref<10000xi32, #tpu.memory_space<hbm>>
      %dma_start3A_17 = tpu.memref_slice %arg3[%mul3A_4] : memref<320000xi32, #tpu.memory_space<hbm>> -> memref<10000xi32, #tpu.memory_space<hbm>>
      tpu.enqueue_dma source(%dma_start3A_17 : memref<10000xi32, #tpu.memory_space<hbm>>) target(%arg7 : memref<10000xi32, #tpu.memory_space<vmem>>) target_semaphore(%run_scoped3A_16 : memref<!tpu.dma_semaphore, #tpu.memory_space<semaphore_mem>>)
      %dma_wait3A = tpu.memref_slice %arg3[%mul3A_4] : memref<320000xi32, #tpu.memory_space<hbm>> -> memref<10000xi32, #tpu.memory_space<hbm>>
      %dma_wait3A_18 = tpu.memref_slice %arg3[%mul3A_4] : memref<320000xi32, #tpu.memory_space<hbm>> -> memref<10000xi32, #tpu.memory_space<hbm>>
      tpu.wait_dma2 semaphore(%run_scoped3A_16 : memref<!tpu.dma_semaphore, #tpu.memory_space<semaphore_mem>>) src(%dma_wait3A_18 : memref<10000xi32, #tpu.memory_space<hbm>>) dst(%arg7 : memref<10000xi32, #tpu.memory_space<vmem>>)
      tpu.yield
    }) : () -> ()
    "tpu.region"() ({
      %run_scoped3A_16 = tpu.sem_alloc : memref<!tpu.dma_semaphore, #tpu.memory_space<semaphore_mem>>
      tpu.enqueue_dma source(%arg4 : memref<10000xf32, #tpu.memory_space<hbm>>) target(%arg8 : memref<10000xf32, #tpu.memory_space<vmem>>) target_semaphore(%run_scoped3A_16 : memref<!tpu.dma_semaphore, #tpu.memory_space<semaphore_mem>>)
      tpu.wait_dma2 semaphore(%run_scoped3A_16 : memref<!tpu.dma_semaphore, #tpu.memory_space<semaphore_mem>>) src(%arg4 : memref<10000xf32, #tpu.memory_space<hbm>>) dst(%arg8 : memref<10000xf32, #tpu.memory_space<vmem>>)
      tpu.yield
    }) : () -> ()
    %scan3A = arith.constant 0 : i32
    %scan3A_5 = arith.constant 0 : i32
    %scan3A_6 = arith.constant 625 : i32
    %scan3A_7 = arith.addi %scan3A_5, %scan3A_6 : i32
    %scan3A_8 = arith.constant 1 : i32
    scf.for %scan3A_16 = %scan3A_5 to %scan3A_7 step %scan3A_8  : i32 {
      %broadcast_in_dim3A = arith.constant 0.000000e+00 : f32
      %broadcast_in_dim3A_17 = vector.broadcast %broadcast_in_dim3A : f32 to vector<16xf32>
      %mul3A_18 = arith.constant 16 : i32
      %mul3A_19 = arith.muli %scan3A_16, %mul3A_18 : i32
      %swap3A = arith.index_cast %mul3A_19 : i32 to index
      %swap3A_20 = tpu.vector_load %arg9[%swap3A] {strides = array<i32>} : memref<10000xf32, #tpu.memory_space<vmem>>, vector<16xf32>,
      tpu.vector_store %arg9[%swap3A], %broadcast_in_dim3A_17 {strides = array<i32>} : memref<10000xf32, #tpu.memory_space<vmem>>, vector<16xf32>,
    }
    %scan3A_9 = arith.constant 625 : i32
    %scan3A_10 = arith.constant 0 : i32
    %scan3A_11 = arith.constant 0 : i32
    %scan3A_12 = arith.constant 625 : i32
    %scan3A_13 = arith.addi %scan3A_11, %scan3A_12 : i32
    %scan3A_14 = arith.constant 1 : i32
    scf.for %scan3A_16 = %scan3A_11 to %scan3A_13 step %scan3A_14  : i32 {
      %mul3A_17 = arith.constant 16 : i32
      %mul3A_18 = arith.muli %scan3A_16, %mul3A_17 : i32
      %get3A = arith.index_cast %mul3A_18 : i32 to index
      %get3A_19 = tpu.vector_load %arg6[%get3A] {strides = array<i32>} : memref<10000xi32, #tpu.memory_space<vmem>>, vector<16xi32>,
      %mul3A_20 = arith.constant 16 : i32
      %mul3A_21 = arith.muli %scan3A_16, %mul3A_20 : i32
      %get3A_22 = arith.index_cast %mul3A_21 : i32 to index
      %get3A_23 = tpu.vector_load %arg7[%get3A_22] {strides = array<i32>} : memref<10000xi32, #tpu.memory_space<vmem>>, vector<16xi32>,
      %gather3A = tpu.vector_load_idx %arg8[%get3A_19] : memref<10000xf32, #tpu.memory_space<vmem>>[vector<16xi32>], vector<16xf32>,
      tpu.vector_store_idx %arg9[%get3A_23], %gather3A {add = true} : memref<10000xf32, #tpu.memory_space<vmem>>[vector<16xi32>], vector<16xf32>,
    }
    %scan3A_15 = arith.constant 625 : i32
    %run_scoped3A = arith.constant 0 : i32
    "tpu.region"() ({
      %run_scoped3A_16 = tpu.sem_alloc : memref<!tpu.dma_semaphore, #tpu.memory_space<semaphore_mem>>
      %dma_start3A = arith.constant 0 : i32
      %dma_start3A_17 = tpu.memref_slice %arg5[%add3A, %run_scoped3A, %dma_start3A] : memref<32x1x10000xf32, #tpu.memory_space<hbm>> -> memref<1x1x10000xf32, #tpu.memory_space<hbm>>
      %dma_start3A_18 = tpu.memref_squeeze %dma_start3A_17 : memref<1x1x10000xf32, #tpu.memory_space<hbm>> -> memref<10000xf32, #tpu.memory_space<hbm>>
      %dma_start3A_19 = arith.constant 0 : i32
      %dma_start3A_20 = tpu.memref_slice %arg5[%add3A, %run_scoped3A, %dma_start3A_19] : memref<32x1x10000xf32, #tpu.memory_space<hbm>> -> memref<1x1x10000xf32, #tpu.memory_space<hbm>>
      %dma_start3A_21 = tpu.memref_squeeze %dma_start3A_20 : memref<1x1x10000xf32, #tpu.memory_space<hbm>> -> memref<10000xf32, #tpu.memory_space<hbm>>
      tpu.enqueue_dma source(%arg9 : memref<10000xf32, #tpu.memory_space<vmem>>) target(%dma_start3A_21 : memref<10000xf32, #tpu.memory_space<hbm>>) target_semaphore(%run_scoped3A_16 : memref<!tpu.dma_semaphore, #tpu.memory_space<semaphore_mem>>)
      %dma_wait3A = arith.constant 0 : i32
      %dma_wait3A_22 = tpu.memref_slice %arg5[%add3A, %run_scoped3A, %dma_wait3A] : memref<32x1x10000xf32, #tpu.memory_space<hbm>> -> memref<1x1x10000xf32, #tpu.memory_space<hbm>>
      %dma_wait3A_23 = tpu.memref_squeeze %dma_wait3A_22 : memref<1x1x10000xf32, #tpu.memory_space<hbm>> -> memref<10000xf32, #tpu.memory_space<hbm>>
      %dma_wait3A_24 = arith.constant 0 : i32
      %dma_wait3A_25 = tpu.memref_slice %arg5[%add3A, %run_scoped3A, %dma_wait3A_24] : memref<32x1x10000xf32, #tpu.memory_space<hbm>> -> memref<1x1x10000xf32, #tpu.memory_space<hbm>>
      %dma_wait3A_26 = tpu.memref_squeeze %dma_wait3A_25 : memref<1x1x10000xf32, #tpu.memory_space<hbm>> -> memref<10000xf32, #tpu.memory_space<hbm>>
      tpu.wait_dma2 semaphore(%run_scoped3A_16 : memref<!tpu.dma_semaphore, #tpu.memory_space<semaphore_mem>>) src(%arg9 : memref<10000xf32, #tpu.memory_space<vmem>>) dst(%dma_wait3A_26 : memref<10000xf32, #tpu.memory_space<hbm>>)
      tpu.yield
    }) : () -> ()
    return
  }
}

#map = affine_map<(d0, d1) -> (0, 0, 0)>
#map1 = affine_map<(d0, d1) -> (0, 0)>
module attributes {stable_mosaic.version = 14 : i64} {
  func.func @_sc_agg_body(%arg0: i32, %arg1: i32, %arg2: memref<32x1x10000xi32, #tpu.memory_space<hbm>>, %arg3: memref<10000x128xf32, #tpu.memory_space<hbm>>, %arg4: memref<632x128xf32, #tpu.memory_space<hbm>>, %arg5: memref<2x10112x128xf32, #tpu.memory_space<hbm>>, %arg6: memref<10000xi32, #tpu.memory_space<vmem>>, %arg7: memref<80x128xf32, #tpu.memory_space<vmem>>, %arg8: memref<80x128xf32, #tpu.memory_space<vmem>>, %arg9: memref<80x128xf32, #tpu.memory_space<vmem>>, %arg10: memref<1x80xi32, #tpu.memory_space<vmem>>, %arg11: memref<1x80xi32, #tpu.memory_space<vmem>>, %arg12: memref<1x80xi32, #tpu.memory_space<vmem>>, %arg13: memref<1x80xi32, #tpu.memory_space<vmem>>, %arg14: memref<1x80xi32, #tpu.memory_space<vmem>>, %arg15: memref<1x80xi32, #tpu.memory_space<vmem>>, %arg16: memref<10112x128xf32, #tpu.memory_space<vmem_shared>>, %arg17: memref<!tpu.dma_semaphore, #tpu.memory_space<semaphore_mem>>, %arg18: memref<!tpu.dma_semaphore, #tpu.memory_space<semaphore_mem>>, %arg19: memref<!tpu.dma_semaphore, #tpu.memory_space<semaphore_mem>>, %arg20: memref<!tpu.dma_semaphore, #tpu.memory_space<semaphore_mem>>, %arg21: memref<!tpu.dma_semaphore, #tpu.memory_space<semaphore_mem>>, %arg22: memref<!tpu.dma_semaphore, #tpu.memory_space<semaphore_mem>>) attributes {dimension_semantics = [#tpu.dimension_semantics<core_parallel>, #tpu.dimension_semantics<subcore_parallel>], iteration_bounds = array<i64: 2, 16>, scalar_prefetch = 0 : i64, scratch_operands = 17 : i64, tpu.core_type = #tpu.core_type<sc_vector_subcore>, window_params = [{transform_indices = #map}, {transform_indices = #map1}, {transform_indices = #map1}, {transform_indices = #map}]} {
    %mul3A = arith.constant 16 : i32
    %mul3A_0 = arith.muli %arg0, %mul3A : i32
    %add3A = arith.addi %mul3A_0, %arg1 : i32
    %run_scoped3A = arith.constant 0 : i32
    "tpu.region"() ({
      %run_scoped3A_272 = tpu.sem_alloc : memref<!tpu.dma_semaphore, #tpu.memory_space<semaphore_mem>>
      %dma_start3A_273 = arith.constant 0 : i32
      %dma_start3A_274 = tpu.memref_slice %arg2[%add3A, %run_scoped3A, %dma_start3A_273] : memref<32x1x10000xi32, #tpu.memory_space<hbm>> -> memref<1x1x10000xi32, #tpu.memory_space<hbm>>
      %dma_start3A_275 = tpu.memref_squeeze %dma_start3A_274 : memref<1x1x10000xi32, #tpu.memory_space<hbm>> -> memref<10000xi32, #tpu.memory_space<hbm>>
      %dma_start3A_276 = arith.constant 0 : i32
      %dma_start3A_277 = tpu.memref_slice %arg2[%add3A, %run_scoped3A, %dma_start3A_276] : memref<32x1x10000xi32, #tpu.memory_space<hbm>> -> memref<1x1x10000xi32, #tpu.memory_space<hbm>>
      %dma_start3A_278 = tpu.memref_squeeze %dma_start3A_277 : memref<1x1x10000xi32, #tpu.memory_space<hbm>> -> memref<10000xi32, #tpu.memory_space<hbm>>
      tpu.enqueue_dma source(%dma_start3A_278 : memref<10000xi32, #tpu.memory_space<hbm>>) target(%arg6 : memref<10000xi32, #tpu.memory_space<vmem>>) target_semaphore(%run_scoped3A_272 : memref<!tpu.dma_semaphore, #tpu.memory_space<semaphore_mem>>)
      %dma_wait3A_279 = arith.constant 0 : i32
      %dma_wait3A_280 = tpu.memref_slice %arg2[%add3A, %run_scoped3A, %dma_wait3A_279] : memref<32x1x10000xi32, #tpu.memory_space<hbm>> -> memref<1x1x10000xi32, #tpu.memory_space<hbm>>
      %dma_wait3A_281 = tpu.memref_squeeze %dma_wait3A_280 : memref<1x1x10000xi32, #tpu.memory_space<hbm>> -> memref<10000xi32, #tpu.memory_space<hbm>>
      %dma_wait3A_282 = arith.constant 0 : i32
      %dma_wait3A_283 = tpu.memref_slice %arg2[%add3A, %run_scoped3A, %dma_wait3A_282] : memref<32x1x10000xi32, #tpu.memory_space<hbm>> -> memref<1x1x10000xi32, #tpu.memory_space<hbm>>
      %dma_wait3A_284 = tpu.memref_squeeze %dma_wait3A_283 : memref<1x1x10000xi32, #tpu.memory_space<hbm>> -> memref<10000xi32, #tpu.memory_space<hbm>>
      tpu.wait_dma2 semaphore(%run_scoped3A_272 : memref<!tpu.dma_semaphore, #tpu.memory_space<semaphore_mem>>) src(%dma_wait3A_284 : memref<10000xi32, #tpu.memory_space<hbm>>) dst(%arg6 : memref<10000xi32, #tpu.memory_space<vmem>>)
      tpu.yield
    }) : () -> ()
    %mul3A_1 = arith.constant 632 : i32
    %mul3A_2 = arith.muli %arg1, %mul3A_1 : i32
    "tpu.region"() ({
      %run_scoped3A_272 = tpu.sem_alloc : memref<!tpu.dma_semaphore, #tpu.memory_space<semaphore_mem>>
      %dma_start3A_273 = arith.constant 0 : i32
      %dma_start3A_274 = tpu.memref_slice %arg16[%mul3A_2, %dma_start3A_273] : memref<10112x128xf32, #tpu.memory_space<vmem_shared>> -> memref<632x128xf32, #tpu.memory_space<vmem_shared>>
      tpu.enqueue_dma source(%arg4 : memref<632x128xf32, #tpu.memory_space<hbm>>) target(%dma_start3A_274 : memref<632x128xf32, #tpu.memory_space<vmem_shared>>) target_semaphore(%run_scoped3A_272 : memref<!tpu.dma_semaphore, #tpu.memory_space<semaphore_mem>>)
      %dma_wait3A_275 = arith.constant 0 : i32
      %dma_wait3A_276 = tpu.memref_slice %arg16[%mul3A_2, %dma_wait3A_275] : memref<10112x128xf32, #tpu.memory_space<vmem_shared>> -> memref<632x128xf32, #tpu.memory_space<vmem_shared>>
      tpu.wait_dma2 semaphore(%run_scoped3A_272 : memref<!tpu.dma_semaphore, #tpu.memory_space<semaphore_mem>>) src(%arg4 : memref<632x128xf32, #tpu.memory_space<hbm>>) dst(%dma_wait3A_276 : memref<632x128xf32, #tpu.memory_space<vmem_shared>>)
      tpu.yield
    }) : () -> ()
    %barrier3A = arith.constant 0 : index
    tpu.barrier barrier_id(%barrier3A)
    %scan3A = arith.constant 0 : i32
    %scan3A_3 = arith.constant 0 : i32
    %scan3A_4 = arith.constant 41 : i32
    %scan3A_5 = arith.addi %scan3A_3, %scan3A_4 : i32
    %scan3A_6 = arith.constant 1 : i32
    scf.for %scan3A_272 = %scan3A_3 to %scan3A_5 step %scan3A_6  : i32 {
      %mul3A_273 = arith.constant 3 : i32
      %mul3A_274 = arith.muli %mul3A_273, %scan3A_272 : i32
      %add3A_275 = arith.constant 0 : i32
      %add3A_276 = arith.addi %mul3A_274, %add3A_275 : i32
      %gt3A = arith.constant 0 : i32
      %gt3A_277 = arith.cmpi sgt, %scan3A_272, %gt3A : i32
      %convert_element_type3A = arith.extui %gt3A_277 : i1 to i32
      %cond3A = arith.constant 0 : i32
      %cond3A_278 = arith.cmpi ne, %convert_element_type3A, %cond3A : i32
      scf.if %cond3A_278 {
        %dma_wait3A_642 = arith.constant 0 : i32
        %dma_wait3A_643 = arith.constant 0 : i32
        %dma_wait3A_644 = tpu.memref_slice %arg12[%dma_wait3A_642, %dma_wait3A_643] : memref<1x80xi32, #tpu.memory_space<vmem>> -> memref<1x80xi32, #tpu.memory_space<vmem>>
        %dma_wait3A_645 = tpu.memref_squeeze %dma_wait3A_644 : memref<1x80xi32, #tpu.memory_space<vmem>> -> memref<80xi32, #tpu.memory_space<vmem>>
        %dma_wait3A_646 = arith.constant 0 : i32
        %dma_wait3A_647 = arith.constant 0 : i32
        %dma_wait3A_648 = tpu.memref_slice %arg3[%dma_wait3A_646, %dma_wait3A_647] : memref<10000x128xf32, #tpu.memory_space<hbm>> -> memref<10000x128xf32, #tpu.memory_space<hbm>>
        tpu.wait_indirect_dma semaphore(%arg18 : memref<!tpu.dma_semaphore, #tpu.memory_space<semaphore_mem>>) src(%dma_wait3A_648 : memref<10000x128xf32, #tpu.memory_space<hbm>>) dst(%arg8 : memref<80x128xf32, #tpu.memory_space<vmem>>)
        %dma_start3A_649 = arith.constant 0 : i32
        %dma_start3A_650 = arith.constant 0 : i32
        %dma_start3A_651 = tpu.memref_slice %arg13[%dma_start3A_649, %dma_start3A_650] : memref<1x80xi32, #tpu.memory_space<vmem>> -> memref<1x80xi32, #tpu.memory_space<vmem>>
        %dma_start3A_652 = tpu.memref_squeeze %dma_start3A_651 : memref<1x80xi32, #tpu.memory_space<vmem>> -> memref<80xi32, #tpu.memory_space<vmem>>
        %dma_start3A_653 = arith.constant 0 : i32
        %dma_start3A_654 = arith.constant 0 : i32
        %dma_start3A_655 = tpu.memref_slice %arg16[%dma_start3A_653, %dma_start3A_654] : memref<10112x128xf32, #tpu.memory_space<vmem_shared>> -> memref<10112x128xf32, #tpu.memory_space<vmem_shared>>
        tpu.enqueue_indirect_dma source(%arg8 : memref<80x128xf32, #tpu.memory_space<vmem>>) target(%dma_start3A_655 : memref<10112x128xf32, #tpu.memory_space<vmem_shared>>) offsets(%dma_start3A_652 : memref<80xi32, #tpu.memory_space<vmem>>) semaphore(%arg21 : memref<!tpu.dma_semaphore, #tpu.memory_space<semaphore_mem>>) {add = true}
      } else {
      }
      %gt3A_279 = arith.constant 0 : i32
      %gt3A_280 = arith.cmpi sgt, %scan3A_272, %gt3A_279 : i32
      %convert_element_type3A_281 = arith.extui %gt3A_280 : i1 to i32
      %cond3A_282 = arith.constant 0 : i32
      %cond3A_283 = arith.cmpi ne, %convert_element_type3A_281, %cond3A_282 : i32
      scf.if %cond3A_283 {
        %dma_wait3A_642 = arith.constant 0 : i32
        %dma_wait3A_643 = arith.constant 0 : i32
        %dma_wait3A_644 = tpu.memref_slice %arg11[%dma_wait3A_642, %dma_wait3A_643] : memref<1x80xi32, #tpu.memory_space<vmem>> -> memref<1x80xi32, #tpu.memory_space<vmem>>
        %dma_wait3A_645 = tpu.memref_squeeze %dma_wait3A_644 : memref<1x80xi32, #tpu.memory_space<vmem>> -> memref<80xi32, #tpu.memory_space<vmem>>
        %dma_wait3A_646 = arith.constant 0 : i32
        %dma_wait3A_647 = arith.constant 0 : i32
        %dma_wait3A_648 = tpu.memref_slice %arg16[%dma_wait3A_646, %dma_wait3A_647] : memref<10112x128xf32, #tpu.memory_space<vmem_shared>> -> memref<10112x128xf32, #tpu.memory_space<vmem_shared>>
        tpu.wait_indirect_dma semaphore(%arg20 : memref<!tpu.dma_semaphore, #tpu.memory_space<semaphore_mem>>) src(%arg7 : memref<80x128xf32, #tpu.memory_space<vmem>>) dst(%dma_wait3A_648 : memref<10112x128xf32, #tpu.memory_space<vmem_shared>>)
      } else {
      }
      %mul3A_284 = arith.constant 80 : i32
      %mul3A_285 = arith.muli %add3A_276, %mul3A_284 : i32
      %add3A_286 = arith.constant 0 : i32
      %add3A_287 = arith.addi %mul3A_285, %add3A_286 : i32
      %get3A_288 = arith.index_cast %add3A_287 : i32 to index
      %get3A_289 = tpu.vector_load %arg6[%get3A_288] {strides = array<i32>} : memref<10000xi32, #tpu.memory_space<vmem>>, vector<16xi32>,
      %shift_right_arithmetic3A_290 = arith.constant 14 : i32
      %shift_right_arithmetic3A_291 = vector.broadcast %shift_right_arithmetic3A_290 : i32 to vector<16xi32>
      %shift_right_arithmetic3A_292 = arith.shrsi %get3A_289, %shift_right_arithmetic3A_291 : vector<16xi32>
      %swap3A_293 = arith.constant 0 : i32
      %swap3A_294 = arith.index_cast %swap3A_293 : i32 to index
      %swap3A_295 = arith.constant 0 : index
      %swap3A_296 = tpu.vector_load %arg10[%swap3A_294, %swap3A_295] {strides = array<i32>} : memref<1x80xi32, #tpu.memory_space<vmem>>, vector<16xi32>,
      tpu.vector_store %arg10[%swap3A_294, %swap3A_295], %shift_right_arithmetic3A_292 {strides = array<i32>} : memref<1x80xi32, #tpu.memory_space<vmem>>, vector<16xi32>,
      %and3A_297 = arith.constant 16383 : i32
      %and3A_298 = vector.broadcast %and3A_297 : i32 to vector<16xi32>
      %and3A_299 = arith.andi %get3A_289, %and3A_298 : vector<16xi32>
      %swap3A_300 = arith.constant 0 : i32
      %swap3A_301 = arith.index_cast %swap3A_300 : i32 to index
      %swap3A_302 = arith.constant 0 : index
      %swap3A_303 = tpu.vector_load %arg11[%swap3A_301, %swap3A_302] {strides = array<i32>} : memref<1x80xi32, #tpu.memory_space<vmem>>, vector<16xi32>,
      tpu.vector_store %arg11[%swap3A_301, %swap3A_302], %and3A_299 {strides = array<i32>} : memref<1x80xi32, #tpu.memory_space<vmem>>, vector<16xi32>,
      %mul3A_304 = arith.constant 80 : i32
      %mul3A_305 = arith.muli %add3A_276, %mul3A_304 : i32
      %add3A_306 = arith.constant 16 : i32
      %add3A_307 = arith.addi %mul3A_305, %add3A_306 : i32
      %get3A_308 = arith.index_cast %add3A_307 : i32 to index
      %get3A_309 = tpu.vector_load %arg6[%get3A_308] {strides = array<i32>} : memref<10000xi32, #tpu.memory_space<vmem>>, vector<16xi32>,
      %shift_right_arithmetic3A_310 = arith.constant 14 : i32
      %shift_right_arithmetic3A_311 = vector.broadcast %shift_right_arithmetic3A_310 : i32 to vector<16xi32>
      %shift_right_arithmetic3A_312 = arith.shrsi %get3A_309, %shift_right_arithmetic3A_311 : vector<16xi32>
      %swap3A_313 = arith.constant 0 : i32
      %swap3A_314 = arith.index_cast %swap3A_313 : i32 to index
      %swap3A_315 = arith.constant 16 : index
      %swap3A_316 = tpu.vector_load %arg10[%swap3A_314, %swap3A_315] {strides = array<i32>} : memref<1x80xi32, #tpu.memory_space<vmem>>, vector<16xi32>,
      tpu.vector_store %arg10[%swap3A_314, %swap3A_315], %shift_right_arithmetic3A_312 {strides = array<i32>} : memref<1x80xi32, #tpu.memory_space<vmem>>, vector<16xi32>,
      %and3A_317 = arith.constant 16383 : i32
      %and3A_318 = vector.broadcast %and3A_317 : i32 to vector<16xi32>
      %and3A_319 = arith.andi %get3A_309, %and3A_318 : vector<16xi32>
      %swap3A_320 = arith.constant 0 : i32
      %swap3A_321 = arith.index_cast %swap3A_320 : i32 to index
      %swap3A_322 = arith.constant 16 : index
      %swap3A_323 = tpu.vector_load %arg11[%swap3A_321, %swap3A_322] {strides = array<i32>} : memref<1x80xi32, #tpu.memory_space<vmem>>, vector<16xi32>,
      tpu.vector_store %arg11[%swap3A_321, %swap3A_322], %and3A_319 {strides = array<i32>} : memref<1x80xi32, #tpu.memory_space<vmem>>, vector<16xi32>,
      %mul3A_324 = arith.constant 80 : i32
      %mul3A_325 = arith.muli %add3A_276, %mul3A_324 : i32
      %add3A_326 = arith.constant 32 : i32
      %add3A_327 = arith.addi %mul3A_325, %add3A_326 : i32
      %get3A_328 = arith.index_cast %add3A_327 : i32 to index
      %get3A_329 = tpu.vector_load %arg6[%get3A_328] {strides = array<i32>} : memref<10000xi32, #tpu.memory_space<vmem>>, vector<16xi32>,
      %shift_right_arithmetic3A_330 = arith.constant 14 : i32
      %shift_right_arithmetic3A_331 = vector.broadcast %shift_right_arithmetic3A_330 : i32 to vector<16xi32>
      %shift_right_arithmetic3A_332 = arith.shrsi %get3A_329, %shift_right_arithmetic3A_331 : vector<16xi32>
      %swap3A_333 = arith.constant 0 : i32
      %swap3A_334 = arith.index_cast %swap3A_333 : i32 to index
      %swap3A_335 = arith.constant 32 : index
      %swap3A_336 = tpu.vector_load %arg10[%swap3A_334, %swap3A_335] {strides = array<i32>} : memref<1x80xi32, #tpu.memory_space<vmem>>, vector<16xi32>,
      tpu.vector_store %arg10[%swap3A_334, %swap3A_335], %shift_right_arithmetic3A_332 {strides = array<i32>} : memref<1x80xi32, #tpu.memory_space<vmem>>, vector<16xi32>,
      %and3A_337 = arith.constant 16383 : i32
      %and3A_338 = vector.broadcast %and3A_337 : i32 to vector<16xi32>
      %and3A_339 = arith.andi %get3A_329, %and3A_338 : vector<16xi32>
      %swap3A_340 = arith.constant 0 : i32
      %swap3A_341 = arith.index_cast %swap3A_340 : i32 to index
      %swap3A_342 = arith.constant 32 : index
      %swap3A_343 = tpu.vector_load %arg11[%swap3A_341, %swap3A_342] {strides = array<i32>} : memref<1x80xi32, #tpu.memory_space<vmem>>, vector<16xi32>,
      tpu.vector_store %arg11[%swap3A_341, %swap3A_342], %and3A_339 {strides = array<i32>} : memref<1x80xi32, #tpu.memory_space<vmem>>, vector<16xi32>,
      %mul3A_344 = arith.constant 80 : i32
      %mul3A_345 = arith.muli %add3A_276, %mul3A_344 : i32
      %add3A_346 = arith.constant 48 : i32
      %add3A_347 = arith.addi %mul3A_345, %add3A_346 : i32
      %get3A_348 = arith.index_cast %add3A_347 : i32 to index
      %get3A_349 = tpu.vector_load %arg6[%get3A_348] {strides = array<i32>} : memref<10000xi32, #tpu.memory_space<vmem>>, vector<16xi32>,
      %shift_right_arithmetic3A_350 = arith.constant 14 : i32
      %shift_right_arithmetic3A_351 = vector.broadcast %shift_right_arithmetic3A_350 : i32 to vector<16xi32>
      %shift_right_arithmetic3A_352 = arith.shrsi %get3A_349, %shift_right_arithmetic3A_351 : vector<16xi32>
      %swap3A_353 = arith.constant 0 : i32
      %swap3A_354 = arith.index_cast %swap3A_353 : i32 to index
      %swap3A_355 = arith.constant 48 : index
      %swap3A_356 = tpu.vector_load %arg10[%swap3A_354, %swap3A_355] {strides = array<i32>} : memref<1x80xi32, #tpu.memory_space<vmem>>, vector<16xi32>,
      tpu.vector_store %arg10[%swap3A_354, %swap3A_355], %shift_right_arithmetic3A_352 {strides = array<i32>} : memref<1x80xi32, #tpu.memory_space<vmem>>, vector<16xi32>,
      %and3A_357 = arith.constant 16383 : i32
      %and3A_358 = vector.broadcast %and3A_357 : i32 to vector<16xi32>
      %and3A_359 = arith.andi %get3A_349, %and3A_358 : vector<16xi32>
      %swap3A_360 = arith.constant 0 : i32
      %swap3A_361 = arith.index_cast %swap3A_360 : i32 to index
      %swap3A_362 = arith.constant 48 : index
      %swap3A_363 = tpu.vector_load %arg11[%swap3A_361, %swap3A_362] {strides = array<i32>} : memref<1x80xi32, #tpu.memory_space<vmem>>, vector<16xi32>,
      tpu.vector_store %arg11[%swap3A_361, %swap3A_362], %and3A_359 {strides = array<i32>} : memref<1x80xi32, #tpu.memory_space<vmem>>, vector<16xi32>,
      %mul3A_364 = arith.constant 80 : i32
      %mul3A_365 = arith.muli %add3A_276, %mul3A_364 : i32
      %add3A_366 = arith.constant 64 : i32
      %add3A_367 = arith.addi %mul3A_365, %add3A_366 : i32
      %get3A_368 = arith.index_cast %add3A_367 : i32 to index
      %get3A_369 = tpu.vector_load %arg6[%get3A_368] {strides = array<i32>} : memref<10000xi32, #tpu.memory_space<vmem>>, vector<16xi32>,
      %shift_right_arithmetic3A_370 = arith.constant 14 : i32
      %shift_right_arithmetic3A_371 = vector.broadcast %shift_right_arithmetic3A_370 : i32 to vector<16xi32>
      %shift_right_arithmetic3A_372 = arith.shrsi %get3A_369, %shift_right_arithmetic3A_371 : vector<16xi32>
      %swap3A_373 = arith.constant 0 : i32
      %swap3A_374 = arith.index_cast %swap3A_373 : i32 to index
      %swap3A_375 = arith.constant 64 : index
      %swap3A_376 = tpu.vector_load %arg10[%swap3A_374, %swap3A_375] {strides = array<i32>} : memref<1x80xi32, #tpu.memory_space<vmem>>, vector<16xi32>,
      tpu.vector_store %arg10[%swap3A_374, %swap3A_375], %shift_right_arithmetic3A_372 {strides = array<i32>} : memref<1x80xi32, #tpu.memory_space<vmem>>, vector<16xi32>,
      %and3A_377 = arith.constant 16383 : i32
      %and3A_378 = vector.broadcast %and3A_377 : i32 to vector<16xi32>
      %and3A_379 = arith.andi %get3A_369, %and3A_378 : vector<16xi32>
      %swap3A_380 = arith.constant 0 : i32
      %swap3A_381 = arith.index_cast %swap3A_380 : i32 to index
      %swap3A_382 = arith.constant 64 : index
      %swap3A_383 = tpu.vector_load %arg11[%swap3A_381, %swap3A_382] {strides = array<i32>} : memref<1x80xi32, #tpu.memory_space<vmem>>, vector<16xi32>,
      tpu.vector_store %arg11[%swap3A_381, %swap3A_382], %and3A_379 {strides = array<i32>} : memref<1x80xi32, #tpu.memory_space<vmem>>, vector<16xi32>,
      %dma_start3A_384 = arith.constant 0 : i32
      %dma_start3A_385 = arith.constant 0 : i32
      %dma_start3A_386 = tpu.memref_slice %arg10[%dma_start3A_384, %dma_start3A_385] : memref<1x80xi32, #tpu.memory_space<vmem>> -> memref<1x80xi32, #tpu.memory_space<vmem>>
      %dma_start3A_387 = tpu.memref_squeeze %dma_start3A_386 : memref<1x80xi32, #tpu.memory_space<vmem>> -> memref<80xi32, #tpu.memory_space<vmem>>
      %dma_start3A_388 = arith.constant 0 : i32
      %dma_start3A_389 = arith.constant 0 : i32
      %dma_start3A_390 = tpu.memref_slice %arg3[%dma_start3A_388, %dma_start3A_389] : memref<10000x128xf32, #tpu.memory_space<hbm>> -> memref<10000x128xf32, #tpu.memory_space<hbm>>
      tpu.enqueue_indirect_dma source(%dma_start3A_390 : memref<10000x128xf32, #tpu.memory_space<hbm>>) target(%arg7 : memref<80x128xf32, #tpu.memory_space<vmem>>) offsets(%dma_start3A_387 : memref<80xi32, #tpu.memory_space<vmem>>) semaphore(%arg17 : memref<!tpu.dma_semaphore, #tpu.memory_space<semaphore_mem>>)
      %mul3A_391 = arith.constant 3 : i32
      %mul3A_392 = arith.muli %mul3A_391, %scan3A_272 : i32
      %add3A_393 = arith.constant 1 : i32
      %add3A_394 = arith.addi %mul3A_392, %add3A_393 : i32
      %gt3A_395 = arith.constant 0 : i32
      %gt3A_396 = arith.cmpi sgt, %scan3A_272, %gt3A_395 : i32
      %convert_element_type3A_397 = arith.extui %gt3A_396 : i1 to i32
      %cond3A_398 = arith.constant 0 : i32
      %cond3A_399 = arith.cmpi ne, %convert_element_type3A_397, %cond3A_398 : i32
      scf.if %cond3A_399 {
        %dma_wait3A_642 = arith.constant 0 : i32
        %dma_wait3A_643 = arith.constant 0 : i32
        %dma_wait3A_644 = tpu.memref_slice %arg14[%dma_wait3A_642, %dma_wait3A_643] : memref<1x80xi32, #tpu.memory_space<vmem>> -> memref<1x80xi32, #tpu.memory_space<vmem>>
        %dma_wait3A_645 = tpu.memref_squeeze %dma_wait3A_644 : memref<1x80xi32, #tpu.memory_space<vmem>> -> memref<80xi32, #tpu.memory_space<vmem>>
        %dma_wait3A_646 = arith.constant 0 : i32
        %dma_wait3A_647 = arith.constant 0 : i32
        %dma_wait3A_648 = tpu.memref_slice %arg3[%dma_wait3A_646, %dma_wait3A_647] : memref<10000x128xf32, #tpu.memory_space<hbm>> -> memref<10000x128xf32, #tpu.memory_space<hbm>>
        tpu.wait_indirect_dma semaphore(%arg19 : memref<!tpu.dma_semaphore, #tpu.memory_space<semaphore_mem>>) src(%dma_wait3A_648 : memref<10000x128xf32, #tpu.memory_space<hbm>>) dst(%arg9 : memref<80x128xf32, #tpu.memory_space<vmem>>)
        %dma_start3A_649 = arith.constant 0 : i32
        %dma_start3A_650 = arith.constant 0 : i32
        %dma_start3A_651 = tpu.memref_slice %arg15[%dma_start3A_649, %dma_start3A_650] : memref<1x80xi32, #tpu.memory_space<vmem>> -> memref<1x80xi32, #tpu.memory_space<vmem>>
        %dma_start3A_652 = tpu.memref_squeeze %dma_start3A_651 : memref<1x80xi32, #tpu.memory_space<vmem>> -> memref<80xi32, #tpu.memory_space<vmem>>
        %dma_start3A_653 = arith.constant 0 : i32
        %dma_start3A_654 = arith.constant 0 : i32
        %dma_start3A_655 = tpu.memref_slice %arg16[%dma_start3A_653, %dma_start3A_654] : memref<10112x128xf32, #tpu.memory_space<vmem_shared>> -> memref<10112x128xf32, #tpu.memory_space<vmem_shared>>
        tpu.enqueue_indirect_dma source(%arg9 : memref<80x128xf32, #tpu.memory_space<vmem>>) target(%dma_start3A_655 : memref<10112x128xf32, #tpu.memory_space<vmem_shared>>) offsets(%dma_start3A_652 : memref<80xi32, #tpu.memory_space<vmem>>) semaphore(%arg22 : memref<!tpu.dma_semaphore, #tpu.memory_space<semaphore_mem>>) {add = true}
      } else {
      }
      %gt3A_400 = arith.constant 0 : i32
      %gt3A_401 = arith.cmpi sgt, %scan3A_272, %gt3A_400 : i32
      %convert_element_type3A_402 = arith.extui %gt3A_401 : i1 to i32
      %cond3A_403 = arith.constant 0 : i32
      %cond3A_404 = arith.cmpi ne, %convert_element_type3A_402, %cond3A_403 : i32
      scf.if %cond3A_404 {
        %dma_wait3A_642 = arith.constant 0 : i32
        %dma_wait3A_643 = arith.constant 0 : i32
        %dma_wait3A_644 = tpu.memref_slice %arg13[%dma_wait3A_642, %dma_wait3A_643] : memref<1x80xi32, #tpu.memory_space<vmem>> -> memref<1x80xi32, #tpu.memory_space<vmem>>
        %dma_wait3A_645 = tpu.memref_squeeze %dma_wait3A_644 : memref<1x80xi32, #tpu.memory_space<vmem>> -> memref<80xi32, #tpu.memory_space<vmem>>
        %dma_wait3A_646 = arith.constant 0 : i32
        %dma_wait3A_647 = arith.constant 0 : i32
        %dma_wait3A_648 = tpu.memref_slice %arg16[%dma_wait3A_646, %dma_wait3A_647] : memref<10112x128xf32, #tpu.memory_space<vmem_shared>> -> memref<10112x128xf32, #tpu.memory_space<vmem_shared>>
        tpu.wait_indirect_dma semaphore(%arg21 : memref<!tpu.dma_semaphore, #tpu.memory_space<semaphore_mem>>) src(%arg8 : memref<80x128xf32, #tpu.memory_space<vmem>>) dst(%dma_wait3A_648 : memref<10112x128xf32, #tpu.memory_space<vmem_shared>>)
      } else {
      }
      %mul3A_405 = arith.constant 80 : i32
      %mul3A_406 = arith.muli %add3A_394, %mul3A_405 : i32
      %add3A_407 = arith.constant 0 : i32
      %add3A_408 = arith.addi %mul3A_406, %add3A_407 : i32
      %get3A_409 = arith.index_cast %add3A_408 : i32 to index
      %get3A_410 = tpu.vector_load %arg6[%get3A_409] {strides = array<i32>} : memref<10000xi32, #tpu.memory_space<vmem>>, vector<16xi32>,
      %shift_right_arithmetic3A_411 = arith.constant 14 : i32
      %shift_right_arithmetic3A_412 = vector.broadcast %shift_right_arithmetic3A_411 : i32 to vector<16xi32>
      %shift_right_arithmetic3A_413 = arith.shrsi %get3A_410, %shift_right_arithmetic3A_412 : vector<16xi32>
      %swap3A_414 = arith.constant 0 : i32
      %swap3A_415 = arith.index_cast %swap3A_414 : i32 to index
      %swap3A_416 = arith.constant 0 : index
      %swap3A_417 = tpu.vector_load %arg12[%swap3A_415, %swap3A_416] {strides = array<i32>} : memref<1x80xi32, #tpu.memory_space<vmem>>, vector<16xi32>,
      tpu.vector_store %arg12[%swap3A_415, %swap3A_416], %shift_right_arithmetic3A_413 {strides = array<i32>} : memref<1x80xi32, #tpu.memory_space<vmem>>, vector<16xi32>,
      %and3A_418 = arith.constant 16383 : i32
      %and3A_419 = vector.broadcast %and3A_418 : i32 to vector<16xi32>
      %and3A_420 = arith.andi %get3A_410, %and3A_419 : vector<16xi32>
      %swap3A_421 = arith.constant 0 : i32
      %swap3A_422 = arith.index_cast %swap3A_421 : i32 to index
      %swap3A_423 = arith.constant 0 : index
      %swap3A_424 = tpu.vector_load %arg13[%swap3A_422, %swap3A_423] {strides = array<i32>} : memref<1x80xi32, #tpu.memory_space<vmem>>, vector<16xi32>,
      tpu.vector_store %arg13[%swap3A_422, %swap3A_423], %and3A_420 {strides = array<i32>} : memref<1x80xi32, #tpu.memory_space<vmem>>, vector<16xi32>,
      %mul3A_425 = arith.constant 80 : i32
      %mul3A_426 = arith.muli %add3A_394, %mul3A_425 : i32
      %add3A_427 = arith.constant 16 : i32
      %add3A_428 = arith.addi %mul3A_426, %add3A_427 : i32
      %get3A_429 = arith.index_cast %add3A_428 : i32 to index
      %get3A_430 = tpu.vector_load %arg6[%get3A_429] {strides = array<i32>} : memref<10000xi32, #tpu.memory_space<vmem>>, vector<16xi32>,
      %shift_right_arithmetic3A_431 = arith.constant 14 : i32
      %shift_right_arithmetic3A_432 = vector.broadcast %shift_right_arithmetic3A_431 : i32 to vector<16xi32>
      %shift_right_arithmetic3A_433 = arith.shrsi %get3A_430, %shift_right_arithmetic3A_432 : vector<16xi32>
      %swap3A_434 = arith.constant 0 : i32
      %swap3A_435 = arith.index_cast %swap3A_434 : i32 to index
      %swap3A_436 = arith.constant 16 : index
      %swap3A_437 = tpu.vector_load %arg12[%swap3A_435, %swap3A_436] {strides = array<i32>} : memref<1x80xi32, #tpu.memory_space<vmem>>, vector<16xi32>,
      tpu.vector_store %arg12[%swap3A_435, %swap3A_436], %shift_right_arithmetic3A_433 {strides = array<i32>} : memref<1x80xi32, #tpu.memory_space<vmem>>, vector<16xi32>,
      %and3A_438 = arith.constant 16383 : i32
      %and3A_439 = vector.broadcast %and3A_438 : i32 to vector<16xi32>
      %and3A_440 = arith.andi %get3A_430, %and3A_439 : vector<16xi32>
      %swap3A_441 = arith.constant 0 : i32
      %swap3A_442 = arith.index_cast %swap3A_441 : i32 to index
      %swap3A_443 = arith.constant 16 : index
      %swap3A_444 = tpu.vector_load %arg13[%swap3A_442, %swap3A_443] {strides = array<i32>} : memref<1x80xi32, #tpu.memory_space<vmem>>, vector<16xi32>,
      tpu.vector_store %arg13[%swap3A_442, %swap3A_443], %and3A_440 {strides = array<i32>} : memref<1x80xi32, #tpu.memory_space<vmem>>, vector<16xi32>,
      %mul3A_445 = arith.constant 80 : i32
      %mul3A_446 = arith.muli %add3A_394, %mul3A_445 : i32
      %add3A_447 = arith.constant 32 : i32
      %add3A_448 = arith.addi %mul3A_446, %add3A_447 : i32
      %get3A_449 = arith.index_cast %add3A_448 : i32 to index
      %get3A_450 = tpu.vector_load %arg6[%get3A_449] {strides = array<i32>} : memref<10000xi32, #tpu.memory_space<vmem>>, vector<16xi32>,
      %shift_right_arithmetic3A_451 = arith.constant 14 : i32
      %shift_right_arithmetic3A_452 = vector.broadcast %shift_right_arithmetic3A_451 : i32 to vector<16xi32>
      %shift_right_arithmetic3A_453 = arith.shrsi %get3A_450, %shift_right_arithmetic3A_452 : vector<16xi32>
      %swap3A_454 = arith.constant 0 : i32
      %swap3A_455 = arith.index_cast %swap3A_454 : i32 to index
      %swap3A_456 = arith.constant 32 : index
      %swap3A_457 = tpu.vector_load %arg12[%swap3A_455, %swap3A_456] {strides = array<i32>} : memref<1x80xi32, #tpu.memory_space<vmem>>, vector<16xi32>,
      tpu.vector_store %arg12[%swap3A_455, %swap3A_456], %shift_right_arithmetic3A_453 {strides = array<i32>} : memref<1x80xi32, #tpu.memory_space<vmem>>, vector<16xi32>,
      %and3A_458 = arith.constant 16383 : i32
      %and3A_459 = vector.broadcast %and3A_458 : i32 to vector<16xi32>
      %and3A_460 = arith.andi %get3A_450, %and3A_459 : vector<16xi32>
      %swap3A_461 = arith.constant 0 : i32
      %swap3A_462 = arith.index_cast %swap3A_461 : i32 to index
      %swap3A_463 = arith.constant 32 : index
      %swap3A_464 = tpu.vector_load %arg13[%swap3A_462, %swap3A_463] {strides = array<i32>} : memref<1x80xi32, #tpu.memory_space<vmem>>, vector<16xi32>,
      tpu.vector_store %arg13[%swap3A_462, %swap3A_463], %and3A_460 {strides = array<i32>} : memref<1x80xi32, #tpu.memory_space<vmem>>, vector<16xi32>,
      %mul3A_465 = arith.constant 80 : i32
      %mul3A_466 = arith.muli %add3A_394, %mul3A_465 : i32
      %add3A_467 = arith.constant 48 : i32
      %add3A_468 = arith.addi %mul3A_466, %add3A_467 : i32
      %get3A_469 = arith.index_cast %add3A_468 : i32 to index
      %get3A_470 = tpu.vector_load %arg6[%get3A_469] {strides = array<i32>} : memref<10000xi32, #tpu.memory_space<vmem>>, vector<16xi32>,
      %shift_right_arithmetic3A_471 = arith.constant 14 : i32
      %shift_right_arithmetic3A_472 = vector.broadcast %shift_right_arithmetic3A_471 : i32 to vector<16xi32>
      %shift_right_arithmetic3A_473 = arith.shrsi %get3A_470, %shift_right_arithmetic3A_472 : vector<16xi32>
      %swap3A_474 = arith.constant 0 : i32
      %swap3A_475 = arith.index_cast %swap3A_474 : i32 to index
      %swap3A_476 = arith.constant 48 : index
      %swap3A_477 = tpu.vector_load %arg12[%swap3A_475, %swap3A_476] {strides = array<i32>} : memref<1x80xi32, #tpu.memory_space<vmem>>, vector<16xi32>,
      tpu.vector_store %arg12[%swap3A_475, %swap3A_476], %shift_right_arithmetic3A_473 {strides = array<i32>} : memref<1x80xi32, #tpu.memory_space<vmem>>, vector<16xi32>,
      %and3A_478 = arith.constant 16383 : i32
      %and3A_479 = vector.broadcast %and3A_478 : i32 to vector<16xi32>
      %and3A_480 = arith.andi %get3A_470, %and3A_479 : vector<16xi32>
      %swap3A_481 = arith.constant 0 : i32
      %swap3A_482 = arith.index_cast %swap3A_481 : i32 to index
      %swap3A_483 = arith.constant 48 : index
      %swap3A_484 = tpu.vector_load %arg13[%swap3A_482, %swap3A_483] {strides = array<i32>} : memref<1x80xi32, #tpu.memory_space<vmem>>, vector<16xi32>,
      tpu.vector_store %arg13[%swap3A_482, %swap3A_483], %and3A_480 {strides = array<i32>} : memref<1x80xi32, #tpu.memory_space<vmem>>, vector<16xi32>,
      %mul3A_485 = arith.constant 80 : i32
      %mul3A_486 = arith.muli %add3A_394, %mul3A_485 : i32
      %add3A_487 = arith.constant 64 : i32
      %add3A_488 = arith.addi %mul3A_486, %add3A_487 : i32
      %get3A_489 = arith.index_cast %add3A_488 : i32 to index
      %get3A_490 = tpu.vector_load %arg6[%get3A_489] {strides = array<i32>} : memref<10000xi32, #tpu.memory_space<vmem>>, vector<16xi32>,
      %shift_right_arithmetic3A_491 = arith.constant 14 : i32
      %shift_right_arithmetic3A_492 = vector.broadcast %shift_right_arithmetic3A_491 : i32 to vector<16xi32>
      %shift_right_arithmetic3A_493 = arith.shrsi %get3A_490, %shift_right_arithmetic3A_492 : vector<16xi32>
      %swap3A_494 = arith.constant 0 : i32
      %swap3A_495 = arith.index_cast %swap3A_494 : i32 to index
      %swap3A_496 = arith.constant 64 : index
      %swap3A_497 = tpu.vector_load %arg12[%swap3A_495, %swap3A_496] {strides = array<i32>} : memref<1x80xi32, #tpu.memory_space<vmem>>, vector<16xi32>,
      tpu.vector_store %arg12[%swap3A_495, %swap3A_496], %shift_right_arithmetic3A_493 {strides = array<i32>} : memref<1x80xi32, #tpu.memory_space<vmem>>, vector<16xi32>,
      %and3A_498 = arith.constant 16383 : i32
      %and3A_499 = vector.broadcast %and3A_498 : i32 to vector<16xi32>
      %and3A_500 = arith.andi %get3A_490, %and3A_499 : vector<16xi32>
      %swap3A_501 = arith.constant 0 : i32
      %swap3A_502 = arith.index_cast %swap3A_501 : i32 to index
      %swap3A_503 = arith.constant 64 : index
      %swap3A_504 = tpu.vector_load %arg13[%swap3A_502, %swap3A_503] {strides = array<i32>} : memref<1x80xi32, #tpu.memory_space<vmem>>, vector<16xi32>,
      tpu.vector_store %arg13[%swap3A_502, %swap3A_503], %and3A_500 {strides = array<i32>} : memref<1x80xi32, #tpu.memory_space<vmem>>, vector<16xi32>,
      %dma_start3A_505 = arith.constant 0 : i32
      %dma_start3A_506 = arith.constant 0 : i32
      %dma_start3A_507 = tpu.memref_slice %arg12[%dma_start3A_505, %dma_start3A_506] : memref<1x80xi32, #tpu.memory_space<vmem>> -> memref<1x80xi32, #tpu.memory_space<vmem>>
      %dma_start3A_508 = tpu.memref_squeeze %dma_start3A_507 : memref<1x80xi32, #tpu.memory_space<vmem>> -> memref<80xi32, #tpu.memory_space<vmem>>
      %dma_start3A_509 = arith.constant 0 : i32
      %dma_start3A_510 = arith.constant 0 : i32
      %dma_start3A_511 = tpu.memref_slice %arg3[%dma_start3A_509, %dma_start3A_510] : memref<10000x128xf32, #tpu.memory_space<hbm>> -> memref<10000x128xf32, #tpu.memory_space<hbm>>
      tpu.enqueue_indirect_dma source(%dma_start3A_511 : memref<10000x128xf32, #tpu.memory_space<hbm>>) target(%arg8 : memref<80x128xf32, #tpu.memory_space<vmem>>) offsets(%dma_start3A_508 : memref<80xi32, #tpu.memory_space<vmem>>) semaphore(%arg18 : memref<!tpu.dma_semaphore, #tpu.memory_space<semaphore_mem>>)
      %mul3A_512 = arith.constant 3 : i32
      %mul3A_513 = arith.muli %mul3A_512, %scan3A_272 : i32
      %add3A_514 = arith.constant 2 : i32
      %add3A_515 = arith.addi %mul3A_513, %add3A_514 : i32
      %dma_wait3A_516 = arith.constant 0 : i32
      %dma_wait3A_517 = arith.constant 0 : i32
      %dma_wait3A_518 = tpu.memref_slice %arg10[%dma_wait3A_516, %dma_wait3A_517] : memref<1x80xi32, #tpu.memory_space<vmem>> -> memref<1x80xi32, #tpu.memory_space<vmem>>
      %dma_wait3A_519 = tpu.memref_squeeze %dma_wait3A_518 : memref<1x80xi32, #tpu.memory_space<vmem>> -> memref<80xi32, #tpu.memory_space<vmem>>
      %dma_wait3A_520 = arith.constant 0 : i32
      %dma_wait3A_521 = arith.constant 0 : i32
      %dma_wait3A_522 = tpu.memref_slice %arg3[%dma_wait3A_520, %dma_wait3A_521] : memref<10000x128xf32, #tpu.memory_space<hbm>> -> memref<10000x128xf32, #tpu.memory_space<hbm>>
      tpu.wait_indirect_dma semaphore(%arg17 : memref<!tpu.dma_semaphore, #tpu.memory_space<semaphore_mem>>) src(%dma_wait3A_522 : memref<10000x128xf32, #tpu.memory_space<hbm>>) dst(%arg7 : memref<80x128xf32, #tpu.memory_space<vmem>>)
      %dma_start3A_523 = arith.constant 0 : i32
      %dma_start3A_524 = arith.constant 0 : i32
      %dma_start3A_525 = tpu.memref_slice %arg11[%dma_start3A_523, %dma_start3A_524] : memref<1x80xi32, #tpu.memory_space<vmem>> -> memref<1x80xi32, #tpu.memory_space<vmem>>
      %dma_start3A_526 = tpu.memref_squeeze %dma_start3A_525 : memref<1x80xi32, #tpu.memory_space<vmem>> -> memref<80xi32, #tpu.memory_space<vmem>>
      %dma_start3A_527 = arith.constant 0 : i32
      %dma_start3A_528 = arith.constant 0 : i32
      %dma_start3A_529 = tpu.memref_slice %arg16[%dma_start3A_527, %dma_start3A_528] : memref<10112x128xf32, #tpu.memory_space<vmem_shared>> -> memref<10112x128xf32, #tpu.memory_space<vmem_shared>>
      tpu.enqueue_indirect_dma source(%arg7 : memref<80x128xf32, #tpu.memory_space<vmem>>) target(%dma_start3A_529 : memref<10112x128xf32, #tpu.memory_space<vmem_shared>>) offsets(%dma_start3A_526 : memref<80xi32, #tpu.memory_space<vmem>>) semaphore(%arg20 : memref<!tpu.dma_semaphore, #tpu.memory_space<semaphore_mem>>) {add = true}
      %gt3A_530 = arith.constant 0 : i32
      %gt3A_531 = arith.cmpi sgt, %scan3A_272, %gt3A_530 : i32
      %convert_element_type3A_532 = arith.extui %gt3A_531 : i1 to i32
      %cond3A_533 = arith.constant 0 : i32
      %cond3A_534 = arith.cmpi ne, %convert_element_type3A_532, %cond3A_533 : i32
      scf.if %cond3A_534 {
        %dma_wait3A_642 = arith.constant 0 : i32
        %dma_wait3A_643 = arith.constant 0 : i32
        %dma_wait3A_644 = tpu.memref_slice %arg15[%dma_wait3A_642, %dma_wait3A_643] : memref<1x80xi32, #tpu.memory_space<vmem>> -> memref<1x80xi32, #tpu.memory_space<vmem>>
        %dma_wait3A_645 = tpu.memref_squeeze %dma_wait3A_644 : memref<1x80xi32, #tpu.memory_space<vmem>> -> memref<80xi32, #tpu.memory_space<vmem>>
        %dma_wait3A_646 = arith.constant 0 : i32
        %dma_wait3A_647 = arith.constant 0 : i32
        %dma_wait3A_648 = tpu.memref_slice %arg16[%dma_wait3A_646, %dma_wait3A_647] : memref<10112x128xf32, #tpu.memory_space<vmem_shared>> -> memref<10112x128xf32, #tpu.memory_space<vmem_shared>>
        tpu.wait_indirect_dma semaphore(%arg22 : memref<!tpu.dma_semaphore, #tpu.memory_space<semaphore_mem>>) src(%arg9 : memref<80x128xf32, #tpu.memory_space<vmem>>) dst(%dma_wait3A_648 : memref<10112x128xf32, #tpu.memory_space<vmem_shared>>)
      } else {
      }
      %mul3A_535 = arith.constant 80 : i32
      %mul3A_536 = arith.muli %add3A_515, %mul3A_535 : i32
      %add3A_537 = arith.constant 0 : i32
      %add3A_538 = arith.addi %mul3A_536, %add3A_537 : i32
      %get3A_539 = arith.index_cast %add3A_538 : i32 to index
      %get3A_540 = tpu.vector_load %arg6[%get3A_539] {strides = array<i32>} : memref<10000xi32, #tpu.memory_space<vmem>>, vector<16xi32>,
      %shift_right_arithmetic3A_541 = arith.constant 14 : i32
      %shift_right_arithmetic3A_542 = vector.broadcast %shift_right_arithmetic3A_541 : i32 to vector<16xi32>
      %shift_right_arithmetic3A_543 = arith.shrsi %get3A_540, %shift_right_arithmetic3A_542 : vector<16xi32>
      %swap3A_544 = arith.constant 0 : i32
      %swap3A_545 = arith.index_cast %swap3A_544 : i32 to index
      %swap3A_546 = arith.constant 0 : index
      %swap3A_547 = tpu.vector_load %arg14[%swap3A_545, %swap3A_546] {strides = array<i32>} : memref<1x80xi32, #tpu.memory_space<vmem>>, vector<16xi32>,
      tpu.vector_store %arg14[%swap3A_545, %swap3A_546], %shift_right_arithmetic3A_543 {strides = array<i32>} : memref<1x80xi32, #tpu.memory_space<vmem>>, vector<16xi32>,
      %and3A_548 = arith.constant 16383 : i32
      %and3A_549 = vector.broadcast %and3A_548 : i32 to vector<16xi32>
      %and3A_550 = arith.andi %get3A_540, %and3A_549 : vector<16xi32>
      %swap3A_551 = arith.constant 0 : i32
      %swap3A_552 = arith.index_cast %swap3A_551 : i32 to index
      %swap3A_553 = arith.constant 0 : index
      %swap3A_554 = tpu.vector_load %arg15[%swap3A_552, %swap3A_553] {strides = array<i32>} : memref<1x80xi32, #tpu.memory_space<vmem>>, vector<16xi32>,
      tpu.vector_store %arg15[%swap3A_552, %swap3A_553], %and3A_550 {strides = array<i32>} : memref<1x80xi32, #tpu.memory_space<vmem>>, vector<16xi32>,
      %mul3A_555 = arith.constant 80 : i32
      %mul3A_556 = arith.muli %add3A_515, %mul3A_555 : i32
      %add3A_557 = arith.constant 16 : i32
      %add3A_558 = arith.addi %mul3A_556, %add3A_557 : i32
      %get3A_559 = arith.index_cast %add3A_558 : i32 to index
      %get3A_560 = tpu.vector_load %arg6[%get3A_559] {strides = array<i32>} : memref<10000xi32, #tpu.memory_space<vmem>>, vector<16xi32>,
      %shift_right_arithmetic3A_561 = arith.constant 14 : i32
      %shift_right_arithmetic3A_562 = vector.broadcast %shift_right_arithmetic3A_561 : i32 to vector<16xi32>
      %shift_right_arithmetic3A_563 = arith.shrsi %get3A_560, %shift_right_arithmetic3A_562 : vector<16xi32>
      %swap3A_564 = arith.constant 0 : i32
      %swap3A_565 = arith.index_cast %swap3A_564 : i32 to index
      %swap3A_566 = arith.constant 16 : index
      %swap3A_567 = tpu.vector_load %arg14[%swap3A_565, %swap3A_566] {strides = array<i32>} : memref<1x80xi32, #tpu.memory_space<vmem>>, vector<16xi32>,
      tpu.vector_store %arg14[%swap3A_565, %swap3A_566], %shift_right_arithmetic3A_563 {strides = array<i32>} : memref<1x80xi32, #tpu.memory_space<vmem>>, vector<16xi32>,
      %and3A_568 = arith.constant 16383 : i32
      %and3A_569 = vector.broadcast %and3A_568 : i32 to vector<16xi32>
      %and3A_570 = arith.andi %get3A_560, %and3A_569 : vector<16xi32>
      %swap3A_571 = arith.constant 0 : i32
      %swap3A_572 = arith.index_cast %swap3A_571 : i32 to index
      %swap3A_573 = arith.constant 16 : index
      %swap3A_574 = tpu.vector_load %arg15[%swap3A_572, %swap3A_573] {strides = array<i32>} : memref<1x80xi32, #tpu.memory_space<vmem>>, vector<16xi32>,
      tpu.vector_store %arg15[%swap3A_572, %swap3A_573], %and3A_570 {strides = array<i32>} : memref<1x80xi32, #tpu.memory_space<vmem>>, vector<16xi32>,
      %mul3A_575 = arith.constant 80 : i32
      %mul3A_576 = arith.muli %add3A_515, %mul3A_575 : i32
      %add3A_577 = arith.constant 32 : i32
      %add3A_578 = arith.addi %mul3A_576, %add3A_577 : i32
      %get3A_579 = arith.index_cast %add3A_578 : i32 to index
      %get3A_580 = tpu.vector_load %arg6[%get3A_579] {strides = array<i32>} : memref<10000xi32, #tpu.memory_space<vmem>>, vector<16xi32>,
      %shift_right_arithmetic3A_581 = arith.constant 14 : i32
      %shift_right_arithmetic3A_582 = vector.broadcast %shift_right_arithmetic3A_581 : i32 to vector<16xi32>
      %shift_right_arithmetic3A_583 = arith.shrsi %get3A_580, %shift_right_arithmetic3A_582 : vector<16xi32>
      %swap3A_584 = arith.constant 0 : i32
      %swap3A_585 = arith.index_cast %swap3A_584 : i32 to index
      %swap3A_586 = arith.constant 32 : index
      %swap3A_587 = tpu.vector_load %arg14[%swap3A_585, %swap3A_586] {strides = array<i32>} : memref<1x80xi32, #tpu.memory_space<vmem>>, vector<16xi32>,
      tpu.vector_store %arg14[%swap3A_585, %swap3A_586], %shift_right_arithmetic3A_583 {strides = array<i32>} : memref<1x80xi32, #tpu.memory_space<vmem>>, vector<16xi32>,
      %and3A_588 = arith.constant 16383 : i32
      %and3A_589 = vector.broadcast %and3A_588 : i32 to vector<16xi32>
      %and3A_590 = arith.andi %get3A_580, %and3A_589 : vector<16xi32>
      %swap3A_591 = arith.constant 0 : i32
      %swap3A_592 = arith.index_cast %swap3A_591 : i32 to index
      %swap3A_593 = arith.constant 32 : index
      %swap3A_594 = tpu.vector_load %arg15[%swap3A_592, %swap3A_593] {strides = array<i32>} : memref<1x80xi32, #tpu.memory_space<vmem>>, vector<16xi32>,
      tpu.vector_store %arg15[%swap3A_592, %swap3A_593], %and3A_590 {strides = array<i32>} : memref<1x80xi32, #tpu.memory_space<vmem>>, vector<16xi32>,
      %mul3A_595 = arith.constant 80 : i32
      %mul3A_596 = arith.muli %add3A_515, %mul3A_595 : i32
      %add3A_597 = arith.constant 48 : i32
      %add3A_598 = arith.addi %mul3A_596, %add3A_597 : i32
      %get3A_599 = arith.index_cast %add3A_598 : i32 to index
      %get3A_600 = tpu.vector_load %arg6[%get3A_599] {strides = array<i32>} : memref<10000xi32, #tpu.memory_space<vmem>>, vector<16xi32>,
      %shift_right_arithmetic3A_601 = arith.constant 14 : i32
      %shift_right_arithmetic3A_602 = vector.broadcast %shift_right_arithmetic3A_601 : i32 to vector<16xi32>
      %shift_right_arithmetic3A_603 = arith.shrsi %get3A_600, %shift_right_arithmetic3A_602 : vector<16xi32>
      %swap3A_604 = arith.constant 0 : i32
      %swap3A_605 = arith.index_cast %swap3A_604 : i32 to index
      %swap3A_606 = arith.constant 48 : index
      %swap3A_607 = tpu.vector_load %arg14[%swap3A_605, %swap3A_606] {strides = array<i32>} : memref<1x80xi32, #tpu.memory_space<vmem>>, vector<16xi32>,
      tpu.vector_store %arg14[%swap3A_605, %swap3A_606], %shift_right_arithmetic3A_603 {strides = array<i32>} : memref<1x80xi32, #tpu.memory_space<vmem>>, vector<16xi32>,
      %and3A_608 = arith.constant 16383 : i32
      %and3A_609 = vector.broadcast %and3A_608 : i32 to vector<16xi32>
      %and3A_610 = arith.andi %get3A_600, %and3A_609 : vector<16xi32>
      %swap3A_611 = arith.constant 0 : i32
      %swap3A_612 = arith.index_cast %swap3A_611 : i32 to index
      %swap3A_613 = arith.constant 48 : index
      %swap3A_614 = tpu.vector_load %arg15[%swap3A_612, %swap3A_613] {strides = array<i32>} : memref<1x80xi32, #tpu.memory_space<vmem>>, vector<16xi32>,
      tpu.vector_store %arg15[%swap3A_612, %swap3A_613], %and3A_610 {strides = array<i32>} : memref<1x80xi32, #tpu.memory_space<vmem>>, vector<16xi32>,
      %mul3A_615 = arith.constant 80 : i32
      %mul3A_616 = arith.muli %add3A_515, %mul3A_615 : i32
      %add3A_617 = arith.constant 64 : i32
      %add3A_618 = arith.addi %mul3A_616, %add3A_617 : i32
      %get3A_619 = arith.index_cast %add3A_618 : i32 to index
      %get3A_620 = tpu.vector_load %arg6[%get3A_619] {strides = array<i32>} : memref<10000xi32, #tpu.memory_space<vmem>>, vector<16xi32>,
      %shift_right_arithmetic3A_621 = arith.constant 14 : i32
      %shift_right_arithmetic3A_622 = vector.broadcast %shift_right_arithmetic3A_621 : i32 to vector<16xi32>
      %shift_right_arithmetic3A_623 = arith.shrsi %get3A_620, %shift_right_arithmetic3A_622 : vector<16xi32>
      %swap3A_624 = arith.constant 0 : i32
      %swap3A_625 = arith.index_cast %swap3A_624 : i32 to index
      %swap3A_626 = arith.constant 64 : index
      %swap3A_627 = tpu.vector_load %arg14[%swap3A_625, %swap3A_626] {strides = array<i32>} : memref<1x80xi32, #tpu.memory_space<vmem>>, vector<16xi32>,
      tpu.vector_store %arg14[%swap3A_625, %swap3A_626], %shift_right_arithmetic3A_623 {strides = array<i32>} : memref<1x80xi32, #tpu.memory_space<vmem>>, vector<16xi32>,
      %and3A_628 = arith.constant 16383 : i32
      %and3A_629 = vector.broadcast %and3A_628 : i32 to vector<16xi32>
      %and3A_630 = arith.andi %get3A_620, %and3A_629 : vector<16xi32>
      %swap3A_631 = arith.constant 0 : i32
      %swap3A_632 = arith.index_cast %swap3A_631 : i32 to index
      %swap3A_633 = arith.constant 64 : index
      %swap3A_634 = tpu.vector_load %arg15[%swap3A_632, %swap3A_633] {strides = array<i32>} : memref<1x80xi32, #tpu.memory_space<vmem>>, vector<16xi32>,
      tpu.vector_store %arg15[%swap3A_632, %swap3A_633], %and3A_630 {strides = array<i32>} : memref<1x80xi32, #tpu.memory_space<vmem>>, vector<16xi32>,
      %dma_start3A_635 = arith.constant 0 : i32
      %dma_start3A_636 = arith.constant 0 : i32
      %dma_start3A_637 = tpu.memref_slice %arg14[%dma_start3A_635, %dma_start3A_636] : memref<1x80xi32, #tpu.memory_space<vmem>> -> memref<1x80xi32, #tpu.memory_space<vmem>>
      %dma_start3A_638 = tpu.memref_squeeze %dma_start3A_637 : memref<1x80xi32, #tpu.memory_space<vmem>> -> memref<80xi32, #tpu.memory_space<vmem>>
      %dma_start3A_639 = arith.constant 0 : i32
      %dma_start3A_640 = arith.constant 0 : i32
      %dma_start3A_641 = tpu.memref_slice %arg3[%dma_start3A_639, %dma_start3A_640] : memref<10000x128xf32, #tpu.memory_space<hbm>> -> memref<10000x128xf32, #tpu.memory_space<hbm>>
      tpu.enqueue_indirect_dma source(%dma_start3A_641 : memref<10000x128xf32, #tpu.memory_space<hbm>>) target(%arg9 : memref<80x128xf32, #tpu.memory_space<vmem>>) offsets(%dma_start3A_638 : memref<80xi32, #tpu.memory_space<vmem>>) semaphore(%arg19 : memref<!tpu.dma_semaphore, #tpu.memory_space<semaphore_mem>>)
    }
    %scan3A_7 = arith.constant 41 : i32
    %dma_wait3A = arith.constant 0 : i32
    %dma_wait3A_8 = arith.constant 0 : i32
    %dma_wait3A_9 = tpu.memref_slice %arg12[%dma_wait3A, %dma_wait3A_8] : memref<1x80xi32, #tpu.memory_space<vmem>> -> memref<1x80xi32, #tpu.memory_space<vmem>>
    %dma_wait3A_10 = tpu.memref_squeeze %dma_wait3A_9 : memref<1x80xi32, #tpu.memory_space<vmem>> -> memref<80xi32, #tpu.memory_space<vmem>>
    %dma_wait3A_11 = arith.constant 0 : i32
    %dma_wait3A_12 = arith.constant 0 : i32
    %dma_wait3A_13 = tpu.memref_slice %arg3[%dma_wait3A_11, %dma_wait3A_12] : memref<10000x128xf32, #tpu.memory_space<hbm>> -> memref<10000x128xf32, #tpu.memory_space<hbm>>
    tpu.wait_indirect_dma semaphore(%arg18 : memref<!tpu.dma_semaphore, #tpu.memory_space<semaphore_mem>>) src(%dma_wait3A_13 : memref<10000x128xf32, #tpu.memory_space<hbm>>) dst(%arg8 : memref<80x128xf32, #tpu.memory_space<vmem>>)
    %dma_start3A = arith.constant 0 : i32
    %dma_start3A_14 = arith.constant 0 : i32
    %dma_start3A_15 = tpu.memref_slice %arg13[%dma_start3A, %dma_start3A_14] : memref<1x80xi32, #tpu.memory_space<vmem>> -> memref<1x80xi32, #tpu.memory_space<vmem>>
    %dma_start3A_16 = tpu.memref_squeeze %dma_start3A_15 : memref<1x80xi32, #tpu.memory_space<vmem>> -> memref<80xi32, #tpu.memory_space<vmem>>
    %dma_start3A_17 = arith.constant 0 : i32
    %dma_start3A_18 = arith.constant 0 : i32
    %dma_start3A_19 = tpu.memref_slice %arg16[%dma_start3A_17, %dma_start3A_18] : memref<10112x128xf32, #tpu.memory_space<vmem_shared>> -> memref<10112x128xf32, #tpu.memory_space<vmem_shared>>
    tpu.enqueue_indirect_dma source(%arg8 : memref<80x128xf32, #tpu.memory_space<vmem>>) target(%dma_start3A_19 : memref<10112x128xf32, #tpu.memory_space<vmem_shared>>) offsets(%dma_start3A_16 : memref<80xi32, #tpu.memory_space<vmem>>) semaphore(%arg21 : memref<!tpu.dma_semaphore, #tpu.memory_space<semaphore_mem>>) {add = true}
    %dma_wait3A_20 = arith.constant 0 : i32
    %dma_wait3A_21 = arith.constant 0 : i32
    %dma_wait3A_22 = tpu.memref_slice %arg11[%dma_wait3A_20, %dma_wait3A_21] : memref<1x80xi32, #tpu.memory_space<vmem>> -> memref<1x80xi32, #tpu.memory_space<vmem>>
    %dma_wait3A_23 = tpu.memref_squeeze %dma_wait3A_22 : memref<1x80xi32, #tpu.memory_space<vmem>> -> memref<80xi32, #tpu.memory_space<vmem>>
    %dma_wait3A_24 = arith.constant 0 : i32
    %dma_wait3A_25 = arith.constant 0 : i32
    %dma_wait3A_26 = tpu.memref_slice %arg16[%dma_wait3A_24, %dma_wait3A_25] : memref<10112x128xf32, #tpu.memory_space<vmem_shared>> -> memref<10112x128xf32, #tpu.memory_space<vmem_shared>>
    tpu.wait_indirect_dma semaphore(%arg20 : memref<!tpu.dma_semaphore, #tpu.memory_space<semaphore_mem>>) src(%arg7 : memref<80x128xf32, #tpu.memory_space<vmem>>) dst(%dma_wait3A_26 : memref<10112x128xf32, #tpu.memory_space<vmem_shared>>)
    %get3A = arith.constant 9840 : index
    %get3A_27 = tpu.vector_load %arg6[%get3A] {strides = array<i32>} : memref<10000xi32, #tpu.memory_space<vmem>>, vector<16xi32>,
    %shift_right_arithmetic3A = arith.constant 14 : i32
    %shift_right_arithmetic3A_28 = vector.broadcast %shift_right_arithmetic3A : i32 to vector<16xi32>
    %shift_right_arithmetic3A_29 = arith.shrsi %get3A_27, %shift_right_arithmetic3A_28 : vector<16xi32>
    %swap3A = arith.constant 0 : i32
    %swap3A_30 = arith.index_cast %swap3A : i32 to index
    %swap3A_31 = arith.constant 0 : index
    %swap3A_32 = tpu.vector_load %arg10[%swap3A_30, %swap3A_31] {strides = array<i32>} : memref<1x80xi32, #tpu.memory_space<vmem>>, vector<16xi32>,
    tpu.vector_store %arg10[%swap3A_30, %swap3A_31], %shift_right_arithmetic3A_29 {strides = array<i32>} : memref<1x80xi32, #tpu.memory_space<vmem>>, vector<16xi32>,
    %and3A = arith.constant 16383 : i32
    %and3A_33 = vector.broadcast %and3A : i32 to vector<16xi32>
    %and3A_34 = arith.andi %get3A_27, %and3A_33 : vector<16xi32>
    %swap3A_35 = arith.constant 0 : i32
    %swap3A_36 = arith.index_cast %swap3A_35 : i32 to index
    %swap3A_37 = arith.constant 0 : index
    %swap3A_38 = tpu.vector_load %arg11[%swap3A_36, %swap3A_37] {strides = array<i32>} : memref<1x80xi32, #tpu.memory_space<vmem>>, vector<16xi32>,
    tpu.vector_store %arg11[%swap3A_36, %swap3A_37], %and3A_34 {strides = array<i32>} : memref<1x80xi32, #tpu.memory_space<vmem>>, vector<16xi32>,
    %get3A_39 = arith.constant 9856 : index
    %get3A_40 = tpu.vector_load %arg6[%get3A_39] {strides = array<i32>} : memref<10000xi32, #tpu.memory_space<vmem>>, vector<16xi32>,
    %shift_right_arithmetic3A_41 = arith.constant 14 : i32
    %shift_right_arithmetic3A_42 = vector.broadcast %shift_right_arithmetic3A_41 : i32 to vector<16xi32>
    %shift_right_arithmetic3A_43 = arith.shrsi %get3A_40, %shift_right_arithmetic3A_42 : vector<16xi32>
    %swap3A_44 = arith.constant 0 : i32
    %swap3A_45 = arith.index_cast %swap3A_44 : i32 to index
    %swap3A_46 = arith.constant 16 : index
    %swap3A_47 = tpu.vector_load %arg10[%swap3A_45, %swap3A_46] {strides = array<i32>} : memref<1x80xi32, #tpu.memory_space<vmem>>, vector<16xi32>,
    tpu.vector_store %arg10[%swap3A_45, %swap3A_46], %shift_right_arithmetic3A_43 {strides = array<i32>} : memref<1x80xi32, #tpu.memory_space<vmem>>, vector<16xi32>,
    %and3A_48 = arith.constant 16383 : i32
    %and3A_49 = vector.broadcast %and3A_48 : i32 to vector<16xi32>
    %and3A_50 = arith.andi %get3A_40, %and3A_49 : vector<16xi32>
    %swap3A_51 = arith.constant 0 : i32
    %swap3A_52 = arith.index_cast %swap3A_51 : i32 to index
    %swap3A_53 = arith.constant 16 : index
    %swap3A_54 = tpu.vector_load %arg11[%swap3A_52, %swap3A_53] {strides = array<i32>} : memref<1x80xi32, #tpu.memory_space<vmem>>, vector<16xi32>,
    tpu.vector_store %arg11[%swap3A_52, %swap3A_53], %and3A_50 {strides = array<i32>} : memref<1x80xi32, #tpu.memory_space<vmem>>, vector<16xi32>,
    %get3A_55 = arith.constant 9872 : index
    %get3A_56 = tpu.vector_load %arg6[%get3A_55] {strides = array<i32>} : memref<10000xi32, #tpu.memory_space<vmem>>, vector<16xi32>,
    %shift_right_arithmetic3A_57 = arith.constant 14 : i32
    %shift_right_arithmetic3A_58 = vector.broadcast %shift_right_arithmetic3A_57 : i32 to vector<16xi32>
    %shift_right_arithmetic3A_59 = arith.shrsi %get3A_56, %shift_right_arithmetic3A_58 : vector<16xi32>
    %swap3A_60 = arith.constant 0 : i32
    %swap3A_61 = arith.index_cast %swap3A_60 : i32 to index
    %swap3A_62 = arith.constant 32 : index
    %swap3A_63 = tpu.vector_load %arg10[%swap3A_61, %swap3A_62] {strides = array<i32>} : memref<1x80xi32, #tpu.memory_space<vmem>>, vector<16xi32>,
    tpu.vector_store %arg10[%swap3A_61, %swap3A_62], %shift_right_arithmetic3A_59 {strides = array<i32>} : memref<1x80xi32, #tpu.memory_space<vmem>>, vector<16xi32>,
    %and3A_64 = arith.constant 16383 : i32
    %and3A_65 = vector.broadcast %and3A_64 : i32 to vector<16xi32>
    %and3A_66 = arith.andi %get3A_56, %and3A_65 : vector<16xi32>
    %swap3A_67 = arith.constant 0 : i32
    %swap3A_68 = arith.index_cast %swap3A_67 : i32 to index
    %swap3A_69 = arith.constant 32 : index
    %swap3A_70 = tpu.vector_load %arg11[%swap3A_68, %swap3A_69] {strides = array<i32>} : memref<1x80xi32, #tpu.memory_space<vmem>>, vector<16xi32>,
    tpu.vector_store %arg11[%swap3A_68, %swap3A_69], %and3A_66 {strides = array<i32>} : memref<1x80xi32, #tpu.memory_space<vmem>>, vector<16xi32>,
    %get3A_71 = arith.constant 9888 : index
    %get3A_72 = tpu.vector_load %arg6[%get3A_71] {strides = array<i32>} : memref<10000xi32, #tpu.memory_space<vmem>>, vector<16xi32>,
    %shift_right_arithmetic3A_73 = arith.constant 14 : i32
    %shift_right_arithmetic3A_74 = vector.broadcast %shift_right_arithmetic3A_73 : i32 to vector<16xi32>
    %shift_right_arithmetic3A_75 = arith.shrsi %get3A_72, %shift_right_arithmetic3A_74 : vector<16xi32>
    %swap3A_76 = arith.constant 0 : i32
    %swap3A_77 = arith.index_cast %swap3A_76 : i32 to index
    %swap3A_78 = arith.constant 48 : index
    %swap3A_79 = tpu.vector_load %arg10[%swap3A_77, %swap3A_78] {strides = array<i32>} : memref<1x80xi32, #tpu.memory_space<vmem>>, vector<16xi32>,
    tpu.vector_store %arg10[%swap3A_77, %swap3A_78], %shift_right_arithmetic3A_75 {strides = array<i32>} : memref<1x80xi32, #tpu.memory_space<vmem>>, vector<16xi32>,
    %and3A_80 = arith.constant 16383 : i32
    %and3A_81 = vector.broadcast %and3A_80 : i32 to vector<16xi32>
    %and3A_82 = arith.andi %get3A_72, %and3A_81 : vector<16xi32>
    %swap3A_83 = arith.constant 0 : i32
    %swap3A_84 = arith.index_cast %swap3A_83 : i32 to index
    %swap3A_85 = arith.constant 48 : index
    %swap3A_86 = tpu.vector_load %arg11[%swap3A_84, %swap3A_85] {strides = array<i32>} : memref<1x80xi32, #tpu.memory_space<vmem>>, vector<16xi32>,
    tpu.vector_store %arg11[%swap3A_84, %swap3A_85], %and3A_82 {strides = array<i32>} : memref<1x80xi32, #tpu.memory_space<vmem>>, vector<16xi32>,
    %get3A_87 = arith.constant 9904 : index
    %get3A_88 = tpu.vector_load %arg6[%get3A_87] {strides = array<i32>} : memref<10000xi32, #tpu.memory_space<vmem>>, vector<16xi32>,
    %shift_right_arithmetic3A_89 = arith.constant 14 : i32
    %shift_right_arithmetic3A_90 = vector.broadcast %shift_right_arithmetic3A_89 : i32 to vector<16xi32>
    %shift_right_arithmetic3A_91 = arith.shrsi %get3A_88, %shift_right_arithmetic3A_90 : vector<16xi32>
    %swap3A_92 = arith.constant 0 : i32
    %swap3A_93 = arith.index_cast %swap3A_92 : i32 to index
    %swap3A_94 = arith.constant 64 : index
    %swap3A_95 = tpu.vector_load %arg10[%swap3A_93, %swap3A_94] {strides = array<i32>} : memref<1x80xi32, #tpu.memory_space<vmem>>, vector<16xi32>,
    tpu.vector_store %arg10[%swap3A_93, %swap3A_94], %shift_right_arithmetic3A_91 {strides = array<i32>} : memref<1x80xi32, #tpu.memory_space<vmem>>, vector<16xi32>,
    %and3A_96 = arith.constant 16383 : i32
    %and3A_97 = vector.broadcast %and3A_96 : i32 to vector<16xi32>
    %and3A_98 = arith.andi %get3A_88, %and3A_97 : vector<16xi32>
    %swap3A_99 = arith.constant 0 : i32
    %swap3A_100 = arith.index_cast %swap3A_99 : i32 to index
    %swap3A_101 = arith.constant 64 : index
    %swap3A_102 = tpu.vector_load %arg11[%swap3A_100, %swap3A_101] {strides = array<i32>} : memref<1x80xi32, #tpu.memory_space<vmem>>, vector<16xi32>,
    tpu.vector_store %arg11[%swap3A_100, %swap3A_101], %and3A_98 {strides = array<i32>} : memref<1x80xi32, #tpu.memory_space<vmem>>, vector<16xi32>,
    %dma_start3A_103 = arith.constant 0 : i32
    %dma_start3A_104 = arith.constant 0 : i32
    %dma_start3A_105 = tpu.memref_slice %arg10[%dma_start3A_103, %dma_start3A_104] : memref<1x80xi32, #tpu.memory_space<vmem>> -> memref<1x80xi32, #tpu.memory_space<vmem>>
    %dma_start3A_106 = tpu.memref_squeeze %dma_start3A_105 : memref<1x80xi32, #tpu.memory_space<vmem>> -> memref<80xi32, #tpu.memory_space<vmem>>
    %dma_start3A_107 = arith.constant 0 : i32
    %dma_start3A_108 = arith.constant 0 : i32
    %dma_start3A_109 = tpu.memref_slice %arg3[%dma_start3A_107, %dma_start3A_108] : memref<10000x128xf32, #tpu.memory_space<hbm>> -> memref<10000x128xf32, #tpu.memory_space<hbm>>
    tpu.enqueue_indirect_dma source(%dma_start3A_109 : memref<10000x128xf32, #tpu.memory_space<hbm>>) target(%arg7 : memref<80x128xf32, #tpu.memory_space<vmem>>) offsets(%dma_start3A_106 : memref<80xi32, #tpu.memory_space<vmem>>) semaphore(%arg17 : memref<!tpu.dma_semaphore, #tpu.memory_space<semaphore_mem>>)
    %dma_wait3A_110 = arith.constant 0 : i32
    %dma_wait3A_111 = arith.constant 0 : i32
    %dma_wait3A_112 = tpu.memref_slice %arg14[%dma_wait3A_110, %dma_wait3A_111] : memref<1x80xi32, #tpu.memory_space<vmem>> -> memref<1x80xi32, #tpu.memory_space<vmem>>
    %dma_wait3A_113 = tpu.memref_squeeze %dma_wait3A_112 : memref<1x80xi32, #tpu.memory_space<vmem>> -> memref<80xi32, #tpu.memory_space<vmem>>
    %dma_wait3A_114 = arith.constant 0 : i32
    %dma_wait3A_115 = arith.constant 0 : i32
    %dma_wait3A_116 = tpu.memref_slice %arg3[%dma_wait3A_114, %dma_wait3A_115] : memref<10000x128xf32, #tpu.memory_space<hbm>> -> memref<10000x128xf32, #tpu.memory_space<hbm>>
    tpu.wait_indirect_dma semaphore(%arg19 : memref<!tpu.dma_semaphore, #tpu.memory_space<semaphore_mem>>) src(%dma_wait3A_116 : memref<10000x128xf32, #tpu.memory_space<hbm>>) dst(%arg9 : memref<80x128xf32, #tpu.memory_space<vmem>>)
    %dma_start3A_117 = arith.constant 0 : i32
    %dma_start3A_118 = arith.constant 0 : i32
    %dma_start3A_119 = tpu.memref_slice %arg15[%dma_start3A_117, %dma_start3A_118] : memref<1x80xi32, #tpu.memory_space<vmem>> -> memref<1x80xi32, #tpu.memory_space<vmem>>
    %dma_start3A_120 = tpu.memref_squeeze %dma_start3A_119 : memref<1x80xi32, #tpu.memory_space<vmem>> -> memref<80xi32, #tpu.memory_space<vmem>>
    %dma_start3A_121 = arith.constant 0 : i32
    %dma_start3A_122 = arith.constant 0 : i32
    %dma_start3A_123 = tpu.memref_slice %arg16[%dma_start3A_121, %dma_start3A_122] : memref<10112x128xf32, #tpu.memory_space<vmem_shared>> -> memref<10112x128xf32, #tpu.memory_space<vmem_shared>>
    tpu.enqueue_indirect_dma source(%arg9 : memref<80x128xf32, #tpu.memory_space<vmem>>) target(%dma_start3A_123 : memref<10112x128xf32, #tpu.memory_space<vmem_shared>>) offsets(%dma_start3A_120 : memref<80xi32, #tpu.memory_space<vmem>>) semaphore(%arg22 : memref<!tpu.dma_semaphore, #tpu.memory_space<semaphore_mem>>) {add = true}
    %dma_wait3A_124 = arith.constant 0 : i32
    %dma_wait3A_125 = arith.constant 0 : i32
    %dma_wait3A_126 = tpu.memref_slice %arg13[%dma_wait3A_124, %dma_wait3A_125] : memref<1x80xi32, #tpu.memory_space<vmem>> -> memref<1x80xi32, #tpu.memory_space<vmem>>
    %dma_wait3A_127 = tpu.memref_squeeze %dma_wait3A_126 : memref<1x80xi32, #tpu.memory_space<vmem>> -> memref<80xi32, #tpu.memory_space<vmem>>
    %dma_wait3A_128 = arith.constant 0 : i32
    %dma_wait3A_129 = arith.constant 0 : i32
    %dma_wait3A_130 = tpu.memref_slice %arg16[%dma_wait3A_128, %dma_wait3A_129] : memref<10112x128xf32, #tpu.memory_space<vmem_shared>> -> memref<10112x128xf32, #tpu.memory_space<vmem_shared>>
    tpu.wait_indirect_dma semaphore(%arg21 : memref<!tpu.dma_semaphore, #tpu.memory_space<semaphore_mem>>) src(%arg8 : memref<80x128xf32, #tpu.memory_space<vmem>>) dst(%dma_wait3A_130 : memref<10112x128xf32, #tpu.memory_space<vmem_shared>>)
    %get3A_131 = arith.constant 9920 : index
    %get3A_132 = tpu.vector_load %arg6[%get3A_131] {strides = array<i32>} : memref<10000xi32, #tpu.memory_space<vmem>>, vector<16xi32>,
    %shift_right_arithmetic3A_133 = arith.constant 14 : i32
    %shift_right_arithmetic3A_134 = vector.broadcast %shift_right_arithmetic3A_133 : i32 to vector<16xi32>
    %shift_right_arithmetic3A_135 = arith.shrsi %get3A_132, %shift_right_arithmetic3A_134 : vector<16xi32>
    %swap3A_136 = arith.constant 0 : i32
    %swap3A_137 = arith.index_cast %swap3A_136 : i32 to index
    %swap3A_138 = arith.constant 0 : index
    %swap3A_139 = tpu.vector_load %arg12[%swap3A_137, %swap3A_138] {strides = array<i32>} : memref<1x80xi32, #tpu.memory_space<vmem>>, vector<16xi32>,
    tpu.vector_store %arg12[%swap3A_137, %swap3A_138], %shift_right_arithmetic3A_135 {strides = array<i32>} : memref<1x80xi32, #tpu.memory_space<vmem>>, vector<16xi32>,
    %and3A_140 = arith.constant 16383 : i32
    %and3A_141 = vector.broadcast %and3A_140 : i32 to vector<16xi32>
    %and3A_142 = arith.andi %get3A_132, %and3A_141 : vector<16xi32>
    %swap3A_143 = arith.constant 0 : i32
    %swap3A_144 = arith.index_cast %swap3A_143 : i32 to index
    %swap3A_145 = arith.constant 0 : index
    %swap3A_146 = tpu.vector_load %arg13[%swap3A_144, %swap3A_145] {strides = array<i32>} : memref<1x80xi32, #tpu.memory_space<vmem>>, vector<16xi32>,
    tpu.vector_store %arg13[%swap3A_144, %swap3A_145], %and3A_142 {strides = array<i32>} : memref<1x80xi32, #tpu.memory_space<vmem>>, vector<16xi32>,
    %get3A_147 = arith.constant 9936 : index
    %get3A_148 = tpu.vector_load %arg6[%get3A_147] {strides = array<i32>} : memref<10000xi32, #tpu.memory_space<vmem>>, vector<16xi32>,
    %shift_right_arithmetic3A_149 = arith.constant 14 : i32
    %shift_right_arithmetic3A_150 = vector.broadcast %shift_right_arithmetic3A_149 : i32 to vector<16xi32>
    %shift_right_arithmetic3A_151 = arith.shrsi %get3A_148, %shift_right_arithmetic3A_150 : vector<16xi32>
    %swap3A_152 = arith.constant 0 : i32
    %swap3A_153 = arith.index_cast %swap3A_152 : i32 to index
    %swap3A_154 = arith.constant 16 : index
    %swap3A_155 = tpu.vector_load %arg12[%swap3A_153, %swap3A_154] {strides = array<i32>} : memref<1x80xi32, #tpu.memory_space<vmem>>, vector<16xi32>,
    tpu.vector_store %arg12[%swap3A_153, %swap3A_154], %shift_right_arithmetic3A_151 {strides = array<i32>} : memref<1x80xi32, #tpu.memory_space<vmem>>, vector<16xi32>,
    %and3A_156 = arith.constant 16383 : i32
    %and3A_157 = vector.broadcast %and3A_156 : i32 to vector<16xi32>
    %and3A_158 = arith.andi %get3A_148, %and3A_157 : vector<16xi32>
    %swap3A_159 = arith.constant 0 : i32
    %swap3A_160 = arith.index_cast %swap3A_159 : i32 to index
    %swap3A_161 = arith.constant 16 : index
    %swap3A_162 = tpu.vector_load %arg13[%swap3A_160, %swap3A_161] {strides = array<i32>} : memref<1x80xi32, #tpu.memory_space<vmem>>, vector<16xi32>,
    tpu.vector_store %arg13[%swap3A_160, %swap3A_161], %and3A_158 {strides = array<i32>} : memref<1x80xi32, #tpu.memory_space<vmem>>, vector<16xi32>,
    %get3A_163 = arith.constant 9952 : index
    %get3A_164 = tpu.vector_load %arg6[%get3A_163] {strides = array<i32>} : memref<10000xi32, #tpu.memory_space<vmem>>, vector<16xi32>,
    %shift_right_arithmetic3A_165 = arith.constant 14 : i32
    %shift_right_arithmetic3A_166 = vector.broadcast %shift_right_arithmetic3A_165 : i32 to vector<16xi32>
    %shift_right_arithmetic3A_167 = arith.shrsi %get3A_164, %shift_right_arithmetic3A_166 : vector<16xi32>
    %swap3A_168 = arith.constant 0 : i32
    %swap3A_169 = arith.index_cast %swap3A_168 : i32 to index
    %swap3A_170 = arith.constant 32 : index
    %swap3A_171 = tpu.vector_load %arg12[%swap3A_169, %swap3A_170] {strides = array<i32>} : memref<1x80xi32, #tpu.memory_space<vmem>>, vector<16xi32>,
    tpu.vector_store %arg12[%swap3A_169, %swap3A_170], %shift_right_arithmetic3A_167 {strides = array<i32>} : memref<1x80xi32, #tpu.memory_space<vmem>>, vector<16xi32>,
    %and3A_172 = arith.constant 16383 : i32
    %and3A_173 = vector.broadcast %and3A_172 : i32 to vector<16xi32>
    %and3A_174 = arith.andi %get3A_164, %and3A_173 : vector<16xi32>
    %swap3A_175 = arith.constant 0 : i32
    %swap3A_176 = arith.index_cast %swap3A_175 : i32 to index
    %swap3A_177 = arith.constant 32 : index
    %swap3A_178 = tpu.vector_load %arg13[%swap3A_176, %swap3A_177] {strides = array<i32>} : memref<1x80xi32, #tpu.memory_space<vmem>>, vector<16xi32>,
    tpu.vector_store %arg13[%swap3A_176, %swap3A_177], %and3A_174 {strides = array<i32>} : memref<1x80xi32, #tpu.memory_space<vmem>>, vector<16xi32>,
    %get3A_179 = arith.constant 9968 : index
    %get3A_180 = tpu.vector_load %arg6[%get3A_179] {strides = array<i32>} : memref<10000xi32, #tpu.memory_space<vmem>>, vector<16xi32>,
    %shift_right_arithmetic3A_181 = arith.constant 14 : i32
    %shift_right_arithmetic3A_182 = vector.broadcast %shift_right_arithmetic3A_181 : i32 to vector<16xi32>
    %shift_right_arithmetic3A_183 = arith.shrsi %get3A_180, %shift_right_arithmetic3A_182 : vector<16xi32>
    %swap3A_184 = arith.constant 0 : i32
    %swap3A_185 = arith.index_cast %swap3A_184 : i32 to index
    %swap3A_186 = arith.constant 48 : index
    %swap3A_187 = tpu.vector_load %arg12[%swap3A_185, %swap3A_186] {strides = array<i32>} : memref<1x80xi32, #tpu.memory_space<vmem>>, vector<16xi32>,
    tpu.vector_store %arg12[%swap3A_185, %swap3A_186], %shift_right_arithmetic3A_183 {strides = array<i32>} : memref<1x80xi32, #tpu.memory_space<vmem>>, vector<16xi32>,
    %and3A_188 = arith.constant 16383 : i32
    %and3A_189 = vector.broadcast %and3A_188 : i32 to vector<16xi32>
    %and3A_190 = arith.andi %get3A_180, %and3A_189 : vector<16xi32>
    %swap3A_191 = arith.constant 0 : i32
    %swap3A_192 = arith.index_cast %swap3A_191 : i32 to index
    %swap3A_193 = arith.constant 48 : index
    %swap3A_194 = tpu.vector_load %arg13[%swap3A_192, %swap3A_193] {strides = array<i32>} : memref<1x80xi32, #tpu.memory_space<vmem>>, vector<16xi32>,
    tpu.vector_store %arg13[%swap3A_192, %swap3A_193], %and3A_190 {strides = array<i32>} : memref<1x80xi32, #tpu.memory_space<vmem>>, vector<16xi32>,
    %get3A_195 = arith.constant 9984 : index
    %get3A_196 = tpu.vector_load %arg6[%get3A_195] {strides = array<i32>} : memref<10000xi32, #tpu.memory_space<vmem>>, vector<16xi32>,
    %shift_right_arithmetic3A_197 = arith.constant 14 : i32
    %shift_right_arithmetic3A_198 = vector.broadcast %shift_right_arithmetic3A_197 : i32 to vector<16xi32>
    %shift_right_arithmetic3A_199 = arith.shrsi %get3A_196, %shift_right_arithmetic3A_198 : vector<16xi32>
    %swap3A_200 = arith.constant 0 : i32
    %swap3A_201 = arith.index_cast %swap3A_200 : i32 to index
    %swap3A_202 = arith.constant 64 : index
    %swap3A_203 = tpu.vector_load %arg12[%swap3A_201, %swap3A_202] {strides = array<i32>} : memref<1x80xi32, #tpu.memory_space<vmem>>, vector<16xi32>,
    tpu.vector_store %arg12[%swap3A_201, %swap3A_202], %shift_right_arithmetic3A_199 {strides = array<i32>} : memref<1x80xi32, #tpu.memory_space<vmem>>, vector<16xi32>,
    %and3A_204 = arith.constant 16383 : i32
    %and3A_205 = vector.broadcast %and3A_204 : i32 to vector<16xi32>
    %and3A_206 = arith.andi %get3A_196, %and3A_205 : vector<16xi32>
    %swap3A_207 = arith.constant 0 : i32
    %swap3A_208 = arith.index_cast %swap3A_207 : i32 to index
    %swap3A_209 = arith.constant 64 : index
    %swap3A_210 = tpu.vector_load %arg13[%swap3A_208, %swap3A_209] {strides = array<i32>} : memref<1x80xi32, #tpu.memory_space<vmem>>, vector<16xi32>,
    tpu.vector_store %arg13[%swap3A_208, %swap3A_209], %and3A_206 {strides = array<i32>} : memref<1x80xi32, #tpu.memory_space<vmem>>, vector<16xi32>,
    %dma_start3A_211 = arith.constant 0 : i32
    %dma_start3A_212 = arith.constant 0 : i32
    %dma_start3A_213 = tpu.memref_slice %arg12[%dma_start3A_211, %dma_start3A_212] : memref<1x80xi32, #tpu.memory_space<vmem>> -> memref<1x80xi32, #tpu.memory_space<vmem>>
    %dma_start3A_214 = tpu.memref_squeeze %dma_start3A_213 : memref<1x80xi32, #tpu.memory_space<vmem>> -> memref<80xi32, #tpu.memory_space<vmem>>
    %dma_start3A_215 = arith.constant 0 : i32
    %dma_start3A_216 = arith.constant 0 : i32
    %dma_start3A_217 = tpu.memref_slice %arg3[%dma_start3A_215, %dma_start3A_216] : memref<10000x128xf32, #tpu.memory_space<hbm>> -> memref<10000x128xf32, #tpu.memory_space<hbm>>
    tpu.enqueue_indirect_dma source(%dma_start3A_217 : memref<10000x128xf32, #tpu.memory_space<hbm>>) target(%arg8 : memref<80x128xf32, #tpu.memory_space<vmem>>) offsets(%dma_start3A_214 : memref<80xi32, #tpu.memory_space<vmem>>) semaphore(%arg18 : memref<!tpu.dma_semaphore, #tpu.memory_space<semaphore_mem>>)
    %dma_wait3A_218 = arith.constant 0 : i32
    %dma_wait3A_219 = arith.constant 0 : i32
    %dma_wait3A_220 = tpu.memref_slice %arg10[%dma_wait3A_218, %dma_wait3A_219] : memref<1x80xi32, #tpu.memory_space<vmem>> -> memref<1x80xi32, #tpu.memory_space<vmem>>
    %dma_wait3A_221 = tpu.memref_squeeze %dma_wait3A_220 : memref<1x80xi32, #tpu.memory_space<vmem>> -> memref<80xi32, #tpu.memory_space<vmem>>
    %dma_wait3A_222 = arith.constant 0 : i32
    %dma_wait3A_223 = arith.constant 0 : i32
    %dma_wait3A_224 = tpu.memref_slice %arg3[%dma_wait3A_222, %dma_wait3A_223] : memref<10000x128xf32, #tpu.memory_space<hbm>> -> memref<10000x128xf32, #tpu.memory_space<hbm>>
    tpu.wait_indirect_dma semaphore(%arg17 : memref<!tpu.dma_semaphore, #tpu.memory_space<semaphore_mem>>) src(%dma_wait3A_224 : memref<10000x128xf32, #tpu.memory_space<hbm>>) dst(%arg7 : memref<80x128xf32, #tpu.memory_space<vmem>>)
    %dma_start3A_225 = arith.constant 0 : i32
    %dma_start3A_226 = arith.constant 0 : i32
    %dma_start3A_227 = tpu.memref_slice %arg11[%dma_start3A_225, %dma_start3A_226] : memref<1x80xi32, #tpu.memory_space<vmem>> -> memref<1x80xi32, #tpu.memory_space<vmem>>
    %dma_start3A_228 = tpu.memref_squeeze %dma_start3A_227 : memref<1x80xi32, #tpu.memory_space<vmem>> -> memref<80xi32, #tpu.memory_space<vmem>>
    %dma_start3A_229 = arith.constant 0 : i32
    %dma_start3A_230 = arith.constant 0 : i32
    %dma_start3A_231 = tpu.memref_slice %arg16[%dma_start3A_229, %dma_start3A_230] : memref<10112x128xf32, #tpu.memory_space<vmem_shared>> -> memref<10112x128xf32, #tpu.memory_space<vmem_shared>>
    tpu.enqueue_indirect_dma source(%arg7 : memref<80x128xf32, #tpu.memory_space<vmem>>) target(%dma_start3A_231 : memref<10112x128xf32, #tpu.memory_space<vmem_shared>>) offsets(%dma_start3A_228 : memref<80xi32, #tpu.memory_space<vmem>>) semaphore(%arg20 : memref<!tpu.dma_semaphore, #tpu.memory_space<semaphore_mem>>) {add = true}
    %dma_wait3A_232 = arith.constant 0 : i32
    %dma_wait3A_233 = arith.constant 0 : i32
    %dma_wait3A_234 = tpu.memref_slice %arg12[%dma_wait3A_232, %dma_wait3A_233] : memref<1x80xi32, #tpu.memory_space<vmem>> -> memref<1x80xi32, #tpu.memory_space<vmem>>
    %dma_wait3A_235 = tpu.memref_squeeze %dma_wait3A_234 : memref<1x80xi32, #tpu.memory_space<vmem>> -> memref<80xi32, #tpu.memory_space<vmem>>
    %dma_wait3A_236 = arith.constant 0 : i32
    %dma_wait3A_237 = arith.constant 0 : i32
    %dma_wait3A_238 = tpu.memref_slice %arg3[%dma_wait3A_236, %dma_wait3A_237] : memref<10000x128xf32, #tpu.memory_space<hbm>> -> memref<10000x128xf32, #tpu.memory_space<hbm>>
    tpu.wait_indirect_dma semaphore(%arg18 : memref<!tpu.dma_semaphore, #tpu.memory_space<semaphore_mem>>) src(%dma_wait3A_238 : memref<10000x128xf32, #tpu.memory_space<hbm>>) dst(%arg8 : memref<80x128xf32, #tpu.memory_space<vmem>>)
    %dma_start3A_239 = arith.constant 0 : i32
    %dma_start3A_240 = arith.constant 0 : i32
    %dma_start3A_241 = tpu.memref_slice %arg13[%dma_start3A_239, %dma_start3A_240] : memref<1x80xi32, #tpu.memory_space<vmem>> -> memref<1x80xi32, #tpu.memory_space<vmem>>
    %dma_start3A_242 = tpu.memref_squeeze %dma_start3A_241 : memref<1x80xi32, #tpu.memory_space<vmem>> -> memref<80xi32, #tpu.memory_space<vmem>>
    %dma_start3A_243 = arith.constant 0 : i32
    %dma_start3A_244 = arith.constant 0 : i32
    %dma_start3A_245 = tpu.memref_slice %arg16[%dma_start3A_243, %dma_start3A_244] : memref<10112x128xf32, #tpu.memory_space<vmem_shared>> -> memref<10112x128xf32, #tpu.memory_space<vmem_shared>>
    tpu.enqueue_indirect_dma source(%arg8 : memref<80x128xf32, #tpu.memory_space<vmem>>) target(%dma_start3A_245 : memref<10112x128xf32, #tpu.memory_space<vmem_shared>>) offsets(%dma_start3A_242 : memref<80xi32, #tpu.memory_space<vmem>>) semaphore(%arg21 : memref<!tpu.dma_semaphore, #tpu.memory_space<semaphore_mem>>) {add = true}
    %dma_wait3A_246 = arith.constant 0 : i32
    %dma_wait3A_247 = arith.constant 0 : i32
    %dma_wait3A_248 = tpu.memref_slice %arg11[%dma_wait3A_246, %dma_wait3A_247] : memref<1x80xi32, #tpu.memory_space<vmem>> -> memref<1x80xi32, #tpu.memory_space<vmem>>
    %dma_wait3A_249 = tpu.memref_squeeze %dma_wait3A_248 : memref<1x80xi32, #tpu.memory_space<vmem>> -> memref<80xi32, #tpu.memory_space<vmem>>
    %dma_wait3A_250 = arith.constant 0 : i32
    %dma_wait3A_251 = arith.constant 0 : i32
    %dma_wait3A_252 = tpu.memref_slice %arg16[%dma_wait3A_250, %dma_wait3A_251] : memref<10112x128xf32, #tpu.memory_space<vmem_shared>> -> memref<10112x128xf32, #tpu.memory_space<vmem_shared>>
    tpu.wait_indirect_dma semaphore(%arg20 : memref<!tpu.dma_semaphore, #tpu.memory_space<semaphore_mem>>) src(%arg7 : memref<80x128xf32, #tpu.memory_space<vmem>>) dst(%dma_wait3A_252 : memref<10112x128xf32, #tpu.memory_space<vmem_shared>>)
    %dma_wait3A_253 = arith.constant 0 : i32
    %dma_wait3A_254 = arith.constant 0 : i32
    %dma_wait3A_255 = tpu.memref_slice %arg13[%dma_wait3A_253, %dma_wait3A_254] : memref<1x80xi32, #tpu.memory_space<vmem>> -> memref<1x80xi32, #tpu.memory_space<vmem>>
    %dma_wait3A_256 = tpu.memref_squeeze %dma_wait3A_255 : memref<1x80xi32, #tpu.memory_space<vmem>> -> memref<80xi32, #tpu.memory_space<vmem>>
    %dma_wait3A_257 = arith.constant 0 : i32
    %dma_wait3A_258 = arith.constant 0 : i32
    %dma_wait3A_259 = tpu.memref_slice %arg16[%dma_wait3A_257, %dma_wait3A_258] : memref<10112x128xf32, #tpu.memory_space<vmem_shared>> -> memref<10112x128xf32, #tpu.memory_space<vmem_shared>>
    tpu.wait_indirect_dma semaphore(%arg21 : memref<!tpu.dma_semaphore, #tpu.memory_space<semaphore_mem>>) src(%arg8 : memref<80x128xf32, #tpu.memory_space<vmem>>) dst(%dma_wait3A_259 : memref<10112x128xf32, #tpu.memory_space<vmem_shared>>)
    %dma_wait3A_260 = arith.constant 0 : i32
    %dma_wait3A_261 = arith.constant 0 : i32
    %dma_wait3A_262 = tpu.memref_slice %arg15[%dma_wait3A_260, %dma_wait3A_261] : memref<1x80xi32, #tpu.memory_space<vmem>> -> memref<1x80xi32, #tpu.memory_space<vmem>>
    %dma_wait3A_263 = tpu.memref_squeeze %dma_wait3A_262 : memref<1x80xi32, #tpu.memory_space<vmem>> -> memref<80xi32, #tpu.memory_space<vmem>>
    %dma_wait3A_264 = arith.constant 0 : i32
    %dma_wait3A_265 = arith.constant 0 : i32
    %dma_wait3A_266 = tpu.memref_slice %arg16[%dma_wait3A_264, %dma_wait3A_265] : memref<10112x128xf32, #tpu.memory_space<vmem_shared>> -> memref<10112x128xf32, #tpu.memory_space<vmem_shared>>
    tpu.wait_indirect_dma semaphore(%arg22 : memref<!tpu.dma_semaphore, #tpu.memory_space<semaphore_mem>>) src(%arg9 : memref<80x128xf32, #tpu.memory_space<vmem>>) dst(%dma_wait3A_266 : memref<10112x128xf32, #tpu.memory_space<vmem_shared>>)
    %barrier3A_267 = arith.constant 0 : index
    tpu.barrier barrier_id(%barrier3A_267)
    %mul3A_268 = arith.constant 632 : i32
    %mul3A_269 = arith.muli %arg1, %mul3A_268 : i32
    %mul3A_270 = arith.constant 632 : i32
    %mul3A_271 = arith.muli %arg1, %mul3A_270 : i32
    "tpu.region"() ({
      %run_scoped3A_272 = tpu.sem_alloc : memref<!tpu.dma_semaphore, #tpu.memory_space<semaphore_mem>>
      %dma_start3A_273 = arith.constant 0 : i32
      %dma_start3A_274 = tpu.memref_slice %arg5[%arg0, %mul3A_271, %dma_start3A_273] : memref<2x10112x128xf32, #tpu.memory_space<hbm>> -> memref<1x632x128xf32, #tpu.memory_space<hbm>>
      %dma_start3A_275 = tpu.memref_squeeze %dma_start3A_274 : memref<1x632x128xf32, #tpu.memory_space<hbm>> -> memref<632x128xf32, #tpu.memory_space<hbm>>
      %dma_start3A_276 = arith.constant 0 : i32
      %dma_start3A_277 = tpu.memref_slice %arg16[%mul3A_269, %dma_start3A_276] : memref<10112x128xf32, #tpu.memory_space<vmem_shared>> -> memref<632x128xf32, #tpu.memory_space<vmem_shared>>
      tpu.enqueue_dma source(%dma_start3A_277 : memref<632x128xf32, #tpu.memory_space<vmem_shared>>) target(%dma_start3A_275 : memref<632x128xf32, #tpu.memory_space<hbm>>) target_semaphore(%run_scoped3A_272 : memref<!tpu.dma_semaphore, #tpu.memory_space<semaphore_mem>>)
      %dma_wait3A_278 = arith.constant 0 : i32
      %dma_wait3A_279 = tpu.memref_slice %arg5[%arg0, %mul3A_271, %dma_wait3A_278] : memref<2x10112x128xf32, #tpu.memory_space<hbm>> -> memref<1x632x128xf32, #tpu.memory_space<hbm>>
      %dma_wait3A_280 = tpu.memref_squeeze %dma_wait3A_279 : memref<1x632x128xf32, #tpu.memory_space<hbm>> -> memref<632x128xf32, #tpu.memory_space<hbm>>
      %dma_wait3A_281 = arith.constant 0 : i32
      %dma_wait3A_282 = tpu.memref_slice %arg16[%mul3A_269, %dma_wait3A_281] : memref<10112x128xf32, #tpu.memory_space<vmem_shared>> -> memref<632x128xf32, #tpu.memory_space<vmem_shared>>
      tpu.wait_dma2 semaphore(%run_scoped3A_272 : memref<!tpu.dma_semaphore, #tpu.memory_space<semaphore_mem>>) src(%dma_wait3A_282 : memref<632x128xf32, #tpu.memory_space<vmem_shared>>) dst(%dma_wait3A_280 : memref<632x128xf32, #tpu.memory_space<hbm>>)
      tpu.yield
    }) : () -> ()
    return
  }
}

#map = affine_map<(d0, d1) -> (0, 0, 0)>
#map1 = affine_map<(d0, d1) -> (0, 0)>
module attributes {stable_mosaic.version = 14 : i64} {
  func.func @_sc_agg_body(%arg0: i32, %arg1: i32, %arg2: memref<32x1x10000xi32, #tpu.memory_space<hbm>>, %arg3: memref<10000x128xf32, #tpu.memory_space<hbm>>, %arg4: memref<632x128xf32, #tpu.memory_space<hbm>>, %arg5: memref<2x10112x128xf32, #tpu.memory_space<hbm>>, %arg6: memref<10000xi32, #tpu.memory_space<vmem>>, %arg7: memref<80x128xf32, #tpu.memory_space<vmem>>, %arg8: memref<80x128xf32, #tpu.memory_space<vmem>>, %arg9: memref<80x128xf32, #tpu.memory_space<vmem>>, %arg10: memref<1x80xi32, #tpu.memory_space<vmem>>, %arg11: memref<1x80xi32, #tpu.memory_space<vmem>>, %arg12: memref<1x80xi32, #tpu.memory_space<vmem>>, %arg13: memref<1x80xi32, #tpu.memory_space<vmem>>, %arg14: memref<1x80xi32, #tpu.memory_space<vmem>>, %arg15: memref<1x80xi32, #tpu.memory_space<vmem>>, %arg16: memref<10112x128xf32, #tpu.memory_space<vmem_shared>>, %arg17: memref<!tpu.dma_semaphore, #tpu.memory_space<semaphore_mem>>, %arg18: memref<!tpu.dma_semaphore, #tpu.memory_space<semaphore_mem>>, %arg19: memref<!tpu.dma_semaphore, #tpu.memory_space<semaphore_mem>>, %arg20: memref<!tpu.dma_semaphore, #tpu.memory_space<semaphore_mem>>, %arg21: memref<!tpu.dma_semaphore, #tpu.memory_space<semaphore_mem>>, %arg22: memref<!tpu.dma_semaphore, #tpu.memory_space<semaphore_mem>>) attributes {dimension_semantics = [#tpu.dimension_semantics<core_parallel>, #tpu.dimension_semantics<subcore_parallel>], iteration_bounds = array<i64: 2, 16>, scalar_prefetch = 0 : i64, scratch_operands = 17 : i64, tpu.core_type = #tpu.core_type<sc_vector_subcore>, window_params = [{transform_indices = #map}, {transform_indices = #map1}, {transform_indices = #map1}, {transform_indices = #map}]} {
    %mul3A = arith.constant 16 : i32
    %mul3A_0 = arith.muli %arg0, %mul3A : i32
    %add3A = arith.addi %mul3A_0, %arg1 : i32
    %run_scoped3A = arith.constant 0 : i32
    "tpu.region"() ({
      %run_scoped3A_272 = tpu.sem_alloc : memref<!tpu.dma_semaphore, #tpu.memory_space<semaphore_mem>>
      %dma_start3A_273 = arith.constant 0 : i32
      %dma_start3A_274 = tpu.memref_slice %arg2[%add3A, %run_scoped3A, %dma_start3A_273] : memref<32x1x10000xi32, #tpu.memory_space<hbm>> -> memref<1x1x10000xi32, #tpu.memory_space<hbm>>
      %dma_start3A_275 = tpu.memref_squeeze %dma_start3A_274 : memref<1x1x10000xi32, #tpu.memory_space<hbm>> -> memref<10000xi32, #tpu.memory_space<hbm>>
      %dma_start3A_276 = arith.constant 0 : i32
      %dma_start3A_277 = tpu.memref_slice %arg2[%add3A, %run_scoped3A, %dma_start3A_276] : memref<32x1x10000xi32, #tpu.memory_space<hbm>> -> memref<1x1x10000xi32, #tpu.memory_space<hbm>>
      %dma_start3A_278 = tpu.memref_squeeze %dma_start3A_277 : memref<1x1x10000xi32, #tpu.memory_space<hbm>> -> memref<10000xi32, #tpu.memory_space<hbm>>
      tpu.enqueue_dma source(%dma_start3A_278 : memref<10000xi32, #tpu.memory_space<hbm>>) target(%arg6 : memref<10000xi32, #tpu.memory_space<vmem>>) target_semaphore(%run_scoped3A_272 : memref<!tpu.dma_semaphore, #tpu.memory_space<semaphore_mem>>)
      %dma_wait3A_279 = arith.constant 0 : i32
      %dma_wait3A_280 = tpu.memref_slice %arg2[%add3A, %run_scoped3A, %dma_wait3A_279] : memref<32x1x10000xi32, #tpu.memory_space<hbm>> -> memref<1x1x10000xi32, #tpu.memory_space<hbm>>
      %dma_wait3A_281 = tpu.memref_squeeze %dma_wait3A_280 : memref<1x1x10000xi32, #tpu.memory_space<hbm>> -> memref<10000xi32, #tpu.memory_space<hbm>>
      %dma_wait3A_282 = arith.constant 0 : i32
      %dma_wait3A_283 = tpu.memref_slice %arg2[%add3A, %run_scoped3A, %dma_wait3A_282] : memref<32x1x10000xi32, #tpu.memory_space<hbm>> -> memref<1x1x10000xi32, #tpu.memory_space<hbm>>
      %dma_wait3A_284 = tpu.memref_squeeze %dma_wait3A_283 : memref<1x1x10000xi32, #tpu.memory_space<hbm>> -> memref<10000xi32, #tpu.memory_space<hbm>>
      tpu.wait_dma2 semaphore(%run_scoped3A_272 : memref<!tpu.dma_semaphore, #tpu.memory_space<semaphore_mem>>) src(%dma_wait3A_284 : memref<10000xi32, #tpu.memory_space<hbm>>) dst(%arg6 : memref<10000xi32, #tpu.memory_space<vmem>>)
      tpu.yield
    }) : () -> ()
    %mul3A_1 = arith.constant 632 : i32
    %mul3A_2 = arith.muli %arg1, %mul3A_1 : i32
    "tpu.region"() ({
      %run_scoped3A_272 = tpu.sem_alloc : memref<!tpu.dma_semaphore, #tpu.memory_space<semaphore_mem>>
      %dma_start3A_273 = arith.constant 0 : i32
      %dma_start3A_274 = tpu.memref_slice %arg16[%mul3A_2, %dma_start3A_273] : memref<10112x128xf32, #tpu.memory_space<vmem_shared>> -> memref<632x128xf32, #tpu.memory_space<vmem_shared>>
      tpu.enqueue_dma source(%arg4 : memref<632x128xf32, #tpu.memory_space<hbm>>) target(%dma_start3A_274 : memref<632x128xf32, #tpu.memory_space<vmem_shared>>) target_semaphore(%run_scoped3A_272 : memref<!tpu.dma_semaphore, #tpu.memory_space<semaphore_mem>>)
      %dma_wait3A_275 = arith.constant 0 : i32
      %dma_wait3A_276 = tpu.memref_slice %arg16[%mul3A_2, %dma_wait3A_275] : memref<10112x128xf32, #tpu.memory_space<vmem_shared>> -> memref<632x128xf32, #tpu.memory_space<vmem_shared>>
      tpu.wait_dma2 semaphore(%run_scoped3A_272 : memref<!tpu.dma_semaphore, #tpu.memory_space<semaphore_mem>>) src(%arg4 : memref<632x128xf32, #tpu.memory_space<hbm>>) dst(%dma_wait3A_276 : memref<632x128xf32, #tpu.memory_space<vmem_shared>>)
      tpu.yield
    }) : () -> ()
    %barrier3A = arith.constant 0 : index
    tpu.barrier barrier_id(%barrier3A)
    %scan3A = arith.constant 0 : i32
    %scan3A_3 = arith.constant 0 : i32
    %scan3A_4 = arith.constant 41 : i32
    %scan3A_5 = arith.addi %scan3A_3, %scan3A_4 : i32
    %scan3A_6 = arith.constant 1 : i32
    scf.for %scan3A_272 = %scan3A_3 to %scan3A_5 step %scan3A_6  : i32 {
      %mul3A_273 = arith.constant 3 : i32
      %mul3A_274 = arith.muli %mul3A_273, %scan3A_272 : i32
      %add3A_275 = arith.constant 0 : i32
      %add3A_276 = arith.addi %mul3A_274, %add3A_275 : i32
      %gt3A = arith.constant 0 : i32
      %gt3A_277 = arith.cmpi sgt, %scan3A_272, %gt3A : i32
      %convert_element_type3A = arith.extui %gt3A_277 : i1 to i32
      %cond3A = arith.constant 0 : i32
      %cond3A_278 = arith.cmpi ne, %convert_element_type3A, %cond3A : i32
      scf.if %cond3A_278 {
        %dma_wait3A_642 = arith.constant 0 : i32
        %dma_wait3A_643 = arith.constant 0 : i32
        %dma_wait3A_644 = tpu.memref_slice %arg12[%dma_wait3A_642, %dma_wait3A_643] : memref<1x80xi32, #tpu.memory_space<vmem>> -> memref<1x80xi32, #tpu.memory_space<vmem>>
        %dma_wait3A_645 = tpu.memref_squeeze %dma_wait3A_644 : memref<1x80xi32, #tpu.memory_space<vmem>> -> memref<80xi32, #tpu.memory_space<vmem>>
        %dma_wait3A_646 = arith.constant 0 : i32
        %dma_wait3A_647 = arith.constant 0 : i32
        %dma_wait3A_648 = tpu.memref_slice %arg3[%dma_wait3A_646, %dma_wait3A_647] : memref<10000x128xf32, #tpu.memory_space<hbm>> -> memref<10000x128xf32, #tpu.memory_space<hbm>>
        tpu.wait_indirect_dma semaphore(%arg18 : memref<!tpu.dma_semaphore, #tpu.memory_space<semaphore_mem>>) src(%dma_wait3A_648 : memref<10000x128xf32, #tpu.memory_space<hbm>>) dst(%arg8 : memref<80x128xf32, #tpu.memory_space<vmem>>)
        %dma_start3A_649 = arith.constant 0 : i32
        %dma_start3A_650 = arith.constant 0 : i32
        %dma_start3A_651 = tpu.memref_slice %arg13[%dma_start3A_649, %dma_start3A_650] : memref<1x80xi32, #tpu.memory_space<vmem>> -> memref<1x80xi32, #tpu.memory_space<vmem>>
        %dma_start3A_652 = tpu.memref_squeeze %dma_start3A_651 : memref<1x80xi32, #tpu.memory_space<vmem>> -> memref<80xi32, #tpu.memory_space<vmem>>
        %dma_start3A_653 = arith.constant 0 : i32
        %dma_start3A_654 = arith.constant 0 : i32
        %dma_start3A_655 = tpu.memref_slice %arg16[%dma_start3A_653, %dma_start3A_654] : memref<10112x128xf32, #tpu.memory_space<vmem_shared>> -> memref<10112x128xf32, #tpu.memory_space<vmem_shared>>
        tpu.enqueue_indirect_dma source(%arg8 : memref<80x128xf32, #tpu.memory_space<vmem>>) target(%dma_start3A_655 : memref<10112x128xf32, #tpu.memory_space<vmem_shared>>) offsets(%dma_start3A_652 : memref<80xi32, #tpu.memory_space<vmem>>) semaphore(%arg21 : memref<!tpu.dma_semaphore, #tpu.memory_space<semaphore_mem>>) {add = true}
      } else {
      }
      %gt3A_279 = arith.constant 0 : i32
      %gt3A_280 = arith.cmpi sgt, %scan3A_272, %gt3A_279 : i32
      %convert_element_type3A_281 = arith.extui %gt3A_280 : i1 to i32
      %cond3A_282 = arith.constant 0 : i32
      %cond3A_283 = arith.cmpi ne, %convert_element_type3A_281, %cond3A_282 : i32
      scf.if %cond3A_283 {
        %dma_wait3A_642 = arith.constant 0 : i32
        %dma_wait3A_643 = arith.constant 0 : i32
        %dma_wait3A_644 = tpu.memref_slice %arg11[%dma_wait3A_642, %dma_wait3A_643] : memref<1x80xi32, #tpu.memory_space<vmem>> -> memref<1x80xi32, #tpu.memory_space<vmem>>
        %dma_wait3A_645 = tpu.memref_squeeze %dma_wait3A_644 : memref<1x80xi32, #tpu.memory_space<vmem>> -> memref<80xi32, #tpu.memory_space<vmem>>
        %dma_wait3A_646 = arith.constant 0 : i32
        %dma_wait3A_647 = arith.constant 0 : i32
        %dma_wait3A_648 = tpu.memref_slice %arg16[%dma_wait3A_646, %dma_wait3A_647] : memref<10112x128xf32, #tpu.memory_space<vmem_shared>> -> memref<10112x128xf32, #tpu.memory_space<vmem_shared>>
        tpu.wait_indirect_dma semaphore(%arg20 : memref<!tpu.dma_semaphore, #tpu.memory_space<semaphore_mem>>) src(%arg7 : memref<80x128xf32, #tpu.memory_space<vmem>>) dst(%dma_wait3A_648 : memref<10112x128xf32, #tpu.memory_space<vmem_shared>>)
      } else {
      }
      %mul3A_284 = arith.constant 80 : i32
      %mul3A_285 = arith.muli %add3A_276, %mul3A_284 : i32
      %add3A_286 = arith.constant 0 : i32
      %add3A_287 = arith.addi %mul3A_285, %add3A_286 : i32
      %get3A_288 = arith.index_cast %add3A_287 : i32 to index
      %get3A_289 = tpu.vector_load %arg6[%get3A_288] {strides = array<i32>} : memref<10000xi32, #tpu.memory_space<vmem>>, vector<16xi32>,
      %shift_right_arithmetic3A_290 = arith.constant 14 : i32
      %shift_right_arithmetic3A_291 = vector.broadcast %shift_right_arithmetic3A_290 : i32 to vector<16xi32>
      %shift_right_arithmetic3A_292 = arith.shrsi %get3A_289, %shift_right_arithmetic3A_291 : vector<16xi32>
      %swap3A_293 = arith.constant 0 : i32
      %swap3A_294 = arith.index_cast %swap3A_293 : i32 to index
      %swap3A_295 = arith.constant 0 : index
      %swap3A_296 = tpu.vector_load %arg10[%swap3A_294, %swap3A_295] {strides = array<i32>} : memref<1x80xi32, #tpu.memory_space<vmem>>, vector<16xi32>,
      tpu.vector_store %arg10[%swap3A_294, %swap3A_295], %shift_right_arithmetic3A_292 {strides = array<i32>} : memref<1x80xi32, #tpu.memory_space<vmem>>, vector<16xi32>,
      %and3A_297 = arith.constant 16383 : i32
      %and3A_298 = vector.broadcast %and3A_297 : i32 to vector<16xi32>
      %and3A_299 = arith.andi %get3A_289, %and3A_298 : vector<16xi32>
      %swap3A_300 = arith.constant 0 : i32
      %swap3A_301 = arith.index_cast %swap3A_300 : i32 to index
      %swap3A_302 = arith.constant 0 : index
      %swap3A_303 = tpu.vector_load %arg11[%swap3A_301, %swap3A_302] {strides = array<i32>} : memref<1x80xi32, #tpu.memory_space<vmem>>, vector<16xi32>,
      tpu.vector_store %arg11[%swap3A_301, %swap3A_302], %and3A_299 {strides = array<i32>} : memref<1x80xi32, #tpu.memory_space<vmem>>, vector<16xi32>,
      %mul3A_304 = arith.constant 80 : i32
      %mul3A_305 = arith.muli %add3A_276, %mul3A_304 : i32
      %add3A_306 = arith.constant 16 : i32
      %add3A_307 = arith.addi %mul3A_305, %add3A_306 : i32
      %get3A_308 = arith.index_cast %add3A_307 : i32 to index
      %get3A_309 = tpu.vector_load %arg6[%get3A_308] {strides = array<i32>} : memref<10000xi32, #tpu.memory_space<vmem>>, vector<16xi32>,
      %shift_right_arithmetic3A_310 = arith.constant 14 : i32
      %shift_right_arithmetic3A_311 = vector.broadcast %shift_right_arithmetic3A_310 : i32 to vector<16xi32>
      %shift_right_arithmetic3A_312 = arith.shrsi %get3A_309, %shift_right_arithmetic3A_311 : vector<16xi32>
      %swap3A_313 = arith.constant 0 : i32
      %swap3A_314 = arith.index_cast %swap3A_313 : i32 to index
      %swap3A_315 = arith.constant 16 : index
      %swap3A_316 = tpu.vector_load %arg10[%swap3A_314, %swap3A_315] {strides = array<i32>} : memref<1x80xi32, #tpu.memory_space<vmem>>, vector<16xi32>,
      tpu.vector_store %arg10[%swap3A_314, %swap3A_315], %shift_right_arithmetic3A_312 {strides = array<i32>} : memref<1x80xi32, #tpu.memory_space<vmem>>, vector<16xi32>,
      %and3A_317 = arith.constant 16383 : i32
      %and3A_318 = vector.broadcast %and3A_317 : i32 to vector<16xi32>
      %and3A_319 = arith.andi %get3A_309, %and3A_318 : vector<16xi32>
      %swap3A_320 = arith.constant 0 : i32
      %swap3A_321 = arith.index_cast %swap3A_320 : i32 to index
      %swap3A_322 = arith.constant 16 : index
      %swap3A_323 = tpu.vector_load %arg11[%swap3A_321, %swap3A_322] {strides = array<i32>} : memref<1x80xi32, #tpu.memory_space<vmem>>, vector<16xi32>,
      tpu.vector_store %arg11[%swap3A_321, %swap3A_322], %and3A_319 {strides = array<i32>} : memref<1x80xi32, #tpu.memory_space<vmem>>, vector<16xi32>,
      %mul3A_324 = arith.constant 80 : i32
      %mul3A_325 = arith.muli %add3A_276, %mul3A_324 : i32
      %add3A_326 = arith.constant 32 : i32
      %add3A_327 = arith.addi %mul3A_325, %add3A_326 : i32
      %get3A_328 = arith.index_cast %add3A_327 : i32 to index
      %get3A_329 = tpu.vector_load %arg6[%get3A_328] {strides = array<i32>} : memref<10000xi32, #tpu.memory_space<vmem>>, vector<16xi32>,
      %shift_right_arithmetic3A_330 = arith.constant 14 : i32
      %shift_right_arithmetic3A_331 = vector.broadcast %shift_right_arithmetic3A_330 : i32 to vector<16xi32>
      %shift_right_arithmetic3A_332 = arith.shrsi %get3A_329, %shift_right_arithmetic3A_331 : vector<16xi32>
      %swap3A_333 = arith.constant 0 : i32
      %swap3A_334 = arith.index_cast %swap3A_333 : i32 to index
      %swap3A_335 = arith.constant 32 : index
      %swap3A_336 = tpu.vector_load %arg10[%swap3A_334, %swap3A_335] {strides = array<i32>} : memref<1x80xi32, #tpu.memory_space<vmem>>, vector<16xi32>,
      tpu.vector_store %arg10[%swap3A_334, %swap3A_335], %shift_right_arithmetic3A_332 {strides = array<i32>} : memref<1x80xi32, #tpu.memory_space<vmem>>, vector<16xi32>,
      %and3A_337 = arith.constant 16383 : i32
      %and3A_338 = vector.broadcast %and3A_337 : i32 to vector<16xi32>
      %and3A_339 = arith.andi %get3A_329, %and3A_338 : vector<16xi32>
      %swap3A_340 = arith.constant 0 : i32
      %swap3A_341 = arith.index_cast %swap3A_340 : i32 to index
      %swap3A_342 = arith.constant 32 : index
      %swap3A_343 = tpu.vector_load %arg11[%swap3A_341, %swap3A_342] {strides = array<i32>} : memref<1x80xi32, #tpu.memory_space<vmem>>, vector<16xi32>,
      tpu.vector_store %arg11[%swap3A_341, %swap3A_342], %and3A_339 {strides = array<i32>} : memref<1x80xi32, #tpu.memory_space<vmem>>, vector<16xi32>,
      %mul3A_344 = arith.constant 80 : i32
      %mul3A_345 = arith.muli %add3A_276, %mul3A_344 : i32
      %add3A_346 = arith.constant 48 : i32
      %add3A_347 = arith.addi %mul3A_345, %add3A_346 : i32
      %get3A_348 = arith.index_cast %add3A_347 : i32 to index
      %get3A_349 = tpu.vector_load %arg6[%get3A_348] {strides = array<i32>} : memref<10000xi32, #tpu.memory_space<vmem>>, vector<16xi32>,
      %shift_right_arithmetic3A_350 = arith.constant 14 : i32
      %shift_right_arithmetic3A_351 = vector.broadcast %shift_right_arithmetic3A_350 : i32 to vector<16xi32>
      %shift_right_arithmetic3A_352 = arith.shrsi %get3A_349, %shift_right_arithmetic3A_351 : vector<16xi32>
      %swap3A_353 = arith.constant 0 : i32
      %swap3A_354 = arith.index_cast %swap3A_353 : i32 to index
      %swap3A_355 = arith.constant 48 : index
      %swap3A_356 = tpu.vector_load %arg10[%swap3A_354, %swap3A_355] {strides = array<i32>} : memref<1x80xi32, #tpu.memory_space<vmem>>, vector<16xi32>,
      tpu.vector_store %arg10[%swap3A_354, %swap3A_355], %shift_right_arithmetic3A_352 {strides = array<i32>} : memref<1x80xi32, #tpu.memory_space<vmem>>, vector<16xi32>,
      %and3A_357 = arith.constant 16383 : i32
      %and3A_358 = vector.broadcast %and3A_357 : i32 to vector<16xi32>
      %and3A_359 = arith.andi %get3A_349, %and3A_358 : vector<16xi32>
      %swap3A_360 = arith.constant 0 : i32
      %swap3A_361 = arith.index_cast %swap3A_360 : i32 to index
      %swap3A_362 = arith.constant 48 : index
      %swap3A_363 = tpu.vector_load %arg11[%swap3A_361, %swap3A_362] {strides = array<i32>} : memref<1x80xi32, #tpu.memory_space<vmem>>, vector<16xi32>,
      tpu.vector_store %arg11[%swap3A_361, %swap3A_362], %and3A_359 {strides = array<i32>} : memref<1x80xi32, #tpu.memory_space<vmem>>, vector<16xi32>,
      %mul3A_364 = arith.constant 80 : i32
      %mul3A_365 = arith.muli %add3A_276, %mul3A_364 : i32
      %add3A_366 = arith.constant 64 : i32
      %add3A_367 = arith.addi %mul3A_365, %add3A_366 : i32
      %get3A_368 = arith.index_cast %add3A_367 : i32 to index
      %get3A_369 = tpu.vector_load %arg6[%get3A_368] {strides = array<i32>} : memref<10000xi32, #tpu.memory_space<vmem>>, vector<16xi32>,
      %shift_right_arithmetic3A_370 = arith.constant 14 : i32
      %shift_right_arithmetic3A_371 = vector.broadcast %shift_right_arithmetic3A_370 : i32 to vector<16xi32>
      %shift_right_arithmetic3A_372 = arith.shrsi %get3A_369, %shift_right_arithmetic3A_371 : vector<16xi32>
      %swap3A_373 = arith.constant 0 : i32
      %swap3A_374 = arith.index_cast %swap3A_373 : i32 to index
      %swap3A_375 = arith.constant 64 : index
      %swap3A_376 = tpu.vector_load %arg10[%swap3A_374, %swap3A_375] {strides = array<i32>} : memref<1x80xi32, #tpu.memory_space<vmem>>, vector<16xi32>,
      tpu.vector_store %arg10[%swap3A_374, %swap3A_375], %shift_right_arithmetic3A_372 {strides = array<i32>} : memref<1x80xi32, #tpu.memory_space<vmem>>, vector<16xi32>,
      %and3A_377 = arith.constant 16383 : i32
      %and3A_378 = vector.broadcast %and3A_377 : i32 to vector<16xi32>
      %and3A_379 = arith.andi %get3A_369, %and3A_378 : vector<16xi32>
      %swap3A_380 = arith.constant 0 : i32
      %swap3A_381 = arith.index_cast %swap3A_380 : i32 to index
      %swap3A_382 = arith.constant 64 : index
      %swap3A_383 = tpu.vector_load %arg11[%swap3A_381, %swap3A_382] {strides = array<i32>} : memref<1x80xi32, #tpu.memory_space<vmem>>, vector<16xi32>,
      tpu.vector_store %arg11[%swap3A_381, %swap3A_382], %and3A_379 {strides = array<i32>} : memref<1x80xi32, #tpu.memory_space<vmem>>, vector<16xi32>,
      %dma_start3A_384 = arith.constant 0 : i32
      %dma_start3A_385 = arith.constant 0 : i32
      %dma_start3A_386 = tpu.memref_slice %arg10[%dma_start3A_384, %dma_start3A_385] : memref<1x80xi32, #tpu.memory_space<vmem>> -> memref<1x80xi32, #tpu.memory_space<vmem>>
      %dma_start3A_387 = tpu.memref_squeeze %dma_start3A_386 : memref<1x80xi32, #tpu.memory_space<vmem>> -> memref<80xi32, #tpu.memory_space<vmem>>
      %dma_start3A_388 = arith.constant 0 : i32
      %dma_start3A_389 = arith.constant 0 : i32
      %dma_start3A_390 = tpu.memref_slice %arg3[%dma_start3A_388, %dma_start3A_389] : memref<10000x128xf32, #tpu.memory_space<hbm>> -> memref<10000x128xf32, #tpu.memory_space<hbm>>
      tpu.enqueue_indirect_dma source(%dma_start3A_390 : memref<10000x128xf32, #tpu.memory_space<hbm>>) target(%arg7 : memref<80x128xf32, #tpu.memory_space<vmem>>) offsets(%dma_start3A_387 : memref<80xi32, #tpu.memory_space<vmem>>) semaphore(%arg17 : memref<!tpu.dma_semaphore, #tpu.memory_space<semaphore_mem>>)
      %mul3A_391 = arith.constant 3 : i32
      %mul3A_392 = arith.muli %mul3A_391, %scan3A_272 : i32
      %add3A_393 = arith.constant 1 : i32
      %add3A_394 = arith.addi %mul3A_392, %add3A_393 : i32
      %gt3A_395 = arith.constant 0 : i32
      %gt3A_396 = arith.cmpi sgt, %scan3A_272, %gt3A_395 : i32
      %convert_element_type3A_397 = arith.extui %gt3A_396 : i1 to i32
      %cond3A_398 = arith.constant 0 : i32
      %cond3A_399 = arith.cmpi ne, %convert_element_type3A_397, %cond3A_398 : i32
      scf.if %cond3A_399 {
        %dma_wait3A_642 = arith.constant 0 : i32
        %dma_wait3A_643 = arith.constant 0 : i32
        %dma_wait3A_644 = tpu.memref_slice %arg14[%dma_wait3A_642, %dma_wait3A_643] : memref<1x80xi32, #tpu.memory_space<vmem>> -> memref<1x80xi32, #tpu.memory_space<vmem>>
        %dma_wait3A_645 = tpu.memref_squeeze %dma_wait3A_644 : memref<1x80xi32, #tpu.memory_space<vmem>> -> memref<80xi32, #tpu.memory_space<vmem>>
        %dma_wait3A_646 = arith.constant 0 : i32
        %dma_wait3A_647 = arith.constant 0 : i32
        %dma_wait3A_648 = tpu.memref_slice %arg3[%dma_wait3A_646, %dma_wait3A_647] : memref<10000x128xf32, #tpu.memory_space<hbm>> -> memref<10000x128xf32, #tpu.memory_space<hbm>>
        tpu.wait_indirect_dma semaphore(%arg19 : memref<!tpu.dma_semaphore, #tpu.memory_space<semaphore_mem>>) src(%dma_wait3A_648 : memref<10000x128xf32, #tpu.memory_space<hbm>>) dst(%arg9 : memref<80x128xf32, #tpu.memory_space<vmem>>)
        %dma_start3A_649 = arith.constant 0 : i32
        %dma_start3A_650 = arith.constant 0 : i32
        %dma_start3A_651 = tpu.memref_slice %arg15[%dma_start3A_649, %dma_start3A_650] : memref<1x80xi32, #tpu.memory_space<vmem>> -> memref<1x80xi32, #tpu.memory_space<vmem>>
        %dma_start3A_652 = tpu.memref_squeeze %dma_start3A_651 : memref<1x80xi32, #tpu.memory_space<vmem>> -> memref<80xi32, #tpu.memory_space<vmem>>
        %dma_start3A_653 = arith.constant 0 : i32
        %dma_start3A_654 = arith.constant 0 : i32
        %dma_start3A_655 = tpu.memref_slice %arg16[%dma_start3A_653, %dma_start3A_654] : memref<10112x128xf32, #tpu.memory_space<vmem_shared>> -> memref<10112x128xf32, #tpu.memory_space<vmem_shared>>
        tpu.enqueue_indirect_dma source(%arg9 : memref<80x128xf32, #tpu.memory_space<vmem>>) target(%dma_start3A_655 : memref<10112x128xf32, #tpu.memory_space<vmem_shared>>) offsets(%dma_start3A_652 : memref<80xi32, #tpu.memory_space<vmem>>) semaphore(%arg22 : memref<!tpu.dma_semaphore, #tpu.memory_space<semaphore_mem>>) {add = true}
      } else {
      }
      %gt3A_400 = arith.constant 0 : i32
      %gt3A_401 = arith.cmpi sgt, %scan3A_272, %gt3A_400 : i32
      %convert_element_type3A_402 = arith.extui %gt3A_401 : i1 to i32
      %cond3A_403 = arith.constant 0 : i32
      %cond3A_404 = arith.cmpi ne, %convert_element_type3A_402, %cond3A_403 : i32
      scf.if %cond3A_404 {
        %dma_wait3A_642 = arith.constant 0 : i32
        %dma_wait3A_643 = arith.constant 0 : i32
        %dma_wait3A_644 = tpu.memref_slice %arg13[%dma_wait3A_642, %dma_wait3A_643] : memref<1x80xi32, #tpu.memory_space<vmem>> -> memref<1x80xi32, #tpu.memory_space<vmem>>
        %dma_wait3A_645 = tpu.memref_squeeze %dma_wait3A_644 : memref<1x80xi32, #tpu.memory_space<vmem>> -> memref<80xi32, #tpu.memory_space<vmem>>
        %dma_wait3A_646 = arith.constant 0 : i32
        %dma_wait3A_647 = arith.constant 0 : i32
        %dma_wait3A_648 = tpu.memref_slice %arg16[%dma_wait3A_646, %dma_wait3A_647] : memref<10112x128xf32, #tpu.memory_space<vmem_shared>> -> memref<10112x128xf32, #tpu.memory_space<vmem_shared>>
        tpu.wait_indirect_dma semaphore(%arg21 : memref<!tpu.dma_semaphore, #tpu.memory_space<semaphore_mem>>) src(%arg8 : memref<80x128xf32, #tpu.memory_space<vmem>>) dst(%dma_wait3A_648 : memref<10112x128xf32, #tpu.memory_space<vmem_shared>>)
      } else {
      }
      %mul3A_405 = arith.constant 80 : i32
      %mul3A_406 = arith.muli %add3A_394, %mul3A_405 : i32
      %add3A_407 = arith.constant 0 : i32
      %add3A_408 = arith.addi %mul3A_406, %add3A_407 : i32
      %get3A_409 = arith.index_cast %add3A_408 : i32 to index
      %get3A_410 = tpu.vector_load %arg6[%get3A_409] {strides = array<i32>} : memref<10000xi32, #tpu.memory_space<vmem>>, vector<16xi32>,
      %shift_right_arithmetic3A_411 = arith.constant 14 : i32
      %shift_right_arithmetic3A_412 = vector.broadcast %shift_right_arithmetic3A_411 : i32 to vector<16xi32>
      %shift_right_arithmetic3A_413 = arith.shrsi %get3A_410, %shift_right_arithmetic3A_412 : vector<16xi32>
      %swap3A_414 = arith.constant 0 : i32
      %swap3A_415 = arith.index_cast %swap3A_414 : i32 to index
      %swap3A_416 = arith.constant 0 : index
      %swap3A_417 = tpu.vector_load %arg12[%swap3A_415, %swap3A_416] {strides = array<i32>} : memref<1x80xi32, #tpu.memory_space<vmem>>, vector<16xi32>,
      tpu.vector_store %arg12[%swap3A_415, %swap3A_416], %shift_right_arithmetic3A_413 {strides = array<i32>} : memref<1x80xi32, #tpu.memory_space<vmem>>, vector<16xi32>,
      %and3A_418 = arith.constant 16383 : i32
      %and3A_419 = vector.broadcast %and3A_418 : i32 to vector<16xi32>
      %and3A_420 = arith.andi %get3A_410, %and3A_419 : vector<16xi32>
      %swap3A_421 = arith.constant 0 : i32
      %swap3A_422 = arith.index_cast %swap3A_421 : i32 to index
      %swap3A_423 = arith.constant 0 : index
      %swap3A_424 = tpu.vector_load %arg13[%swap3A_422, %swap3A_423] {strides = array<i32>} : memref<1x80xi32, #tpu.memory_space<vmem>>, vector<16xi32>,
      tpu.vector_store %arg13[%swap3A_422, %swap3A_423], %and3A_420 {strides = array<i32>} : memref<1x80xi32, #tpu.memory_space<vmem>>, vector<16xi32>,
      %mul3A_425 = arith.constant 80 : i32
      %mul3A_426 = arith.muli %add3A_394, %mul3A_425 : i32
      %add3A_427 = arith.constant 16 : i32
      %add3A_428 = arith.addi %mul3A_426, %add3A_427 : i32
      %get3A_429 = arith.index_cast %add3A_428 : i32 to index
      %get3A_430 = tpu.vector_load %arg6[%get3A_429] {strides = array<i32>} : memref<10000xi32, #tpu.memory_space<vmem>>, vector<16xi32>,
      %shift_right_arithmetic3A_431 = arith.constant 14 : i32
      %shift_right_arithmetic3A_432 = vector.broadcast %shift_right_arithmetic3A_431 : i32 to vector<16xi32>
      %shift_right_arithmetic3A_433 = arith.shrsi %get3A_430, %shift_right_arithmetic3A_432 : vector<16xi32>
      %swap3A_434 = arith.constant 0 : i32
      %swap3A_435 = arith.index_cast %swap3A_434 : i32 to index
      %swap3A_436 = arith.constant 16 : index
      %swap3A_437 = tpu.vector_load %arg12[%swap3A_435, %swap3A_436] {strides = array<i32>} : memref<1x80xi32, #tpu.memory_space<vmem>>, vector<16xi32>,
      tpu.vector_store %arg12[%swap3A_435, %swap3A_436], %shift_right_arithmetic3A_433 {strides = array<i32>} : memref<1x80xi32, #tpu.memory_space<vmem>>, vector<16xi32>,
      %and3A_438 = arith.constant 16383 : i32
      %and3A_439 = vector.broadcast %and3A_438 : i32 to vector<16xi32>
      %and3A_440 = arith.andi %get3A_430, %and3A_439 : vector<16xi32>
      %swap3A_441 = arith.constant 0 : i32
      %swap3A_442 = arith.index_cast %swap3A_441 : i32 to index
      %swap3A_443 = arith.constant 16 : index
      %swap3A_444 = tpu.vector_load %arg13[%swap3A_442, %swap3A_443] {strides = array<i32>} : memref<1x80xi32, #tpu.memory_space<vmem>>, vector<16xi32>,
      tpu.vector_store %arg13[%swap3A_442, %swap3A_443], %and3A_440 {strides = array<i32>} : memref<1x80xi32, #tpu.memory_space<vmem>>, vector<16xi32>,
      %mul3A_445 = arith.constant 80 : i32
      %mul3A_446 = arith.muli %add3A_394, %mul3A_445 : i32
      %add3A_447 = arith.constant 32 : i32
      %add3A_448 = arith.addi %mul3A_446, %add3A_447 : i32
      %get3A_449 = arith.index_cast %add3A_448 : i32 to index
      %get3A_450 = tpu.vector_load %arg6[%get3A_449] {strides = array<i32>} : memref<10000xi32, #tpu.memory_space<vmem>>, vector<16xi32>,
      %shift_right_arithmetic3A_451 = arith.constant 14 : i32
      %shift_right_arithmetic3A_452 = vector.broadcast %shift_right_arithmetic3A_451 : i32 to vector<16xi32>
      %shift_right_arithmetic3A_453 = arith.shrsi %get3A_450, %shift_right_arithmetic3A_452 : vector<16xi32>
      %swap3A_454 = arith.constant 0 : i32
      %swap3A_455 = arith.index_cast %swap3A_454 : i32 to index
      %swap3A_456 = arith.constant 32 : index
      %swap3A_457 = tpu.vector_load %arg12[%swap3A_455, %swap3A_456] {strides = array<i32>} : memref<1x80xi32, #tpu.memory_space<vmem>>, vector<16xi32>,
      tpu.vector_store %arg12[%swap3A_455, %swap3A_456], %shift_right_arithmetic3A_453 {strides = array<i32>} : memref<1x80xi32, #tpu.memory_space<vmem>>, vector<16xi32>,
      %and3A_458 = arith.constant 16383 : i32
      %and3A_459 = vector.broadcast %and3A_458 : i32 to vector<16xi32>
      %and3A_460 = arith.andi %get3A_450, %and3A_459 : vector<16xi32>
      %swap3A_461 = arith.constant 0 : i32
      %swap3A_462 = arith.index_cast %swap3A_461 : i32 to index
      %swap3A_463 = arith.constant 32 : index
      %swap3A_464 = tpu.vector_load %arg13[%swap3A_462, %swap3A_463] {strides = array<i32>} : memref<1x80xi32, #tpu.memory_space<vmem>>, vector<16xi32>,
      tpu.vector_store %arg13[%swap3A_462, %swap3A_463], %and3A_460 {strides = array<i32>} : memref<1x80xi32, #tpu.memory_space<vmem>>, vector<16xi32>,
      %mul3A_465 = arith.constant 80 : i32
      %mul3A_466 = arith.muli %add3A_394, %mul3A_465 : i32
      %add3A_467 = arith.constant 48 : i32
      %add3A_468 = arith.addi %mul3A_466, %add3A_467 : i32
      %get3A_469 = arith.index_cast %add3A_468 : i32 to index
      %get3A_470 = tpu.vector_load %arg6[%get3A_469] {strides = array<i32>} : memref<10000xi32, #tpu.memory_space<vmem>>, vector<16xi32>,
      %shift_right_arithmetic3A_471 = arith.constant 14 : i32
      %shift_right_arithmetic3A_472 = vector.broadcast %shift_right_arithmetic3A_471 : i32 to vector<16xi32>
      %shift_right_arithmetic3A_473 = arith.shrsi %get3A_470, %shift_right_arithmetic3A_472 : vector<16xi32>
      %swap3A_474 = arith.constant 0 : i32
      %swap3A_475 = arith.index_cast %swap3A_474 : i32 to index
      %swap3A_476 = arith.constant 48 : index
      %swap3A_477 = tpu.vector_load %arg12[%swap3A_475, %swap3A_476] {strides = array<i32>} : memref<1x80xi32, #tpu.memory_space<vmem>>, vector<16xi32>,
      tpu.vector_store %arg12[%swap3A_475, %swap3A_476], %shift_right_arithmetic3A_473 {strides = array<i32>} : memref<1x80xi32, #tpu.memory_space<vmem>>, vector<16xi32>,
      %and3A_478 = arith.constant 16383 : i32
      %and3A_479 = vector.broadcast %and3A_478 : i32 to vector<16xi32>
      %and3A_480 = arith.andi %get3A_470, %and3A_479 : vector<16xi32>
      %swap3A_481 = arith.constant 0 : i32
      %swap3A_482 = arith.index_cast %swap3A_481 : i32 to index
      %swap3A_483 = arith.constant 48 : index
      %swap3A_484 = tpu.vector_load %arg13[%swap3A_482, %swap3A_483] {strides = array<i32>} : memref<1x80xi32, #tpu.memory_space<vmem>>, vector<16xi32>,
      tpu.vector_store %arg13[%swap3A_482, %swap3A_483], %and3A_480 {strides = array<i32>} : memref<1x80xi32, #tpu.memory_space<vmem>>, vector<16xi32>,
      %mul3A_485 = arith.constant 80 : i32
      %mul3A_486 = arith.muli %add3A_394, %mul3A_485 : i32
      %add3A_487 = arith.constant 64 : i32
      %add3A_488 = arith.addi %mul3A_486, %add3A_487 : i32
      %get3A_489 = arith.index_cast %add3A_488 : i32 to index
      %get3A_490 = tpu.vector_load %arg6[%get3A_489] {strides = array<i32>} : memref<10000xi32, #tpu.memory_space<vmem>>, vector<16xi32>,
      %shift_right_arithmetic3A_491 = arith.constant 14 : i32
      %shift_right_arithmetic3A_492 = vector.broadcast %shift_right_arithmetic3A_491 : i32 to vector<16xi32>
      %shift_right_arithmetic3A_493 = arith.shrsi %get3A_490, %shift_right_arithmetic3A_492 : vector<16xi32>
      %swap3A_494 = arith.constant 0 : i32
      %swap3A_495 = arith.index_cast %swap3A_494 : i32 to index
      %swap3A_496 = arith.constant 64 : index
      %swap3A_497 = tpu.vector_load %arg12[%swap3A_495, %swap3A_496] {strides = array<i32>} : memref<1x80xi32, #tpu.memory_space<vmem>>, vector<16xi32>,
      tpu.vector_store %arg12[%swap3A_495, %swap3A_496], %shift_right_arithmetic3A_493 {strides = array<i32>} : memref<1x80xi32, #tpu.memory_space<vmem>>, vector<16xi32>,
      %and3A_498 = arith.constant 16383 : i32
      %and3A_499 = vector.broadcast %and3A_498 : i32 to vector<16xi32>
      %and3A_500 = arith.andi %get3A_490, %and3A_499 : vector<16xi32>
      %swap3A_501 = arith.constant 0 : i32
      %swap3A_502 = arith.index_cast %swap3A_501 : i32 to index
      %swap3A_503 = arith.constant 64 : index
      %swap3A_504 = tpu.vector_load %arg13[%swap3A_502, %swap3A_503] {strides = array<i32>} : memref<1x80xi32, #tpu.memory_space<vmem>>, vector<16xi32>,
      tpu.vector_store %arg13[%swap3A_502, %swap3A_503], %and3A_500 {strides = array<i32>} : memref<1x80xi32, #tpu.memory_space<vmem>>, vector<16xi32>,
      %dma_start3A_505 = arith.constant 0 : i32
      %dma_start3A_506 = arith.constant 0 : i32
      %dma_start3A_507 = tpu.memref_slice %arg12[%dma_start3A_505, %dma_start3A_506] : memref<1x80xi32, #tpu.memory_space<vmem>> -> memref<1x80xi32, #tpu.memory_space<vmem>>
      %dma_start3A_508 = tpu.memref_squeeze %dma_start3A_507 : memref<1x80xi32, #tpu.memory_space<vmem>> -> memref<80xi32, #tpu.memory_space<vmem>>
      %dma_start3A_509 = arith.constant 0 : i32
      %dma_start3A_510 = arith.constant 0 : i32
      %dma_start3A_511 = tpu.memref_slice %arg3[%dma_start3A_509, %dma_start3A_510] : memref<10000x128xf32, #tpu.memory_space<hbm>> -> memref<10000x128xf32, #tpu.memory_space<hbm>>
      tpu.enqueue_indirect_dma source(%dma_start3A_511 : memref<10000x128xf32, #tpu.memory_space<hbm>>) target(%arg8 : memref<80x128xf32, #tpu.memory_space<vmem>>) offsets(%dma_start3A_508 : memref<80xi32, #tpu.memory_space<vmem>>) semaphore(%arg18 : memref<!tpu.dma_semaphore, #tpu.memory_space<semaphore_mem>>)
      %mul3A_512 = arith.constant 3 : i32
      %mul3A_513 = arith.muli %mul3A_512, %scan3A_272 : i32
      %add3A_514 = arith.constant 2 : i32
      %add3A_515 = arith.addi %mul3A_513, %add3A_514 : i32
      %dma_wait3A_516 = arith.constant 0 : i32
      %dma_wait3A_517 = arith.constant 0 : i32
      %dma_wait3A_518 = tpu.memref_slice %arg10[%dma_wait3A_516, %dma_wait3A_517] : memref<1x80xi32, #tpu.memory_space<vmem>> -> memref<1x80xi32, #tpu.memory_space<vmem>>
      %dma_wait3A_519 = tpu.memref_squeeze %dma_wait3A_518 : memref<1x80xi32, #tpu.memory_space<vmem>> -> memref<80xi32, #tpu.memory_space<vmem>>
      %dma_wait3A_520 = arith.constant 0 : i32
      %dma_wait3A_521 = arith.constant 0 : i32
      %dma_wait3A_522 = tpu.memref_slice %arg3[%dma_wait3A_520, %dma_wait3A_521] : memref<10000x128xf32, #tpu.memory_space<hbm>> -> memref<10000x128xf32, #tpu.memory_space<hbm>>
      tpu.wait_indirect_dma semaphore(%arg17 : memref<!tpu.dma_semaphore, #tpu.memory_space<semaphore_mem>>) src(%dma_wait3A_522 : memref<10000x128xf32, #tpu.memory_space<hbm>>) dst(%arg7 : memref<80x128xf32, #tpu.memory_space<vmem>>)
      %dma_start3A_523 = arith.constant 0 : i32
      %dma_start3A_524 = arith.constant 0 : i32
      %dma_start3A_525 = tpu.memref_slice %arg11[%dma_start3A_523, %dma_start3A_524] : memref<1x80xi32, #tpu.memory_space<vmem>> -> memref<1x80xi32, #tpu.memory_space<vmem>>
      %dma_start3A_526 = tpu.memref_squeeze %dma_start3A_525 : memref<1x80xi32, #tpu.memory_space<vmem>> -> memref<80xi32, #tpu.memory_space<vmem>>
      %dma_start3A_527 = arith.constant 0 : i32
      %dma_start3A_528 = arith.constant 0 : i32
      %dma_start3A_529 = tpu.memref_slice %arg16[%dma_start3A_527, %dma_start3A_528] : memref<10112x128xf32, #tpu.memory_space<vmem_shared>> -> memref<10112x128xf32, #tpu.memory_space<vmem_shared>>
      tpu.enqueue_indirect_dma source(%arg7 : memref<80x128xf32, #tpu.memory_space<vmem>>) target(%dma_start3A_529 : memref<10112x128xf32, #tpu.memory_space<vmem_shared>>) offsets(%dma_start3A_526 : memref<80xi32, #tpu.memory_space<vmem>>) semaphore(%arg20 : memref<!tpu.dma_semaphore, #tpu.memory_space<semaphore_mem>>) {add = true}
      %gt3A_530 = arith.constant 0 : i32
      %gt3A_531 = arith.cmpi sgt, %scan3A_272, %gt3A_530 : i32
      %convert_element_type3A_532 = arith.extui %gt3A_531 : i1 to i32
      %cond3A_533 = arith.constant 0 : i32
      %cond3A_534 = arith.cmpi ne, %convert_element_type3A_532, %cond3A_533 : i32
      scf.if %cond3A_534 {
        %dma_wait3A_642 = arith.constant 0 : i32
        %dma_wait3A_643 = arith.constant 0 : i32
        %dma_wait3A_644 = tpu.memref_slice %arg15[%dma_wait3A_642, %dma_wait3A_643] : memref<1x80xi32, #tpu.memory_space<vmem>> -> memref<1x80xi32, #tpu.memory_space<vmem>>
        %dma_wait3A_645 = tpu.memref_squeeze %dma_wait3A_644 : memref<1x80xi32, #tpu.memory_space<vmem>> -> memref<80xi32, #tpu.memory_space<vmem>>
        %dma_wait3A_646 = arith.constant 0 : i32
        %dma_wait3A_647 = arith.constant 0 : i32
        %dma_wait3A_648 = tpu.memref_slice %arg16[%dma_wait3A_646, %dma_wait3A_647] : memref<10112x128xf32, #tpu.memory_space<vmem_shared>> -> memref<10112x128xf32, #tpu.memory_space<vmem_shared>>
        tpu.wait_indirect_dma semaphore(%arg22 : memref<!tpu.dma_semaphore, #tpu.memory_space<semaphore_mem>>) src(%arg9 : memref<80x128xf32, #tpu.memory_space<vmem>>) dst(%dma_wait3A_648 : memref<10112x128xf32, #tpu.memory_space<vmem_shared>>)
      } else {
      }
      %mul3A_535 = arith.constant 80 : i32
      %mul3A_536 = arith.muli %add3A_515, %mul3A_535 : i32
      %add3A_537 = arith.constant 0 : i32
      %add3A_538 = arith.addi %mul3A_536, %add3A_537 : i32
      %get3A_539 = arith.index_cast %add3A_538 : i32 to index
      %get3A_540 = tpu.vector_load %arg6[%get3A_539] {strides = array<i32>} : memref<10000xi32, #tpu.memory_space<vmem>>, vector<16xi32>,
      %shift_right_arithmetic3A_541 = arith.constant 14 : i32
      %shift_right_arithmetic3A_542 = vector.broadcast %shift_right_arithmetic3A_541 : i32 to vector<16xi32>
      %shift_right_arithmetic3A_543 = arith.shrsi %get3A_540, %shift_right_arithmetic3A_542 : vector<16xi32>
      %swap3A_544 = arith.constant 0 : i32
      %swap3A_545 = arith.index_cast %swap3A_544 : i32 to index
      %swap3A_546 = arith.constant 0 : index
      %swap3A_547 = tpu.vector_load %arg14[%swap3A_545, %swap3A_546] {strides = array<i32>} : memref<1x80xi32, #tpu.memory_space<vmem>>, vector<16xi32>,
      tpu.vector_store %arg14[%swap3A_545, %swap3A_546], %shift_right_arithmetic3A_543 {strides = array<i32>} : memref<1x80xi32, #tpu.memory_space<vmem>>, vector<16xi32>,
      %and3A_548 = arith.constant 16383 : i32
      %and3A_549 = vector.broadcast %and3A_548 : i32 to vector<16xi32>
      %and3A_550 = arith.andi %get3A_540, %and3A_549 : vector<16xi32>
      %swap3A_551 = arith.constant 0 : i32
      %swap3A_552 = arith.index_cast %swap3A_551 : i32 to index
      %swap3A_553 = arith.constant 0 : index
      %swap3A_554 = tpu.vector_load %arg15[%swap3A_552, %swap3A_553] {strides = array<i32>} : memref<1x80xi32, #tpu.memory_space<vmem>>, vector<16xi32>,
      tpu.vector_store %arg15[%swap3A_552, %swap3A_553], %and3A_550 {strides = array<i32>} : memref<1x80xi32, #tpu.memory_space<vmem>>, vector<16xi32>,
      %mul3A_555 = arith.constant 80 : i32
      %mul3A_556 = arith.muli %add3A_515, %mul3A_555 : i32
      %add3A_557 = arith.constant 16 : i32
      %add3A_558 = arith.addi %mul3A_556, %add3A_557 : i32
      %get3A_559 = arith.index_cast %add3A_558 : i32 to index
      %get3A_560 = tpu.vector_load %arg6[%get3A_559] {strides = array<i32>} : memref<10000xi32, #tpu.memory_space<vmem>>, vector<16xi32>,
      %shift_right_arithmetic3A_561 = arith.constant 14 : i32
      %shift_right_arithmetic3A_562 = vector.broadcast %shift_right_arithmetic3A_561 : i32 to vector<16xi32>
      %shift_right_arithmetic3A_563 = arith.shrsi %get3A_560, %shift_right_arithmetic3A_562 : vector<16xi32>
      %swap3A_564 = arith.constant 0 : i32
      %swap3A_565 = arith.index_cast %swap3A_564 : i32 to index
      %swap3A_566 = arith.constant 16 : index
      %swap3A_567 = tpu.vector_load %arg14[%swap3A_565, %swap3A_566] {strides = array<i32>} : memref<1x80xi32, #tpu.memory_space<vmem>>, vector<16xi32>,
      tpu.vector_store %arg14[%swap3A_565, %swap3A_566], %shift_right_arithmetic3A_563 {strides = array<i32>} : memref<1x80xi32, #tpu.memory_space<vmem>>, vector<16xi32>,
      %and3A_568 = arith.constant 16383 : i32
      %and3A_569 = vector.broadcast %and3A_568 : i32 to vector<16xi32>
      %and3A_570 = arith.andi %get3A_560, %and3A_569 : vector<16xi32>
      %swap3A_571 = arith.constant 0 : i32
      %swap3A_572 = arith.index_cast %swap3A_571 : i32 to index
      %swap3A_573 = arith.constant 16 : index
      %swap3A_574 = tpu.vector_load %arg15[%swap3A_572, %swap3A_573] {strides = array<i32>} : memref<1x80xi32, #tpu.memory_space<vmem>>, vector<16xi32>,
      tpu.vector_store %arg15[%swap3A_572, %swap3A_573], %and3A_570 {strides = array<i32>} : memref<1x80xi32, #tpu.memory_space<vmem>>, vector<16xi32>,
      %mul3A_575 = arith.constant 80 : i32
      %mul3A_576 = arith.muli %add3A_515, %mul3A_575 : i32
      %add3A_577 = arith.constant 32 : i32
      %add3A_578 = arith.addi %mul3A_576, %add3A_577 : i32
      %get3A_579 = arith.index_cast %add3A_578 : i32 to index
      %get3A_580 = tpu.vector_load %arg6[%get3A_579] {strides = array<i32>} : memref<10000xi32, #tpu.memory_space<vmem>>, vector<16xi32>,
      %shift_right_arithmetic3A_581 = arith.constant 14 : i32
      %shift_right_arithmetic3A_582 = vector.broadcast %shift_right_arithmetic3A_581 : i32 to vector<16xi32>
      %shift_right_arithmetic3A_583 = arith.shrsi %get3A_580, %shift_right_arithmetic3A_582 : vector<16xi32>
      %swap3A_584 = arith.constant 0 : i32
      %swap3A_585 = arith.index_cast %swap3A_584 : i32 to index
      %swap3A_586 = arith.constant 32 : index
      %swap3A_587 = tpu.vector_load %arg14[%swap3A_585, %swap3A_586] {strides = array<i32>} : memref<1x80xi32, #tpu.memory_space<vmem>>, vector<16xi32>,
      tpu.vector_store %arg14[%swap3A_585, %swap3A_586], %shift_right_arithmetic3A_583 {strides = array<i32>} : memref<1x80xi32, #tpu.memory_space<vmem>>, vector<16xi32>,
      %and3A_588 = arith.constant 16383 : i32
      %and3A_589 = vector.broadcast %and3A_588 : i32 to vector<16xi32>
      %and3A_590 = arith.andi %get3A_580, %and3A_589 : vector<16xi32>
      %swap3A_591 = arith.constant 0 : i32
      %swap3A_592 = arith.index_cast %swap3A_591 : i32 to index
      %swap3A_593 = arith.constant 32 : index
      %swap3A_594 = tpu.vector_load %arg15[%swap3A_592, %swap3A_593] {strides = array<i32>} : memref<1x80xi32, #tpu.memory_space<vmem>>, vector<16xi32>,
      tpu.vector_store %arg15[%swap3A_592, %swap3A_593], %and3A_590 {strides = array<i32>} : memref<1x80xi32, #tpu.memory_space<vmem>>, vector<16xi32>,
      %mul3A_595 = arith.constant 80 : i32
      %mul3A_596 = arith.muli %add3A_515, %mul3A_595 : i32
      %add3A_597 = arith.constant 48 : i32
      %add3A_598 = arith.addi %mul3A_596, %add3A_597 : i32
      %get3A_599 = arith.index_cast %add3A_598 : i32 to index
      %get3A_600 = tpu.vector_load %arg6[%get3A_599] {strides = array<i32>} : memref<10000xi32, #tpu.memory_space<vmem>>, vector<16xi32>,
      %shift_right_arithmetic3A_601 = arith.constant 14 : i32
      %shift_right_arithmetic3A_602 = vector.broadcast %shift_right_arithmetic3A_601 : i32 to vector<16xi32>
      %shift_right_arithmetic3A_603 = arith.shrsi %get3A_600, %shift_right_arithmetic3A_602 : vector<16xi32>
      %swap3A_604 = arith.constant 0 : i32
      %swap3A_605 = arith.index_cast %swap3A_604 : i32 to index
      %swap3A_606 = arith.constant 48 : index
      %swap3A_607 = tpu.vector_load %arg14[%swap3A_605, %swap3A_606] {strides = array<i32>} : memref<1x80xi32, #tpu.memory_space<vmem>>, vector<16xi32>,
      tpu.vector_store %arg14[%swap3A_605, %swap3A_606], %shift_right_arithmetic3A_603 {strides = array<i32>} : memref<1x80xi32, #tpu.memory_space<vmem>>, vector<16xi32>,
      %and3A_608 = arith.constant 16383 : i32
      %and3A_609 = vector.broadcast %and3A_608 : i32 to vector<16xi32>
      %and3A_610 = arith.andi %get3A_600, %and3A_609 : vector<16xi32>
      %swap3A_611 = arith.constant 0 : i32
      %swap3A_612 = arith.index_cast %swap3A_611 : i32 to index
      %swap3A_613 = arith.constant 48 : index
      %swap3A_614 = tpu.vector_load %arg15[%swap3A_612, %swap3A_613] {strides = array<i32>} : memref<1x80xi32, #tpu.memory_space<vmem>>, vector<16xi32>,
      tpu.vector_store %arg15[%swap3A_612, %swap3A_613], %and3A_610 {strides = array<i32>} : memref<1x80xi32, #tpu.memory_space<vmem>>, vector<16xi32>,
      %mul3A_615 = arith.constant 80 : i32
      %mul3A_616 = arith.muli %add3A_515, %mul3A_615 : i32
      %add3A_617 = arith.constant 64 : i32
      %add3A_618 = arith.addi %mul3A_616, %add3A_617 : i32
      %get3A_619 = arith.index_cast %add3A_618 : i32 to index
      %get3A_620 = tpu.vector_load %arg6[%get3A_619] {strides = array<i32>} : memref<10000xi32, #tpu.memory_space<vmem>>, vector<16xi32>,
      %shift_right_arithmetic3A_621 = arith.constant 14 : i32
      %shift_right_arithmetic3A_622 = vector.broadcast %shift_right_arithmetic3A_621 : i32 to vector<16xi32>
      %shift_right_arithmetic3A_623 = arith.shrsi %get3A_620, %shift_right_arithmetic3A_622 : vector<16xi32>
      %swap3A_624 = arith.constant 0 : i32
      %swap3A_625 = arith.index_cast %swap3A_624 : i32 to index
      %swap3A_626 = arith.constant 64 : index
      %swap3A_627 = tpu.vector_load %arg14[%swap3A_625, %swap3A_626] {strides = array<i32>} : memref<1x80xi32, #tpu.memory_space<vmem>>, vector<16xi32>,
      tpu.vector_store %arg14[%swap3A_625, %swap3A_626], %shift_right_arithmetic3A_623 {strides = array<i32>} : memref<1x80xi32, #tpu.memory_space<vmem>>, vector<16xi32>,
      %and3A_628 = arith.constant 16383 : i32
      %and3A_629 = vector.broadcast %and3A_628 : i32 to vector<16xi32>
      %and3A_630 = arith.andi %get3A_620, %and3A_629 : vector<16xi32>
      %swap3A_631 = arith.constant 0 : i32
      %swap3A_632 = arith.index_cast %swap3A_631 : i32 to index
      %swap3A_633 = arith.constant 64 : index
      %swap3A_634 = tpu.vector_load %arg15[%swap3A_632, %swap3A_633] {strides = array<i32>} : memref<1x80xi32, #tpu.memory_space<vmem>>, vector<16xi32>,
      tpu.vector_store %arg15[%swap3A_632, %swap3A_633], %and3A_630 {strides = array<i32>} : memref<1x80xi32, #tpu.memory_space<vmem>>, vector<16xi32>,
      %dma_start3A_635 = arith.constant 0 : i32
      %dma_start3A_636 = arith.constant 0 : i32
      %dma_start3A_637 = tpu.memref_slice %arg14[%dma_start3A_635, %dma_start3A_636] : memref<1x80xi32, #tpu.memory_space<vmem>> -> memref<1x80xi32, #tpu.memory_space<vmem>>
      %dma_start3A_638 = tpu.memref_squeeze %dma_start3A_637 : memref<1x80xi32, #tpu.memory_space<vmem>> -> memref<80xi32, #tpu.memory_space<vmem>>
      %dma_start3A_639 = arith.constant 0 : i32
      %dma_start3A_640 = arith.constant 0 : i32
      %dma_start3A_641 = tpu.memref_slice %arg3[%dma_start3A_639, %dma_start3A_640] : memref<10000x128xf32, #tpu.memory_space<hbm>> -> memref<10000x128xf32, #tpu.memory_space<hbm>>
      tpu.enqueue_indirect_dma source(%dma_start3A_641 : memref<10000x128xf32, #tpu.memory_space<hbm>>) target(%arg9 : memref<80x128xf32, #tpu.memory_space<vmem>>) offsets(%dma_start3A_638 : memref<80xi32, #tpu.memory_space<vmem>>) semaphore(%arg19 : memref<!tpu.dma_semaphore, #tpu.memory_space<semaphore_mem>>)
    }
    %scan3A_7 = arith.constant 41 : i32
    %dma_wait3A = arith.constant 0 : i32
    %dma_wait3A_8 = arith.constant 0 : i32
    %dma_wait3A_9 = tpu.memref_slice %arg12[%dma_wait3A, %dma_wait3A_8] : memref<1x80xi32, #tpu.memory_space<vmem>> -> memref<1x80xi32, #tpu.memory_space<vmem>>
    %dma_wait3A_10 = tpu.memref_squeeze %dma_wait3A_9 : memref<1x80xi32, #tpu.memory_space<vmem>> -> memref<80xi32, #tpu.memory_space<vmem>>
    %dma_wait3A_11 = arith.constant 0 : i32
    %dma_wait3A_12 = arith.constant 0 : i32
    %dma_wait3A_13 = tpu.memref_slice %arg3[%dma_wait3A_11, %dma_wait3A_12] : memref<10000x128xf32, #tpu.memory_space<hbm>> -> memref<10000x128xf32, #tpu.memory_space<hbm>>
    tpu.wait_indirect_dma semaphore(%arg18 : memref<!tpu.dma_semaphore, #tpu.memory_space<semaphore_mem>>) src(%dma_wait3A_13 : memref<10000x128xf32, #tpu.memory_space<hbm>>) dst(%arg8 : memref<80x128xf32, #tpu.memory_space<vmem>>)
    %dma_start3A = arith.constant 0 : i32
    %dma_start3A_14 = arith.constant 0 : i32
    %dma_start3A_15 = tpu.memref_slice %arg13[%dma_start3A, %dma_start3A_14] : memref<1x80xi32, #tpu.memory_space<vmem>> -> memref<1x80xi32, #tpu.memory_space<vmem>>
    %dma_start3A_16 = tpu.memref_squeeze %dma_start3A_15 : memref<1x80xi32, #tpu.memory_space<vmem>> -> memref<80xi32, #tpu.memory_space<vmem>>
    %dma_start3A_17 = arith.constant 0 : i32
    %dma_start3A_18 = arith.constant 0 : i32
    %dma_start3A_19 = tpu.memref_slice %arg16[%dma_start3A_17, %dma_start3A_18] : memref<10112x128xf32, #tpu.memory_space<vmem_shared>> -> memref<10112x128xf32, #tpu.memory_space<vmem_shared>>
    tpu.enqueue_indirect_dma source(%arg8 : memref<80x128xf32, #tpu.memory_space<vmem>>) target(%dma_start3A_19 : memref<10112x128xf32, #tpu.memory_space<vmem_shared>>) offsets(%dma_start3A_16 : memref<80xi32, #tpu.memory_space<vmem>>) semaphore(%arg21 : memref<!tpu.dma_semaphore, #tpu.memory_space<semaphore_mem>>) {add = true}
    %dma_wait3A_20 = arith.constant 0 : i32
    %dma_wait3A_21 = arith.constant 0 : i32
    %dma_wait3A_22 = tpu.memref_slice %arg11[%dma_wait3A_20, %dma_wait3A_21] : memref<1x80xi32, #tpu.memory_space<vmem>> -> memref<1x80xi32, #tpu.memory_space<vmem>>
    %dma_wait3A_23 = tpu.memref_squeeze %dma_wait3A_22 : memref<1x80xi32, #tpu.memory_space<vmem>> -> memref<80xi32, #tpu.memory_space<vmem>>
    %dma_wait3A_24 = arith.constant 0 : i32
    %dma_wait3A_25 = arith.constant 0 : i32
    %dma_wait3A_26 = tpu.memref_slice %arg16[%dma_wait3A_24, %dma_wait3A_25] : memref<10112x128xf32, #tpu.memory_space<vmem_shared>> -> memref<10112x128xf32, #tpu.memory_space<vmem_shared>>
    tpu.wait_indirect_dma semaphore(%arg20 : memref<!tpu.dma_semaphore, #tpu.memory_space<semaphore_mem>>) src(%arg7 : memref<80x128xf32, #tpu.memory_space<vmem>>) dst(%dma_wait3A_26 : memref<10112x128xf32, #tpu.memory_space<vmem_shared>>)
    %get3A = arith.constant 9840 : index
    %get3A_27 = tpu.vector_load %arg6[%get3A] {strides = array<i32>} : memref<10000xi32, #tpu.memory_space<vmem>>, vector<16xi32>,
    %shift_right_arithmetic3A = arith.constant 14 : i32
    %shift_right_arithmetic3A_28 = vector.broadcast %shift_right_arithmetic3A : i32 to vector<16xi32>
    %shift_right_arithmetic3A_29 = arith.shrsi %get3A_27, %shift_right_arithmetic3A_28 : vector<16xi32>
    %swap3A = arith.constant 0 : i32
    %swap3A_30 = arith.index_cast %swap3A : i32 to index
    %swap3A_31 = arith.constant 0 : index
    %swap3A_32 = tpu.vector_load %arg10[%swap3A_30, %swap3A_31] {strides = array<i32>} : memref<1x80xi32, #tpu.memory_space<vmem>>, vector<16xi32>,
    tpu.vector_store %arg10[%swap3A_30, %swap3A_31], %shift_right_arithmetic3A_29 {strides = array<i32>} : memref<1x80xi32, #tpu.memory_space<vmem>>, vector<16xi32>,
    %and3A = arith.constant 16383 : i32
    %and3A_33 = vector.broadcast %and3A : i32 to vector<16xi32>
    %and3A_34 = arith.andi %get3A_27, %and3A_33 : vector<16xi32>
    %swap3A_35 = arith.constant 0 : i32
    %swap3A_36 = arith.index_cast %swap3A_35 : i32 to index
    %swap3A_37 = arith.constant 0 : index
    %swap3A_38 = tpu.vector_load %arg11[%swap3A_36, %swap3A_37] {strides = array<i32>} : memref<1x80xi32, #tpu.memory_space<vmem>>, vector<16xi32>,
    tpu.vector_store %arg11[%swap3A_36, %swap3A_37], %and3A_34 {strides = array<i32>} : memref<1x80xi32, #tpu.memory_space<vmem>>, vector<16xi32>,
    %get3A_39 = arith.constant 9856 : index
    %get3A_40 = tpu.vector_load %arg6[%get3A_39] {strides = array<i32>} : memref<10000xi32, #tpu.memory_space<vmem>>, vector<16xi32>,
    %shift_right_arithmetic3A_41 = arith.constant 14 : i32
    %shift_right_arithmetic3A_42 = vector.broadcast %shift_right_arithmetic3A_41 : i32 to vector<16xi32>
    %shift_right_arithmetic3A_43 = arith.shrsi %get3A_40, %shift_right_arithmetic3A_42 : vector<16xi32>
    %swap3A_44 = arith.constant 0 : i32
    %swap3A_45 = arith.index_cast %swap3A_44 : i32 to index
    %swap3A_46 = arith.constant 16 : index
    %swap3A_47 = tpu.vector_load %arg10[%swap3A_45, %swap3A_46] {strides = array<i32>} : memref<1x80xi32, #tpu.memory_space<vmem>>, vector<16xi32>,
    tpu.vector_store %arg10[%swap3A_45, %swap3A_46], %shift_right_arithmetic3A_43 {strides = array<i32>} : memref<1x80xi32, #tpu.memory_space<vmem>>, vector<16xi32>,
    %and3A_48 = arith.constant 16383 : i32
    %and3A_49 = vector.broadcast %and3A_48 : i32 to vector<16xi32>
    %and3A_50 = arith.andi %get3A_40, %and3A_49 : vector<16xi32>
    %swap3A_51 = arith.constant 0 : i32
    %swap3A_52 = arith.index_cast %swap3A_51 : i32 to index
    %swap3A_53 = arith.constant 16 : index
    %swap3A_54 = tpu.vector_load %arg11[%swap3A_52, %swap3A_53] {strides = array<i32>} : memref<1x80xi32, #tpu.memory_space<vmem>>, vector<16xi32>,
    tpu.vector_store %arg11[%swap3A_52, %swap3A_53], %and3A_50 {strides = array<i32>} : memref<1x80xi32, #tpu.memory_space<vmem>>, vector<16xi32>,
    %get3A_55 = arith.constant 9872 : index
    %get3A_56 = tpu.vector_load %arg6[%get3A_55] {strides = array<i32>} : memref<10000xi32, #tpu.memory_space<vmem>>, vector<16xi32>,
    %shift_right_arithmetic3A_57 = arith.constant 14 : i32
    %shift_right_arithmetic3A_58 = vector.broadcast %shift_right_arithmetic3A_57 : i32 to vector<16xi32>
    %shift_right_arithmetic3A_59 = arith.shrsi %get3A_56, %shift_right_arithmetic3A_58 : vector<16xi32>
    %swap3A_60 = arith.constant 0 : i32
    %swap3A_61 = arith.index_cast %swap3A_60 : i32 to index
    %swap3A_62 = arith.constant 32 : index
    %swap3A_63 = tpu.vector_load %arg10[%swap3A_61, %swap3A_62] {strides = array<i32>} : memref<1x80xi32, #tpu.memory_space<vmem>>, vector<16xi32>,
    tpu.vector_store %arg10[%swap3A_61, %swap3A_62], %shift_right_arithmetic3A_59 {strides = array<i32>} : memref<1x80xi32, #tpu.memory_space<vmem>>, vector<16xi32>,
    %and3A_64 = arith.constant 16383 : i32
    %and3A_65 = vector.broadcast %and3A_64 : i32 to vector<16xi32>
    %and3A_66 = arith.andi %get3A_56, %and3A_65 : vector<16xi32>
    %swap3A_67 = arith.constant 0 : i32
    %swap3A_68 = arith.index_cast %swap3A_67 : i32 to index
    %swap3A_69 = arith.constant 32 : index
    %swap3A_70 = tpu.vector_load %arg11[%swap3A_68, %swap3A_69] {strides = array<i32>} : memref<1x80xi32, #tpu.memory_space<vmem>>, vector<16xi32>,
    tpu.vector_store %arg11[%swap3A_68, %swap3A_69], %and3A_66 {strides = array<i32>} : memref<1x80xi32, #tpu.memory_space<vmem>>, vector<16xi32>,
    %get3A_71 = arith.constant 9888 : index
    %get3A_72 = tpu.vector_load %arg6[%get3A_71] {strides = array<i32>} : memref<10000xi32, #tpu.memory_space<vmem>>, vector<16xi32>,
    %shift_right_arithmetic3A_73 = arith.constant 14 : i32
    %shift_right_arithmetic3A_74 = vector.broadcast %shift_right_arithmetic3A_73 : i32 to vector<16xi32>
    %shift_right_arithmetic3A_75 = arith.shrsi %get3A_72, %shift_right_arithmetic3A_74 : vector<16xi32>
    %swap3A_76 = arith.constant 0 : i32
    %swap3A_77 = arith.index_cast %swap3A_76 : i32 to index
    %swap3A_78 = arith.constant 48 : index
    %swap3A_79 = tpu.vector_load %arg10[%swap3A_77, %swap3A_78] {strides = array<i32>} : memref<1x80xi32, #tpu.memory_space<vmem>>, vector<16xi32>,
    tpu.vector_store %arg10[%swap3A_77, %swap3A_78], %shift_right_arithmetic3A_75 {strides = array<i32>} : memref<1x80xi32, #tpu.memory_space<vmem>>, vector<16xi32>,
    %and3A_80 = arith.constant 16383 : i32
    %and3A_81 = vector.broadcast %and3A_80 : i32 to vector<16xi32>
    %and3A_82 = arith.andi %get3A_72, %and3A_81 : vector<16xi32>
    %swap3A_83 = arith.constant 0 : i32
    %swap3A_84 = arith.index_cast %swap3A_83 : i32 to index
    %swap3A_85 = arith.constant 48 : index
    %swap3A_86 = tpu.vector_load %arg11[%swap3A_84, %swap3A_85] {strides = array<i32>} : memref<1x80xi32, #tpu.memory_space<vmem>>, vector<16xi32>,
    tpu.vector_store %arg11[%swap3A_84, %swap3A_85], %and3A_82 {strides = array<i32>} : memref<1x80xi32, #tpu.memory_space<vmem>>, vector<16xi32>,
    %get3A_87 = arith.constant 9904 : index
    %get3A_88 = tpu.vector_load %arg6[%get3A_87] {strides = array<i32>} : memref<10000xi32, #tpu.memory_space<vmem>>, vector<16xi32>,
    %shift_right_arithmetic3A_89 = arith.constant 14 : i32
    %shift_right_arithmetic3A_90 = vector.broadcast %shift_right_arithmetic3A_89 : i32 to vector<16xi32>
    %shift_right_arithmetic3A_91 = arith.shrsi %get3A_88, %shift_right_arithmetic3A_90 : vector<16xi32>
    %swap3A_92 = arith.constant 0 : i32
    %swap3A_93 = arith.index_cast %swap3A_92 : i32 to index
    %swap3A_94 = arith.constant 64 : index
    %swap3A_95 = tpu.vector_load %arg10[%swap3A_93, %swap3A_94] {strides = array<i32>} : memref<1x80xi32, #tpu.memory_space<vmem>>, vector<16xi32>,
    tpu.vector_store %arg10[%swap3A_93, %swap3A_94], %shift_right_arithmetic3A_91 {strides = array<i32>} : memref<1x80xi32, #tpu.memory_space<vmem>>, vector<16xi32>,
    %and3A_96 = arith.constant 16383 : i32
    %and3A_97 = vector.broadcast %and3A_96 : i32 to vector<16xi32>
    %and3A_98 = arith.andi %get3A_88, %and3A_97 : vector<16xi32>
    %swap3A_99 = arith.constant 0 : i32
    %swap3A_100 = arith.index_cast %swap3A_99 : i32 to index
    %swap3A_101 = arith.constant 64 : index
    %swap3A_102 = tpu.vector_load %arg11[%swap3A_100, %swap3A_101] {strides = array<i32>} : memref<1x80xi32, #tpu.memory_space<vmem>>, vector<16xi32>,
    tpu.vector_store %arg11[%swap3A_100, %swap3A_101], %and3A_98 {strides = array<i32>} : memref<1x80xi32, #tpu.memory_space<vmem>>, vector<16xi32>,
    %dma_start3A_103 = arith.constant 0 : i32
    %dma_start3A_104 = arith.constant 0 : i32
    %dma_start3A_105 = tpu.memref_slice %arg10[%dma_start3A_103, %dma_start3A_104] : memref<1x80xi32, #tpu.memory_space<vmem>> -> memref<1x80xi32, #tpu.memory_space<vmem>>
    %dma_start3A_106 = tpu.memref_squeeze %dma_start3A_105 : memref<1x80xi32, #tpu.memory_space<vmem>> -> memref<80xi32, #tpu.memory_space<vmem>>
    %dma_start3A_107 = arith.constant 0 : i32
    %dma_start3A_108 = arith.constant 0 : i32
    %dma_start3A_109 = tpu.memref_slice %arg3[%dma_start3A_107, %dma_start3A_108] : memref<10000x128xf32, #tpu.memory_space<hbm>> -> memref<10000x128xf32, #tpu.memory_space<hbm>>
    tpu.enqueue_indirect_dma source(%dma_start3A_109 : memref<10000x128xf32, #tpu.memory_space<hbm>>) target(%arg7 : memref<80x128xf32, #tpu.memory_space<vmem>>) offsets(%dma_start3A_106 : memref<80xi32, #tpu.memory_space<vmem>>) semaphore(%arg17 : memref<!tpu.dma_semaphore, #tpu.memory_space<semaphore_mem>>)
    %dma_wait3A_110 = arith.constant 0 : i32
    %dma_wait3A_111 = arith.constant 0 : i32
    %dma_wait3A_112 = tpu.memref_slice %arg14[%dma_wait3A_110, %dma_wait3A_111] : memref<1x80xi32, #tpu.memory_space<vmem>> -> memref<1x80xi32, #tpu.memory_space<vmem>>
    %dma_wait3A_113 = tpu.memref_squeeze %dma_wait3A_112 : memref<1x80xi32, #tpu.memory_space<vmem>> -> memref<80xi32, #tpu.memory_space<vmem>>
    %dma_wait3A_114 = arith.constant 0 : i32
    %dma_wait3A_115 = arith.constant 0 : i32
    %dma_wait3A_116 = tpu.memref_slice %arg3[%dma_wait3A_114, %dma_wait3A_115] : memref<10000x128xf32, #tpu.memory_space<hbm>> -> memref<10000x128xf32, #tpu.memory_space<hbm>>
    tpu.wait_indirect_dma semaphore(%arg19 : memref<!tpu.dma_semaphore, #tpu.memory_space<semaphore_mem>>) src(%dma_wait3A_116 : memref<10000x128xf32, #tpu.memory_space<hbm>>) dst(%arg9 : memref<80x128xf32, #tpu.memory_space<vmem>>)
    %dma_start3A_117 = arith.constant 0 : i32
    %dma_start3A_118 = arith.constant 0 : i32
    %dma_start3A_119 = tpu.memref_slice %arg15[%dma_start3A_117, %dma_start3A_118] : memref<1x80xi32, #tpu.memory_space<vmem>> -> memref<1x80xi32, #tpu.memory_space<vmem>>
    %dma_start3A_120 = tpu.memref_squeeze %dma_start3A_119 : memref<1x80xi32, #tpu.memory_space<vmem>> -> memref<80xi32, #tpu.memory_space<vmem>>
    %dma_start3A_121 = arith.constant 0 : i32
    %dma_start3A_122 = arith.constant 0 : i32
    %dma_start3A_123 = tpu.memref_slice %arg16[%dma_start3A_121, %dma_start3A_122] : memref<10112x128xf32, #tpu.memory_space<vmem_shared>> -> memref<10112x128xf32, #tpu.memory_space<vmem_shared>>
    tpu.enqueue_indirect_dma source(%arg9 : memref<80x128xf32, #tpu.memory_space<vmem>>) target(%dma_start3A_123 : memref<10112x128xf32, #tpu.memory_space<vmem_shared>>) offsets(%dma_start3A_120 : memref<80xi32, #tpu.memory_space<vmem>>) semaphore(%arg22 : memref<!tpu.dma_semaphore, #tpu.memory_space<semaphore_mem>>) {add = true}
    %dma_wait3A_124 = arith.constant 0 : i32
    %dma_wait3A_125 = arith.constant 0 : i32
    %dma_wait3A_126 = tpu.memref_slice %arg13[%dma_wait3A_124, %dma_wait3A_125] : memref<1x80xi32, #tpu.memory_space<vmem>> -> memref<1x80xi32, #tpu.memory_space<vmem>>
    %dma_wait3A_127 = tpu.memref_squeeze %dma_wait3A_126 : memref<1x80xi32, #tpu.memory_space<vmem>> -> memref<80xi32, #tpu.memory_space<vmem>>
    %dma_wait3A_128 = arith.constant 0 : i32
    %dma_wait3A_129 = arith.constant 0 : i32
    %dma_wait3A_130 = tpu.memref_slice %arg16[%dma_wait3A_128, %dma_wait3A_129] : memref<10112x128xf32, #tpu.memory_space<vmem_shared>> -> memref<10112x128xf32, #tpu.memory_space<vmem_shared>>
    tpu.wait_indirect_dma semaphore(%arg21 : memref<!tpu.dma_semaphore, #tpu.memory_space<semaphore_mem>>) src(%arg8 : memref<80x128xf32, #tpu.memory_space<vmem>>) dst(%dma_wait3A_130 : memref<10112x128xf32, #tpu.memory_space<vmem_shared>>)
    %get3A_131 = arith.constant 9920 : index
    %get3A_132 = tpu.vector_load %arg6[%get3A_131] {strides = array<i32>} : memref<10000xi32, #tpu.memory_space<vmem>>, vector<16xi32>,
    %shift_right_arithmetic3A_133 = arith.constant 14 : i32
    %shift_right_arithmetic3A_134 = vector.broadcast %shift_right_arithmetic3A_133 : i32 to vector<16xi32>
    %shift_right_arithmetic3A_135 = arith.shrsi %get3A_132, %shift_right_arithmetic3A_134 : vector<16xi32>
    %swap3A_136 = arith.constant 0 : i32
    %swap3A_137 = arith.index_cast %swap3A_136 : i32 to index
    %swap3A_138 = arith.constant 0 : index
    %swap3A_139 = tpu.vector_load %arg12[%swap3A_137, %swap3A_138] {strides = array<i32>} : memref<1x80xi32, #tpu.memory_space<vmem>>, vector<16xi32>,
    tpu.vector_store %arg12[%swap3A_137, %swap3A_138], %shift_right_arithmetic3A_135 {strides = array<i32>} : memref<1x80xi32, #tpu.memory_space<vmem>>, vector<16xi32>,
    %and3A_140 = arith.constant 16383 : i32
    %and3A_141 = vector.broadcast %and3A_140 : i32 to vector<16xi32>
    %and3A_142 = arith.andi %get3A_132, %and3A_141 : vector<16xi32>
    %swap3A_143 = arith.constant 0 : i32
    %swap3A_144 = arith.index_cast %swap3A_143 : i32 to index
    %swap3A_145 = arith.constant 0 : index
    %swap3A_146 = tpu.vector_load %arg13[%swap3A_144, %swap3A_145] {strides = array<i32>} : memref<1x80xi32, #tpu.memory_space<vmem>>, vector<16xi32>,
    tpu.vector_store %arg13[%swap3A_144, %swap3A_145], %and3A_142 {strides = array<i32>} : memref<1x80xi32, #tpu.memory_space<vmem>>, vector<16xi32>,
    %get3A_147 = arith.constant 9936 : index
    %get3A_148 = tpu.vector_load %arg6[%get3A_147] {strides = array<i32>} : memref<10000xi32, #tpu.memory_space<vmem>>, vector<16xi32>,
    %shift_right_arithmetic3A_149 = arith.constant 14 : i32
    %shift_right_arithmetic3A_150 = vector.broadcast %shift_right_arithmetic3A_149 : i32 to vector<16xi32>
    %shift_right_arithmetic3A_151 = arith.shrsi %get3A_148, %shift_right_arithmetic3A_150 : vector<16xi32>
    %swap3A_152 = arith.constant 0 : i32
    %swap3A_153 = arith.index_cast %swap3A_152 : i32 to index
    %swap3A_154 = arith.constant 16 : index
    %swap3A_155 = tpu.vector_load %arg12[%swap3A_153, %swap3A_154] {strides = array<i32>} : memref<1x80xi32, #tpu.memory_space<vmem>>, vector<16xi32>,
    tpu.vector_store %arg12[%swap3A_153, %swap3A_154], %shift_right_arithmetic3A_151 {strides = array<i32>} : memref<1x80xi32, #tpu.memory_space<vmem>>, vector<16xi32>,
    %and3A_156 = arith.constant 16383 : i32
    %and3A_157 = vector.broadcast %and3A_156 : i32 to vector<16xi32>
    %and3A_158 = arith.andi %get3A_148, %and3A_157 : vector<16xi32>
    %swap3A_159 = arith.constant 0 : i32
    %swap3A_160 = arith.index_cast %swap3A_159 : i32 to index
    %swap3A_161 = arith.constant 16 : index
    %swap3A_162 = tpu.vector_load %arg13[%swap3A_160, %swap3A_161] {strides = array<i32>} : memref<1x80xi32, #tpu.memory_space<vmem>>, vector<16xi32>,
    tpu.vector_store %arg13[%swap3A_160, %swap3A_161], %and3A_158 {strides = array<i32>} : memref<1x80xi32, #tpu.memory_space<vmem>>, vector<16xi32>,
    %get3A_163 = arith.constant 9952 : index
    %get3A_164 = tpu.vector_load %arg6[%get3A_163] {strides = array<i32>} : memref<10000xi32, #tpu.memory_space<vmem>>, vector<16xi32>,
    %shift_right_arithmetic3A_165 = arith.constant 14 : i32
    %shift_right_arithmetic3A_166 = vector.broadcast %shift_right_arithmetic3A_165 : i32 to vector<16xi32>
    %shift_right_arithmetic3A_167 = arith.shrsi %get3A_164, %shift_right_arithmetic3A_166 : vector<16xi32>
    %swap3A_168 = arith.constant 0 : i32
    %swap3A_169 = arith.index_cast %swap3A_168 : i32 to index
    %swap3A_170 = arith.constant 32 : index
    %swap3A_171 = tpu.vector_load %arg12[%swap3A_169, %swap3A_170] {strides = array<i32>} : memref<1x80xi32, #tpu.memory_space<vmem>>, vector<16xi32>,
    tpu.vector_store %arg12[%swap3A_169, %swap3A_170], %shift_right_arithmetic3A_167 {strides = array<i32>} : memref<1x80xi32, #tpu.memory_space<vmem>>, vector<16xi32>,
    %and3A_172 = arith.constant 16383 : i32
    %and3A_173 = vector.broadcast %and3A_172 : i32 to vector<16xi32>
    %and3A_174 = arith.andi %get3A_164, %and3A_173 : vector<16xi32>
    %swap3A_175 = arith.constant 0 : i32
    %swap3A_176 = arith.index_cast %swap3A_175 : i32 to index
    %swap3A_177 = arith.constant 32 : index
    %swap3A_178 = tpu.vector_load %arg13[%swap3A_176, %swap3A_177] {strides = array<i32>} : memref<1x80xi32, #tpu.memory_space<vmem>>, vector<16xi32>,
    tpu.vector_store %arg13[%swap3A_176, %swap3A_177], %and3A_174 {strides = array<i32>} : memref<1x80xi32, #tpu.memory_space<vmem>>, vector<16xi32>,
    %get3A_179 = arith.constant 9968 : index
    %get3A_180 = tpu.vector_load %arg6[%get3A_179] {strides = array<i32>} : memref<10000xi32, #tpu.memory_space<vmem>>, vector<16xi32>,
    %shift_right_arithmetic3A_181 = arith.constant 14 : i32
    %shift_right_arithmetic3A_182 = vector.broadcast %shift_right_arithmetic3A_181 : i32 to vector<16xi32>
    %shift_right_arithmetic3A_183 = arith.shrsi %get3A_180, %shift_right_arithmetic3A_182 : vector<16xi32>
    %swap3A_184 = arith.constant 0 : i32
    %swap3A_185 = arith.index_cast %swap3A_184 : i32 to index
    %swap3A_186 = arith.constant 48 : index
    %swap3A_187 = tpu.vector_load %arg12[%swap3A_185, %swap3A_186] {strides = array<i32>} : memref<1x80xi32, #tpu.memory_space<vmem>>, vector<16xi32>,
    tpu.vector_store %arg12[%swap3A_185, %swap3A_186], %shift_right_arithmetic3A_183 {strides = array<i32>} : memref<1x80xi32, #tpu.memory_space<vmem>>, vector<16xi32>,
    %and3A_188 = arith.constant 16383 : i32
    %and3A_189 = vector.broadcast %and3A_188 : i32 to vector<16xi32>
    %and3A_190 = arith.andi %get3A_180, %and3A_189 : vector<16xi32>
    %swap3A_191 = arith.constant 0 : i32
    %swap3A_192 = arith.index_cast %swap3A_191 : i32 to index
    %swap3A_193 = arith.constant 48 : index
    %swap3A_194 = tpu.vector_load %arg13[%swap3A_192, %swap3A_193] {strides = array<i32>} : memref<1x80xi32, #tpu.memory_space<vmem>>, vector<16xi32>,
    tpu.vector_store %arg13[%swap3A_192, %swap3A_193], %and3A_190 {strides = array<i32>} : memref<1x80xi32, #tpu.memory_space<vmem>>, vector<16xi32>,
    %get3A_195 = arith.constant 9984 : index
    %get3A_196 = tpu.vector_load %arg6[%get3A_195] {strides = array<i32>} : memref<10000xi32, #tpu.memory_space<vmem>>, vector<16xi32>,
    %shift_right_arithmetic3A_197 = arith.constant 14 : i32
    %shift_right_arithmetic3A_198 = vector.broadcast %shift_right_arithmetic3A_197 : i32 to vector<16xi32>
    %shift_right_arithmetic3A_199 = arith.shrsi %get3A_196, %shift_right_arithmetic3A_198 : vector<16xi32>
    %swap3A_200 = arith.constant 0 : i32
    %swap3A_201 = arith.index_cast %swap3A_200 : i32 to index
    %swap3A_202 = arith.constant 64 : index
    %swap3A_203 = tpu.vector_load %arg12[%swap3A_201, %swap3A_202] {strides = array<i32>} : memref<1x80xi32, #tpu.memory_space<vmem>>, vector<16xi32>,
    tpu.vector_store %arg12[%swap3A_201, %swap3A_202], %shift_right_arithmetic3A_199 {strides = array<i32>} : memref<1x80xi32, #tpu.memory_space<vmem>>, vector<16xi32>,
    %and3A_204 = arith.constant 16383 : i32
    %and3A_205 = vector.broadcast %and3A_204 : i32 to vector<16xi32>
    %and3A_206 = arith.andi %get3A_196, %and3A_205 : vector<16xi32>
    %swap3A_207 = arith.constant 0 : i32
    %swap3A_208 = arith.index_cast %swap3A_207 : i32 to index
    %swap3A_209 = arith.constant 64 : index
    %swap3A_210 = tpu.vector_load %arg13[%swap3A_208, %swap3A_209] {strides = array<i32>} : memref<1x80xi32, #tpu.memory_space<vmem>>, vector<16xi32>,
    tpu.vector_store %arg13[%swap3A_208, %swap3A_209], %and3A_206 {strides = array<i32>} : memref<1x80xi32, #tpu.memory_space<vmem>>, vector<16xi32>,
    %dma_start3A_211 = arith.constant 0 : i32
    %dma_start3A_212 = arith.constant 0 : i32
    %dma_start3A_213 = tpu.memref_slice %arg12[%dma_start3A_211, %dma_start3A_212] : memref<1x80xi32, #tpu.memory_space<vmem>> -> memref<1x80xi32, #tpu.memory_space<vmem>>
    %dma_start3A_214 = tpu.memref_squeeze %dma_start3A_213 : memref<1x80xi32, #tpu.memory_space<vmem>> -> memref<80xi32, #tpu.memory_space<vmem>>
    %dma_start3A_215 = arith.constant 0 : i32
    %dma_start3A_216 = arith.constant 0 : i32
    %dma_start3A_217 = tpu.memref_slice %arg3[%dma_start3A_215, %dma_start3A_216] : memref<10000x128xf32, #tpu.memory_space<hbm>> -> memref<10000x128xf32, #tpu.memory_space<hbm>>
    tpu.enqueue_indirect_dma source(%dma_start3A_217 : memref<10000x128xf32, #tpu.memory_space<hbm>>) target(%arg8 : memref<80x128xf32, #tpu.memory_space<vmem>>) offsets(%dma_start3A_214 : memref<80xi32, #tpu.memory_space<vmem>>) semaphore(%arg18 : memref<!tpu.dma_semaphore, #tpu.memory_space<semaphore_mem>>)
    %dma_wait3A_218 = arith.constant 0 : i32
    %dma_wait3A_219 = arith.constant 0 : i32
    %dma_wait3A_220 = tpu.memref_slice %arg10[%dma_wait3A_218, %dma_wait3A_219] : memref<1x80xi32, #tpu.memory_space<vmem>> -> memref<1x80xi32, #tpu.memory_space<vmem>>
    %dma_wait3A_221 = tpu.memref_squeeze %dma_wait3A_220 : memref<1x80xi32, #tpu.memory_space<vmem>> -> memref<80xi32, #tpu.memory_space<vmem>>
    %dma_wait3A_222 = arith.constant 0 : i32
    %dma_wait3A_223 = arith.constant 0 : i32
    %dma_wait3A_224 = tpu.memref_slice %arg3[%dma_wait3A_222, %dma_wait3A_223] : memref<10000x128xf32, #tpu.memory_space<hbm>> -> memref<10000x128xf32, #tpu.memory_space<hbm>>
    tpu.wait_indirect_dma semaphore(%arg17 : memref<!tpu.dma_semaphore, #tpu.memory_space<semaphore_mem>>) src(%dma_wait3A_224 : memref<10000x128xf32, #tpu.memory_space<hbm>>) dst(%arg7 : memref<80x128xf32, #tpu.memory_space<vmem>>)
    %dma_start3A_225 = arith.constant 0 : i32
    %dma_start3A_226 = arith.constant 0 : i32
    %dma_start3A_227 = tpu.memref_slice %arg11[%dma_start3A_225, %dma_start3A_226] : memref<1x80xi32, #tpu.memory_space<vmem>> -> memref<1x80xi32, #tpu.memory_space<vmem>>
    %dma_start3A_228 = tpu.memref_squeeze %dma_start3A_227 : memref<1x80xi32, #tpu.memory_space<vmem>> -> memref<80xi32, #tpu.memory_space<vmem>>
    %dma_start3A_229 = arith.constant 0 : i32
    %dma_start3A_230 = arith.constant 0 : i32
    %dma_start3A_231 = tpu.memref_slice %arg16[%dma_start3A_229, %dma_start3A_230] : memref<10112x128xf32, #tpu.memory_space<vmem_shared>> -> memref<10112x128xf32, #tpu.memory_space<vmem_shared>>
    tpu.enqueue_indirect_dma source(%arg7 : memref<80x128xf32, #tpu.memory_space<vmem>>) target(%dma_start3A_231 : memref<10112x128xf32, #tpu.memory_space<vmem_shared>>) offsets(%dma_start3A_228 : memref<80xi32, #tpu.memory_space<vmem>>) semaphore(%arg20 : memref<!tpu.dma_semaphore, #tpu.memory_space<semaphore_mem>>) {add = true}
    %dma_wait3A_232 = arith.constant 0 : i32
    %dma_wait3A_233 = arith.constant 0 : i32
    %dma_wait3A_234 = tpu.memref_slice %arg12[%dma_wait3A_232, %dma_wait3A_233] : memref<1x80xi32, #tpu.memory_space<vmem>> -> memref<1x80xi32, #tpu.memory_space<vmem>>
    %dma_wait3A_235 = tpu.memref_squeeze %dma_wait3A_234 : memref<1x80xi32, #tpu.memory_space<vmem>> -> memref<80xi32, #tpu.memory_space<vmem>>
    %dma_wait3A_236 = arith.constant 0 : i32
    %dma_wait3A_237 = arith.constant 0 : i32
    %dma_wait3A_238 = tpu.memref_slice %arg3[%dma_wait3A_236, %dma_wait3A_237] : memref<10000x128xf32, #tpu.memory_space<hbm>> -> memref<10000x128xf32, #tpu.memory_space<hbm>>
    tpu.wait_indirect_dma semaphore(%arg18 : memref<!tpu.dma_semaphore, #tpu.memory_space<semaphore_mem>>) src(%dma_wait3A_238 : memref<10000x128xf32, #tpu.memory_space<hbm>>) dst(%arg8 : memref<80x128xf32, #tpu.memory_space<vmem>>)
    %dma_start3A_239 = arith.constant 0 : i32
    %dma_start3A_240 = arith.constant 0 : i32
    %dma_start3A_241 = tpu.memref_slice %arg13[%dma_start3A_239, %dma_start3A_240] : memref<1x80xi32, #tpu.memory_space<vmem>> -> memref<1x80xi32, #tpu.memory_space<vmem>>
    %dma_start3A_242 = tpu.memref_squeeze %dma_start3A_241 : memref<1x80xi32, #tpu.memory_space<vmem>> -> memref<80xi32, #tpu.memory_space<vmem>>
    %dma_start3A_243 = arith.constant 0 : i32
    %dma_start3A_244 = arith.constant 0 : i32
    %dma_start3A_245 = tpu.memref_slice %arg16[%dma_start3A_243, %dma_start3A_244] : memref<10112x128xf32, #tpu.memory_space<vmem_shared>> -> memref<10112x128xf32, #tpu.memory_space<vmem_shared>>
    tpu.enqueue_indirect_dma source(%arg8 : memref<80x128xf32, #tpu.memory_space<vmem>>) target(%dma_start3A_245 : memref<10112x128xf32, #tpu.memory_space<vmem_shared>>) offsets(%dma_start3A_242 : memref<80xi32, #tpu.memory_space<vmem>>) semaphore(%arg21 : memref<!tpu.dma_semaphore, #tpu.memory_space<semaphore_mem>>) {add = true}
    %dma_wait3A_246 = arith.constant 0 : i32
    %dma_wait3A_247 = arith.constant 0 : i32
    %dma_wait3A_248 = tpu.memref_slice %arg11[%dma_wait3A_246, %dma_wait3A_247] : memref<1x80xi32, #tpu.memory_space<vmem>> -> memref<1x80xi32, #tpu.memory_space<vmem>>
    %dma_wait3A_249 = tpu.memref_squeeze %dma_wait3A_248 : memref<1x80xi32, #tpu.memory_space<vmem>> -> memref<80xi32, #tpu.memory_space<vmem>>
    %dma_wait3A_250 = arith.constant 0 : i32
    %dma_wait3A_251 = arith.constant 0 : i32
    %dma_wait3A_252 = tpu.memref_slice %arg16[%dma_wait3A_250, %dma_wait3A_251] : memref<10112x128xf32, #tpu.memory_space<vmem_shared>> -> memref<10112x128xf32, #tpu.memory_space<vmem_shared>>
    tpu.wait_indirect_dma semaphore(%arg20 : memref<!tpu.dma_semaphore, #tpu.memory_space<semaphore_mem>>) src(%arg7 : memref<80x128xf32, #tpu.memory_space<vmem>>) dst(%dma_wait3A_252 : memref<10112x128xf32, #tpu.memory_space<vmem_shared>>)
    %dma_wait3A_253 = arith.constant 0 : i32
    %dma_wait3A_254 = arith.constant 0 : i32
    %dma_wait3A_255 = tpu.memref_slice %arg13[%dma_wait3A_253, %dma_wait3A_254] : memref<1x80xi32, #tpu.memory_space<vmem>> -> memref<1x80xi32, #tpu.memory_space<vmem>>
    %dma_wait3A_256 = tpu.memref_squeeze %dma_wait3A_255 : memref<1x80xi32, #tpu.memory_space<vmem>> -> memref<80xi32, #tpu.memory_space<vmem>>
    %dma_wait3A_257 = arith.constant 0 : i32
    %dma_wait3A_258 = arith.constant 0 : i32
    %dma_wait3A_259 = tpu.memref_slice %arg16[%dma_wait3A_257, %dma_wait3A_258] : memref<10112x128xf32, #tpu.memory_space<vmem_shared>> -> memref<10112x128xf32, #tpu.memory_space<vmem_shared>>
    tpu.wait_indirect_dma semaphore(%arg21 : memref<!tpu.dma_semaphore, #tpu.memory_space<semaphore_mem>>) src(%arg8 : memref<80x128xf32, #tpu.memory_space<vmem>>) dst(%dma_wait3A_259 : memref<10112x128xf32, #tpu.memory_space<vmem_shared>>)
    %dma_wait3A_260 = arith.constant 0 : i32
    %dma_wait3A_261 = arith.constant 0 : i32
    %dma_wait3A_262 = tpu.memref_slice %arg15[%dma_wait3A_260, %dma_wait3A_261] : memref<1x80xi32, #tpu.memory_space<vmem>> -> memref<1x80xi32, #tpu.memory_space<vmem>>
    %dma_wait3A_263 = tpu.memref_squeeze %dma_wait3A_262 : memref<1x80xi32, #tpu.memory_space<vmem>> -> memref<80xi32, #tpu.memory_space<vmem>>
    %dma_wait3A_264 = arith.constant 0 : i32
    %dma_wait3A_265 = arith.constant 0 : i32
    %dma_wait3A_266 = tpu.memref_slice %arg16[%dma_wait3A_264, %dma_wait3A_265] : memref<10112x128xf32, #tpu.memory_space<vmem_shared>> -> memref<10112x128xf32, #tpu.memory_space<vmem_shared>>
    tpu.wait_indirect_dma semaphore(%arg22 : memref<!tpu.dma_semaphore, #tpu.memory_space<semaphore_mem>>) src(%arg9 : memref<80x128xf32, #tpu.memory_space<vmem>>) dst(%dma_wait3A_266 : memref<10112x128xf32, #tpu.memory_space<vmem_shared>>)
    %barrier3A_267 = arith.constant 0 : index
    tpu.barrier barrier_id(%barrier3A_267)
    %mul3A_268 = arith.constant 632 : i32
    %mul3A_269 = arith.muli %arg1, %mul3A_268 : i32
    %mul3A_270 = arith.constant 632 : i32
    %mul3A_271 = arith.muli %arg1, %mul3A_270 : i32
    "tpu.region"() ({
      %run_scoped3A_272 = tpu.sem_alloc : memref<!tpu.dma_semaphore, #tpu.memory_space<semaphore_mem>>
      %dma_start3A_273 = arith.constant 0 : i32
      %dma_start3A_274 = tpu.memref_slice %arg5[%arg0, %mul3A_271, %dma_start3A_273] : memref<2x10112x128xf32, #tpu.memory_space<hbm>> -> memref<1x632x128xf32, #tpu.memory_space<hbm>>
      %dma_start3A_275 = tpu.memref_squeeze %dma_start3A_274 : memref<1x632x128xf32, #tpu.memory_space<hbm>> -> memref<632x128xf32, #tpu.memory_space<hbm>>
      %dma_start3A_276 = arith.constant 0 : i32
      %dma_start3A_277 = tpu.memref_slice %arg16[%mul3A_269, %dma_start3A_276] : memref<10112x128xf32, #tpu.memory_space<vmem_shared>> -> memref<632x128xf32, #tpu.memory_space<vmem_shared>>
      tpu.enqueue_dma source(%dma_start3A_277 : memref<632x128xf32, #tpu.memory_space<vmem_shared>>) target(%dma_start3A_275 : memref<632x128xf32, #tpu.memory_space<hbm>>) target_semaphore(%run_scoped3A_272 : memref<!tpu.dma_semaphore, #tpu.memory_space<semaphore_mem>>)
      %dma_wait3A_278 = arith.constant 0 : i32
      %dma_wait3A_279 = tpu.memref_slice %arg5[%arg0, %mul3A_271, %dma_wait3A_278] : memref<2x10112x128xf32, #tpu.memory_space<hbm>> -> memref<1x632x128xf32, #tpu.memory_space<hbm>>
      %dma_wait3A_280 = tpu.memref_squeeze %dma_wait3A_279 : memref<1x632x128xf32, #tpu.memory_space<hbm>> -> memref<632x128xf32, #tpu.memory_space<hbm>>
      %dma_wait3A_281 = arith.constant 0 : i32
      %dma_wait3A_282 = tpu.memref_slice %arg16[%mul3A_269, %dma_wait3A_281] : memref<10112x128xf32, #tpu.memory_space<vmem_shared>> -> memref<632x128xf32, #tpu.memory_space<vmem_shared>>
      tpu.wait_dma2 semaphore(%run_scoped3A_272 : memref<!tpu.dma_semaphore, #tpu.memory_space<semaphore_mem>>) src(%dma_wait3A_282 : memref<632x128xf32, #tpu.memory_space<vmem_shared>>) dst(%dma_wait3A_280 : memref<632x128xf32, #tpu.memory_space<hbm>>)
      tpu.yield
    }) : () -> ()
    return
  }
}

module attributes {stable_mosaic.version = 14 : i64} {
  func.func @_tc_emb_body(%arg0: memref<10000x128xf32, #tpu.memory_space<vmem>>, %arg1: memref<128x128xf32, #tpu.memory_space<vmem>>, %arg2: memref<128xf32, #tpu.memory_space<vmem>>, %arg3: memref<32x10000xf32, #tpu.memory_space<vmem>>, %arg4: memref<10000x128xf32, #tpu.memory_space<vmem>>, %arg5: memref<10000x128xf32, #tpu.memory_space<vmem>>, %arg6: memref<10000xf32, #tpu.memory_space<vmem>>, %arg7: memref<10000xf32, #tpu.memory_space<vmem>>) attributes {dimension_semantics = [], scalar_prefetch = 0 : i64, scratch_operands = 0 : i64, tpu.core_type = #tpu.core_type<tc>} {
    %get3A = arith.constant 0 : index
    %get3A_0 = arith.constant 0 : index
    %get3A_1 = vector.load %arg0[%get3A, %get3A_0] : memref<10000x128xf32, #tpu.memory_space<vmem>>, vector<10000x128xf32>
    %get3A_2 = arith.constant 0 : index
    %get3A_3 = arith.constant 0 : index
    %get3A_4 = vector.load %arg1[%get3A_2, %get3A_3] : memref<128x128xf32, #tpu.memory_space<vmem>>, vector<128x128xf32>
    %dot_general3A = arith.constant dense<0.000000e+00> : vector<10000x128xf32>
    %dot_general3A_5 = tpu.matmul %get3A_1, %get3A_4, %dot_general3A {dimension_numbers = #tpu.dot_dimension_numbers<[1], [0], [0], [1], [0, 0, 1, 1], [], []>, transpose_lhs_hint = false} : vector<10000x128xf32>, vector<128x128xf32>, vector<10000x128xf32> -> vector<10000x128xf32>
    %get3A_6 = arith.constant 0 : index
    %get3A_7 = vector.load %arg2[%get3A_6] : memref<128xf32, #tpu.memory_space<vmem>>, vector<128xf32>
    %broadcast_in_dim3A = vector.shape_cast %get3A_7 : vector<128xf32> to vector<1x128xf32>
    %add3A = vector.broadcast %broadcast_in_dim3A : vector<1x128xf32> to vector<10000x128xf32>
    %add3A_8 = arith.addf %dot_general3A_5, %add3A : vector<10000x128xf32>
    %get3A_9 = arith.constant 0 : index
    %get3A_10 = arith.constant 0 : index
    %get3A_11 = vector.load %arg3[%get3A_9, %get3A_10] : memref<32x10000xf32, #tpu.memory_space<vmem>>, vector<32x10000xf32>
    %reduce_sum3A = arith.constant dense<0.000000e+00> : vector<10000xf32>
    %reduce_sum3A_12 = vector.multi_reduction <add>, %get3A_11, %reduce_sum3A [0] : vector<32x10000xf32> to vector<10000xf32>
    %add3A_13 = arith.constant 1.000000e+00 : f32
    %add3A_14 = vector.broadcast %add3A_13 : f32 to vector<10000xf32>
    %add3A_15 = arith.addf %reduce_sum3A_12, %add3A_14 : vector<10000xf32>
    %rsqrt3A = math.rsqrt %add3A_15 : vector<10000xf32>
    %swap3A = arith.constant 0 : index
    %swap3A_16 = arith.constant 0 : index
    %swap3A_17 = vector.load %arg4[%swap3A, %swap3A_16] : memref<10000x128xf32, #tpu.memory_space<vmem>>, vector<10000x128xf32>
    tpu.vector_store %arg4[%swap3A, %swap3A_16], %add3A_8 {strides = array<i32>} : memref<10000x128xf32, #tpu.memory_space<vmem>>, vector<10000x128xf32>,
    %broadcast_in_dim3A_18 = vector.shape_cast %rsqrt3A : vector<10000xf32> to vector<10000x1xf32>
    %mul3A = vector.broadcast %broadcast_in_dim3A_18 : vector<10000x1xf32> to vector<10000x128xf32>
    %mul3A_19 = arith.mulf %add3A_8, %mul3A : vector<10000x128xf32>
    %swap3A_20 = arith.constant 0 : index
    %swap3A_21 = arith.constant 0 : index
    %swap3A_22 = vector.load %arg5[%swap3A_20, %swap3A_21] : memref<10000x128xf32, #tpu.memory_space<vmem>>, vector<10000x128xf32>
    tpu.vector_store %arg5[%swap3A_20, %swap3A_21], %mul3A_19 {strides = array<i32>} : memref<10000x128xf32, #tpu.memory_space<vmem>>, vector<10000x128xf32>,
    %swap3A_23 = arith.constant 0 : index
    %swap3A_24 = vector.load %arg6[%swap3A_23] : memref<10000xf32, #tpu.memory_space<vmem>>, vector<10000xf32>
    tpu.vector_store %arg6[%swap3A_23], %rsqrt3A {strides = array<i32>} : memref<10000xf32, #tpu.memory_space<vmem>>, vector<10000xf32>,
    %div3A = arith.constant 1.000000e+00 : f32
    %div3A_25 = vector.broadcast %div3A : f32 to vector<10000xf32>
    %div3A_26 = arith.divf %div3A_25, %add3A_15 : vector<10000xf32>
    %swap3A_27 = arith.constant 0 : index
    %swap3A_28 = vector.load %arg7[%swap3A_27] : memref<10000xf32, #tpu.memory_space<vmem>>, vector<10000xf32>
    tpu.vector_store %arg7[%swap3A_27], %div3A_26 {strides = array<i32>} : memref<10000xf32, #tpu.memory_space<vmem>>, vector<10000xf32>,
    return
  }
}

module attributes {stable_mosaic.version = 14 : i64} {
  func.func @_tc_s_body(%arg0: memref<32x10000xf32, #tpu.memory_space<vmem>>, %arg1: memref<10000xf32, #tpu.memory_space<vmem>>, %arg2: memref<10000xf32, #tpu.memory_space<vmem>>, %arg3: memref<10000xf32, #tpu.memory_space<vmem>>) attributes {dimension_semantics = [], scalar_prefetch = 0 : i64, scratch_operands = 0 : i64, tpu.core_type = #tpu.core_type<tc>} {
    %get3A = arith.constant 0 : index
    %get3A_0 = vector.load %arg1[%get3A] : memref<10000xf32, #tpu.memory_space<vmem>>, vector<10000xf32>
    %get3A_1 = arith.constant 0 : index
    %get3A_2 = arith.constant 0 : index
    %get3A_3 = vector.load %arg0[%get3A_1, %get3A_2] : memref<32x10000xf32, #tpu.memory_space<vmem>>, vector<32x10000xf32>
    %reduce_sum3A = arith.constant dense<0.000000e+00> : vector<10000xf32>
    %reduce_sum3A_4 = vector.multi_reduction <add>, %get3A_3, %reduce_sum3A [0] : vector<32x10000xf32> to vector<10000xf32>
    %mul3A = arith.mulf %get3A_0, %reduce_sum3A_4 : vector<10000xf32>
    %get3A_5 = arith.constant 0 : index
    %get3A_6 = vector.load %arg2[%get3A_5] : memref<10000xf32, #tpu.memory_space<vmem>>, vector<10000xf32>
    %add3A = arith.addf %mul3A, %get3A_6 : vector<10000xf32>
    %swap3A = arith.constant 0 : index
    %swap3A_7 = vector.load %arg3[%swap3A] : memref<10000xf32, #tpu.memory_space<vmem>>, vector<10000xf32>
    tpu.vector_store %arg3[%swap3A], %add3A {strides = array<i32>} : memref<10000xf32, #tpu.memory_space<vmem>>, vector<10000xf32>,
    return
  }
}

module attributes {stable_mosaic.version = 14 : i64} {
  func.func @_tc_step_body(%arg0: memref<2x10112x128xf32, #tpu.memory_space<vmem>>, %arg1: memref<10000x128xf32, #tpu.memory_space<vmem>>, %arg2: memref<10000xf32, #tpu.memory_space<vmem>>, %arg3: memref<10000xf32, #tpu.memory_space<vmem>>, %arg4: memref<10000xf32, #tpu.memory_space<vmem>>, %arg5: memref<128x128xf32, #tpu.memory_space<vmem>>, %arg6: memref<128xf32, #tpu.memory_space<vmem>>, %arg7: memref<128xf32, #tpu.memory_space<vmem>>, %arg8: memref<10000x128xf32, #tpu.memory_space<vmem>>, %arg9: memref<10000x128xf32, #tpu.memory_space<vmem>>) attributes {dimension_semantics = [], scalar_prefetch = 0 : i64, scratch_operands = 0 : i64, tpu.core_type = #tpu.core_type<tc>} {
    %get3A = arith.constant 0 : index
    %get3A_0 = vector.load %arg2[%get3A] : memref<10000xf32, #tpu.memory_space<vmem>>, vector<10000xf32>
    %get3A_1 = arith.constant 0 : index
    %get3A_2 = arith.constant 0 : index
    %get3A_3 = vector.load %arg1[%get3A_1, %get3A_2] : memref<10000x128xf32, #tpu.memory_space<vmem>>, vector<10000x128xf32>
    %get3A_4 = arith.constant 0 : index
    %get3A_5 = arith.constant 0 : index
    %get3A_6 = arith.constant 0 : index
    %get3A_7 = vector.load %arg0[%get3A_4, %get3A_5, %get3A_6] : memref<2x10112x128xf32, #tpu.memory_space<vmem>>, vector<1x10000x128xf32>
    %get3A_8 = vector.shape_cast %get3A_7 : vector<1x10000x128xf32> to vector<10000x128xf32>
    %get3A_9 = arith.constant 1 : index
    %get3A_10 = arith.constant 0 : index
    %get3A_11 = arith.constant 0 : index
    %get3A_12 = vector.load %arg0[%get3A_9, %get3A_10, %get3A_11] : memref<2x10112x128xf32, #tpu.memory_space<vmem>>, vector<1x10000x128xf32>
    %get3A_13 = vector.shape_cast %get3A_12 : vector<1x10000x128xf32> to vector<10000x128xf32>
    %add3A = arith.addf %get3A_8, %get3A_13 : vector<10000x128xf32>
    %broadcast_in_dim3A = vector.shape_cast %get3A_0 : vector<10000xf32> to vector<10000x1xf32>
    %mul3A = vector.broadcast %broadcast_in_dim3A : vector<10000x1xf32> to vector<10000x128xf32>
    %mul3A_14 = arith.mulf %mul3A, %add3A : vector<10000x128xf32>
    %get3A_15 = arith.constant 0 : index
    %get3A_16 = vector.load %arg3[%get3A_15] : memref<10000xf32, #tpu.memory_space<vmem>>, vector<10000xf32>
    %broadcast_in_dim3A_17 = vector.shape_cast %get3A_16 : vector<10000xf32> to vector<10000x1xf32>
    %mul3A_18 = vector.broadcast %broadcast_in_dim3A_17 : vector<10000x1xf32> to vector<10000x128xf32>
    %mul3A_19 = arith.mulf %mul3A_18, %get3A_3 : vector<10000x128xf32>
    %add3A_20 = arith.addf %mul3A_14, %mul3A_19 : vector<10000x128xf32>
    %get3A_21 = arith.constant 0 : index
    %get3A_22 = arith.constant 0 : index
    %get3A_23 = vector.load %arg5[%get3A_21, %get3A_22] : memref<128x128xf32, #tpu.memory_space<vmem>>, vector<128x128xf32>
    %dot_general3A = arith.constant dense<0.000000e+00> : vector<10000x128xf32>
    %dot_general3A_24 = tpu.matmul %add3A_20, %get3A_23, %dot_general3A {dimension_numbers = #tpu.dot_dimension_numbers<[1], [0], [0], [1], [0, 0, 1, 1], [], []>, transpose_lhs_hint = false} : vector<10000x128xf32>, vector<128x128xf32>, vector<10000x128xf32> -> vector<10000x128xf32>
    %get3A_25 = arith.constant 0 : index
    %get3A_26 = vector.load %arg4[%get3A_25] : memref<10000xf32, #tpu.memory_space<vmem>>, vector<10000xf32>
    %mul3A_27 = arith.constant 0.000000e+00 : f32
    %mul3A_28 = vector.broadcast %mul3A_27 : f32 to vector<10000xf32>
    %mul3A_29 = arith.mulf %mul3A_28, %get3A_26 : vector<10000xf32>
    %broadcast_in_dim3A_30 = vector.shape_cast %mul3A_29 : vector<10000xf32> to vector<10000x1xf32>
    %get3A_31 = arith.constant 0 : index
    %get3A_32 = vector.load %arg6[%get3A_31] : memref<128xf32, #tpu.memory_space<vmem>>, vector<128xf32>
    %broadcast_in_dim3A_33 = vector.shape_cast %get3A_32 : vector<128xf32> to vector<1x128xf32>
    %mul3A_34 = vector.broadcast %broadcast_in_dim3A_30 : vector<10000x1xf32> to vector<10000x128xf32>
    %mul3A_35 = vector.broadcast %broadcast_in_dim3A_33 : vector<1x128xf32> to vector<10000x128xf32>
    %mul3A_36 = arith.mulf %mul3A_34, %mul3A_35 : vector<10000x128xf32>
    %add3A_37 = arith.addf %dot_general3A_24, %mul3A_36 : vector<10000x128xf32>
    %get3A_38 = arith.constant 0 : index
    %get3A_39 = vector.load %arg7[%get3A_38] : memref<128xf32, #tpu.memory_space<vmem>>, vector<128xf32>
    %broadcast_in_dim3A_40 = vector.shape_cast %get3A_39 : vector<128xf32> to vector<1x128xf32>
    %add3A_41 = vector.broadcast %broadcast_in_dim3A_40 : vector<1x128xf32> to vector<10000x128xf32>
    %add3A_42 = arith.addf %add3A_37, %add3A_41 : vector<10000x128xf32>
    %mul3A_43 = arith.constant 0.333333343 : f32
    %mul3A_44 = vector.broadcast %mul3A_43 : f32 to vector<10000x128xf32>
    %mul3A_45 = arith.mulf %mul3A_44, %add3A_42 : vector<10000x128xf32>
    %add3A_46 = arith.addf %get3A_3, %mul3A_45 : vector<10000x128xf32>
    %swap3A = arith.constant 0 : index
    %swap3A_47 = arith.constant 0 : index
    %swap3A_48 = vector.load %arg8[%swap3A, %swap3A_47] : memref<10000x128xf32, #tpu.memory_space<vmem>>, vector<10000x128xf32>
    tpu.vector_store %arg8[%swap3A, %swap3A_47], %add3A_46 {strides = array<i32>} : memref<10000x128xf32, #tpu.memory_space<vmem>>, vector<10000x128xf32>,
    %broadcast_in_dim3A_49 = vector.shape_cast %get3A_0 : vector<10000xf32> to vector<10000x1xf32>
    %mul3A_50 = vector.broadcast %broadcast_in_dim3A_49 : vector<10000x1xf32> to vector<10000x128xf32>
    %mul3A_51 = arith.mulf %add3A_46, %mul3A_50 : vector<10000x128xf32>
    %swap3A_52 = arith.constant 0 : index
    %swap3A_53 = arith.constant 0 : index
    %swap3A_54 = vector.load %arg9[%swap3A_52, %swap3A_53] : memref<10000x128xf32, #tpu.memory_space<vmem>>, vector<10000x128xf32>
    tpu.vector_store %arg9[%swap3A_52, %swap3A_53], %mul3A_51 {strides = array<i32>} : memref<10000x128xf32, #tpu.memory_space<vmem>>, vector<10000x128xf32>,
    return
  }
}

module attributes {stable_mosaic.version = 14 : i64} {
  func.func @_tc_step_body(%arg0: memref<2x10112x128xf32, #tpu.memory_space<vmem>>, %arg1: memref<10000x128xf32, #tpu.memory_space<vmem>>, %arg2: memref<10000xf32, #tpu.memory_space<vmem>>, %arg3: memref<10000xf32, #tpu.memory_space<vmem>>, %arg4: memref<10000xf32, #tpu.memory_space<vmem>>, %arg5: memref<128x128xf32, #tpu.memory_space<vmem>>, %arg6: memref<128xf32, #tpu.memory_space<vmem>>, %arg7: memref<128xf32, #tpu.memory_space<vmem>>, %arg8: memref<10000x128xf32, #tpu.memory_space<vmem>>, %arg9: memref<10000x128xf32, #tpu.memory_space<vmem>>) attributes {dimension_semantics = [], scalar_prefetch = 0 : i64, scratch_operands = 0 : i64, tpu.core_type = #tpu.core_type<tc>} {
    %get3A = arith.constant 0 : index
    %get3A_0 = vector.load %arg2[%get3A] : memref<10000xf32, #tpu.memory_space<vmem>>, vector<10000xf32>
    %get3A_1 = arith.constant 0 : index
    %get3A_2 = arith.constant 0 : index
    %get3A_3 = vector.load %arg1[%get3A_1, %get3A_2] : memref<10000x128xf32, #tpu.memory_space<vmem>>, vector<10000x128xf32>
    %get3A_4 = arith.constant 0 : index
    %get3A_5 = arith.constant 0 : index
    %get3A_6 = arith.constant 0 : index
    %get3A_7 = vector.load %arg0[%get3A_4, %get3A_5, %get3A_6] : memref<2x10112x128xf32, #tpu.memory_space<vmem>>, vector<1x10000x128xf32>
    %get3A_8 = vector.shape_cast %get3A_7 : vector<1x10000x128xf32> to vector<10000x128xf32>
    %get3A_9 = arith.constant 1 : index
    %get3A_10 = arith.constant 0 : index
    %get3A_11 = arith.constant 0 : index
    %get3A_12 = vector.load %arg0[%get3A_9, %get3A_10, %get3A_11] : memref<2x10112x128xf32, #tpu.memory_space<vmem>>, vector<1x10000x128xf32>
    %get3A_13 = vector.shape_cast %get3A_12 : vector<1x10000x128xf32> to vector<10000x128xf32>
    %add3A = arith.addf %get3A_8, %get3A_13 : vector<10000x128xf32>
    %broadcast_in_dim3A = vector.shape_cast %get3A_0 : vector<10000xf32> to vector<10000x1xf32>
    %mul3A = vector.broadcast %broadcast_in_dim3A : vector<10000x1xf32> to vector<10000x128xf32>
    %mul3A_14 = arith.mulf %mul3A, %add3A : vector<10000x128xf32>
    %get3A_15 = arith.constant 0 : index
    %get3A_16 = vector.load %arg3[%get3A_15] : memref<10000xf32, #tpu.memory_space<vmem>>, vector<10000xf32>
    %broadcast_in_dim3A_17 = vector.shape_cast %get3A_16 : vector<10000xf32> to vector<10000x1xf32>
    %mul3A_18 = vector.broadcast %broadcast_in_dim3A_17 : vector<10000x1xf32> to vector<10000x128xf32>
    %mul3A_19 = arith.mulf %mul3A_18, %get3A_3 : vector<10000x128xf32>
    %add3A_20 = arith.addf %mul3A_14, %mul3A_19 : vector<10000x128xf32>
    %get3A_21 = arith.constant 0 : index
    %get3A_22 = arith.constant 0 : index
    %get3A_23 = vector.load %arg5[%get3A_21, %get3A_22] : memref<128x128xf32, #tpu.memory_space<vmem>>, vector<128x128xf32>
    %dot_general3A = arith.constant dense<0.000000e+00> : vector<10000x128xf32>
    %dot_general3A_24 = tpu.matmul %add3A_20, %get3A_23, %dot_general3A {dimension_numbers = #tpu.dot_dimension_numbers<[1], [0], [0], [1], [0, 0, 1, 1], [], []>, transpose_lhs_hint = false} : vector<10000x128xf32>, vector<128x128xf32>, vector<10000x128xf32> -> vector<10000x128xf32>
    %get3A_25 = arith.constant 0 : index
    %get3A_26 = vector.load %arg4[%get3A_25] : memref<10000xf32, #tpu.memory_space<vmem>>, vector<10000xf32>
    %mul3A_27 = arith.constant 0.333333343 : f32
    %mul3A_28 = vector.broadcast %mul3A_27 : f32 to vector<10000xf32>
    %mul3A_29 = arith.mulf %mul3A_28, %get3A_26 : vector<10000xf32>
    %broadcast_in_dim3A_30 = vector.shape_cast %mul3A_29 : vector<10000xf32> to vector<10000x1xf32>
    %get3A_31 = arith.constant 0 : index
    %get3A_32 = vector.load %arg6[%get3A_31] : memref<128xf32, #tpu.memory_space<vmem>>, vector<128xf32>
    %broadcast_in_dim3A_33 = vector.shape_cast %get3A_32 : vector<128xf32> to vector<1x128xf32>
    %mul3A_34 = vector.broadcast %broadcast_in_dim3A_30 : vector<10000x1xf32> to vector<10000x128xf32>
    %mul3A_35 = vector.broadcast %broadcast_in_dim3A_33 : vector<1x128xf32> to vector<10000x128xf32>
    %mul3A_36 = arith.mulf %mul3A_34, %mul3A_35 : vector<10000x128xf32>
    %add3A_37 = arith.addf %dot_general3A_24, %mul3A_36 : vector<10000x128xf32>
    %get3A_38 = arith.constant 0 : index
    %get3A_39 = vector.load %arg7[%get3A_38] : memref<128xf32, #tpu.memory_space<vmem>>, vector<128xf32>
    %broadcast_in_dim3A_40 = vector.shape_cast %get3A_39 : vector<128xf32> to vector<1x128xf32>
    %add3A_41 = vector.broadcast %broadcast_in_dim3A_40 : vector<1x128xf32> to vector<10000x128xf32>
    %add3A_42 = arith.addf %add3A_37, %add3A_41 : vector<10000x128xf32>
    %mul3A_43 = arith.constant 0.333333343 : f32
    %mul3A_44 = vector.broadcast %mul3A_43 : f32 to vector<10000x128xf32>
    %mul3A_45 = arith.mulf %mul3A_44, %add3A_42 : vector<10000x128xf32>
    %add3A_46 = arith.addf %get3A_3, %mul3A_45 : vector<10000x128xf32>
    %swap3A = arith.constant 0 : index
    %swap3A_47 = arith.constant 0 : index
    %swap3A_48 = vector.load %arg8[%swap3A, %swap3A_47] : memref<10000x128xf32, #tpu.memory_space<vmem>>, vector<10000x128xf32>
    tpu.vector_store %arg8[%swap3A, %swap3A_47], %add3A_46 {strides = array<i32>} : memref<10000x128xf32, #tpu.memory_space<vmem>>, vector<10000x128xf32>,
    %broadcast_in_dim3A_49 = vector.shape_cast %get3A_0 : vector<10000xf32> to vector<10000x1xf32>
    %mul3A_50 = vector.broadcast %broadcast_in_dim3A_49 : vector<10000x1xf32> to vector<10000x128xf32>
    %mul3A_51 = arith.mulf %add3A_46, %mul3A_50 : vector<10000x128xf32>
    %swap3A_52 = arith.constant 0 : index
    %swap3A_53 = arith.constant 0 : index
    %swap3A_54 = vector.load %arg9[%swap3A_52, %swap3A_53] : memref<10000x128xf32, #tpu.memory_space<vmem>>, vector<10000x128xf32>
    tpu.vector_store %arg9[%swap3A_52, %swap3A_53], %mul3A_51 {strides = array<i32>} : memref<10000x128xf32, #tpu.memory_space<vmem>>, vector<10000x128xf32>,
    return
  }
}

module attributes {stable_mosaic.version = 14 : i64} {
  func.func @_tc_step_body(%arg0: memref<2x10112x128xf32, #tpu.memory_space<vmem>>, %arg1: memref<10000x128xf32, #tpu.memory_space<vmem>>, %arg2: memref<10000xf32, #tpu.memory_space<vmem>>, %arg3: memref<10000xf32, #tpu.memory_space<vmem>>, %arg4: memref<10000xf32, #tpu.memory_space<vmem>>, %arg5: memref<128x128xf32, #tpu.memory_space<vmem>>, %arg6: memref<128xf32, #tpu.memory_space<vmem>>, %arg7: memref<128xf32, #tpu.memory_space<vmem>>, %arg8: memref<10000x128xf32, #tpu.memory_space<vmem>>, %arg9: memref<10000x128xf32, #tpu.memory_space<vmem>>) attributes {dimension_semantics = [], scalar_prefetch = 0 : i64, scratch_operands = 0 : i64, tpu.core_type = #tpu.core_type<tc>} {
    %get3A = arith.constant 0 : index
    %get3A_0 = vector.load %arg2[%get3A] : memref<10000xf32, #tpu.memory_space<vmem>>, vector<10000xf32>
    %get3A_1 = arith.constant 0 : index
    %get3A_2 = arith.constant 0 : index
    %get3A_3 = vector.load %arg1[%get3A_1, %get3A_2] : memref<10000x128xf32, #tpu.memory_space<vmem>>, vector<10000x128xf32>
    %get3A_4 = arith.constant 0 : index
    %get3A_5 = arith.constant 0 : index
    %get3A_6 = arith.constant 0 : index
    %get3A_7 = vector.load %arg0[%get3A_4, %get3A_5, %get3A_6] : memref<2x10112x128xf32, #tpu.memory_space<vmem>>, vector<1x10000x128xf32>
    %get3A_8 = vector.shape_cast %get3A_7 : vector<1x10000x128xf32> to vector<10000x128xf32>
    %get3A_9 = arith.constant 1 : index
    %get3A_10 = arith.constant 0 : index
    %get3A_11 = arith.constant 0 : index
    %get3A_12 = vector.load %arg0[%get3A_9, %get3A_10, %get3A_11] : memref<2x10112x128xf32, #tpu.memory_space<vmem>>, vector<1x10000x128xf32>
    %get3A_13 = vector.shape_cast %get3A_12 : vector<1x10000x128xf32> to vector<10000x128xf32>
    %add3A = arith.addf %get3A_8, %get3A_13 : vector<10000x128xf32>
    %broadcast_in_dim3A = vector.shape_cast %get3A_0 : vector<10000xf32> to vector<10000x1xf32>
    %mul3A = vector.broadcast %broadcast_in_dim3A : vector<10000x1xf32> to vector<10000x128xf32>
    %mul3A_14 = arith.mulf %mul3A, %add3A : vector<10000x128xf32>
    %get3A_15 = arith.constant 0 : index
    %get3A_16 = vector.load %arg3[%get3A_15] : memref<10000xf32, #tpu.memory_space<vmem>>, vector<10000xf32>
    %broadcast_in_dim3A_17 = vector.shape_cast %get3A_16 : vector<10000xf32> to vector<10000x1xf32>
    %mul3A_18 = vector.broadcast %broadcast_in_dim3A_17 : vector<10000x1xf32> to vector<10000x128xf32>
    %mul3A_19 = arith.mulf %mul3A_18, %get3A_3 : vector<10000x128xf32>
    %add3A_20 = arith.addf %mul3A_14, %mul3A_19 : vector<10000x128xf32>
    %get3A_21 = arith.constant 0 : index
    %get3A_22 = arith.constant 0 : index
    %get3A_23 = vector.load %arg5[%get3A_21, %get3A_22] : memref<128x128xf32, #tpu.memory_space<vmem>>, vector<128x128xf32>
    %dot_general3A = arith.constant dense<0.000000e+00> : vector<10000x128xf32>
    %dot_general3A_24 = tpu.matmul %add3A_20, %get3A_23, %dot_general3A {dimension_numbers = #tpu.dot_dimension_numbers<[1], [0], [0], [1], [0, 0, 1, 1], [], []>, transpose_lhs_hint = false} : vector<10000x128xf32>, vector<128x128xf32>, vector<10000x128xf32> -> vector<10000x128xf32>
    %get3A_25 = arith.constant 0 : index
    %get3A_26 = vector.load %arg4[%get3A_25] : memref<10000xf32, #tpu.memory_space<vmem>>, vector<10000xf32>
    %mul3A_27 = arith.constant 0.666666686 : f32
    %mul3A_28 = vector.broadcast %mul3A_27 : f32 to vector<10000xf32>
    %mul3A_29 = arith.mulf %mul3A_28, %get3A_26 : vector<10000xf32>
    %broadcast_in_dim3A_30 = vector.shape_cast %mul3A_29 : vector<10000xf32> to vector<10000x1xf32>
    %get3A_31 = arith.constant 0 : index
    %get3A_32 = vector.load %arg6[%get3A_31] : memref<128xf32, #tpu.memory_space<vmem>>, vector<128xf32>
    %broadcast_in_dim3A_33 = vector.shape_cast %get3A_32 : vector<128xf32> to vector<1x128xf32>
    %mul3A_34 = vector.broadcast %broadcast_in_dim3A_30 : vector<10000x1xf32> to vector<10000x128xf32>
    %mul3A_35 = vector.broadcast %broadcast_in_dim3A_33 : vector<1x128xf32> to vector<10000x128xf32>
    %mul3A_36 = arith.mulf %mul3A_34, %mul3A_35 : vector<10000x128xf32>
    %add3A_37 = arith.addf %dot_general3A_24, %mul3A_36 : vector<10000x128xf32>
    %get3A_38 = arith.constant 0 : index
    %get3A_39 = vector.load %arg7[%get3A_38] : memref<128xf32, #tpu.memory_space<vmem>>, vector<128xf32>
    %broadcast_in_dim3A_40 = vector.shape_cast %get3A_39 : vector<128xf32> to vector<1x128xf32>
    %add3A_41 = vector.broadcast %broadcast_in_dim3A_40 : vector<1x128xf32> to vector<10000x128xf32>
    %add3A_42 = arith.addf %add3A_37, %add3A_41 : vector<10000x128xf32>
    %mul3A_43 = arith.constant 0.333333343 : f32
    %mul3A_44 = vector.broadcast %mul3A_43 : f32 to vector<10000x128xf32>
    %mul3A_45 = arith.mulf %mul3A_44, %add3A_42 : vector<10000x128xf32>
    %add3A_46 = arith.addf %get3A_3, %mul3A_45 : vector<10000x128xf32>
    %swap3A = arith.constant 0 : index
    %swap3A_47 = arith.constant 0 : index
    %swap3A_48 = vector.load %arg8[%swap3A, %swap3A_47] : memref<10000x128xf32, #tpu.memory_space<vmem>>, vector<10000x128xf32>
    tpu.vector_store %arg8[%swap3A, %swap3A_47], %add3A_46 {strides = array<i32>} : memref<10000x128xf32, #tpu.memory_space<vmem>>, vector<10000x128xf32>,
    %broadcast_in_dim3A_49 = vector.shape_cast %get3A_0 : vector<10000xf32> to vector<10000x1xf32>
    %mul3A_50 = vector.broadcast %broadcast_in_dim3A_49 : vector<10000x1xf32> to vector<10000x128xf32>
    %mul3A_51 = arith.mulf %add3A_46, %mul3A_50 : vector<10000x128xf32>
    %swap3A_52 = arith.constant 0 : index
    %swap3A_53 = arith.constant 0 : index
    %swap3A_54 = vector.load %arg9[%swap3A_52, %swap3A_53] : memref<10000x128xf32, #tpu.memory_space<vmem>>, vector<10000x128xf32>
    tpu.vector_store %arg9[%swap3A_52, %swap3A_53], %mul3A_51 {strides = array<i32>} : memref<10000x128xf32, #tpu.memory_space<vmem>>, vector<10000x128xf32>,
    return
  }
}

</mosaic_0001>

<sc_bundles>
// kernel: kernel.12.cloned.1.call-start
scs
__scs_entry_jumppad:
0x0: {  	(pc) =	sbr.rel $0x88, $3  }
0x1: {  	(tag) =	ssettag $0x0;
	lr =	simm.s32 $0x1  }
0x2: {  	[smem:$0x3F9B] =	sst lr;
	_ =	strace $0xD0000000  }
0x3: {  	_ = 	snop  }
0x4: {  	_ = 	snop  }
0x5: {  	_ = 	snop  }
0x6: {  	_ = 	snop  }
0x7: {  	_ = 	snop  }
__scs_overlays_trampoline_lowered:
0x8: {  	[smem:$0x3FAA] =	sst s0  }
0x9: {  	[smem:$0x3FAB] =	sst s1  }
0xa: {  	[smem:$0x3FAC] =	sst s2  }
0xb: {  	[smem:$0x3FAD] =	sst s3  }
0xc: {  	[smem:$0x3FAE] =	sst s4  }
0xd: {  	[smem:$0x3FAF] =	sst s5  }
0xe: {  	[smem:$0x3FB0] =	sst s6  }
0xf: {  	[smem:$0x3FB1] =	sst s7  }
0x10: {  	[smem:$0x3FB2] =	sst s8  }
0x11: {  	[smem:$0x3FB3] =	sst s9;
	s0 =	simm.s32 @!p0 $0x0  }
0x12: {  	s1 =	sld [smem:$0x3F99];
	s0 =	simm.s32 @p0 $0x1  }
0x13: {  	[smem:$0x3FB4] =	sst s0;
	s0 =	simm.s32 @!p1 $0x0  }
0x14: {  	s2 =	sld [smem:$0x3F98];
	s0 =	simm.s32 @p1 $0x1  }
0x15: {  	[smem:$0x3FB5] =	sst s0;
	s0 =	simm.s32 @!p2 $0x0  }
0x16: {  	s3 =	sld [smem:$0x3FDB];
	s0 =	simm.s32 @p2 $0x1  }
0x17: {  	s4 =	simm.s32 $0x1BF5;
	[smem:$0x3FB7] =	sst s0  }
0x18: {  	s0 =	sld [smem:$0x3F9A];
	_ =	swait.ge [sflag:s4], $0x0  }
0x19: {  	s7 =	sld [smem:$0x3F9B]  }
0x1a: {  	s8 =	sadd.s32 $0xFFFFE003, lr  }
0x1b: {  	s9 =	sadd.s32 $0xFFFFFEF7, lr;
	s5 =	simm.s32 $0xFFFFFFFF;
	p2 =	slt.u32 s8, $0xFFFFF086  }
0x1c: {  	p1 =	slt.u32 s9, $0xF7A;
	s5 =	simm.s32 @!p2 $0x0  }
0x1d: {  	s5 =	simm.s32 @p1 $0x1;
	p0 =	seq.s32 s7, s2  }
0x1e: {  	s7 =	smul.u32 @!p0 $0xF7A, s2;
	p2 =	seq.s32 @!p0 s5, $0x0  }
0x1f: {  	s9 =	smul.u32 $0xF7A, s1;
	s8 =	simm.s32 @!p0 $0x1BF5;
	p2 =	por !p2, p0  }
0x20: {  	[sflag:s8] =	ssyncset.s32 @!p0 $0xFFFFF086;
	s6 =	sadd.s32 @!p0 s3, s7;
	s7 =	simm.s32 @!p0 $0x108  }
0x21: {  	s3 =	sadd.s32 s3, s9;
	s6 =	sadd.s32 @!p0 $0x88, s6;
	s7 =	simm.s32 @p2 $0x1082  }
0x22: {  	[simem:s7], [sflag:s8] =	dma.local @!p0 [hbm:s6], $0xF7A  }
0x23: {  	s9 =	sor.u32 $0xD0000000, s2;
	s6 =	simm.s32 $0x108;
	_ =	swait.ge @!p0 [sflag:s8], $0x0  }
0x24: {  	s3 =	sadd.s32 $0x88, s3;
	s6 =	simm.s32 @!p1 $0x1082;
	[sflag:s4] =	ssyncset.s32 $0xFFFFF086  }
0x25: {  	[simem:s6], [sflag:s4] =	dma.local [hbm:s3], $0xF7A  }
0x26: {  	[smem:$0x3F9B] =	sst s1;
	(tag) =	ssettag s2;
	_ =	strace s9  }
0x27: {  	s1 =	sld [smem:$0x3FAB]  }
0x28: {  	s2 =	sld [smem:$0x3FAC]  }
0x29: {  	s4 =	sld [smem:$0x3FAE]  }
0x2a: {  	p0 =	seq.s32 s5, $0x0;
	s5 =	sld [smem:$0x3FAF]  }
0x2b: {  	s6 =	sld [smem:$0x3FB0]  }
0x2c: {  	s7 =	sld [smem:$0x3FB1]  }
0x2d: {  	s3 =	simm.s32 $0x108;
	s8 =	sld [smem:$0x3FB2]  }
0x2e: {  	s3 =	simm.s32 @!p0 $0x1082;
	s9 =	sld [smem:$0x3FB3]  }
0x2f: {  	lr =	sadd.s32 s0, s3;
	s0 =	sld [smem:$0x3FAA]  }
0x30: {  	s3 =	sld [smem:$0x3FAD]  }
0x31: {  	[smem:$0x3FB6] =	sst s10  }
0x32: {  	s10 =	sld [smem:$0x3FB4];
	_ =	sdelay $0x3  }
0x33: {  	p0 =	seq.s32 s10, $0x1;
	s10 =	sld [smem:$0x3FB6];
	_ =	sdelay $0x3  }
0x34: {  	[smem:$0x3FB6] =	sst s10  }
0x35: {  	s10 =	sld [smem:$0x3FB5];
	_ =	sdelay $0x3  }
0x36: {  	p1 =	seq.s32 s10, $0x1;
	s10 =	sld [smem:$0x3FB6];
	_ =	sdelay $0x3  }
0x37: {  	[smem:$0x3FB6] =	sst s10  }
0x38: {  	s10 =	sld [smem:$0x3FB7]  }
0x39: {  	_ = 	snop;
	(pc) =	sbr.ind lr, $3  }
0x3a: {  	_ = 	snop  }
0x3b: {  	_ = 	snop  }
0x3c: {  	p2 =	seq.s32 s10, $0x1;
	s10 =	sld [smem:$0x3FB6]  }
0x3d: {  	_ =	shalt  }
0x3e: {  	_ =	shalt  }
0x3f: {  	_ =	shalt  }
0x40: {  	_ =	shalt  }
0x41: {  	_ =	shalt  }
0x42: {  	_ =	shalt  }
0x43: {  	_ =	shalt  }
0x44: {  	_ =	shalt  }
0x45: {  	_ =	shalt  }
0x46: {  	_ =	shalt  }
0x47: {  	_ =	shalt  }
0x48: {  	_ =	shalt  }
0x49: {  	_ =	shalt  }
0x4a: {  	_ =	shalt  }
0x4b: {  	_ =	shalt  }
0x4c: {  	_ =	shalt  }
0x4d: {  	_ =	shalt  }
0x4e: {  	_ =	shalt  }
0x4f: {  	_ =	shalt  }
0x50: {  	_ =	shalt  }
0x51: {  	_ =	shalt  }
0x52: {  	_ =	shalt  }
0x53: {  	_ =	shalt  }
0x54: {  	_ =	shalt  }
0x55: {  	_ =	shalt  }
0x56: {  	_ =	shalt  }
0x57: {  	_ =	shalt  }
0x58: {  	_ =	shalt  }
0x59: {  	_ =	shalt  }
0x5a: {  	_ =	shalt  }
0x5b: {  	_ =	shalt  }
0x5c: {  	_ =	shalt  }
0x5d: {  	_ =	shalt  }
0x5e: {  	_ =	shalt  }
0x5f: {  	_ =	shalt  }
0x60: {  	_ =	shalt  }
0x61: {  	_ =	shalt  }
0x62: {  	_ =	shalt  }
0x63: {  	_ =	shalt  }
0x64: {  	_ =	shalt  }
0x65: {  	_ =	shalt  }
0x66: {  	_ =	shalt  }
0x67: {  	_ =	shalt  }
0x68: {  	_ =	shalt  }
0x69: {  	_ =	shalt  }
0x6a: {  	_ =	shalt  }
0x6b: {  	_ =	shalt  }
0x6c: {  	_ =	shalt  }
0x6d: {  	_ =	shalt  }
0x6e: {  	_ =	shalt  }
0x6f: {  	_ =	shalt  }
0x70: {  	_ =	shalt  }
0x71: {  	_ =	shalt  }
0x72: {  	_ =	shalt  }
0x73: {  	_ =	shalt  }
0x74: {  	_ =	shalt  }
0x75: {  	_ =	shalt  }
0x76: {  	_ =	shalt  }
0x77: {  	_ =	shalt  }
0x78: {  	_ =	shalt  }
0x79: {  	_ =	shalt  }
0x7a: {  	_ =	shalt  }
0x7b: {  	_ =	shalt  }
0x7c: {  	_ =	shalt  }
0x7d: {  	_ =	shalt  }
0x7e: {  	_ =	shalt  }
0x7f: {  	_ =	shalt  }
0x80: {  	_ =	shalt  }
0x81: {  	_ =	shalt  }
0x82: {  	_ =	shalt  }
0x83: {  	_ =	shalt  }
0x84: {  	_ =	shalt  }
0x85: {  	_ =	shalt  }
0x86: {  	_ =	shalt  }
0x87: {  	_ =	shalt  }
.Lfunc_end0:
.L_simem_size_0:
called_computation_lowered:
.L_overlay_start_0:
0x88: {  	s2 =	sld [smem:$0x3FD9]  }
0x89: {  	s3 =	sld [smem:$0x3FFE];
	_ =	sdelay $0x1  }
0x8a: {  	s1 =	srdreg.scid  }
0x8b: {  	s0 =	sand.u32 $0x1, s1  }
0x8c: {  	s17 =	sshll.u32 s0, $0xA;
	s2 =	sadd.s32 s3, s2  }
0x8d: {  	s2 =	sadd.s32 s2, s17  }
0x8e: {  	[smem:$0x3FC2] =	sst s2  }
0x8f: {  	_ = 	snop  }
0x90: {  	s2 =	sld [smem:$0x3FD0];
	(tm) =	ssettm $0x1  }
0x91: {  	s18 =	sld [smem:$0x3FFB];
	_ =	sdelay $0x3  }
0x92: {  	_ =	strace s18  }
0x93: {  	s3 =	sld [smem:$0x3FFC];
	_ =	sdelay $0x3  }
0x94: {  	_ =	strace s3  }
0x95: {  	s3 =	sld [smem:$0x3FFD];
	_ =	sdelay $0x3  }
0x96: {  	_ =	strace s3  }
0x97: {  	_ =	strace $0x8FFFFFFF  }
0x98: {  	s19 =	sld [smem:$0x3FDB];
	_ =	sdelay $0x1  }
0x99: {  	s4 =	simm.s32 $_scs_section_size  }
0x9a: {  	s5 =	simm.s32 $_size__tile_overlayer_lowered;
	s6 =	simm.s32 $_tile_overlayer_lowered  }
0x9b: {  	s22 =	simm.s32 $0x1BFF;
	s21 =	sshll.u32 s6, $0x1;
	s3 =	sadd.s32 s4, s19  }
0x9c: {  	s7 =	simm.s32 $0x0;
	s20 =	sshll.u32 s5, $0x1;
	s5 =	sadd.s32 s21, s3  }
0x9d: {  	[timem:s7], [sflag:s22] =	dma.local [hbm:s5], s20  }
0x9e: {  	_ =	swait.ge [sflag:s22], s20  }
0x9f: {  	s4 =	ssub.s32 $0x0, s20;
	[sflag:s22] =	ssyncset.done $0x0  }
0xa0: {  	[sflag:s22] =	ssyncadd.s32 s4;
	_ =	sdelay $0x1  }
0xa1: {  	s23 =	simm.s32 $0x1B8B  }
0xa2: {  	_ =	swait.ge [sflag:s23], $0x1  }
0xa3: {  	[sflag:s23] =	ssyncset.done $0x0  }
0xa4: {  	s25 =	simm.s32 $0x1B8E;
	s24 =	sld [smem:$0x3FFE];
	[sflag:s23] =	ssyncadd.s32 $0xFFFFFFFF  }
0xa5: {  	s26 =	simm.s32 $execute0_lowered;
	[smem:$0x3FD2] =	sst s25  }
0xa6: {  	s5 =	sshll.u32 s26, $0x1;
	_ =	strace $0x80000046;
	[dreg:$0x1] =	wrdreg $0xFFFFFFFF  }
0xa7: {  	s28 =	simm.s32 $_size_execute0_lowered;
	s3 =	sadd.s32 s3, s5;
	[dreg:$0x0] =	wrdreg $0x0  }
0xa8: {  	s5 =	sshll.u32 s28, $0x1;
	[dreg:$0x2] =	wrdreg s3  }
0xa9: {  	[dreg:$0x3] =	wrdreg s5  }
0xaa: {  	[dreg:$0x4] =	wrdreg $0xC0  }
0xab: {  	_ =	task [dreg:s7], $0x5FFFF  }
0xac: {  	[dreg:$0x1] =	wrdreg $0xFFFFFFFF  }
0xad: {  	[dreg:$0x0] =	wrdreg $0x60  }
0xae: {  	[dreg:$0x2] =	wrdreg s24  }
0xaf: {  	[dreg:$0x3] =	wrdreg s2  }
0xb0: {  	[dreg:$0x4] =	wrdreg $0x9  }
0xb1: {  	_ =	task.clear_ibuf [dreg:s7], $0x5FFFF;
	_ =	strace $0x90000046  }
0xb2: {  	s29 =	simm.s32 $0x9;
	_ =	strace $0x80000048  }
0xb3: {  	_ =	swait.ge [sflag:s29], $0x1  }
0xb4: {  	[sflag:s29] =	ssyncadd.s32 $0xFFFFFFFF  }
0xb5: {  	_ =	strace $0x90000048  }
0xb6: {  	_ =	sfence  }
0xb7: {  	s30 =	sld [smem:$0x0];
	_ =	sdelay $0x2  }
0xb8: {  	s31 =	sshll.u32 s1, $0xD;
	s1 =	sshrl.u32 s1, $0x2  }
0xb9: {  	s3 =	sand.u32 $0x4000, s31;
	s1 =	sadd.s32 s1, s30  }
0xba: {  	s0 =	sor.u32 s3, s0;
	s1 =	sshll.u32 s1, $0x11  }
0xbb: {  	s0 =	sor.u32 s1, s0  }
0xbc: {  	s0 =	sadd.s32 $0x8F2B, s0  }
0xbd: {  	[sflag:s0] =	ssyncadd.remote.s32 $0x1  }
0xbe: {  	_ =	sfence.sel $0xFFFF  }
0xbf: {  	[dreg:$0x0] =	wrdreg $0xFFFFFFFF;
	(pc) =	sbr.abs _section_cstart, $3  }
0xc0: {  	[dreg:$0x1] =	wrdreg $0xFFFFFFFF  }
0xc1: {  	_ =	task.clear_ibuf [dreg:s7], $0x2FFFF;
	_ =	strace $0x9FFFFFFF  }
0xc2: {  	(tm) =	ssettm $0x7FFFFFFF  }
0xc3: {  	_ =	shalt  }
tec
execute0_lowered:
.L_overlay_start_1:
0x0: {  	(tag) =	ssettag $0x1  }
0x1: {  	s0 =	srdreg.scid  }
0x2: {  	s3 =	rddreg [dreg:$0x0];
	s4 =	sand.u32 $0x1, s0  }
0x3: {  	s5 =	rddreg [dreg:$0x1];
	s1 =	stileid.u32;
	s2 =	sshll.u32 s4, $0x4  }
0x4: {  	s0 =	rddreg [dreg:$0x2];
	s6 =	sor.u32 s1, s2  }
0x5: {  	s4 =	ssub.s32 $0x2, s4;
	s2 =	simm.s32 $0x0;
	s7 =	smul.u32 $0x4E2, s6  }
0x6: {  	s8 =	sshrl.u32 s4, $0x1;
	[smem:$0x7FF] =	sst s2;
	s6 =	smul.u32 $0x4F0, s6  }
0x7: {  	s31 =	ssub.s32 s4, s8;
	s8 =	simm.s32 $0x0;
	_ =	strace $0x80000047  }
0x8: {  	s3 =	sadd.s32 s7, s3;
	s4 =	sadd.s32 s5, s6;
	s5 =	smax.u32 s31, $0x1  }
0x9: {  	v0 =	vimm.f32 $0.0e+00;
	v1 =	vimm.f32 $1.000000000e+00;
	s6 =	simm.s32 $0x1;
	s7 =	simm.s32 $0x2780;
	s3 =	sadd.s32 $0xC600, s3  }
.LBB2_1:
0xa: {  	[tilespmem:s2], [sflag:$0x1] =	stream.linear.gather [hbm4b:s3+s2], $0x2710, $0x38;
	[tilespmem:$0x4F00] =	vst v63  }
0xb: {  	_ =	swait.ge [sflag:s6], $0x2710  }
0xc: {  	[sflag:s6] =	ssyncset.done $0x0  }
0xd: {  	s9 =	simm.s32 $0x0;
	[sflag:s6] =	ssyncadd.s32 $0xFFFFD8F0  }
.LBB2_2:
0xe: {  	p0 =	sne.s32 s9, $0x9C00  }
.Ltmp0:
0xf: {  	_ = 	snop;
	(pc) =	sbr.rel @p0 .LBB2_2-.Ltmp0, $3  }
0x10: {  	_ =	sdelay $0x1  }
0x11: {  	s10 =	sshra.s32 s9, $0x2  }
0x12: {  	s9 =	sadd.s32 $0x40, s9;
	[tilespmem:s10+$0x2780] =	vst v0  }
0x13: {  	s10 =	simm.s32 $0x0;
	s9 =	simm.s32 $0x40  }
.LBB2_4:
0x14: {  	p0 =	sne.s32 s9, $0x9C00;
	v2 =	vld [tilespmem:s10+$0x0];
	_ =	sdelay $0x3  }
.Ltmp1:
0x15: {  	(pc) =	sbr.rel @p0 .LBB2_4-.Ltmp1, $2  }
0x16: {  	_ =	sdelay $0x2  }
0x17: {  	s10 =	sshra.s32 s9, $0x2;
	s9 =	sadd.s32 $0x40, s9;
	[tilespmem:v2+s7+$0x0] =	vst.idx.add.f32.msk $0xffff, v1  }
0x18: {  	v2 =	vld [tilespmem:s10+$0x0];
	_ =	sdelay $0x5  }
0x19: {  	s8 =	sadd.s32 $0x1, s8  }
0x1a: {  	p0 =	sne.s32 s8, s5  }
.Ltmp2:
0x1b: {  	[tilespmem:v2+s7+$0x0] =	vst.idx.add.f32.msk $0xffff, v1;
	(pc) =	sbr.rel @p0 .LBB2_1-.Ltmp2, $4  }
0x1c: {  	[hbm4b:s4+s2] =	stream.linear.scatter [tilespmem:s7], [sflag:$0x1], $0x2780, $0x38;
	[tilespmem:$0x4F00] =	vst v63  }
0x1d: {  	_ =	swait.ge [sflag:s6], $0x2780  }
0x1e: {  	[sflag:s6] =	ssyncset.done $0x0  }
0x1f: {  	[sflag:s6] =	ssyncadd.s32 $0xFFFFD880  }
0x20: {  	_ =	sfence.sel $0x180000  }
0x21: {  	[bflag:$0x0] =	sbarrier.arrive $0xFFFF  }
0x22: {  	p0 =	sne.s32 s1, $0x0;
	_ =	strace $0x90000047  }
0x23: {  	s0 =	sadd.s32 @!p0 $0x100000, s0;
	[bflag:$0x2] =	sbarrier.arrive $0xFFFF  }
0x24: {  	[sflag:s0] =	ssyncadd.tile.s32 @!p0 $0x1;
	_ =	shalt  }
.Lfunc_end2:
_tile_overlayer_lowered:
.L_overlay_start_2:
0x25: {  	(tag) =	ssettag $0x2  }
0x26: {  	s0 =	rddreg [dreg:$0x0];
	s2 =	stileid.u32  }
0x27: {  	s1 =	rddreg [dreg:$0x1];
	p0 =	sne.s32 s2, $0x0  }
0x28: {  	s3 =	rddreg [dreg:$0x2];
	[bflag:$0x3] =	sbarrier.arrive $0xFFFF;
	s2 =	simm.s32 @!p0 $0x1C01  }
0x29: {  	[timem:s3], [sflag:s2] =	dma.local @!p0 [hbm:s0], s1  }
0x2a: {  	s0 =	simm.s32 @!p0 $0x1  }
0x2b: {  	_ =	swait.ge @!p0 [sflag:s0], s1  }
0x2c: {  	s1 =	ssub.s32 @!p0 $0x0, s1;
	[sflag:s0] =	ssyncset.done @!p0 $0x0  }
0x2d: {  	[sflag:s0] =	ssyncadd.s32 @!p0 s1  }
0x2e: {  	[bflag:$0x3] =	sbarrier.arrive $0xFFFF  }
0x2f: {  	_ =	shalt  }

// kernel: kernel.15.cloned.1.call-start
scs
__scs_entry_jumppad:
0x0: {  	(pc) =	sbr.rel $0x88, $3  }
0x1: {  	(tag) =	ssettag $0x0;
	lr =	simm.s32 $0x1  }
0x2: {  	[smem:$0x3F9B] =	sst lr;
	_ =	strace $0xD0000000  }
0x3: {  	_ = 	snop  }
0x4: {  	_ = 	snop  }
0x5: {  	_ = 	snop  }
0x6: {  	_ = 	snop  }
0x7: {  	_ = 	snop  }
__scs_overlays_trampoline_lowered:
0x8: {  	[smem:$0x3FAA] =	sst s0  }
0x9: {  	[smem:$0x3FAB] =	sst s1  }
0xa: {  	[smem:$0x3FAC] =	sst s2  }
0xb: {  	[smem:$0x3FAD] =	sst s3  }
0xc: {  	[smem:$0x3FAE] =	sst s4  }
0xd: {  	[smem:$0x3FAF] =	sst s5  }
0xe: {  	[smem:$0x3FB0] =	sst s6  }
0xf: {  	[smem:$0x3FB1] =	sst s7  }
0x10: {  	[smem:$0x3FB2] =	sst s8  }
0x11: {  	[smem:$0x3FB3] =	sst s9;
	s0 =	simm.s32 @!p0 $0x0  }
0x12: {  	s1 =	sld [smem:$0x3F99];
	s0 =	simm.s32 @p0 $0x1  }
0x13: {  	[smem:$0x3FB4] =	sst s0;
	s0 =	simm.s32 @!p1 $0x0  }
0x14: {  	s2 =	sld [smem:$0x3F98];
	s0 =	simm.s32 @p1 $0x1  }
0x15: {  	[smem:$0x3FB5] =	sst s0;
	s0 =	simm.s32 @!p2 $0x0  }
0x16: {  	s3 =	sld [smem:$0x3FDB];
	s0 =	simm.s32 @p2 $0x1  }
0x17: {  	s4 =	simm.s32 $0x1BF5;
	[smem:$0x3FB7] =	sst s0  }
0x18: {  	s0 =	sld [smem:$0x3F9A];
	_ =	swait.ge [sflag:s4], $0x0  }
0x19: {  	s7 =	sld [smem:$0x3F9B]  }
0x1a: {  	s8 =	sadd.s32 $0xFFFFE003, lr  }
0x1b: {  	s9 =	sadd.s32 $0xFFFFFEF7, lr;
	s5 =	simm.s32 $0xFFFFFFFF;
	p2 =	slt.u32 s8, $0xFFFFF086  }
0x1c: {  	p1 =	slt.u32 s9, $0xF7A;
	s5 =	simm.s32 @!p2 $0x0  }
0x1d: {  	s5 =	simm.s32 @p1 $0x1;
	p0 =	seq.s32 s7, s2  }
0x1e: {  	s7 =	smul.u32 @!p0 $0xF7A, s2;
	p2 =	seq.s32 @!p0 s5, $0x0  }
0x1f: {  	s9 =	smul.u32 $0xF7A, s1;
	s8 =	simm.s32 @!p0 $0x1BF5;
	p2 =	por !p2, p0  }
0x20: {  	[sflag:s8] =	ssyncset.s32 @!p0 $0xFFFFF086;
	s6 =	sadd.s32 @!p0 s3, s7;
	s7 =	simm.s32 @!p0 $0x108  }
0x21: {  	s3 =	sadd.s32 s3, s9;
	s6 =	sadd.s32 @!p0 $0x88, s6;
	s7 =	simm.s32 @p2 $0x1082  }
0x22: {  	[simem:s7], [sflag:s8] =	dma.local @!p0 [hbm:s6], $0xF7A  }
0x23: {  	s9 =	sor.u32 $0xD0000000, s2;
	s6 =	simm.s32 $0x108;
	_ =	swait.ge @!p0 [sflag:s8], $0x0  }
0x24: {  	s3 =	sadd.s32 $0x88, s3;
	s6 =	simm.s32 @!p1 $0x1082;
	[sflag:s4] =	ssyncset.s32 $0xFFFFF086  }
0x25: {  	[simem:s6], [sflag:s4] =	dma.local [hbm:s3], $0xF7A  }
0x26: {  	[smem:$0x3F9B] =	sst s1;
	(tag) =	ssettag s2;
	_ =	strace s9  }
0x27: {  	s1 =	sld [smem:$0x3FAB]  }
0x28: {  	s2 =	sld [smem:$0x3FAC]  }
0x29: {  	s4 =	sld [smem:$0x3FAE]  }
0x2a: {  	p0 =	seq.s32 s5, $0x0;
	s5 =	sld [smem:$0x3FAF]  }
0x2b: {  	s6 =	sld [smem:$0x3FB0]  }
0x2c: {  	s7 =	sld [smem:$0x3FB1]  }
0x2d: {  	s3 =	simm.s32 $0x108;
	s8 =	sld [smem:$0x3FB2]  }
0x2e: {  	s3 =	simm.s32 @!p0 $0x1082;
	s9 =	sld [smem:$0x3FB3]  }
0x2f: {  	lr =	sadd.s32 s0, s3;
	s0 =	sld [smem:$0x3FAA]  }
0x30: {  	s3 =	sld [smem:$0x3FAD]  }
0x31: {  	[smem:$0x3FB6] =	sst s10  }
0x32: {  	s10 =	sld [smem:$0x3FB4];
	_ =	sdelay $0x3  }
0x33: {  	p0 =	seq.s32 s10, $0x1;
	s10 =	sld [smem:$0x3FB6];
	_ =	sdelay $0x3  }
0x34: {  	[smem:$0x3FB6] =	sst s10  }
0x35: {  	s10 =	sld [smem:$0x3FB5];
	_ =	sdelay $0x3  }
0x36: {  	p1 =	seq.s32 s10, $0x1;
	s10 =	sld [smem:$0x3FB6];
	_ =	sdelay $0x3  }
0x37: {  	[smem:$0x3FB6] =	sst s10  }
0x38: {  	s10 =	sld [smem:$0x3FB7]  }
0x39: {  	_ = 	snop;
	(pc) =	sbr.ind lr, $3  }
0x3a: {  	_ = 	snop  }
0x3b: {  	_ = 	snop  }
0x3c: {  	p2 =	seq.s32 s10, $0x1;
	s10 =	sld [smem:$0x3FB6]  }
0x3d: {  	_ =	shalt  }
0x3e: {  	_ =	shalt  }
0x3f: {  	_ =	shalt  }
0x40: {  	_ =	shalt  }
0x41: {  	_ =	shalt  }
0x42: {  	_ =	shalt  }
0x43: {  	_ =	shalt  }
0x44: {  	_ =	shalt  }
0x45: {  	_ =	shalt  }
0x46: {  	_ =	shalt  }
0x47: {  	_ =	shalt  }
0x48: {  	_ =	shalt  }
0x49: {  	_ =	shalt  }
0x4a: {  	_ =	shalt  }
0x4b: {  	_ =	shalt  }
0x4c: {  	_ =	shalt  }
0x4d: {  	_ =	shalt  }
0x4e: {  	_ =	shalt  }
0x4f: {  	_ =	shalt  }
0x50: {  	_ =	shalt  }
0x51: {  	_ =	shalt  }
0x52: {  	_ =	shalt  }
0x53: {  	_ =	shalt  }
0x54: {  	_ =	shalt  }
0x55: {  	_ =	shalt  }
0x56: {  	_ =	shalt  }
0x57: {  	_ =	shalt  }
0x58: {  	_ =	shalt  }
0x59: {  	_ =	shalt  }
0x5a: {  	_ =	shalt  }
0x5b: {  	_ =	shalt  }
0x5c: {  	_ =	shalt  }
0x5d: {  	_ =	shalt  }
0x5e: {  	_ =	shalt  }
0x5f: {  	_ =	shalt  }
0x60: {  	_ =	shalt  }
0x61: {  	_ =	shalt  }
0x62: {  	_ =	shalt  }
0x63: {  	_ =	shalt  }
0x64: {  	_ =	shalt  }
0x65: {  	_ =	shalt  }
0x66: {  	_ =	shalt  }
0x67: {  	_ =	shalt  }
0x68: {  	_ =	shalt  }
0x69: {  	_ =	shalt  }
0x6a: {  	_ =	shalt  }
0x6b: {  	_ =	shalt  }
0x6c: {  	_ =	shalt  }
0x6d: {  	_ =	shalt  }
0x6e: {  	_ =	shalt  }
0x6f: {  	_ =	shalt  }
0x70: {  	_ =	shalt  }
0x71: {  	_ =	shalt  }
0x72: {  	_ =	shalt  }
0x73: {  	_ =	shalt  }
0x74: {  	_ =	shalt  }
0x75: {  	_ =	shalt  }
0x76: {  	_ =	shalt  }
0x77: {  	_ =	shalt  }
0x78: {  	_ =	shalt  }
0x79: {  	_ =	shalt  }
0x7a: {  	_ =	shalt  }
0x7b: {  	_ =	shalt  }
0x7c: {  	_ =	shalt  }
0x7d: {  	_ =	shalt  }
0x7e: {  	_ =	shalt  }
0x7f: {  	_ =	shalt  }
0x80: {  	_ =	shalt  }
0x81: {  	_ =	shalt  }
0x82: {  	_ =	shalt  }
0x83: {  	_ =	shalt  }
0x84: {  	_ =	shalt  }
0x85: {  	_ =	shalt  }
0x86: {  	_ =	shalt  }
0x87: {  	_ =	shalt  }
.Lfunc_end0:
.L_simem_size_0:
called_computation.1_lowered:
.L_overlay_start_0:
0x88: {  	s2 =	sld [smem:$0x3FD9]  }
0x89: {  	s3 =	sld [smem:$0x3FFE];
	_ =	sdelay $0x1  }
0x8a: {  	s1 =	srdreg.scid  }
0x8b: {  	s0 =	sand.u32 $0x1, s1  }
0x8c: {  	s16 =	sshll.u32 s0, $0xA;
	s2 =	sadd.s32 s3, s2  }
0x8d: {  	s2 =	sadd.s32 s2, s16  }
0x8e: {  	[smem:$0x3FC2] =	sst s2  }
0x8f: {  	_ = 	snop  }
0x90: {  	(tm) =	ssettm $0x1  }
0x91: {  	s17 =	sld [smem:$0x3FFB];
	_ =	sdelay $0x3  }
0x92: {  	_ =	strace s17  }
0x93: {  	s2 =	sld [smem:$0x3FFC];
	_ =	sdelay $0x3  }
0x94: {  	_ =	strace s2  }
0x95: {  	s2 =	sld [smem:$0x3FFD];
	_ =	sdelay $0x3  }
0x96: {  	_ =	strace s2  }
0x97: {  	_ =	strace $0x8FFFFFFF  }
0x98: {  	s18 =	sld [smem:$0x3FDB];
	_ =	sdelay $0x1  }
0x99: {  	s19 =	simm.s32 $_scs_section_size  }
0x9a: {  	s4 =	simm.s32 $_size__tile_overlayer_lowered;
	s5 =	simm.s32 $_tile_overlayer_lowered  }
0x9b: {  	s22 =	simm.s32 $0x1BFF;
	s21 =	sshll.u32 s5, $0x1;
	s2 =	sadd.s32 s19, s18  }
0x9c: {  	s6 =	simm.s32 $0x0;
	s20 =	sshll.u32 s4, $0x1;
	s4 =	sadd.s32 s21, s2  }
0x9d: {  	[timem:s6], [sflag:s22] =	dma.local [hbm:s4], s20  }
0x9e: {  	_ =	swait.ge [sflag:s22], s20  }
0x9f: {  	s3 =	ssub.s32 $0x0, s20;
	[sflag:s22] =	ssyncset.done $0x0  }
0xa0: {  	[sflag:s22] =	ssyncadd.s32 s3;
	_ =	sdelay $0x1  }
0xa1: {  	s23 =	simm.s32 $0x1B8B  }
0xa2: {  	_ =	swait.ge [sflag:s23], $0x1  }
0xa3: {  	[sflag:s23] =	ssyncset.done $0x0  }
0xa4: {  	s25 =	simm.s32 $0x1B8E;
	s24 =	sld [smem:$0x3FFE];
	[sflag:s23] =	ssyncadd.s32 $0xFFFFFFFF  }
0xa5: {  	s26 =	simm.s32 $execute0_lowered;
	[smem:$0x3FD2] =	sst s25  }
0xa6: {  	s4 =	sshll.u32 s26, $0x1;
	_ =	strace $0x80000049;
	[dreg:$0x1] =	wrdreg $0xFFFFFFFF  }
0xa7: {  	s28 =	simm.s32 $_size_execute0_lowered;
	s2 =	sadd.s32 s2, s4;
	[dreg:$0x0] =	wrdreg $0x0  }
0xa8: {  	s4 =	sshll.u32 s28, $0x1;
	[dreg:$0x2] =	wrdreg s2  }
0xa9: {  	[dreg:$0x3] =	wrdreg s4  }
0xaa: {  	[dreg:$0x4] =	wrdreg $0xC0  }
0xab: {  	_ =	task [dreg:s6], $0x5FFFF  }
0xac: {  	[dreg:$0x1] =	wrdreg $0xFFFFFFFF  }
0xad: {  	[dreg:$0x0] =	wrdreg $0x60  }
0xae: {  	[dreg:$0x2] =	wrdreg s24  }
0xaf: {  	[dreg:$0x3] =	wrdreg $0x9  }
0xb0: {  	_ =	task.clear_ibuf [dreg:s6], $0x4FFFF;
	_ =	strace $0x90000049  }
0xb1: {  	s29 =	simm.s32 $0x9;
	_ =	strace $0x8000004B  }
0xb2: {  	_ =	swait.ge [sflag:s29], $0x1  }
0xb3: {  	[sflag:s29] =	ssyncadd.s32 $0xFFFFFFFF  }
0xb4: {  	_ =	strace $0x9000004B  }
0xb5: {  	_ =	sfence  }
0xb6: {  	s30 =	sld [smem:$0x0];
	_ =	sdelay $0x2  }
0xb7: {  	s31 =	sshll.u32 s1, $0xD;
	s1 =	sshrl.u32 s1, $0x2  }
0xb8: {  	s3 =	sand.u32 $0x4000, s31;
	s1 =	sadd.s32 s1, s30  }
0xb9: {  	s0 =	sor.u32 s3, s0;
	s1 =	sshll.u32 s1, $0x11  }
0xba: {  	s0 =	sor.u32 s1, s0  }
0xbb: {  	s0 =	sadd.s32 $0x8F2B, s0  }
0xbc: {  	[sflag:s0] =	ssyncadd.remote.s32 $0x1  }
0xbd: {  	_ =	sfence.sel $0xFFFF  }
0xbe: {  	[dreg:$0x0] =	wrdreg $0xFFFFFFFF;
	(pc) =	sbr.abs _section_cstart, $3  }
0xbf: {  	[dreg:$0x1] =	wrdreg $0xFFFFFFFF  }
0xc0: {  	_ =	task.clear_ibuf [dreg:s6], $0x2FFFF;
	_ =	strace $0x9FFFFFFF  }
0xc1: {  	(tm) =	ssettm $0x7FFFFFFF  }
tec
execute0_lowered:
.L_overlay_start_1:
0x0: {  	(tag) =	ssettag $0x1  }
0x1: {  	s0 =	srdreg.scid;
	s4 =	rddreg [dreg:$0x0];
	s2 =	simm.s32 $0x0  }
0x2: {  	s10 =	simm.s32 $0x4F00;
	s11 =	simm.s32 $0x7680;
	s3 =	sand.u32 $0x1, s0  }
0x3: {  	s12 =	simm.s32 $0x0;
	s0 =	stileid.u32;
	s1 =	sshll.u32 s3, $0x4  }
0x4: {  	[smem:$0x7FF] =	sst s2;
	s7 =	ssub.s32 $0x2, s3;
	s5 =	sor.u32 s0, s1  }
0x5: {  	s3 =	sadd.s32 $0x16400, s4;
	s1 =	rddreg [dreg:$0x1];
	s6 =	smul.u32 $0x4E2, s5  }
0x6: {  	_ =	strace $0x8000004A;
	s8 =	sshrl.u32 s7, $0x1;
	s5 =	smul.u32 $0x4F0, s5  }
0x7: {  	s7 =	ssub.s32 s7, s8;
	s8 =	simm.s32 $0x1;
	s6 =	sadd.s32 s6, s4  }
0x8: {  	s7 =	smax.u32 s7, $0x1;
	s9 =	sadd.s32 s5, s4;
	s4 =	sadd.s32 $0x2800, s6  }
0x9: {  	v0 =	vimm.f32 $0.0e+00;
	s5 =	sadd.s32 $0xC600, s6;
	s6 =	sadd.s32 $0x3DC00, s9;
	s9 =	simm.s32 $0x2780  }
.LBB2_1:
0xa: {  	[tilespmem:s2], [sflag:$0x1] =	stream.linear.gather [hbm4b:s4+s2], $0x2710, $0x38;
	[tilespmem:$0x9E00] =	vst v63  }
0xb: {  	_ =	swait.ge [sflag:s8], $0x2710  }
0xc: {  	[sflag:s8] =	ssyncset.done $0x0  }
0xd: {  	[sflag:s8] =	ssyncadd.s32 $0xFFFFD8F0  }
0xe: {  	[tilespmem:s9], [sflag:$0x1] =	stream.linear.gather [hbm4b:s5+s2], $0x2710, $0x38;
	[tilespmem:$0x9E00] =	vst v63  }
0xf: {  	_ =	swait.ge [sflag:s8], $0x2710  }
0x10: {  	[sflag:s8] =	ssyncset.done $0x0  }
0x11: {  	[sflag:s8] =	ssyncadd.s32 $0xFFFFD8F0  }
0x12: {  	[tilespmem:s10], [sflag:$0x1] =	stream.linear.gather [hbm4b:s3+s2], $0x2780, $0x38;
	[tilespmem:$0x9E00] =	vst v63  }
0x13: {  	_ =	swait.ge [sflag:s8], $0x2780  }
0x14: {  	[sflag:s8] =	ssyncset.done $0x0  }
0x15: {  	s13 =	simm.s32 $0x0;
	[sflag:s8] =	ssyncadd.s32 $0xFFFFD880  }
.LBB2_2:
0x16: {  	p0 =	sne.s32 s13, $0x9C00  }
.Ltmp0:
0x17: {  	_ = 	snop;
	(pc) =	sbr.rel @p0 .LBB2_2-.Ltmp0, $3  }
0x18: {  	_ =	sdelay $0x1  }
0x19: {  	s14 =	sshra.s32 s13, $0x2  }
0x1a: {  	s13 =	sadd.s32 $0x40, s13;
	[tilespmem:s14+$0x7680] =	vst v0  }
0x1b: {  	s14 =	simm.s32 $0x0;
	s13 =	simm.s32 $0x40  }
.LBB2_4:
0x1c: {  	p0 =	sne.s32 s13, $0x9C00;
	v1 =	vld [tilespmem:s14+$0x0];
	_ =	sdelay $0x5  }
0x1d: {  	v2 =	vld [tilespmem:s14+$0x2780];
	_ =	sdelay $0x1  }
0x1e: {  	v1 =	vld.idx.msk [tilespmem:v1+s10+$0x0], $0xffff;
	_ =	sdelay $0x1  }
.Ltmp1:
0x1f: {  	(pc) =	sbr.rel @p0 .LBB2_4-.Ltmp1, $2  }
0x20: {  	_ =	sdelay $0x2  }
0x21: {  	s14 =	sshra.s32 s13, $0x2;
	s13 =	sadd.s32 $0x40, s13;
	[tilespmem:v2+s11+$0x0] =	vst.idx.add.f32.msk $0xffff, v1  }
0x22: {  	v1 =	vld [tilespmem:s14+$0x0];
	_ =	sdelay $0x4  }
0x23: {  	v2 =	vld [tilespmem:s14+$0x2780];
	_ =	sdelay $0x2  }
0x24: {  	v1 =	vld.idx.msk [tilespmem:v1+s10+$0x0], $0xffff;
	_ =	sdelay $0x2  }
0x25: {  	s12 =	sadd.s32 $0x1, s12  }
0x26: {  	p0 =	sne.s32 s12, s7  }
.Ltmp2:
0x27: {  	[tilespmem:v2+s11+$0x0] =	vst.idx.add.f32.msk $0xffff, v1;
	(pc) =	sbr.rel @p0 .LBB2_1-.Ltmp2, $4  }
0x28: {  	[hbm4b:s6+s2] =	stream.linear.scatter [tilespmem:s11], [sflag:$0x1], $0x2780, $0x38;
	[tilespmem:$0x9E00] =	vst v63  }
0x29: {  	_ =	swait.ge [sflag:s8], $0x2780  }
0x2a: {  	[sflag:s8] =	ssyncset.done $0x0  }
0x2b: {  	[sflag:s8] =	ssyncadd.s32 $0xFFFFD880  }
0x2c: {  	_ =	sfence.sel $0x180000  }
0x2d: {  	[bflag:$0x0] =	sbarrier.arrive $0xFFFF  }
0x2e: {  	p0 =	sne.s32 s0, $0x0;
	_ =	strace $0x9000004A  }
0x2f: {  	s0 =	sadd.s32 @!p0 $0x100000, s1;
	[bflag:$0x2] =	sbarrier.arrive $0xFFFF  }
0x30: {  	[sflag:s0] =	ssyncadd.tile.s32 @!p0 $0x1;
	_ =	shalt  }
.Lfunc_end2:
_tile_overlayer_lowered:
.L_overlay_start_2:
0x31: {  	(tag) =	ssettag $0x2  }
0x32: {  	s0 =	rddreg [dreg:$0x0];
	s2 =	stileid.u32  }
0x33: {  	s1 =	rddreg [dreg:$0x1];
	p0 =	sne.s32 s2, $0x0  }
0x34: {  	s3 =	rddreg [dreg:$0x2];
	[bflag:$0x3] =	sbarrier.arrive $0xFFFF;
	s2 =	simm.s32 @!p0 $0x1C01  }
0x35: {  	[timem:s3], [sflag:s2] =	dma.local @!p0 [hbm:s0], s1  }
0x36: {  	s0 =	simm.s32 @!p0 $0x1  }
0x37: {  	_ =	swait.ge @!p0 [sflag:s0], s1  }
0x38: {  	s1 =	ssub.s32 @!p0 $0x0, s1;
	[sflag:s0] =	ssyncset.done @!p0 $0x0  }
0x39: {  	[sflag:s0] =	ssyncadd.s32 @!p0 s1  }
0x3a: {  	[bflag:$0x3] =	sbarrier.arrive $0xFFFF  }
0x3b: {  	_ =	shalt  }

// kernel: kernel.18.cloned.1.call-start
scs
__scs_entry_jumppad:
0x0: {  	(pc) =	sbr.rel $0x88, $3  }
0x1: {  	(tag) =	ssettag $0x0;
	lr =	simm.s32 $0x1  }
0x2: {  	[smem:$0x3F9B] =	sst lr;
	_ =	strace $0xD0000000  }
0x3: {  	_ = 	snop  }
0x4: {  	_ = 	snop  }
0x5: {  	_ = 	snop  }
0x6: {  	_ = 	snop  }
0x7: {  	_ = 	snop  }
__scs_overlays_trampoline_lowered:
0x8: {  	[smem:$0x3FAA] =	sst s0  }
0x9: {  	[smem:$0x3FAB] =	sst s1  }
0xa: {  	[smem:$0x3FAC] =	sst s2  }
0xb: {  	[smem:$0x3FAD] =	sst s3  }
0xc: {  	[smem:$0x3FAE] =	sst s4  }
0xd: {  	[smem:$0x3FAF] =	sst s5  }
0xe: {  	[smem:$0x3FB0] =	sst s6  }
0xf: {  	[smem:$0x3FB1] =	sst s7  }
0x10: {  	[smem:$0x3FB2] =	sst s8  }
0x11: {  	[smem:$0x3FB3] =	sst s9;
	s0 =	simm.s32 @!p0 $0x0  }
0x12: {  	s1 =	sld [smem:$0x3F99];
	s0 =	simm.s32 @p0 $0x1  }
0x13: {  	[smem:$0x3FB4] =	sst s0;
	s0 =	simm.s32 @!p1 $0x0  }
0x14: {  	s2 =	sld [smem:$0x3F98];
	s0 =	simm.s32 @p1 $0x1  }
0x15: {  	[smem:$0x3FB5] =	sst s0;
	s0 =	simm.s32 @!p2 $0x0  }
0x16: {  	s3 =	sld [smem:$0x3FDB];
	s0 =	simm.s32 @p2 $0x1  }
0x17: {  	s4 =	simm.s32 $0x1BF5;
	[smem:$0x3FB7] =	sst s0  }
0x18: {  	s0 =	sld [smem:$0x3F9A];
	_ =	swait.ge [sflag:s4], $0x0  }
0x19: {  	s7 =	sld [smem:$0x3F9B]  }
0x1a: {  	s8 =	sadd.s32 $0xFFFFE003, lr  }
0x1b: {  	s9 =	sadd.s32 $0xFFFFFEF7, lr;
	s5 =	simm.s32 $0xFFFFFFFF;
	p2 =	slt.u32 s8, $0xFFFFF086  }
0x1c: {  	p1 =	slt.u32 s9, $0xF7A;
	s5 =	simm.s32 @!p2 $0x0  }
0x1d: {  	s5 =	simm.s32 @p1 $0x1;
	p0 =	seq.s32 s7, s2  }
0x1e: {  	s7 =	smul.u32 @!p0 $0xF7A, s2;
	p2 =	seq.s32 @!p0 s5, $0x0  }
0x1f: {  	s9 =	smul.u32 $0xF7A, s1;
	s8 =	simm.s32 @!p0 $0x1BF5;
	p2 =	por !p2, p0  }
0x20: {  	[sflag:s8] =	ssyncset.s32 @!p0 $0xFFFFF086;
	s6 =	sadd.s32 @!p0 s3, s7;
	s7 =	simm.s32 @!p0 $0x108  }
0x21: {  	s3 =	sadd.s32 s3, s9;
	s6 =	sadd.s32 @!p0 $0x88, s6;
	s7 =	simm.s32 @p2 $0x1082  }
0x22: {  	[simem:s7], [sflag:s8] =	dma.local @!p0 [hbm:s6], $0xF7A  }
0x23: {  	s9 =	sor.u32 $0xD0000000, s2;
	s6 =	simm.s32 $0x108;
	_ =	swait.ge @!p0 [sflag:s8], $0x0  }
0x24: {  	s3 =	sadd.s32 $0x88, s3;
	s6 =	simm.s32 @!p1 $0x1082;
	[sflag:s4] =	ssyncset.s32 $0xFFFFF086  }
0x25: {  	[simem:s6], [sflag:s4] =	dma.local [hbm:s3], $0xF7A  }
0x26: {  	[smem:$0x3F9B] =	sst s1;
	(tag) =	ssettag s2;
	_ =	strace s9  }
0x27: {  	s1 =	sld [smem:$0x3FAB]  }
0x28: {  	s2 =	sld [smem:$0x3FAC]  }
0x29: {  	s4 =	sld [smem:$0x3FAE]  }
0x2a: {  	p0 =	seq.s32 s5, $0x0;
	s5 =	sld [smem:$0x3FAF]  }
0x2b: {  	s6 =	sld [smem:$0x3FB0]  }
0x2c: {  	s7 =	sld [smem:$0x3FB1]  }
0x2d: {  	s3 =	simm.s32 $0x108;
	s8 =	sld [smem:$0x3FB2]  }
0x2e: {  	s3 =	simm.s32 @!p0 $0x1082;
	s9 =	sld [smem:$0x3FB3]  }
0x2f: {  	lr =	sadd.s32 s0, s3;
	s0 =	sld [smem:$0x3FAA]  }
0x30: {  	s3 =	sld [smem:$0x3FAD]  }
0x31: {  	[smem:$0x3FB6] =	sst s10  }
0x32: {  	s10 =	sld [smem:$0x3FB4];
	_ =	sdelay $0x3  }
0x33: {  	p0 =	seq.s32 s10, $0x1;
	s10 =	sld [smem:$0x3FB6];
	_ =	sdelay $0x3  }
0x34: {  	[smem:$0x3FB6] =	sst s10  }
0x35: {  	s10 =	sld [smem:$0x3FB5];
	_ =	sdelay $0x3  }
0x36: {  	p1 =	seq.s32 s10, $0x1;
	s10 =	sld [smem:$0x3FB6];
	_ =	sdelay $0x3  }
0x37: {  	[smem:$0x3FB6] =	sst s10  }
0x38: {  	s10 =	sld [smem:$0x3FB7]  }
0x39: {  	_ = 	snop;
	(pc) =	sbr.ind lr, $3  }
0x3a: {  	_ = 	snop  }
0x3b: {  	_ = 	snop  }
0x3c: {  	p2 =	seq.s32 s10, $0x1;
	s10 =	sld [smem:$0x3FB6]  }
0x3d: {  	_ =	shalt  }
0x3e: {  	_ =	shalt  }
0x3f: {  	_ =	shalt  }
0x40: {  	_ =	shalt  }
0x41: {  	_ =	shalt  }
0x42: {  	_ =	shalt  }
0x43: {  	_ =	shalt  }
0x44: {  	_ =	shalt  }
0x45: {  	_ =	shalt  }
0x46: {  	_ =	shalt  }
0x47: {  	_ =	shalt  }
0x48: {  	_ =	shalt  }
0x49: {  	_ =	shalt  }
0x4a: {  	_ =	shalt  }
0x4b: {  	_ =	shalt  }
0x4c: {  	_ =	shalt  }
0x4d: {  	_ =	shalt  }
0x4e: {  	_ =	shalt  }
0x4f: {  	_ =	shalt  }
0x50: {  	_ =	shalt  }
0x51: {  	_ =	shalt  }
0x52: {  	_ =	shalt  }
0x53: {  	_ =	shalt  }
0x54: {  	_ =	shalt  }
0x55: {  	_ =	shalt  }
0x56: {  	_ =	shalt  }
0x57: {  	_ =	shalt  }
0x58: {  	_ =	shalt  }
0x59: {  	_ =	shalt  }
0x5a: {  	_ =	shalt  }
0x5b: {  	_ =	shalt  }
0x5c: {  	_ =	shalt  }
0x5d: {  	_ =	shalt  }
0x5e: {  	_ =	shalt  }
0x5f: {  	_ =	shalt  }
0x60: {  	_ =	shalt  }
0x61: {  	_ =	shalt  }
0x62: {  	_ =	shalt  }
0x63: {  	_ =	shalt  }
0x64: {  	_ =	shalt  }
0x65: {  	_ =	shalt  }
0x66: {  	_ =	shalt  }
0x67: {  	_ =	shalt  }
0x68: {  	_ =	shalt  }
0x69: {  	_ =	shalt  }
0x6a: {  	_ =	shalt  }
0x6b: {  	_ =	shalt  }
0x6c: {  	_ =	shalt  }
0x6d: {  	_ =	shalt  }
0x6e: {  	_ =	shalt  }
0x6f: {  	_ =	shalt  }
0x70: {  	_ =	shalt  }
0x71: {  	_ =	shalt  }
0x72: {  	_ =	shalt  }
0x73: {  	_ =	shalt  }
0x74: {  	_ =	shalt  }
0x75: {  	_ =	shalt  }
0x76: {  	_ =	shalt  }
0x77: {  	_ =	shalt  }
0x78: {  	_ =	shalt  }
0x79: {  	_ =	shalt  }
0x7a: {  	_ =	shalt  }
0x7b: {  	_ =	shalt  }
0x7c: {  	_ =	shalt  }
0x7d: {  	_ =	shalt  }
0x7e: {  	_ =	shalt  }
0x7f: {  	_ =	shalt  }
0x80: {  	_ =	shalt  }
0x81: {  	_ =	shalt  }
0x82: {  	_ =	shalt  }
0x83: {  	_ =	shalt  }
0x84: {  	_ =	shalt  }
0x85: {  	_ =	shalt  }
0x86: {  	_ =	shalt  }
0x87: {  	_ =	shalt  }
.Lfunc_end0:
.L_simem_size_0:
called_computation.2_lowered:
.L_overlay_start_0:
0x88: {  	s2 =	sld [smem:$0x3FD9]  }
0x89: {  	s3 =	sld [smem:$0x3FFE];
	_ =	sdelay $0x1  }
0x8a: {  	s1 =	srdreg.scid  }
0x8b: {  	s0 =	sand.u32 $0x1, s1  }
0x8c: {  	s17 =	sshll.u32 s0, $0xA;
	s2 =	sadd.s32 s3, s2  }
0x8d: {  	s2 =	sadd.s32 s2, s17  }
0x8e: {  	[smem:$0x3FC2] =	sst s2  }
0x8f: {  	_ = 	snop  }
0x90: {  	s18 =	sld [smem:$0x3FD0];
	(tm) =	ssettm $0x1  }
0x91: {  	s19 =	sld [smem:$0x3FFB];
	_ =	sdelay $0x3  }
0x92: {  	_ =	strace s19  }
0x93: {  	s2 =	sld [smem:$0x3FFC];
	_ =	sdelay $0x3  }
0x94: {  	_ =	strace s2  }
0x95: {  	s2 =	sld [smem:$0x3FFD];
	_ =	sdelay $0x3  }
0x96: {  	_ =	strace s2  }
0x97: {  	_ =	strace $0x8FFFFFFF  }
0x98: {  	s20 =	sld [smem:$0x3FDB];
	_ =	sdelay $0x1  }
0x99: {  	s4 =	simm.s32 $_scs_section_size  }
0x9a: {  	s5 =	simm.s32 $_size__tile_overlayer_lowered;
	s6 =	simm.s32 $_tile_overlayer_lowered  }
0x9b: {  	s7 =	simm.s32 $0x1BFF;
	s21 =	sshll.u32 s6, $0x1;
	s4 =	sadd.s32 s4, s20  }
0x9c: {  	s22 =	simm.s32 $0x0;
	s5 =	sshll.u32 s5, $0x1;
	s6 =	sadd.s32 s21, s4  }
0x9d: {  	[timem:s22], [sflag:s7] =	dma.local [hbm:s6], s5  }
0x9e: {  	_ =	swait.ge [sflag:s7], s5  }
0x9f: {  	s5 =	ssub.s32 $0x0, s5;
	[sflag:s7] =	ssyncset.done $0x0  }
0xa0: {  	[sflag:s7] =	ssyncadd.s32 s5;
	_ =	sdelay $0x1  }
0xa1: {  	s23 =	simm.s32 $0x1B8B  }
0xa2: {  	_ =	swait.ge [sflag:s23], $0x1  }
0xa3: {  	[sflag:s23] =	ssyncset.done $0x0  }
0xa4: {  	[sflag:s23] =	ssyncadd.s32 $0xFFFFFFFF  }
0xa5: {  	s5 =	sld [smem:$0x0]  }
0xa6: {  	s6 =	sand.u32 $0xFFFFFFFE, s1  }
0xa7: {  	p0 =	sne.s32 s1, s6  }
0xa8: {  	s6 =	sshll.u32 @p0 s6, $0xE  }
0xa9: {  	s6 =	sadd.s32 @p0 $0x11B8D, s6;
	s7 =	sshll.u32 @p0 s5, $0x11  }
0xaa: {  	s6 =	sor.u32 @p0 s7, s6  }
0xab: {  	[sflag:s6] =	ssyncadd.remote.s32 @p0 $0x1;
	_ =	sdelay $0x1  }
0xac: {  	s6 =	simm.s32 @p0 $0x1B8D  }
0xad: {  	_ =	swait.eq @p0 [sflag:s6], $0x1  }
0xae: {  	[sflag:s6] =	ssyncadd.s32 @p0 $0xFFFFFFFF  }
0xaf: {  	s7 =	sshll.u32 @!p0 s1, $0xE  }
0xb0: {  	s7 =	sor.u32 @!p0 $0x4000, s7;
	s6 =	simm.s32 @!p0 $0x1B8D  }
0xb1: {  	s5 =	sshll.u32 @!p0 s5, $0x11;
	s7 =	sadd.s32 @!p0 $0x11B8D, s7;
	_ =	swait.eq @!p0 [sflag:s6], $0x1  }
0xb2: {  	s5 =	sor.u32 @!p0 s5, s7;
	[sflag:s6] =	ssyncadd.s32 @!p0 $0xFFFFFFFF  }
0xb3: {  	s25 =	simm.s32 $0x1B8E;
	s24 =	sld [smem:$0x3FFE];
	[sflag:s5] =	ssyncadd.remote.s32 @!p0 $0x1  }
0xb4: {  	s26 =	simm.s32 $execute0_lowered;
	[smem:$0x3FD2] =	sst s25  }
0xb5: {  	s6 =	sshll.u32 s26, $0x1;
	_ =	strace $0x8000004C;
	[dreg:$0x1] =	wrdreg $0xFFFFFFFF  }
0xb6: {  	s28 =	simm.s32 $_size_execute0_lowered;
	s4 =	sadd.s32 s4, s6;
	[dreg:$0x0] =	wrdreg $0x0  }
0xb7: {  	s6 =	sshll.u32 s28, $0x1;
	[dreg:$0x2] =	wrdreg s4  }
0xb8: {  	[dreg:$0x3] =	wrdreg s6  }
0xb9: {  	[dreg:$0x4] =	wrdreg $0xC0  }
0xba: {  	_ =	task [dreg:s22], $0x5FFFF  }
0xbb: {  	[dreg:$0x1] =	wrdreg $0xFFFFFFFF  }
0xbc: {  	[dreg:$0x0] =	wrdreg $0x60  }
0xbd: {  	[dreg:$0x2] =	wrdreg s24  }
0xbe: {  	[dreg:$0x3] =	wrdreg s18  }
0xbf: {  	[dreg:$0x4] =	wrdreg $0xA2800  }
0xc0: {  	[dreg:$0x5] =	wrdreg $0xA  }
0xc1: {  	_ =	task.clear_ibuf [dreg:s22], $0x6FFFF;
	_ =	strace $0x9000004C  }
0xc2: {  	s29 =	simm.s32 $0xA;
	_ =	strace $0x8000004E  }
0xc3: {  	_ =	swait.ge [sflag:s29], $0x1  }
0xc4: {  	[sflag:s29] =	ssyncadd.s32 $0xFFFFFFFF  }
0xc5: {  	_ =	strace $0x9000004E  }
0xc6: {  	_ =	sfence  }
0xc7: {  	s30 =	sld [smem:$0x0];
	_ =	sdelay $0x2  }
0xc8: {  	s31 =	sshll.u32 s1, $0xD;
	s1 =	sshrl.u32 s1, $0x2  }
0xc9: {  	s4 =	sand.u32 $0x4000, s31;
	s1 =	sadd.s32 s1, s30  }
0xca: {  	s0 =	sor.u32 s4, s0;
	s1 =	sshll.u32 s1, $0x11  }
0xcb: {  	s0 =	sor.u32 s1, s0  }
0xcc: {  	s0 =	sadd.s32 $0x8F2B, s0  }
0xcd: {  	[sflag:s0] =	ssyncadd.remote.s32 $0x1  }
0xce: {  	_ =	sfence.sel $0xFFFF  }
0xcf: {  	[dreg:$0x0] =	wrdreg $0xFFFFFFFF;
	(pc) =	sbr.abs _section_cstart, $3  }
0xd0: {  	[dreg:$0x1] =	wrdreg $0xFFFFFFFF  }
0xd1: {  	_ =	task.clear_ibuf [dreg:s22], $0x2FFFF;
	_ =	strace $0x9FFFFFFF  }
0xd2: {  	(tm) =	ssettm $0x7FFFFFFF  }
0xd3: {  	_ =	shalt  }
tec
execute0_lowered:
.L_overlay_start_1:
0x0: {  	(tag) =	ssettag $0x1  }
0x1: {  	s0 =	rddreg [dreg:$0x0]  }
0x2: {  	s1 =	srdreg.scid;
	s7 =	rddreg [dreg:$0x1]  }
0x3: {  	s2 =	rddreg [dreg:$0x2];
	s3 =	stileid.u32;
	s5 =	simm.s32 $0x0  }
0x4: {  	s12 =	simm.s32 $0x50;
	s13 =	simm.s32 $0x9F80;
	s14 =	simm.s32 $0x2780  }
0x5: {  	s15 =	simm.s32 $0xA080;
	s16 =	simm.s32 $0x4F80;
	s17 =	simm.s32 $0x1  }
0x6: {  	s18 =	simm.s32 $0xA000;
	s19 =	simm.s32 $0xA180;
	s20 =	simm.s32 $0x7780  }
0x7: {  	s21 =	simm.s32 $0x2;
	s22 =	simm.s32 $0xA100;
	s23 =	simm.s32 $0x4  }
0x8: {  	s28 =	simm.s32 $0x6;
	s29 =	simm.s32 $0x0;
	s9 =	smul.u32 $0x13C00, s3  }
0x9: {  	s1 =	sand.u32 $0x1, s1;
	[smem:$0x7FF] =	sst s5;
	s11 =	smul.u32 $0x4F000, s3  }
0xa: {  	s31 =	sshll.u32 s3, $0x6;
	s4 =	sshll.u32 s1, $0x4;
	_ =	strace $0x8000004D  }
0xb: {  	s6 =	smul.u32 $0x13C000, s1;
	s1 =	ssub.s32 $0x2, s1;
	s4 =	sor.u32 s3, s4  }
0xc: {  	s10 =	sshrl.u32 s1, $0x1;
	s30 =	sshrl.u32 s11, $0x2;
	s4 =	smul.u32 $0x4F0, s4  }
0xd: {  	s24 =	ssub.s32 s1, s10;
	s25 =	sadd.s32 s9, s6;
	s11 =	sadd.s32 s30, s2  }
0xe: {  	s9 =	simm.s32 $0x7;
	s10 =	sor.u32 $0x1C07, s31;
	s1 =	sshrl.u32 s25, $0x3  }
0xf: {  	s8 =	sadd.s32 s4, s0;
	s4 =	sadd.s32 $0x16A00, s0;
	s0 =	sadd.s32 $0x51800, s0  }
0x10: {  	s11 =	sshrl.u32 s11, $0x3;
	s1 =	sadd.s32 s7, s1;
	[dreg:$0x4] =	wrdreg s0  }
0x11: {  	s26 =	sadd.s32 $0x47A00, s8;
	[dreg:$0x6] =	wrdreg s1;
	s8 =	smax.u32 s24, $0x1  }
0x12: {  	s24 =	simm.s32 $0x3;
	[dreg:$0x5] =	wrdreg s26;
	s26 =	simm.s32 $0x5  }
.LBB2_1:
0x13: {  	s3 =	simm.s32 $0x0;
	s0 =	rddreg [dreg:$0x5]  }
0x14: {  	[tilespmem:s3], [sflag:$0x7] =	stream.linear.gather [hbm4b:s0+s3], $0x2780, $0x38;
	[tilespmem:$0x1DE80] =	vst v63  }
0x15: {  	_ =	swait.ge [sflag:s9], $0x2780  }
0x16: {  	[sflag:s9] =	ssyncset.done $0x0  }
0x17: {  	s7 =	rddreg [dreg:$0x4];
	[sflag:s9] =	ssyncadd.s32 $0xFFFFD880  }
0x18: {  	[spmem:s11], [sflag:s10] =	dma.local [hbm:s7], $0x2780  }
0x19: {  	_ =	swait.ge [sflag:s9], $0x2780  }
0x1a: {  	[sflag:s9] =	ssyncset.done $0x0  }
0x1b: {  	p0 =	por $0x1, $0x1;
	[sflag:s9] =	ssyncadd.s32 $0xFFFFD880  }
0x1c: {  	s0 =	simm.s32 @!p0 $0x2;
	[bflag:$0x0] =	sbarrier.arrive $0xFFFF  }
0x1d: {  	_ =	swait.ge @!p0 [sflag:s0], $0x2800  }
0x1e: {  	s1 =	simm.s32 @!p0 $0x4F80;
	s25 =	simm.s32 @!p0 $0x4;
	[sflag:s0] =	ssyncset.done @!p0 $0x0  }
0x1f: {  	s31 =	simm.s32 @!p0 $0x50;
	s30 =	simm.s32 @!p0 $0xA100;
	[sflag:s0] =	ssyncadd.s32 @!p0 $0xFFFFD800  }
0x20: {  	[spmem:s2] =	stream.indirect.scatter.add.f32 @!p0 [tilespmem:s1], [sflag:$0x5], $0x80, s30, s31, $0xb8;
	[tilespmem:$0x1DE80] =	vst v63  }
0x21: {  	_ =	swait.ge @!p0 [sflag:s25], $0x2800  }
0x22: {  	[sflag:s25] =	ssyncset.done @!p0 $0x0  }
0x23: {  	s30 =	simm.s32 $0x70;
	[sflag:s25] =	ssyncadd.s32 @!p0 $0xFFFFD800  }
0x24: {  	v0 =	vld [tilespmem:s30+$0xFFFFFF90];
	_ =	sdelay $0x4  }
0x25: {  	v1 =	vshra.s32 v0, $0xE  }
0x26: {  	v0 =	vand.u32 $0x3FFF, v0;
	[tilespmem:$0x9F80] =	vst v1  }
0x27: {  	[tilespmem:$0xA000] =	vst v0  }
0x28: {  	v0 =	vld [tilespmem:s30+$0xFFFFFFA0];
	_ =	sdelay $0x4  }
0x29: {  	v1 =	vshra.s32 v0, $0xE  }
0x2a: {  	v0 =	vand.u32 $0x3FFF, v0;
	[tilespmem:$0x9F90] =	vst v1  }
0x2b: {  	[tilespmem:$0xA010] =	vst v0  }
0x2c: {  	v0 =	vld [tilespmem:s30+$0xFFFFFFB0];
	_ =	sdelay $0x4  }
0x2d: {  	v1 =	vshra.s32 v0, $0xE  }
0x2e: {  	v0 =	vand.u32 $0x3FFF, v0;
	[tilespmem:$0x9FA0] =	vst v1  }
0x2f: {  	[tilespmem:$0xA020] =	vst v0  }
0x30: {  	v0 =	vld [tilespmem:s30+$0xFFFFFFC0];
	_ =	sdelay $0x4  }
0x31: {  	v1 =	vshra.s32 v0, $0xE  }
0x32: {  	v0 =	vand.u32 $0x3FFF, v0;
	[tilespmem:$0x9FB0] =	vst v1  }
0x33: {  	[tilespmem:$0xA030] =	vst v0  }
0x34: {  	v0 =	vld [tilespmem:s30+$0xFFFFFFD0];
	_ =	sdelay $0x4  }
0x35: {  	v1 =	vshra.s32 v0, $0xE  }
0x36: {  	v0 =	vand.u32 $0x3FFF, v0;
	[tilespmem:$0x9FC0] =	vst v1  }
0x37: {  	s0 =	simm.s32 @!p0 $0x3;
	[tilespmem:$0xA040] =	vst v0  }
0x38: {  	[tilespmem:s14], [sflag:$0x1] =	stream.indirect.gather [hbm4b:s4+s12], $0x80, s13, s12, $0xb8;
	[tilespmem:$0x1DE80] =	vst v63  }
0x39: {  	_ =	swait.ge @!p0 [sflag:s0], $0x2800  }
0x3a: {  	s1 =	simm.s32 @!p0 $0x5;
	[sflag:s0] =	ssyncset.done @!p0 $0x0  }
0x3b: {  	s25 =	simm.s32 @!p0 $0x7780;
	[sflag:s0] =	ssyncadd.s32 @!p0 $0xFFFFD800;
	s0 =	simm.s32 @!p0 $0xA200  }
0x3c: {  	[spmem:s2] =	stream.indirect.scatter.add.f32 @!p0 [tilespmem:s25], [sflag:$0x6], $0x80, s0, s31, $0xb8;
	[tilespmem:$0x1DE80] =	vst v63  }
0x3d: {  	_ =	swait.ge @!p0 [sflag:s1], $0x2800  }
0x3e: {  	[sflag:s1] =	ssyncset.done @!p0 $0x0  }
0x3f: {  	[sflag:s1] =	ssyncadd.s32 @!p0 $0xFFFFD800  }
0x40: {  	v0 =	vld [tilespmem:s30+$0xFFFFFFE0];
	_ =	sdelay $0x4  }
0x41: {  	v1 =	vshra.s32 v0, $0xE  }
0x42: {  	v0 =	vand.u32 $0x3FFF, v0;
	[tilespmem:$0xA080] =	vst v1  }
0x43: {  	[tilespmem:$0xA100] =	vst v0  }
0x44: {  	v0 =	vld [tilespmem:s30+$0xFFFFFFF0];
	_ =	sdelay $0x4  }
0x45: {  	v1 =	vshra.s32 v0, $0xE  }
0x46: {  	v0 =	vand.u32 $0x3FFF, v0;
	[tilespmem:$0xA090] =	vst v1  }
0x47: {  	[tilespmem:$0xA110] =	vst v0  }
0x48: {  	v0 =	vld [tilespmem:s30+$0x0];
	_ =	sdelay $0x4  }
0x49: {  	v1 =	vshra.s32 v0, $0xE  }
0x4a: {  	v0 =	vand.u32 $0x3FFF, v0;
	[tilespmem:$0xA0A0] =	vst v1  }
0x4b: {  	s25 =	sand.u32 $0x3FF0, s3;
	[tilespmem:$0xA120] =	vst v0  }
0x4c: {  	v0 =	vld [tilespmem:s25+$0x80];
	_ =	sdelay $0x4  }
0x4d: {  	v1 =	vshra.s32 v0, $0xE  }
0x4e: {  	v0 =	vand.u32 $0x3FFF, v0;
	[tilespmem:$0xA0B0] =	vst v1  }
0x4f: {  	[tilespmem:$0xA130] =	vst v0  }
0x50: {  	v0 =	vld [tilespmem:s30+$0x20];
	_ =	sdelay $0x4  }
0x51: {  	v1 =	vshra.s32 v0, $0xE  }
0x52: {  	v0 =	vand.u32 $0x3FFF, v0;
	[tilespmem:$0xA0C0] =	vst v1  }
0x53: {  	[tilespmem:$0xA140] =	vst v0  }
0x54: {  	[tilespmem:s16], [sflag:$0x2] =	stream.indirect.gather [hbm4b:s4+s12], $0x80, s15, s12, $0xb8;
	[tilespmem:$0x1DE80] =	vst v63  }
0x55: {  	_ =	swait.ge [sflag:s17], $0x2800  }
0x56: {  	[sflag:s17] =	ssyncset.done $0x0  }
0x57: {  	s0 =	simm.s32 @!p0 $0x6;
	[sflag:s17] =	ssyncadd.s32 $0xFFFFD800  }
0x58: {  	[spmem:s2] =	stream.indirect.scatter.add.f32 [tilespmem:s14], [sflag:$0x4], $0x80, s18, s12, $0xb8;
	[tilespmem:$0x1DE80] =	vst v63  }
0x59: {  	_ =	swait.ge @!p0 [sflag:s0], $0x2800  }
0x5a: {  	[sflag:s0] =	ssyncset.done @!p0 $0x0  }
0x5b: {  	[sflag:s0] =	ssyncadd.s32 @!p0 $0xFFFFD800  }
0x5c: {  	v0 =	vld [tilespmem:s30+$0x30];
	_ =	sdelay $0x4  }
0x5d: {  	v1 =	vshra.s32 v0, $0xE  }
0x5e: {  	v0 =	vand.u32 $0x3FFF, v0;
	[tilespmem:$0xA180] =	vst v1  }
0x5f: {  	[tilespmem:$0xA200] =	vst v0  }
0x60: {  	v0 =	vld [tilespmem:s30+$0x40];
	_ =	sdelay $0x4  }
0x61: {  	v1 =	vshra.s32 v0, $0xE  }
0x62: {  	v0 =	vand.u32 $0x3FFF, v0;
	[tilespmem:$0xA190] =	vst v1  }
0x63: {  	[tilespmem:$0xA210] =	vst v0  }
0x64: {  	v0 =	vld [tilespmem:s30+$0x50];
	_ =	sdelay $0x4  }
0x65: {  	v1 =	vshra.s32 v0, $0xE  }
0x66: {  	s31 =	simm.s32 $0x70;
	s0 =	simm.s32 $0xF0;
	v0 =	vand.u32 $0x3FFF, v0;
	[tilespmem:$0xA1A0] =	vst v1  }
.LBB2_2:
0x67: {  	[tilespmem:$0xA220] =	vst v0;
	s30 =	sadd.s32 $0xF0, s30;
	s1 =	smov.u32 s0;
	s0 =	sadd.s32 $0xF0, s0  }
0x68: {  	p0 =	sne.s32 s0, $0x2670;
	v0 =	vld [tilespmem:s31+$0x60];
	_ =	sdelay $0x4  }
0x69: {  	v1 =	vshra.s32 v0, $0xE;
	v0 =	vand.u32 $0x3FFF, v0  }
0x6a: {  	[tilespmem:$0xA1B0] =	vst v1  }
0x6b: {  	[tilespmem:$0xA230] =	vst v0  }
0x6c: {  	v0 =	vld [tilespmem:s31+$0x70];
	s31 =	smov.u32 s30;
	_ =	sdelay $0x4  }
0x6d: {  	p1 =	seq.s32 s1, $0x0;
	v1 =	vshra.s32 v0, $0xE;
	v0 =	vand.u32 $0x3FFF, v0  }
0x6e: {  	s3 =	simm.s32 @!p1 $0x2;
	[tilespmem:$0xA1C0] =	vst v1  }
0x6f: {  	[tilespmem:$0xA240] =	vst v0  }
0x70: {  	[tilespmem:s20], [sflag:$0x3] =	stream.indirect.gather [hbm4b:s4+s12], $0x80, s19, s12, $0xb8;
	[tilespmem:$0x1DE80] =	vst v63  }
0x71: {  	s5 =	simm.s32 @!p1 $0x4F80;
	s6 =	simm.s32 @!p1 $0x4;
	_ =	swait.ge @!p1 [sflag:s3], $0x2800  }
0x72: {  	s25 =	simm.s32 @!p1 $0x50;
	s7 =	simm.s32 @!p1 $0xA100;
	[sflag:s3] =	ssyncset.done @!p1 $0x0  }
0x73: {  	[sflag:s3] =	ssyncadd.s32 @!p1 $0xFFFFD800  }
0x74: {  	[spmem:s2] =	stream.indirect.scatter.add.f32 @!p1 [tilespmem:s5], [sflag:$0x5], $0x80, s7, s25, $0xb8;
	[tilespmem:$0x1DE80] =	vst v63  }
0x75: {  	_ =	swait.ge @!p1 [sflag:s6], $0x2800  }
0x76: {  	[sflag:s6] =	ssyncset.done @!p1 $0x0  }
0x77: {  	[sflag:s6] =	ssyncadd.s32 @!p1 $0xFFFFD800  }
0x78: {  	v0 =	vld [tilespmem:s30+$0xFFFFFF90];
	_ =	sdelay $0x4  }
0x79: {  	v1 =	vshra.s32 v0, $0xE;
	v0 =	vand.u32 $0x3FFF, v0  }
0x7a: {  	[tilespmem:$0x9F80] =	vst v1  }
0x7b: {  	[tilespmem:$0xA000] =	vst v0  }
0x7c: {  	v0 =	vld [tilespmem:s30+$0xFFFFFFA0];
	_ =	sdelay $0x4  }
0x7d: {  	v1 =	vshra.s32 v0, $0xE;
	v0 =	vand.u32 $0x3FFF, v0  }
0x7e: {  	[tilespmem:$0x9F90] =	vst v1  }
0x7f: {  	[tilespmem:$0xA010] =	vst v0  }
0x80: {  	v0 =	vld [tilespmem:s30+$0xFFFFFFB0];
	_ =	sdelay $0x4  }
0x81: {  	v1 =	vshra.s32 v0, $0xE;
	v0 =	vand.u32 $0x3FFF, v0  }
0x82: {  	[tilespmem:$0x9FA0] =	vst v1  }
0x83: {  	[tilespmem:$0xA020] =	vst v0  }
0x84: {  	v0 =	vld [tilespmem:s30+$0xFFFFFFC0];
	_ =	sdelay $0x4  }
0x85: {  	v1 =	vshra.s32 v0, $0xE;
	v0 =	vand.u32 $0x3FFF, v0  }
0x86: {  	[tilespmem:$0x9FB0] =	vst v1  }
0x87: {  	[tilespmem:$0xA030] =	vst v0  }
0x88: {  	v0 =	vld [tilespmem:s30+$0xFFFFFFD0];
	_ =	sdelay $0x4  }
0x89: {  	v1 =	vshra.s32 v0, $0xE;
	v0 =	vand.u32 $0x3FFF, v0  }
0x8a: {  	[tilespmem:$0x9FC0] =	vst v1  }
0x8b: {  	s3 =	simm.s32 @!p1 $0x3;
	[tilespmem:$0xA040] =	vst v0  }
0x8c: {  	[tilespmem:s14], [sflag:$0x1] =	stream.indirect.gather [hbm4b:s4+s12], $0x80, s13, s12, $0xb8;
	[tilespmem:$0x1DE80] =	vst v63  }
0x8d: {  	_ =	swait.ge @!p1 [sflag:s3], $0x2800  }
0x8e: {  	s5 =	simm.s32 @!p1 $0x5;
	[sflag:s3] =	ssyncset.done @!p1 $0x0  }
0x8f: {  	s6 =	simm.s32 @!p1 $0x7780;
	[sflag:s3] =	ssyncadd.s32 @!p1 $0xFFFFD800;
	s3 =	simm.s32 @!p1 $0xA200  }
0x90: {  	[spmem:s2] =	stream.indirect.scatter.add.f32 @!p1 [tilespmem:s6], [sflag:$0x6], $0x80, s3, s25, $0xb8;
	[tilespmem:$0x1DE80] =	vst v63  }
0x91: {  	_ =	swait.ge @!p1 [sflag:s5], $0x2800  }
0x92: {  	[sflag:s5] =	ssyncset.done @!p1 $0x0  }
0x93: {  	[sflag:s5] =	ssyncadd.s32 @!p1 $0xFFFFD800  }
0x94: {  	v0 =	vld [tilespmem:s30+$0xFFFFFFE0];
	_ =	sdelay $0x4  }
0x95: {  	v1 =	vshra.s32 v0, $0xE;
	v0 =	vand.u32 $0x3FFF, v0  }
0x96: {  	[tilespmem:$0xA080] =	vst v1  }
0x97: {  	[tilespmem:$0xA100] =	vst v0  }
0x98: {  	v0 =	vld [tilespmem:s30+$0xFFFFFFF0];
	_ =	sdelay $0x4  }
0x99: {  	v1 =	vshra.s32 v0, $0xE;
	v0 =	vand.u32 $0x3FFF, v0  }
0x9a: {  	[tilespmem:$0xA090] =	vst v1  }
0x9b: {  	[tilespmem:$0xA110] =	vst v0  }
0x9c: {  	v0 =	vld [tilespmem:s30+$0x0];
	_ =	sdelay $0x4  }
0x9d: {  	v1 =	vshra.s32 v0, $0xE;
	v0 =	vand.u32 $0x3FFF, v0  }
0x9e: {  	[tilespmem:$0xA0A0] =	vst v1  }
0x9f: {  	s1 =	sand.u32 $0x3FF0, s1;
	[tilespmem:$0xA120] =	vst v0  }
0xa0: {  	v0 =	vld [tilespmem:s1+$0x80];
	_ =	sdelay $0x4  }
0xa1: {  	v1 =	vshra.s32 v0, $0xE;
	v0 =	vand.u32 $0x3FFF, v0  }
0xa2: {  	[tilespmem:$0xA0B0] =	vst v1  }
0xa3: {  	[tilespmem:$0xA130] =	vst v0  }
0xa4: {  	v0 =	vld [tilespmem:s30+$0x20];
	_ =	sdelay $0x4  }
0xa5: {  	v1 =	vshra.s32 v0, $0xE;
	v0 =	vand.u32 $0x3FFF, v0  }
0xa6: {  	[tilespmem:$0xA0C0] =	vst v1  }
0xa7: {  	[tilespmem:$0xA140] =	vst v0  }
0xa8: {  	[tilespmem:s16], [sflag:$0x2] =	stream.indirect.gather [hbm4b:s4+s12], $0x80, s15, s12, $0xb8;
	[tilespmem:$0x1DE80] =	vst v63  }
0xa9: {  	_ =	swait.ge [sflag:s17], $0x2800  }
0xaa: {  	[sflag:s17] =	ssyncset.done $0x0  }
0xab: {  	s1 =	simm.s32 @!p1 $0x6;
	[sflag:s17] =	ssyncadd.s32 $0xFFFFD800  }
0xac: {  	[spmem:s2] =	stream.indirect.scatter.add.f32 [tilespmem:s14], [sflag:$0x4], $0x80, s18, s12, $0xb8;
	[tilespmem:$0x1DE80] =	vst v63  }
0xad: {  	_ =	swait.ge @!p1 [sflag:s1], $0x2800  }
0xae: {  	[sflag:s1] =	ssyncset.done @!p1 $0x0  }
0xaf: {  	[sflag:s1] =	ssyncadd.s32 @!p1 $0xFFFFD800  }
0xb0: {  	v0 =	vld [tilespmem:s30+$0x30];
	_ =	sdelay $0x4  }
0xb1: {  	v1 =	vshra.s32 v0, $0xE;
	v0 =	vand.u32 $0x3FFF, v0  }
0xb2: {  	[tilespmem:$0xA180] =	vst v1  }
0xb3: {  	[tilespmem:$0xA200] =	vst v0  }
0xb4: {  	v0 =	vld [tilespmem:s30+$0x40];
	_ =	sdelay $0x4  }
0xb5: {  	v1 =	vshra.s32 v0, $0xE;
	v0 =	vand.u32 $0x3FFF, v0  }
0xb6: {  	[tilespmem:$0xA190] =	vst v1  }
0xb7: {  	[tilespmem:$0xA210] =	vst v0  }
0xb8: {  	v0 =	vld [tilespmem:s30+$0x50];
	_ =	sdelay $0x1  }
.Ltmp0:
0xb9: {  	(pc) =	sbr.rel @p0 .LBB2_2-.Ltmp0, $3  }
0xba: {  	_ =	sdelay $0x1  }
0xbb: {  	v1 =	vshra.s32 v0, $0xE;
	v0 =	vand.u32 $0x3FFF, v0  }
0xbc: {  	[tilespmem:$0xA1A0] =	vst v1  }
0xbd: {  	[tilespmem:$0xA220] =	vst v0  }
0xbe: {  	v0 =	vld [tilespmem:s31+$0x60];
	_ =	sdelay $0x4  }
0xbf: {  	v1 =	vshra.s32 v0, $0xE  }
0xc0: {  	v0 =	vand.u32 $0x3FFF, v0;
	[tilespmem:$0xA1B0] =	vst v1  }
0xc1: {  	[tilespmem:$0xA230] =	vst v0  }
0xc2: {  	v0 =	vld [tilespmem:s31+$0x70];
	_ =	sdelay $0x4  }
0xc3: {  	v37 =	vshra.s32 v0, $0xE  }
0xc4: {  	v0 =	vand.u32 $0x3FFF, v0;
	[tilespmem:$0xA1C0] =	vst v37  }
0xc5: {  	[tilespmem:$0xA240] =	vst v0  }
0xc6: {  	[tilespmem:s20], [sflag:$0x3] =	stream.indirect.gather [hbm4b:s4+s12], $0x80, s19, s12, $0xb8;
	[tilespmem:$0x1DE80] =	vst v63  }
0xc7: {  	_ =	swait.ge [sflag:s21], $0x2800  }
0xc8: {  	[sflag:s21] =	ssyncset.done $0x0  }
0xc9: {  	[sflag:s21] =	ssyncadd.s32 $0xFFFFD800  }
0xca: {  	[spmem:s2] =	stream.indirect.scatter.add.f32 [tilespmem:s16], [sflag:$0x5], $0x80, s22, s12, $0xb8;
	[tilespmem:$0x1DE80] =	vst v63  }
0xcb: {  	_ =	swait.ge [sflag:s23], $0x2800  }
0xcc: {  	[sflag:s23] =	ssyncset.done $0x0  }
0xcd: {  	[sflag:s23] =	ssyncadd.s32 $0xFFFFD800  }
0xce: {  	v38 =	vld [tilespmem:$0x2670];
	_ =	sdelay $0x1  }
0xcf: {  	v39 =	vld [tilespmem:$0x2680];
	_ =	sdelay $0x1  }
0xd0: {  	v2 =	vld [tilespmem:$0x2690]  }
0xd1: {  	v3 =	vshra.s32 v38, $0xE  }
0xd2: {  	v40 =	vld [tilespmem:$0x26A0];
	v0 =	vand.u32 $0x3FFF, v38;
	[tilespmem:$0x9F80] =	vst v3  }
0xd3: {  	v41 =	vshra.s32 v39, $0xE;
	[tilespmem:$0xA000] =	vst v0  }
0xd4: {  	v43 =	vld [tilespmem:$0x26B0];
	v42 =	vand.u32 $0x3FFF, v39;
	[tilespmem:$0x9F90] =	vst v41  }
0xd5: {  	v44 =	vshra.s32 v2, $0xE;
	[tilespmem:$0xA010] =	vst v42  }
0xd6: {  	v45 =	vand.u32 $0x3FFF, v2;
	[tilespmem:$0x9FA0] =	vst v44  }
0xd7: {  	v46 =	vshra.s32 v40, $0xE;
	[tilespmem:$0xA020] =	vst v45  }
0xd8: {  	v47 =	vand.u32 $0x3FFF, v40;
	[tilespmem:$0x9FB0] =	vst v46  }
0xd9: {  	v48 =	vshra.s32 v43, $0xE;
	[tilespmem:$0xA030] =	vst v47  }
0xda: {  	v49 =	vand.u32 $0x3FFF, v43;
	[tilespmem:$0x9FC0] =	vst v48  }
0xdb: {  	[tilespmem:$0xA040] =	vst v49  }
0xdc: {  	[tilespmem:s14], [sflag:$0x1] =	stream.indirect.gather [hbm4b:s4+s12], $0x80, s13, s12, $0xb8;
	[tilespmem:$0x1DE80] =	vst v63  }
0xdd: {  	_ =	swait.ge [sflag:s24], $0x2800  }
0xde: {  	[sflag:s24] =	ssyncset.done $0x0  }
0xdf: {  	s0 =	simm.s32 $0xA200;
	[sflag:s24] =	ssyncadd.s32 $0xFFFFD800  }
0xe0: {  	[spmem:s2] =	stream.indirect.scatter.add.f32 [tilespmem:s20], [sflag:$0x6], $0x80, s0, s12, $0xb8;
	[tilespmem:$0x1DE80] =	vst v63  }
0xe1: {  	_ =	swait.ge [sflag:s26], $0x2800  }
0xe2: {  	[sflag:s26] =	ssyncset.done $0x0  }
0xe3: {  	[sflag:s26] =	ssyncadd.s32 $0xFFFFD800  }
0xe4: {  	v50 =	vld [tilespmem:$0x26C0];
	_ =	sdelay $0x1  }
0xe5: {  	v51 =	vld [tilespmem:$0x26D0];
	_ =	sdelay $0x1  }
0xe6: {  	v52 =	vld [tilespmem:$0x26E0]  }
0xe7: {  	v53 =	vshra.s32 v50, $0xE  }
0xe8: {  	v54 =	vld [tilespmem:$0x26F0];
	v0 =	vand.u32 $0x3FFF, v50;
	[tilespmem:$0xA080] =	vst v53  }
0xe9: {  	v55 =	vshra.s32 v51, $0xE;
	[tilespmem:$0xA100] =	vst v0  }
0xea: {  	v57 =	vld [tilespmem:$0x2700];
	v56 =	vand.u32 $0x3FFF, v51;
	[tilespmem:$0xA090] =	vst v55  }
0xeb: {  	v58 =	vshra.s32 v52, $0xE;
	[tilespmem:$0xA110] =	vst v56  }
0xec: {  	v59 =	vand.u32 $0x3FFF, v52;
	[tilespmem:$0xA0A0] =	vst v58  }
0xed: {  	v60 =	vshra.s32 v54, $0xE;
	[tilespmem:$0xA120] =	vst v59  }
0xee: {  	v61 =	vand.u32 $0x3FFF, v54;
	[tilespmem:$0xA0B0] =	vst v60  }
0xef: {  	v62 =	vshra.s32 v57, $0xE;
	[tilespmem:$0xA130] =	vst v61  }
0xf0: {  	v63 =	vand.u32 $0x3FFF, v57;
	[tilespmem:$0xA0C0] =	vst v62  }
0xf1: {  	[tilespmem:$0xA140] =	vst v63  }
0xf2: {  	[tilespmem:s16], [sflag:$0x2] =	stream.indirect.gather [hbm4b:s4+s12], $0x80, s15, s12, $0xb8;
	[tilespmem:$0x1DE80] =	vst v63  }
0xf3: {  	_ =	swait.ge [sflag:s17], $0x2800  }
0xf4: {  	[sflag:s17] =	ssyncset.done $0x0  }
0xf5: {  	[sflag:s17] =	ssyncadd.s32 $0xFFFFD800  }
0xf6: {  	[spmem:s2] =	stream.indirect.scatter.add.f32 [tilespmem:s14], [sflag:$0x4], $0x80, s18, s12, $0xb8;
	[tilespmem:$0x1DE80] =	vst v63  }
0xf7: {  	_ =	swait.ge [sflag:s21], $0x2800  }
0xf8: {  	[sflag:s21] =	ssyncset.done $0x0  }
0xf9: {  	[sflag:s21] =	ssyncadd.s32 $0xFFFFD800  }
0xfa: {  	[spmem:s2] =	stream.indirect.scatter.add.f32 [tilespmem:s16], [sflag:$0x5], $0x80, s22, s12, $0xb8;
	[tilespmem:$0x1DE80] =	vst v63  }
0xfb: {  	_ =	swait.ge [sflag:s23], $0x2800  }
0xfc: {  	[sflag:s23] =	ssyncset.done $0x0  }
0xfd: {  	[sflag:s23] =	ssyncadd.s32 $0xFFFFD800  }
0xfe: {  	_ =	swait.ge [sflag:s26], $0x2800  }
0xff: {  	[sflag:s26] =	ssyncset.done $0x0  }
0x100: {  	[sflag:s26] =	ssyncadd.s32 $0xFFFFD800  }
0x101: {  	_ =	swait.ge [sflag:s28], $0x2800  }
0x102: {  	[sflag:s28] =	ssyncset.done $0x0  }
0x103: {  	s29 =	sadd.s32 $0x1, s29;
	[sflag:s28] =	ssyncadd.s32 $0xFFFFD800  }
0x104: {  	p0 =	sne.s32 s29, s8;
	[bflag:$0x0] =	sbarrier.arrive $0xFFFF  }
.Ltmp1:
0x105: {  	s31 =	rddreg [dreg:$0x6];
	(pc) =	sbr.rel @p0 .LBB2_1-.Ltmp1, $4  }
0x106: {  	[hbm:s31], [sflag:s10] =	dma.local [spmem:s11], $0x2780  }
0x107: {  	_ =	swait.ge [sflag:s9], $0x2780  }
0x108: {  	[sflag:s9] =	ssyncset.done $0x0  }
0x109: {  	[sflag:s9] =	ssyncadd.s32 $0xFFFFD880  }
0x10a: {  	_ =	sfence.sel $0x180000  }
0x10b: {  	[bflag:$0x0] =	sbarrier.arrive $0xFFFF  }
0x10c: {  	_ =	strace $0x9000004D  }
0x10d: {  	s0 =	stileid.u32;
	[bflag:$0x2] =	sbarrier.arrive $0xFFFF  }
0x10e: {  	p0 =	sne.s32 s0, $0x0;
	s0 =	rddreg [dreg:$0x3]  }
0x10f: {  	s0 =	sadd.s32 @!p0 $0x100000, s0  }
0x110: {  	[sflag:s0] =	ssyncadd.tile.s32 @!p0 $0x1;
	_ =	shalt  }
.Lfunc_end2:
_tile_overlayer_lowered:
.L_overlay_start_2:
0x111: {  	(tag) =	ssettag $0x2  }
0x112: {  	s0 =	rddreg [dreg:$0x0];
	s2 =	stileid.u32  }
0x113: {  	s1 =	rddreg [dreg:$0x1];
	p0 =	sne.s32 s2, $0x0  }
0x114: {  	s3 =	rddreg [dreg:$0x2];
	[bflag:$0x3] =	sbarrier.arrive $0xFFFF;
	s2 =	simm.s32 @!p0 $0x1C07  }
0x115: {  	[timem:s3], [sflag:s2] =	dma.local @!p0 [hbm:s0], s1  }
0x116: {  	s0 =	simm.s32 @!p0 $0x7  }
0x117: {  	_ =	swait.ge @!p0 [sflag:s0], s1  }
0x118: {  	s1 =	ssub.s32 @!p0 $0x0, s1;
	[sflag:s0] =	ssyncset.done @!p0 $0x0  }
0x119: {  	[sflag:s0] =	ssyncadd.s32 @!p0 s1  }
0x11a: {  	[bflag:$0x3] =	sbarrier.arrive $0xFFFF  }
0x11b: {  	_ =	shalt  }

// kernel: kernel.21.cloned.1.call-start
scs
__scs_entry_jumppad:
0x0: {  	(pc) =	sbr.rel $0x88, $3  }
0x1: {  	(tag) =	ssettag $0x0;
	lr =	simm.s32 $0x1  }
0x2: {  	[smem:$0x3F9B] =	sst lr;
	_ =	strace $0xD0000000  }
0x3: {  	_ = 	snop  }
0x4: {  	_ = 	snop  }
0x5: {  	_ = 	snop  }
0x6: {  	_ = 	snop  }
0x7: {  	_ = 	snop  }
__scs_overlays_trampoline_lowered:
0x8: {  	[smem:$0x3FAA] =	sst s0  }
0x9: {  	[smem:$0x3FAB] =	sst s1  }
0xa: {  	[smem:$0x3FAC] =	sst s2  }
0xb: {  	[smem:$0x3FAD] =	sst s3  }
0xc: {  	[smem:$0x3FAE] =	sst s4  }
0xd: {  	[smem:$0x3FAF] =	sst s5  }
0xe: {  	[smem:$0x3FB0] =	sst s6  }
0xf: {  	[smem:$0x3FB1] =	sst s7  }
0x10: {  	[smem:$0x3FB2] =	sst s8  }
0x11: {  	[smem:$0x3FB3] =	sst s9;
	s0 =	simm.s32 @!p0 $0x0  }
0x12: {  	s1 =	sld [smem:$0x3F99];
	s0 =	simm.s32 @p0 $0x1  }
0x13: {  	[smem:$0x3FB4] =	sst s0;
	s0 =	simm.s32 @!p1 $0x0  }
0x14: {  	s2 =	sld [smem:$0x3F98];
	s0 =	simm.s32 @p1 $0x1  }
0x15: {  	[smem:$0x3FB5] =	sst s0;
	s0 =	simm.s32 @!p2 $0x0  }
0x16: {  	s3 =	sld [smem:$0x3FDB];
	s0 =	simm.s32 @p2 $0x1  }
0x17: {  	s4 =	simm.s32 $0x1BF5;
	[smem:$0x3FB7] =	sst s0  }
0x18: {  	s0 =	sld [smem:$0x3F9A];
	_ =	swait.ge [sflag:s4], $0x0  }
0x19: {  	s7 =	sld [smem:$0x3F9B]  }
0x1a: {  	s8 =	sadd.s32 $0xFFFFE003, lr  }
0x1b: {  	s9 =	sadd.s32 $0xFFFFFEF7, lr;
	s5 =	simm.s32 $0xFFFFFFFF;
	p2 =	slt.u32 s8, $0xFFFFF086  }
0x1c: {  	p1 =	slt.u32 s9, $0xF7A;
	s5 =	simm.s32 @!p2 $0x0  }
0x1d: {  	s5 =	simm.s32 @p1 $0x1;
	p0 =	seq.s32 s7, s2  }
0x1e: {  	s7 =	smul.u32 @!p0 $0xF7A, s2;
	p2 =	seq.s32 @!p0 s5, $0x0  }
0x1f: {  	s9 =	smul.u32 $0xF7A, s1;
	s8 =	simm.s32 @!p0 $0x1BF5;
	p2 =	por !p2, p0  }
0x20: {  	[sflag:s8] =	ssyncset.s32 @!p0 $0xFFFFF086;
	s6 =	sadd.s32 @!p0 s3, s7;
	s7 =	simm.s32 @!p0 $0x108  }
0x21: {  	s3 =	sadd.s32 s3, s9;
	s6 =	sadd.s32 @!p0 $0x88, s6;
	s7 =	simm.s32 @p2 $0x1082  }
0x22: {  	[simem:s7], [sflag:s8] =	dma.local @!p0 [hbm:s6], $0xF7A  }
0x23: {  	s9 =	sor.u32 $0xD0000000, s2;
	s6 =	simm.s32 $0x108;
	_ =	swait.ge @!p0 [sflag:s8], $0x0  }
0x24: {  	s3 =	sadd.s32 $0x88, s3;
	s6 =	simm.s32 @!p1 $0x1082;
	[sflag:s4] =	ssyncset.s32 $0xFFFFF086  }
0x25: {  	[simem:s6], [sflag:s4] =	dma.local [hbm:s3], $0xF7A  }
0x26: {  	[smem:$0x3F9B] =	sst s1;
	(tag) =	ssettag s2;
	_ =	strace s9  }
0x27: {  	s1 =	sld [smem:$0x3FAB]  }
0x28: {  	s2 =	sld [smem:$0x3FAC]  }
0x29: {  	s4 =	sld [smem:$0x3FAE]  }
0x2a: {  	p0 =	seq.s32 s5, $0x0;
	s5 =	sld [smem:$0x3FAF]  }
0x2b: {  	s6 =	sld [smem:$0x3FB0]  }
0x2c: {  	s7 =	sld [smem:$0x3FB1]  }
0x2d: {  	s3 =	simm.s32 $0x108;
	s8 =	sld [smem:$0x3FB2]  }
0x2e: {  	s3 =	simm.s32 @!p0 $0x1082;
	s9 =	sld [smem:$0x3FB3]  }
0x2f: {  	lr =	sadd.s32 s0, s3;
	s0 =	sld [smem:$0x3FAA]  }
0x30: {  	s3 =	sld [smem:$0x3FAD]  }
0x31: {  	[smem:$0x3FB6] =	sst s10  }
0x32: {  	s10 =	sld [smem:$0x3FB4];
	_ =	sdelay $0x3  }
0x33: {  	p0 =	seq.s32 s10, $0x1;
	s10 =	sld [smem:$0x3FB6];
	_ =	sdelay $0x3  }
0x34: {  	[smem:$0x3FB6] =	sst s10  }
0x35: {  	s10 =	sld [smem:$0x3FB5];
	_ =	sdelay $0x3  }
0x36: {  	p1 =	seq.s32 s10, $0x1;
	s10 =	sld [smem:$0x3FB6];
	_ =	sdelay $0x3  }
0x37: {  	[smem:$0x3FB6] =	sst s10  }
0x38: {  	s10 =	sld [smem:$0x3FB7]  }
0x39: {  	_ = 	snop;
	(pc) =	sbr.ind lr, $3  }
0x3a: {  	_ = 	snop  }
0x3b: {  	_ = 	snop  }
0x3c: {  	p2 =	seq.s32 s10, $0x1;
	s10 =	sld [smem:$0x3FB6]  }
0x3d: {  	_ =	shalt  }
0x3e: {  	_ =	shalt  }
0x3f: {  	_ =	shalt  }
0x40: {  	_ =	shalt  }
0x41: {  	_ =	shalt  }
0x42: {  	_ =	shalt  }
0x43: {  	_ =	shalt  }
0x44: {  	_ =	shalt  }
0x45: {  	_ =	shalt  }
0x46: {  	_ =	shalt  }
0x47: {  	_ =	shalt  }
0x48: {  	_ =	shalt  }
0x49: {  	_ =	shalt  }
0x4a: {  	_ =	shalt  }
0x4b: {  	_ =	shalt  }
0x4c: {  	_ =	shalt  }
0x4d: {  	_ =	shalt  }
0x4e: {  	_ =	shalt  }
0x4f: {  	_ =	shalt  }
0x50: {  	_ =	shalt  }
0x51: {  	_ =	shalt  }
0x52: {  	_ =	shalt  }
0x53: {  	_ =	shalt  }
0x54: {  	_ =	shalt  }
0x55: {  	_ =	shalt  }
0x56: {  	_ =	shalt  }
0x57: {  	_ =	shalt  }
0x58: {  	_ =	shalt  }
0x59: {  	_ =	shalt  }
0x5a: {  	_ =	shalt  }
0x5b: {  	_ =	shalt  }
0x5c: {  	_ =	shalt  }
0x5d: {  	_ =	shalt  }
0x5e: {  	_ =	shalt  }
0x5f: {  	_ =	shalt  }
0x60: {  	_ =	shalt  }
0x61: {  	_ =	shalt  }
0x62: {  	_ =	shalt  }
0x63: {  	_ =	shalt  }
0x64: {  	_ =	shalt  }
0x65: {  	_ =	shalt  }
0x66: {  	_ =	shalt  }
0x67: {  	_ =	shalt  }
0x68: {  	_ =	shalt  }
0x69: {  	_ =	shalt  }
0x6a: {  	_ =	shalt  }
0x6b: {  	_ =	shalt  }
0x6c: {  	_ =	shalt  }
0x6d: {  	_ =	shalt  }
0x6e: {  	_ =	shalt  }
0x6f: {  	_ =	shalt  }
0x70: {  	_ =	shalt  }
0x71: {  	_ =	shalt  }
0x72: {  	_ =	shalt  }
0x73: {  	_ =	shalt  }
0x74: {  	_ =	shalt  }
0x75: {  	_ =	shalt  }
0x76: {  	_ =	shalt  }
0x77: {  	_ =	shalt  }
0x78: {  	_ =	shalt  }
0x79: {  	_ =	shalt  }
0x7a: {  	_ =	shalt  }
0x7b: {  	_ =	shalt  }
0x7c: {  	_ =	shalt  }
0x7d: {  	_ =	shalt  }
0x7e: {  	_ =	shalt  }
0x7f: {  	_ =	shalt  }
0x80: {  	_ =	shalt  }
0x81: {  	_ =	shalt  }
0x82: {  	_ =	shalt  }
0x83: {  	_ =	shalt  }
0x84: {  	_ =	shalt  }
0x85: {  	_ =	shalt  }
0x86: {  	_ =	shalt  }
0x87: {  	_ =	shalt  }
.Lfunc_end0:
.L_simem_size_0:
called_computation.3_lowered:
.L_overlay_start_0:
0x88: {  	s2 =	sld [smem:$0x3FD9]  }
0x89: {  	s3 =	sld [smem:$0x3FFE];
	_ =	sdelay $0x1  }
0x8a: {  	s1 =	srdreg.scid  }
0x8b: {  	s0 =	sand.u32 $0x1, s1  }
0x8c: {  	s17 =	sshll.u32 s0, $0xA;
	s2 =	sadd.s32 s3, s2  }
0x8d: {  	s2 =	sadd.s32 s2, s17  }
0x8e: {  	[smem:$0x3FC2] =	sst s2  }
0x8f: {  	_ = 	snop  }
0x90: {  	s2 =	sld [smem:$0x3FD0];
	(tm) =	ssettm $0x1  }
0x91: {  	s18 =	sld [smem:$0x3FFB];
	_ =	sdelay $0x3  }
0x92: {  	_ =	strace s18  }
0x93: {  	s3 =	sld [smem:$0x3FFC];
	_ =	sdelay $0x3  }
0x94: {  	_ =	strace s3  }
0x95: {  	s3 =	sld [smem:$0x3FFD];
	_ =	sdelay $0x3  }
0x96: {  	_ =	strace s3  }
0x97: {  	_ =	strace $0x8FFFFFFF  }
0x98: {  	s19 =	sld [smem:$0x3FDB];
	_ =	sdelay $0x1  }
0x99: {  	s4 =	simm.s32 $_scs_section_size  }
0x9a: {  	s5 =	simm.s32 $_size__tile_overlayer_lowered;
	s6 =	simm.s32 $_tile_overlayer_lowered  }
0x9b: {  	s22 =	simm.s32 $0x1BFF;
	s21 =	sshll.u32 s6, $0x1;
	s3 =	sadd.s32 s4, s19  }
0x9c: {  	s7 =	simm.s32 $0x0;
	s20 =	sshll.u32 s5, $0x1;
	s5 =	sadd.s32 s21, s3  }
0x9d: {  	[timem:s7], [sflag:s22] =	dma.local [hbm:s5], s20  }
0x9e: {  	_ =	swait.ge [sflag:s22], s20  }
0x9f: {  	s4 =	ssub.s32 $0x0, s20;
	[sflag:s22] =	ssyncset.done $0x0  }
0xa0: {  	[sflag:s22] =	ssyncadd.s32 s4;
	_ =	sdelay $0x1  }
0xa1: {  	s23 =	simm.s32 $0x1B8B  }
0xa2: {  	_ =	swait.ge [sflag:s23], $0x1  }
0xa3: {  	[sflag:s23] =	ssyncset.done $0x0  }
0xa4: {  	s25 =	simm.s32 $0x1B8E;
	s24 =	sld [smem:$0x3FFE];
	[sflag:s23] =	ssyncadd.s32 $0xFFFFFFFF  }
0xa5: {  	s26 =	simm.s32 $execute0_lowered;
	[smem:$0x3FD2] =	sst s25  }
0xa6: {  	s5 =	sshll.u32 s26, $0x1;
	_ =	strace $0x8000004F;
	[dreg:$0x1] =	wrdreg $0xFFFFFFFF  }
0xa7: {  	s28 =	simm.s32 $_size_execute0_lowered;
	s3 =	sadd.s32 s3, s5;
	[dreg:$0x0] =	wrdreg $0x0  }
0xa8: {  	s5 =	sshll.u32 s28, $0x1;
	[dreg:$0x2] =	wrdreg s3  }
0xa9: {  	[dreg:$0x3] =	wrdreg s5  }
0xaa: {  	[dreg:$0x4] =	wrdreg $0xC0  }
0xab: {  	_ =	task [dreg:s7], $0x5FFFF  }
0xac: {  	[dreg:$0x1] =	wrdreg $0xFFFFFFFF  }
0xad: {  	[dreg:$0x0] =	wrdreg $0x60  }
0xae: {  	[dreg:$0x2] =	wrdreg s24  }
0xaf: {  	[dreg:$0x3] =	wrdreg s2  }
0xb0: {  	[dreg:$0x4] =	wrdreg $0xA2800  }
0xb1: {  	[dreg:$0x5] =	wrdreg $0x9  }
0xb2: {  	_ =	task.clear_ibuf [dreg:s7], $0x6FFFF;
	_ =	strace $0x9000004F  }
0xb3: {  	s29 =	simm.s32 $0x9;
	_ =	strace $0x80000051  }
0xb4: {  	_ =	swait.ge [sflag:s29], $0x1  }
0xb5: {  	[sflag:s29] =	ssyncadd.s32 $0xFFFFFFFF  }
0xb6: {  	_ =	strace $0x90000051  }
0xb7: {  	_ =	sfence  }
0xb8: {  	s30 =	sld [smem:$0x0];
	_ =	sdelay $0x2  }
0xb9: {  	s31 =	sshll.u32 s1, $0xD;
	s1 =	sshrl.u32 s1, $0x2  }
0xba: {  	s3 =	sand.u32 $0x4000, s31;
	s1 =	sadd.s32 s1, s30  }
0xbb: {  	s0 =	sor.u32 s3, s0;
	s1 =	sshll.u32 s1, $0x11  }
0xbc: {  	s0 =	sor.u32 s1, s0  }
0xbd: {  	s0 =	sadd.s32 $0x8F2B, s0  }
0xbe: {  	[sflag:s0] =	ssyncadd.remote.s32 $0x1  }
0xbf: {  	_ =	sfence.sel $0xFFFF  }
0xc0: {  	[dreg:$0x0] =	wrdreg $0xFFFFFFFF;
	(pc) =	sbr.abs _section_cstart, $3  }
0xc1: {  	[dreg:$0x1] =	wrdreg $0xFFFFFFFF  }
0xc2: {  	_ =	task.clear_ibuf [dreg:s7], $0x2FFFF;
	_ =	strace $0x9FFFFFFF  }
0xc3: {  	(tm) =	ssettm $0x7FFFFFFF  }
tec
execute0_lowered:
.L_overlay_start_1:
0x0: {  	(tag) =	ssettag $0x1  }
0x1: {  	s0 =	rddreg [dreg:$0x0]  }
0x2: {  	s1 =	srdreg.scid;
	s7 =	rddreg [dreg:$0x1]  }
0x3: {  	s2 =	rddreg [dreg:$0x2];
	s3 =	stileid.u32;
	s5 =	simm.s32 $0x0  }
0x4: {  	s12 =	simm.s32 $0x50;
	s13 =	simm.s32 $0x9F80;
	s14 =	simm.s32 $0x2780  }
0x5: {  	s15 =	simm.s32 $0xA080;
	s16 =	simm.s32 $0x4F80;
	s17 =	simm.s32 $0x1  }
0x6: {  	s18 =	simm.s32 $0xA000;
	s19 =	simm.s32 $0xA180;
	s20 =	simm.s32 $0x7780  }
0x7: {  	s21 =	simm.s32 $0x2;
	s22 =	simm.s32 $0xA100;
	s23 =	simm.s32 $0x4  }
0x8: {  	s28 =	simm.s32 $0x6;
	s29 =	simm.s32 $0x0;
	s9 =	smul.u32 $0x13C00, s3  }
0x9: {  	s1 =	sand.u32 $0x1, s1;
	[smem:$0x7FF] =	sst s5;
	s11 =	smul.u32 $0x4F000, s3  }
0xa: {  	s31 =	sshll.u32 s3, $0x6;
	s4 =	sshll.u32 s1, $0x4;
	_ =	strace $0x80000050  }
0xb: {  	s6 =	smul.u32 $0x13C000, s1;
	s1 =	ssub.s32 $0x2, s1;
	s4 =	sor.u32 s3, s4  }
0xc: {  	s10 =	sshrl.u32 s1, $0x1;
	s30 =	sshrl.u32 s11, $0x2;
	s4 =	smul.u32 $0x4F0, s4  }
0xd: {  	s24 =	ssub.s32 s1, s10;
	s25 =	sadd.s32 s9, s6;
	s11 =	sadd.s32 s30, s2  }
0xe: {  	s9 =	simm.s32 $0x7;
	s10 =	sor.u32 $0x1C07, s31;
	s1 =	sshrl.u32 s25, $0x3  }
0xf: {  	s8 =	sadd.s32 s4, s0;
	s4 =	sadd.s32 $0x2800, s0;
	s0 =	sadd.s32 $0x51800, s0  }
0x10: {  	s11 =	sshrl.u32 s11, $0x3;
	s1 =	sadd.s32 s7, s1;
	[dreg:$0x4] =	wrdreg s0  }
0x11: {  	s26 =	sadd.s32 $0x47A00, s8;
	[dreg:$0x6] =	wrdreg s1;
	s8 =	smax.u32 s24, $0x1  }
0x12: {  	s24 =	simm.s32 $0x3;
	[dreg:$0x5] =	wrdreg s26;
	s26 =	simm.s32 $0x5  }
.LBB2_1:
0x13: {  	s3 =	simm.s32 $0x0;
	s0 =	rddreg [dreg:$0x5]  }
0x14: {  	[tilespmem:s3], [sflag:$0x7] =	stream.linear.gather [hbm4b:s0+s3], $0x2780, $0x38;
	[tilespmem:$0x1DE80] =	vst v63  }
0x15: {  	_ =	swait.ge [sflag:s9], $0x2780  }
0x16: {  	[sflag:s9] =	ssyncset.done $0x0  }
0x17: {  	s7 =	rddreg [dreg:$0x4];
	[sflag:s9] =	ssyncadd.s32 $0xFFFFD880  }
0x18: {  	[spmem:s11], [sflag:s10] =	dma.local [hbm:s7], $0x2780  }
0x19: {  	_ =	swait.ge [sflag:s9], $0x2780  }
0x1a: {  	[sflag:s9] =	ssyncset.done $0x0  }
0x1b: {  	p0 =	por $0x1, $0x1;
	[sflag:s9] =	ssyncadd.s32 $0xFFFFD880  }
0x1c: {  	s0 =	simm.s32 @!p0 $0x2;
	[bflag:$0x0] =	sbarrier.arrive $0xFFFF  }
0x1d: {  	_ =	swait.ge @!p0 [sflag:s0], $0x2800  }
0x1e: {  	s1 =	simm.s32 @!p0 $0x4F80;
	s25 =	simm.s32 @!p0 $0x4;
	[sflag:s0] =	ssyncset.done @!p0 $0x0  }
0x1f: {  	s31 =	simm.s32 @!p0 $0x50;
	s30 =	simm.s32 @!p0 $0xA100;
	[sflag:s0] =	ssyncadd.s32 @!p0 $0xFFFFD800  }
0x20: {  	[spmem:s2] =	stream.indirect.scatter.add.f32 @!p0 [tilespmem:s1], [sflag:$0x5], $0x80, s30, s31, $0xb8;
	[tilespmem:$0x1DE80] =	vst v63  }
0x21: {  	_ =	swait.ge @!p0 [sflag:s25], $0x2800  }
0x22: {  	[sflag:s25] =	ssyncset.done @!p0 $0x0  }
0x23: {  	s30 =	simm.s32 $0x70;
	[sflag:s25] =	ssyncadd.s32 @!p0 $0xFFFFD800  }
0x24: {  	v0 =	vld [tilespmem:s30+$0xFFFFFF90];
	_ =	sdelay $0x4  }
0x25: {  	v1 =	vshra.s32 v0, $0xE  }
0x26: {  	v0 =	vand.u32 $0x3FFF, v0;
	[tilespmem:$0x9F80] =	vst v1  }
0x27: {  	[tilespmem:$0xA000] =	vst v0  }
0x28: {  	v0 =	vld [tilespmem:s30+$0xFFFFFFA0];
	_ =	sdelay $0x4  }
0x29: {  	v1 =	vshra.s32 v0, $0xE  }
0x2a: {  	v0 =	vand.u32 $0x3FFF, v0;
	[tilespmem:$0x9F90] =	vst v1  }
0x2b: {  	[tilespmem:$0xA010] =	vst v0  }
0x2c: {  	v0 =	vld [tilespmem:s30+$0xFFFFFFB0];
	_ =	sdelay $0x4  }
0x2d: {  	v1 =	vshra.s32 v0, $0xE  }
0x2e: {  	v0 =	vand.u32 $0x3FFF, v0;
	[tilespmem:$0x9FA0] =	vst v1  }
0x2f: {  	[tilespmem:$0xA020] =	vst v0  }
0x30: {  	v0 =	vld [tilespmem:s30+$0xFFFFFFC0];
	_ =	sdelay $0x4  }
0x31: {  	v1 =	vshra.s32 v0, $0xE  }
0x32: {  	v0 =	vand.u32 $0x3FFF, v0;
	[tilespmem:$0x9FB0] =	vst v1  }
0x33: {  	[tilespmem:$0xA030] =	vst v0  }
0x34: {  	v0 =	vld [tilespmem:s30+$0xFFFFFFD0];
	_ =	sdelay $0x4  }
0x35: {  	v1 =	vshra.s32 v0, $0xE  }
0x36: {  	v0 =	vand.u32 $0x3FFF, v0;
	[tilespmem:$0x9FC0] =	vst v1  }
0x37: {  	s0 =	simm.s32 @!p0 $0x3;
	[tilespmem:$0xA040] =	vst v0  }
0x38: {  	[tilespmem:s14], [sflag:$0x1] =	stream.indirect.gather [hbm4b:s4+s12], $0x80, s13, s12, $0xb8;
	[tilespmem:$0x1DE80] =	vst v63  }
0x39: {  	_ =	swait.ge @!p0 [sflag:s0], $0x2800  }
0x3a: {  	s1 =	simm.s32 @!p0 $0x5;
	[sflag:s0] =	ssyncset.done @!p0 $0x0  }
0x3b: {  	s25 =	simm.s32 @!p0 $0x7780;
	[sflag:s0] =	ssyncadd.s32 @!p0 $0xFFFFD800;
	s0 =	simm.s32 @!p0 $0xA200  }
0x3c: {  	[spmem:s2] =	stream.indirect.scatter.add.f32 @!p0 [tilespmem:s25], [sflag:$0x6], $0x80, s0, s31, $0xb8;
	[tilespmem:$0x1DE80] =	vst v63  }
0x3d: {  	_ =	swait.ge @!p0 [sflag:s1], $0x2800  }
0x3e: {  	[sflag:s1] =	ssyncset.done @!p0 $0x0  }
0x3f: {  	[sflag:s1] =	ssyncadd.s32 @!p0 $0xFFFFD800  }
0x40: {  	v0 =	vld [tilespmem:s30+$0xFFFFFFE0];
	_ =	sdelay $0x4  }
0x41: {  	v1 =	vshra.s32 v0, $0xE  }
0x42: {  	v0 =	vand.u32 $0x3FFF, v0;
	[tilespmem:$0xA080] =	vst v1  }
0x43: {  	[tilespmem:$0xA100] =	vst v0  }
0x44: {  	v0 =	vld [tilespmem:s30+$0xFFFFFFF0];
	_ =	sdelay $0x4  }
0x45: {  	v1 =	vshra.s32 v0, $0xE  }
0x46: {  	v0 =	vand.u32 $0x3FFF, v0;
	[tilespmem:$0xA090] =	vst v1  }
0x47: {  	[tilespmem:$0xA110] =	vst v0  }
0x48: {  	v0 =	vld [tilespmem:s30+$0x0];
	_ =	sdelay $0x4  }
0x49: {  	v1 =	vshra.s32 v0, $0xE  }
0x4a: {  	v0 =	vand.u32 $0x3FFF, v0;
	[tilespmem:$0xA0A0] =	vst v1  }
0x4b: {  	s25 =	sand.u32 $0x3FF0, s3;
	[tilespmem:$0xA120] =	vst v0  }
0x4c: {  	v0 =	vld [tilespmem:s25+$0x80];
	_ =	sdelay $0x4  }
0x4d: {  	v1 =	vshra.s32 v0, $0xE  }
0x4e: {  	v0 =	vand.u32 $0x3FFF, v0;
	[tilespmem:$0xA0B0] =	vst v1  }
0x4f: {  	[tilespmem:$0xA130] =	vst v0  }
0x50: {  	v0 =	vld [tilespmem:s30+$0x20];
	_ =	sdelay $0x4  }
0x51: {  	v1 =	vshra.s32 v0, $0xE  }
0x52: {  	v0 =	vand.u32 $0x3FFF, v0;
	[tilespmem:$0xA0C0] =	vst v1  }
0x53: {  	[tilespmem:$0xA140] =	vst v0  }
0x54: {  	[tilespmem:s16], [sflag:$0x2] =	stream.indirect.gather [hbm4b:s4+s12], $0x80, s15, s12, $0xb8;
	[tilespmem:$0x1DE80] =	vst v63  }
0x55: {  	_ =	swait.ge [sflag:s17], $0x2800  }
0x56: {  	[sflag:s17] =	ssyncset.done $0x0  }
0x57: {  	s0 =	simm.s32 @!p0 $0x6;
	[sflag:s17] =	ssyncadd.s32 $0xFFFFD800  }
0x58: {  	[spmem:s2] =	stream.indirect.scatter.add.f32 [tilespmem:s14], [sflag:$0x4], $0x80, s18, s12, $0xb8;
	[tilespmem:$0x1DE80] =	vst v63  }
0x59: {  	_ =	swait.ge @!p0 [sflag:s0], $0x2800  }
0x5a: {  	[sflag:s0] =	ssyncset.done @!p0 $0x0  }
0x5b: {  	[sflag:s0] =	ssyncadd.s32 @!p0 $0xFFFFD800  }
0x5c: {  	v0 =	vld [tilespmem:s30+$0x30];
	_ =	sdelay $0x4  }
0x5d: {  	v1 =	vshra.s32 v0, $0xE  }
0x5e: {  	v0 =	vand.u32 $0x3FFF, v0;
	[tilespmem:$0xA180] =	vst v1  }
0x5f: {  	[tilespmem:$0xA200] =	vst v0  }
0x60: {  	v0 =	vld [tilespmem:s30+$0x40];
	_ =	sdelay $0x4  }
0x61: {  	v1 =	vshra.s32 v0, $0xE  }
0x62: {  	v0 =	vand.u32 $0x3FFF, v0;
	[tilespmem:$0xA190] =	vst v1  }
0x63: {  	[tilespmem:$0xA210] =	vst v0  }
0x64: {  	v0 =	vld [tilespmem:s30+$0x50];
	_ =	sdelay $0x4  }
0x65: {  	v1 =	vshra.s32 v0, $0xE  }
0x66: {  	s31 =	simm.s32 $0x70;
	s0 =	simm.s32 $0xF0;
	v0 =	vand.u32 $0x3FFF, v0;
	[tilespmem:$0xA1A0] =	vst v1  }
.LBB2_2:
0x67: {  	[tilespmem:$0xA220] =	vst v0;
	s30 =	sadd.s32 $0xF0, s30;
	s1 =	smov.u32 s0;
	s0 =	sadd.s32 $0xF0, s0  }
0x68: {  	p0 =	sne.s32 s0, $0x2670;
	v0 =	vld [tilespmem:s31+$0x60];
	_ =	sdelay $0x4  }
0x69: {  	v1 =	vshra.s32 v0, $0xE;
	v0 =	vand.u32 $0x3FFF, v0  }
0x6a: {  	[tilespmem:$0xA1B0] =	vst v1  }
0x6b: {  	[tilespmem:$0xA230] =	vst v0  }
0x6c: {  	v0 =	vld [tilespmem:s31+$0x70];
	s31 =	smov.u32 s30;
	_ =	sdelay $0x4  }
0x6d: {  	p1 =	seq.s32 s1, $0x0;
	v1 =	vshra.s32 v0, $0xE;
	v0 =	vand.u32 $0x3FFF, v0  }
0x6e: {  	s3 =	simm.s32 @!p1 $0x2;
	[tilespmem:$0xA1C0] =	vst v1  }
0x6f: {  	[tilespmem:$0xA240] =	vst v0  }
0x70: {  	[tilespmem:s20], [sflag:$0x3] =	stream.indirect.gather [hbm4b:s4+s12], $0x80, s19, s12, $0xb8;
	[tilespmem:$0x1DE80] =	vst v63  }
0x71: {  	s5 =	simm.s32 @!p1 $0x4F80;
	s6 =	simm.s32 @!p1 $0x4;
	_ =	swait.ge @!p1 [sflag:s3], $0x2800  }
0x72: {  	s25 =	simm.s32 @!p1 $0x50;
	s7 =	simm.s32 @!p1 $0xA100;
	[sflag:s3] =	ssyncset.done @!p1 $0x0  }
0x73: {  	[sflag:s3] =	ssyncadd.s32 @!p1 $0xFFFFD800  }
0x74: {  	[spmem:s2] =	stream.indirect.scatter.add.f32 @!p1 [tilespmem:s5], [sflag:$0x5], $0x80, s7, s25, $0xb8;
	[tilespmem:$0x1DE80] =	vst v63  }
0x75: {  	_ =	swait.ge @!p1 [sflag:s6], $0x2800  }
0x76: {  	[sflag:s6] =	ssyncset.done @!p1 $0x0  }
0x77: {  	[sflag:s6] =	ssyncadd.s32 @!p1 $0xFFFFD800  }
0x78: {  	v0 =	vld [tilespmem:s30+$0xFFFFFF90];
	_ =	sdelay $0x4  }
0x79: {  	v1 =	vshra.s32 v0, $0xE;
	v0 =	vand.u32 $0x3FFF, v0  }
0x7a: {  	[tilespmem:$0x9F80] =	vst v1  }
0x7b: {  	[tilespmem:$0xA000] =	vst v0  }
0x7c: {  	v0 =	vld [tilespmem:s30+$0xFFFFFFA0];
	_ =	sdelay $0x4  }
0x7d: {  	v1 =	vshra.s32 v0, $0xE;
	v0 =	vand.u32 $0x3FFF, v0  }
0x7e: {  	[tilespmem:$0x9F90] =	vst v1  }
0x7f: {  	[tilespmem:$0xA010] =	vst v0  }
0x80: {  	v0 =	vld [tilespmem:s30+$0xFFFFFFB0];
	_ =	sdelay $0x4  }
0x81: {  	v1 =	vshra.s32 v0, $0xE;
	v0 =	vand.u32 $0x3FFF, v0  }
0x82: {  	[tilespmem:$0x9FA0] =	vst v1  }
0x83: {  	[tilespmem:$0xA020] =	vst v0  }
0x84: {  	v0 =	vld [tilespmem:s30+$0xFFFFFFC0];
	_ =	sdelay $0x4  }
0x85: {  	v1 =	vshra.s32 v0, $0xE;
	v0 =	vand.u32 $0x3FFF, v0  }
0x86: {  	[tilespmem:$0x9FB0] =	vst v1  }
0x87: {  	[tilespmem:$0xA030] =	vst v0  }
0x88: {  	v0 =	vld [tilespmem:s30+$0xFFFFFFD0];
	_ =	sdelay $0x4  }
0x89: {  	v1 =	vshra.s32 v0, $0xE;
	v0 =	vand.u32 $0x3FFF, v0  }
0x8a: {  	[tilespmem:$0x9FC0] =	vst v1  }
0x8b: {  	s3 =	simm.s32 @!p1 $0x3;
	[tilespmem:$0xA040] =	vst v0  }
0x8c: {  	[tilespmem:s14], [sflag:$0x1] =	stream.indirect.gather [hbm4b:s4+s12], $0x80, s13, s12, $0xb8;
	[tilespmem:$0x1DE80] =	vst v63  }
0x8d: {  	_ =	swait.ge @!p1 [sflag:s3], $0x2800  }
0x8e: {  	s5 =	simm.s32 @!p1 $0x5;
	[sflag:s3] =	ssyncset.done @!p1 $0x0  }
0x8f: {  	s6 =	simm.s32 @!p1 $0x7780;
	[sflag:s3] =	ssyncadd.s32 @!p1 $0xFFFFD800;
	s3 =	simm.s32 @!p1 $0xA200  }
0x90: {  	[spmem:s2] =	stream.indirect.scatter.add.f32 @!p1 [tilespmem:s6], [sflag:$0x6], $0x80, s3, s25, $0xb8;
	[tilespmem:$0x1DE80] =	vst v63  }
0x91: {  	_ =	swait.ge @!p1 [sflag:s5], $0x2800  }
0x92: {  	[sflag:s5] =	ssyncset.done @!p1 $0x0  }
0x93: {  	[sflag:s5] =	ssyncadd.s32 @!p1 $0xFFFFD800  }
0x94: {  	v0 =	vld [tilespmem:s30+$0xFFFFFFE0];
	_ =	sdelay $0x4  }
0x95: {  	v1 =	vshra.s32 v0, $0xE;
	v0 =	vand.u32 $0x3FFF, v0  }
0x96: {  	[tilespmem:$0xA080] =	vst v1  }
0x97: {  	[tilespmem:$0xA100] =	vst v0  }
0x98: {  	v0 =	vld [tilespmem:s30+$0xFFFFFFF0];
	_ =	sdelay $0x4  }
0x99: {  	v1 =	vshra.s32 v0, $0xE;
	v0 =	vand.u32 $0x3FFF, v0  }
0x9a: {  	[tilespmem:$0xA090] =	vst v1  }
0x9b: {  	[tilespmem:$0xA110] =	vst v0  }
0x9c: {  	v0 =	vld [tilespmem:s30+$0x0];
	_ =	sdelay $0x4  }
0x9d: {  	v1 =	vshra.s32 v0, $0xE;
	v0 =	vand.u32 $0x3FFF, v0  }
0x9e: {  	[tilespmem:$0xA0A0] =	vst v1  }
0x9f: {  	s1 =	sand.u32 $0x3FF0, s1;
	[tilespmem:$0xA120] =	vst v0  }
0xa0: {  	v0 =	vld [tilespmem:s1+$0x80];
	_ =	sdelay $0x4  }
0xa1: {  	v1 =	vshra.s32 v0, $0xE;
	v0 =	vand.u32 $0x3FFF, v0  }
0xa2: {  	[tilespmem:$0xA0B0] =	vst v1  }
0xa3: {  	[tilespmem:$0xA130] =	vst v0  }
0xa4: {  	v0 =	vld [tilespmem:s30+$0x20];
	_ =	sdelay $0x4  }
0xa5: {  	v1 =	vshra.s32 v0, $0xE;
	v0 =	vand.u32 $0x3FFF, v0  }
0xa6: {  	[tilespmem:$0xA0C0] =	vst v1  }
0xa7: {  	[tilespmem:$0xA140] =	vst v0  }
0xa8: {  	[tilespmem:s16], [sflag:$0x2] =	stream.indirect.gather [hbm4b:s4+s12], $0x80, s15, s12, $0xb8;
	[tilespmem:$0x1DE80] =	vst v63  }
0xa9: {  	_ =	swait.ge [sflag:s17], $0x2800  }
0xaa: {  	[sflag:s17] =	ssyncset.done $0x0  }
0xab: {  	s1 =	simm.s32 @!p1 $0x6;
	[sflag:s17] =	ssyncadd.s32 $0xFFFFD800  }
0xac: {  	[spmem:s2] =	stream.indirect.scatter.add.f32 [tilespmem:s14], [sflag:$0x4], $0x80, s18, s12, $0xb8;
	[tilespmem:$0x1DE80] =	vst v63  }
0xad: {  	_ =	swait.ge @!p1 [sflag:s1], $0x2800  }
0xae: {  	[sflag:s1] =	ssyncset.done @!p1 $0x0  }
0xaf: {  	[sflag:s1] =	ssyncadd.s32 @!p1 $0xFFFFD800  }
0xb0: {  	v0 =	vld [tilespmem:s30+$0x30];
	_ =	sdelay $0x4  }
0xb1: {  	v1 =	vshra.s32 v0, $0xE;
	v0 =	vand.u32 $0x3FFF, v0  }
0xb2: {  	[tilespmem:$0xA180] =	vst v1  }
0xb3: {  	[tilespmem:$0xA200] =	vst v0  }
0xb4: {  	v0 =	vld [tilespmem:s30+$0x40];
	_ =	sdelay $0x4  }
0xb5: {  	v1 =	vshra.s32 v0, $0xE;
	v0 =	vand.u32 $0x3FFF, v0  }
0xb6: {  	[tilespmem:$0xA190] =	vst v1  }
0xb7: {  	[tilespmem:$0xA210] =	vst v0  }
0xb8: {  	v0 =	vld [tilespmem:s30+$0x50];
	_ =	sdelay $0x1  }
.Ltmp0:
0xb9: {  	(pc) =	sbr.rel @p0 .LBB2_2-.Ltmp0, $3  }
0xba: {  	_ =	sdelay $0x1  }
0xbb: {  	v1 =	vshra.s32 v0, $0xE;
	v0 =	vand.u32 $0x3FFF, v0  }
0xbc: {  	[tilespmem:$0xA1A0] =	vst v1  }
0xbd: {  	[tilespmem:$0xA220] =	vst v0  }
0xbe: {  	v0 =	vld [tilespmem:s31+$0x60];
	_ =	sdelay $0x4  }
0xbf: {  	v1 =	vshra.s32 v0, $0xE  }
0xc0: {  	v0 =	vand.u32 $0x3FFF, v0;
	[tilespmem:$0xA1B0] =	vst v1  }
0xc1: {  	[tilespmem:$0xA230] =	vst v0  }
0xc2: {  	v0 =	vld [tilespmem:s31+$0x70];
	_ =	sdelay $0x4  }
0xc3: {  	v37 =	vshra.s32 v0, $0xE  }
0xc4: {  	v0 =	vand.u32 $0x3FFF, v0;
	[tilespmem:$0xA1C0] =	vst v37  }
0xc5: {  	[tilespmem:$0xA240] =	vst v0  }
0xc6: {  	[tilespmem:s20], [sflag:$0x3] =	stream.indirect.gather [hbm4b:s4+s12], $0x80, s19, s12, $0xb8;
	[tilespmem:$0x1DE80] =	vst v63  }
0xc7: {  	_ =	swait.ge [sflag:s21], $0x2800  }
0xc8: {  	[sflag:s21] =	ssyncset.done $0x0  }
0xc9: {  	[sflag:s21] =	ssyncadd.s32 $0xFFFFD800  }
0xca: {  	[spmem:s2] =	stream.indirect.scatter.add.f32 [tilespmem:s16], [sflag:$0x5], $0x80, s22, s12, $0xb8;
	[tilespmem:$0x1DE80] =	vst v63  }
0xcb: {  	_ =	swait.ge [sflag:s23], $0x2800  }
0xcc: {  	[sflag:s23] =	ssyncset.done $0x0  }
0xcd: {  	[sflag:s23] =	ssyncadd.s32 $0xFFFFD800  }
0xce: {  	v38 =	vld [tilespmem:$0x2670];
	_ =	sdelay $0x1  }
0xcf: {  	v39 =	vld [tilespmem:$0x2680];
	_ =	sdelay $0x1  }
0xd0: {  	v2 =	vld [tilespmem:$0x2690]  }
0xd1: {  	v3 =	vshra.s32 v38, $0xE  }
0xd2: {  	v40 =	vld [tilespmem:$0x26A0];
	v0 =	vand.u32 $0x3FFF, v38;
	[tilespmem:$0x9F80] =	vst v3  }
0xd3: {  	v41 =	vshra.s32 v39, $0xE;
	[tilespmem:$0xA000] =	vst v0  }
0xd4: {  	v43 =	vld [tilespmem:$0x26B0];
	v42 =	vand.u32 $0x3FFF, v39;
	[tilespmem:$0x9F90] =	vst v41  }
0xd5: {  	v44 =	vshra.s32 v2, $0xE;
	[tilespmem:$0xA010] =	vst v42  }
0xd6: {  	v45 =	vand.u32 $0x3FFF, v2;
	[tilespmem:$0x9FA0] =	vst v44  }
0xd7: {  	v46 =	vshra.s32 v40, $0xE;
	[tilespmem:$0xA020] =	vst v45  }
0xd8: {  	v47 =	vand.u32 $0x3FFF, v40;
	[tilespmem:$0x9FB0] =	vst v46  }
0xd9: {  	v48 =	vshra.s32 v43, $0xE;
	[tilespmem:$0xA030] =	vst v47  }
0xda: {  	v49 =	vand.u32 $0x3FFF, v43;
	[tilespmem:$0x9FC0] =	vst v48  }
0xdb: {  	[tilespmem:$0xA040] =	vst v49  }
0xdc: {  	[tilespmem:s14], [sflag:$0x1] =	stream.indirect.gather [hbm4b:s4+s12], $0x80, s13, s12, $0xb8;
	[tilespmem:$0x1DE80] =	vst v63  }
0xdd: {  	_ =	swait.ge [sflag:s24], $0x2800  }
0xde: {  	[sflag:s24] =	ssyncset.done $0x0  }
0xdf: {  	s0 =	simm.s32 $0xA200;
	[sflag:s24] =	ssyncadd.s32 $0xFFFFD800  }
0xe0: {  	[spmem:s2] =	stream.indirect.scatter.add.f32 [tilespmem:s20], [sflag:$0x6], $0x80, s0, s12, $0xb8;
	[tilespmem:$0x1DE80] =	vst v63  }
0xe1: {  	_ =	swait.ge [sflag:s26], $0x2800  }
0xe2: {  	[sflag:s26] =	ssyncset.done $0x0  }
0xe3: {  	[sflag:s26] =	ssyncadd.s32 $0xFFFFD800  }
0xe4: {  	v50 =	vld [tilespmem:$0x26C0];
	_ =	sdelay $0x1  }
0xe5: {  	v51 =	vld [tilespmem:$0x26D0];
	_ =	sdelay $0x1  }
0xe6: {  	v52 =	vld [tilespmem:$0x26E0]  }
0xe7: {  	v53 =	vshra.s32 v50, $0xE  }
0xe8: {  	v54 =	vld [tilespmem:$0x26F0];
	v0 =	vand.u32 $0x3FFF, v50;
	[tilespmem:$0xA080] =	vst v53  }
0xe9: {  	v55 =	vshra.s32 v51, $0xE;
	[tilespmem:$0xA100] =	vst v0  }
0xea: {  	v57 =	vld [tilespmem:$0x2700];
	v56 =	vand.u32 $0x3FFF, v51;
	[tilespmem:$0xA090] =	vst v55  }
0xeb: {  	v58 =	vshra.s32 v52, $0xE;
	[tilespmem:$0xA110] =	vst v56  }
0xec: {  	v59 =	vand.u32 $0x3FFF, v52;
	[tilespmem:$0xA0A0] =	vst v58  }
0xed: {  	v60 =	vshra.s32 v54, $0xE;
	[tilespmem:$0xA120] =	vst v59  }
0xee: {  	v61 =	vand.u32 $0x3FFF, v54;
	[tilespmem:$0xA0B0] =	vst v60  }
0xef: {  	v62 =	vshra.s32 v57, $0xE;
	[tilespmem:$0xA130] =	vst v61  }
0xf0: {  	v63 =	vand.u32 $0x3FFF, v57;
	[tilespmem:$0xA0C0] =	vst v62  }
0xf1: {  	[tilespmem:$0xA140] =	vst v63  }
0xf2: {  	[tilespmem:s16], [sflag:$0x2] =	stream.indirect.gather [hbm4b:s4+s12], $0x80, s15, s12, $0xb8;
	[tilespmem:$0x1DE80] =	vst v63  }
0xf3: {  	_ =	swait.ge [sflag:s17], $0x2800  }
0xf4: {  	[sflag:s17] =	ssyncset.done $0x0  }
0xf5: {  	[sflag:s17] =	ssyncadd.s32 $0xFFFFD800  }
0xf6: {  	[spmem:s2] =	stream.indirect.scatter.add.f32 [tilespmem:s14], [sflag:$0x4], $0x80, s18, s12, $0xb8;
	[tilespmem:$0x1DE80] =	vst v63  }
0xf7: {  	_ =	swait.ge [sflag:s21], $0x2800  }
0xf8: {  	[sflag:s21] =	ssyncset.done $0x0  }
0xf9: {  	[sflag:s21] =	ssyncadd.s32 $0xFFFFD800  }
0xfa: {  	[spmem:s2] =	stream.indirect.scatter.add.f32 [tilespmem:s16], [sflag:$0x5], $0x80, s22, s12, $0xb8;
	[tilespmem:$0x1DE80] =	vst v63  }
0xfb: {  	_ =	swait.ge [sflag:s23], $0x2800  }
0xfc: {  	[sflag:s23] =	ssyncset.done $0x0  }
0xfd: {  	[sflag:s23] =	ssyncadd.s32 $0xFFFFD800  }
0xfe: {  	_ =	swait.ge [sflag:s26], $0x2800  }
0xff: {  	[sflag:s26] =	ssyncset.done $0x0  }
0x100: {  	[sflag:s26] =	ssyncadd.s32 $0xFFFFD800  }
0x101: {  	_ =	swait.ge [sflag:s28], $0x2800  }
0x102: {  	[sflag:s28] =	ssyncset.done $0x0  }
0x103: {  	s29 =	sadd.s32 $0x1, s29;
	[sflag:s28] =	ssyncadd.s32 $0xFFFFD800  }
0x104: {  	p0 =	sne.s32 s29, s8;
	[bflag:$0x0] =	sbarrier.arrive $0xFFFF  }
.Ltmp1:
0x105: {  	s31 =	rddreg [dreg:$0x6];
	(pc) =	sbr.rel @p0 .LBB2_1-.Ltmp1, $4  }
0x106: {  	[hbm:s31], [sflag:s10] =	dma.local [spmem:s11], $0x2780  }
0x107: {  	_ =	swait.ge [sflag:s9], $0x2780  }
0x108: {  	[sflag:s9] =	ssyncset.done $0x0  }
0x109: {  	[sflag:s9] =	ssyncadd.s32 $0xFFFFD880  }
0x10a: {  	_ =	sfence.sel $0x180000  }
0x10b: {  	[bflag:$0x0] =	sbarrier.arrive $0xFFFF  }
0x10c: {  	_ =	strace $0x90000050  }
0x10d: {  	s0 =	stileid.u32;
	[bflag:$0x2] =	sbarrier.arrive $0xFFFF  }
0x10e: {  	p0 =	sne.s32 s0, $0x0;
	s0 =	rddreg [dreg:$0x3]  }
0x10f: {  	s0 =	sadd.s32 @!p0 $0x100000, s0  }
0x110: {  	[sflag:s0] =	ssyncadd.tile.s32 @!p0 $0x1;
	_ =	shalt  }
.Lfunc_end2:
_tile_overlayer_lowered:
.L_overlay_start_2:
0x111: {  	(tag) =	ssettag $0x2  }
0x112: {  	s0 =	rddreg [dreg:$0x0];
	s2 =	stileid.u32  }
0x113: {  	s1 =	rddreg [dreg:$0x1];
	p0 =	sne.s32 s2, $0x0  }
0x114: {  	s3 =	rddreg [dreg:$0x2];
	[bflag:$0x3] =	sbarrier.arrive $0xFFFF;
	s2 =	simm.s32 @!p0 $0x1C07  }
0x115: {  	[timem:s3], [sflag:s2] =	dma.local @!p0 [hbm:s0], s1  }
0x116: {  	s0 =	simm.s32 @!p0 $0x7  }
0x117: {  	_ =	swait.ge @!p0 [sflag:s0], s1  }
0x118: {  	s1 =	ssub.s32 @!p0 $0x0, s1;
	[sflag:s0] =	ssyncset.done @!p0 $0x0  }
0x119: {  	[sflag:s0] =	ssyncadd.s32 @!p0 s1  }
0x11a: {  	[bflag:$0x3] =	sbarrier.arrive $0xFFFF  }
0x11b: {  	_ =	shalt  }

// kernel: kernel.24.cloned.1.call-start
scs
__scs_entry_jumppad:
0x0: {  	(pc) =	sbr.rel $0x88, $3  }
0x1: {  	(tag) =	ssettag $0x0;
	lr =	simm.s32 $0x1  }
0x2: {  	[smem:$0x3F9B] =	sst lr;
	_ =	strace $0xD0000000  }
0x3: {  	_ = 	snop  }
0x4: {  	_ = 	snop  }
0x5: {  	_ = 	snop  }
0x6: {  	_ = 	snop  }
0x7: {  	_ = 	snop  }
__scs_overlays_trampoline_lowered:
0x8: {  	[smem:$0x3FAA] =	sst s0  }
0x9: {  	[smem:$0x3FAB] =	sst s1  }
0xa: {  	[smem:$0x3FAC] =	sst s2  }
0xb: {  	[smem:$0x3FAD] =	sst s3  }
0xc: {  	[smem:$0x3FAE] =	sst s4  }
0xd: {  	[smem:$0x3FAF] =	sst s5  }
0xe: {  	[smem:$0x3FB0] =	sst s6  }
0xf: {  	[smem:$0x3FB1] =	sst s7  }
0x10: {  	[smem:$0x3FB2] =	sst s8  }
0x11: {  	[smem:$0x3FB3] =	sst s9;
	s0 =	simm.s32 @!p0 $0x0  }
0x12: {  	s1 =	sld [smem:$0x3F99];
	s0 =	simm.s32 @p0 $0x1  }
0x13: {  	[smem:$0x3FB4] =	sst s0;
	s0 =	simm.s32 @!p1 $0x0  }
0x14: {  	s2 =	sld [smem:$0x3F98];
	s0 =	simm.s32 @p1 $0x1  }
0x15: {  	[smem:$0x3FB5] =	sst s0;
	s0 =	simm.s32 @!p2 $0x0  }
0x16: {  	s3 =	sld [smem:$0x3FDB];
	s0 =	simm.s32 @p2 $0x1  }
0x17: {  	s4 =	simm.s32 $0x1BF5;
	[smem:$0x3FB7] =	sst s0  }
0x18: {  	s0 =	sld [smem:$0x3F9A];
	_ =	swait.ge [sflag:s4], $0x0  }
0x19: {  	s7 =	sld [smem:$0x3F9B]  }
0x1a: {  	s8 =	sadd.s32 $0xFFFFE003, lr  }
0x1b: {  	s9 =	sadd.s32 $0xFFFFFEF7, lr;
	s5 =	simm.s32 $0xFFFFFFFF;
	p2 =	slt.u32 s8, $0xFFFFF086  }
0x1c: {  	p1 =	slt.u32 s9, $0xF7A;
	s5 =	simm.s32 @!p2 $0x0  }
0x1d: {  	s5 =	simm.s32 @p1 $0x1;
	p0 =	seq.s32 s7, s2  }
0x1e: {  	s7 =	smul.u32 @!p0 $0xF7A, s2;
	p2 =	seq.s32 @!p0 s5, $0x0  }
0x1f: {  	s9 =	smul.u32 $0xF7A, s1;
	s8 =	simm.s32 @!p0 $0x1BF5;
	p2 =	por !p2, p0  }
0x20: {  	[sflag:s8] =	ssyncset.s32 @!p0 $0xFFFFF086;
	s6 =	sadd.s32 @!p0 s3, s7;
	s7 =	simm.s32 @!p0 $0x108  }
0x21: {  	s3 =	sadd.s32 s3, s9;
	s6 =	sadd.s32 @!p0 $0x88, s6;
	s7 =	simm.s32 @p2 $0x1082  }
0x22: {  	[simem:s7], [sflag:s8] =	dma.local @!p0 [hbm:s6], $0xF7A  }
0x23: {  	s9 =	sor.u32 $0xD0000000, s2;
	s6 =	simm.s32 $0x108;
	_ =	swait.ge @!p0 [sflag:s8], $0x0  }
0x24: {  	s3 =	sadd.s32 $0x88, s3;
	s6 =	simm.s32 @!p1 $0x1082;
	[sflag:s4] =	ssyncset.s32 $0xFFFFF086  }
0x25: {  	[simem:s6], [sflag:s4] =	dma.local [hbm:s3], $0xF7A  }
0x26: {  	[smem:$0x3F9B] =	sst s1;
	(tag) =	ssettag s2;
	_ =	strace s9  }
0x27: {  	s1 =	sld [smem:$0x3FAB]  }
0x28: {  	s2 =	sld [smem:$0x3FAC]  }
0x29: {  	s4 =	sld [smem:$0x3FAE]  }
0x2a: {  	p0 =	seq.s32 s5, $0x0;
	s5 =	sld [smem:$0x3FAF]  }
0x2b: {  	s6 =	sld [smem:$0x3FB0]  }
0x2c: {  	s7 =	sld [smem:$0x3FB1]  }
0x2d: {  	s3 =	simm.s32 $0x108;
	s8 =	sld [smem:$0x3FB2]  }
0x2e: {  	s3 =	simm.s32 @!p0 $0x1082;
	s9 =	sld [smem:$0x3FB3]  }
0x2f: {  	lr =	sadd.s32 s0, s3;
	s0 =	sld [smem:$0x3FAA]  }
0x30: {  	s3 =	sld [smem:$0x3FAD]  }
0x31: {  	[smem:$0x3FB6] =	sst s10  }
0x32: {  	s10 =	sld [smem:$0x3FB4];
	_ =	sdelay $0x3  }
0x33: {  	p0 =	seq.s32 s10, $0x1;
	s10 =	sld [smem:$0x3FB6];
	_ =	sdelay $0x3  }
0x34: {  	[smem:$0x3FB6] =	sst s10  }
0x35: {  	s10 =	sld [smem:$0x3FB5];
	_ =	sdelay $0x3  }
0x36: {  	p1 =	seq.s32 s10, $0x1;
	s10 =	sld [smem:$0x3FB6];
	_ =	sdelay $0x3  }
0x37: {  	[smem:$0x3FB6] =	sst s10  }
0x38: {  	s10 =	sld [smem:$0x3FB7]  }
0x39: {  	_ = 	snop;
	(pc) =	sbr.ind lr, $3  }
0x3a: {  	_ = 	snop  }
0x3b: {  	_ = 	snop  }
0x3c: {  	p2 =	seq.s32 s10, $0x1;
	s10 =	sld [smem:$0x3FB6]  }
0x3d: {  	_ =	shalt  }
0x3e: {  	_ =	shalt  }
0x3f: {  	_ =	shalt  }
0x40: {  	_ =	shalt  }
0x41: {  	_ =	shalt  }
0x42: {  	_ =	shalt  }
0x43: {  	_ =	shalt  }
0x44: {  	_ =	shalt  }
0x45: {  	_ =	shalt  }
0x46: {  	_ =	shalt  }
0x47: {  	_ =	shalt  }
0x48: {  	_ =	shalt  }
0x49: {  	_ =	shalt  }
0x4a: {  	_ =	shalt  }
0x4b: {  	_ =	shalt  }
0x4c: {  	_ =	shalt  }
0x4d: {  	_ =	shalt  }
0x4e: {  	_ =	shalt  }
0x4f: {  	_ =	shalt  }
0x50: {  	_ =	shalt  }
0x51: {  	_ =	shalt  }
0x52: {  	_ =	shalt  }
0x53: {  	_ =	shalt  }
0x54: {  	_ =	shalt  }
0x55: {  	_ =	shalt  }
0x56: {  	_ =	shalt  }
0x57: {  	_ =	shalt  }
0x58: {  	_ =	shalt  }
0x59: {  	_ =	shalt  }
0x5a: {  	_ =	shalt  }
0x5b: {  	_ =	shalt  }
0x5c: {  	_ =	shalt  }
0x5d: {  	_ =	shalt  }
0x5e: {  	_ =	shalt  }
0x5f: {  	_ =	shalt  }
0x60: {  	_ =	shalt  }
0x61: {  	_ =	shalt  }
0x62: {  	_ =	shalt  }
0x63: {  	_ =	shalt  }
0x64: {  	_ =	shalt  }
0x65: {  	_ =	shalt  }
0x66: {  	_ =	shalt  }
0x67: {  	_ =	shalt  }
0x68: {  	_ =	shalt  }
0x69: {  	_ =	shalt  }
0x6a: {  	_ =	shalt  }
0x6b: {  	_ =	shalt  }
0x6c: {  	_ =	shalt  }
0x6d: {  	_ =	shalt  }
0x6e: {  	_ =	shalt  }
0x6f: {  	_ =	shalt  }
0x70: {  	_ =	shalt  }
0x71: {  	_ =	shalt  }
0x72: {  	_ =	shalt  }
0x73: {  	_ =	shalt  }
0x74: {  	_ =	shalt  }
0x75: {  	_ =	shalt  }
0x76: {  	_ =	shalt  }
0x77: {  	_ =	shalt  }
0x78: {  	_ =	shalt  }
0x79: {  	_ =	shalt  }
0x7a: {  	_ =	shalt  }
0x7b: {  	_ =	shalt  }
0x7c: {  	_ =	shalt  }
0x7d: {  	_ =	shalt  }
0x7e: {  	_ =	shalt  }
0x7f: {  	_ =	shalt  }
0x80: {  	_ =	shalt  }
0x81: {  	_ =	shalt  }
0x82: {  	_ =	shalt  }
0x83: {  	_ =	shalt  }
0x84: {  	_ =	shalt  }
0x85: {  	_ =	shalt  }
0x86: {  	_ =	shalt  }
0x87: {  	_ =	shalt  }
.Lfunc_end0:
.L_simem_size_0:
called_computation.4_lowered:
.L_overlay_start_0:
0x88: {  	s2 =	sld [smem:$0x3FD9]  }
0x89: {  	s3 =	sld [smem:$0x3FFE];
	_ =	sdelay $0x1  }
0x8a: {  	s1 =	srdreg.scid  }
0x8b: {  	s0 =	sand.u32 $0x1, s1  }
0x8c: {  	s17 =	sshll.u32 s0, $0xA;
	s2 =	sadd.s32 s3, s2  }
0x8d: {  	s2 =	sadd.s32 s2, s17  }
0x8e: {  	[smem:$0x3FC2] =	sst s2  }
0x8f: {  	_ = 	snop  }
0x90: {  	s2 =	sld [smem:$0x3FD0];
	(tm) =	ssettm $0x1  }
0x91: {  	s18 =	sld [smem:$0x3FFB];
	_ =	sdelay $0x3  }
0x92: {  	_ =	strace s18  }
0x93: {  	s3 =	sld [smem:$0x3FFC];
	_ =	sdelay $0x3  }
0x94: {  	_ =	strace s3  }
0x95: {  	s3 =	sld [smem:$0x3FFD];
	_ =	sdelay $0x3  }
0x96: {  	_ =	strace s3  }
0x97: {  	_ =	strace $0x8FFFFFFF  }
0x98: {  	s19 =	sld [smem:$0x3FDB];
	_ =	sdelay $0x1  }
0x99: {  	s4 =	simm.s32 $_scs_section_size  }
0x9a: {  	s5 =	simm.s32 $_size__tile_overlayer_lowered;
	s6 =	simm.s32 $_tile_overlayer_lowered  }
0x9b: {  	s22 =	simm.s32 $0x1BFF;
	s21 =	sshll.u32 s6, $0x1;
	s3 =	sadd.s32 s4, s19  }
0x9c: {  	s7 =	simm.s32 $0x0;
	s20 =	sshll.u32 s5, $0x1;
	s5 =	sadd.s32 s21, s3  }
0x9d: {  	[timem:s7], [sflag:s22] =	dma.local [hbm:s5], s20  }
0x9e: {  	_ =	swait.ge [sflag:s22], s20  }
0x9f: {  	s4 =	ssub.s32 $0x0, s20;
	[sflag:s22] =	ssyncset.done $0x0  }
0xa0: {  	[sflag:s22] =	ssyncadd.s32 s4;
	_ =	sdelay $0x1  }
0xa1: {  	s23 =	simm.s32 $0x1B8B  }
0xa2: {  	_ =	swait.ge [sflag:s23], $0x1  }
0xa3: {  	[sflag:s23] =	ssyncset.done $0x0  }
0xa4: {  	s25 =	simm.s32 $0x1B8E;
	s24 =	sld [smem:$0x3FFE];
	[sflag:s23] =	ssyncadd.s32 $0xFFFFFFFF  }
0xa5: {  	s26 =	simm.s32 $execute0_lowered;
	[smem:$0x3FD2] =	sst s25  }
0xa6: {  	s5 =	sshll.u32 s26, $0x1;
	_ =	strace $0x80000052;
	[dreg:$0x1] =	wrdreg $0xFFFFFFFF  }
0xa7: {  	s28 =	simm.s32 $_size_execute0_lowered;
	s3 =	sadd.s32 s3, s5;
	[dreg:$0x0] =	wrdreg $0x0  }
0xa8: {  	s5 =	sshll.u32 s28, $0x1;
	[dreg:$0x2] =	wrdreg s3  }
0xa9: {  	[dreg:$0x3] =	wrdreg s5  }
0xaa: {  	[dreg:$0x4] =	wrdreg $0xC0  }
0xab: {  	_ =	task [dreg:s7], $0x5FFFF  }
0xac: {  	[dreg:$0x1] =	wrdreg $0xFFFFFFFF  }
0xad: {  	[dreg:$0x0] =	wrdreg $0x60  }
0xae: {  	[dreg:$0x2] =	wrdreg s24  }
0xaf: {  	[dreg:$0x3] =	wrdreg s2  }
0xb0: {  	[dreg:$0x4] =	wrdreg $0xA2800  }
0xb1: {  	[dreg:$0x5] =	wrdreg $0x9  }
0xb2: {  	_ =	task.clear_ibuf [dreg:s7], $0x6FFFF;
	_ =	strace $0x90000052  }
0xb3: {  	s29 =	simm.s32 $0x9;
	_ =	strace $0x80000054  }
0xb4: {  	_ =	swait.ge [sflag:s29], $0x1  }
0xb5: {  	[sflag:s29] =	ssyncadd.s32 $0xFFFFFFFF  }
0xb6: {  	_ =	strace $0x90000054  }
0xb7: {  	_ =	sfence  }
0xb8: {  	s30 =	sld [smem:$0x0];
	_ =	sdelay $0x2  }
0xb9: {  	s31 =	sshll.u32 s1, $0xD;
	s1 =	sshrl.u32 s1, $0x2  }
0xba: {  	s3 =	sand.u32 $0x4000, s31;
	s1 =	sadd.s32 s1, s30  }
0xbb: {  	s0 =	sor.u32 s3, s0;
	s1 =	sshll.u32 s1, $0x11  }
0xbc: {  	s0 =	sor.u32 s1, s0  }
0xbd: {  	s0 =	sadd.s32 $0x8F2B, s0  }
0xbe: {  	[sflag:s0] =	ssyncadd.remote.s32 $0x1  }
0xbf: {  	_ =	sfence.sel $0xFFFF  }
0xc0: {  	[dreg:$0x0] =	wrdreg $0xFFFFFFFF;
	(pc) =	sbr.abs _section_cstart, $3  }
0xc1: {  	[dreg:$0x1] =	wrdreg $0xFFFFFFFF  }
0xc2: {  	_ =	task.clear_ibuf [dreg:s7], $0x2FFFF;
	_ =	strace $0x9FFFFFFF  }
0xc3: {  	(tm) =	ssettm $0x7FFFFFFF  }
tec
execute0_lowered:
.L_overlay_start_1:
0x0: {  	(tag) =	ssettag $0x1  }
0x1: {  	s0 =	rddreg [dreg:$0x0]  }
0x2: {  	s1 =	srdreg.scid;
	s7 =	rddreg [dreg:$0x1]  }
0x3: {  	s2 =	rddreg [dreg:$0x2];
	s3 =	stileid.u32;
	s5 =	simm.s32 $0x0  }
0x4: {  	s12 =	simm.s32 $0x50;
	s13 =	simm.s32 $0x9F80;
	s14 =	simm.s32 $0x2780  }
0x5: {  	s15 =	simm.s32 $0xA080;
	s16 =	simm.s32 $0x4F80;
	s17 =	simm.s32 $0x1  }
0x6: {  	s18 =	simm.s32 $0xA000;
	s19 =	simm.s32 $0xA180;
	s20 =	simm.s32 $0x7780  }
0x7: {  	s21 =	simm.s32 $0x2;
	s22 =	simm.s32 $0xA100;
	s23 =	simm.s32 $0x4  }
0x8: {  	s28 =	simm.s32 $0x6;
	s29 =	simm.s32 $0x0;
	s9 =	smul.u32 $0x13C00, s3  }
0x9: {  	s1 =	sand.u32 $0x1, s1;
	[smem:$0x7FF] =	sst s5;
	s11 =	smul.u32 $0x4F000, s3  }
0xa: {  	s31 =	sshll.u32 s3, $0x6;
	s4 =	sshll.u32 s1, $0x4;
	_ =	strace $0x80000053  }
0xb: {  	s6 =	smul.u32 $0x13C000, s1;
	s1 =	ssub.s32 $0x2, s1;
	s4 =	sor.u32 s3, s4  }
0xc: {  	s10 =	sshrl.u32 s1, $0x1;
	s30 =	sshrl.u32 s11, $0x2;
	s4 =	smul.u32 $0x4F0, s4  }
0xd: {  	s24 =	ssub.s32 s1, s10;
	s25 =	sadd.s32 s9, s6;
	s11 =	sadd.s32 s30, s2  }
0xe: {  	s9 =	simm.s32 $0x7;
	s10 =	sor.u32 $0x1C07, s31;
	s1 =	sshrl.u32 s25, $0x3  }
0xf: {  	s8 =	sadd.s32 s4, s0;
	s4 =	sadd.s32 $0x2800, s0;
	s0 =	sadd.s32 $0x51800, s0  }
0x10: {  	s11 =	sshrl.u32 s11, $0x3;
	s1 =	sadd.s32 s7, s1;
	[dreg:$0x4] =	wrdreg s0  }
0x11: {  	s26 =	sadd.s32 $0x47A00, s8;
	[dreg:$0x6] =	wrdreg s1;
	s8 =	smax.u32 s24, $0x1  }
0x12: {  	s24 =	simm.s32 $0x3;
	[dreg:$0x5] =	wrdreg s26;
	s26 =	simm.s32 $0x5  }
.LBB2_1:
0x13: {  	s3 =	simm.s32 $0x0;
	s0 =	rddreg [dreg:$0x5]  }
0x14: {  	[tilespmem:s3], [sflag:$0x7] =	stream.linear.gather [hbm4b:s0+s3], $0x2780, $0x38;
	[tilespmem:$0x1DE80] =	vst v63  }
0x15: {  	_ =	swait.ge [sflag:s9], $0x2780  }
0x16: {  	[sflag:s9] =	ssyncset.done $0x0  }
0x17: {  	s7 =	rddreg [dreg:$0x4];
	[sflag:s9] =	ssyncadd.s32 $0xFFFFD880  }
0x18: {  	[spmem:s11], [sflag:s10] =	dma.local [hbm:s7], $0x2780  }
0x19: {  	_ =	swait.ge [sflag:s9], $0x2780  }
0x1a: {  	[sflag:s9] =	ssyncset.done $0x0  }
0x1b: {  	p0 =	por $0x1, $0x1;
	[sflag:s9] =	ssyncadd.s32 $0xFFFFD880  }
0x1c: {  	s0 =	simm.s32 @!p0 $0x2;
	[bflag:$0x0] =	sbarrier.arrive $0xFFFF  }
0x1d: {  	_ =	swait.ge @!p0 [sflag:s0], $0x2800  }
0x1e: {  	s1 =	simm.s32 @!p0 $0x4F80;
	s25 =	simm.s32 @!p0 $0x4;
	[sflag:s0] =	ssyncset.done @!p0 $0x0  }
0x1f: {  	s31 =	simm.s32 @!p0 $0x50;
	s30 =	simm.s32 @!p0 $0xA100;
	[sflag:s0] =	ssyncadd.s32 @!p0 $0xFFFFD800  }
0x20: {  	[spmem:s2] =	stream.indirect.scatter.add.f32 @!p0 [tilespmem:s1], [sflag:$0x5], $0x80, s30, s31, $0xb8;
	[tilespmem:$0x1DE80] =	vst v63  }
0x21: {  	_ =	swait.ge @!p0 [sflag:s25], $0x2800  }
0x22: {  	[sflag:s25] =	ssyncset.done @!p0 $0x0  }
0x23: {  	s30 =	simm.s32 $0x70;
	[sflag:s25] =	ssyncadd.s32 @!p0 $0xFFFFD800  }
0x24: {  	v0 =	vld [tilespmem:s30+$0xFFFFFF90];
	_ =	sdelay $0x4  }
0x25: {  	v1 =	vshra.s32 v0, $0xE  }
0x26: {  	v0 =	vand.u32 $0x3FFF, v0;
	[tilespmem:$0x9F80] =	vst v1  }
0x27: {  	[tilespmem:$0xA000] =	vst v0  }
0x28: {  	v0 =	vld [tilespmem:s30+$0xFFFFFFA0];
	_ =	sdelay $0x4  }
0x29: {  	v1 =	vshra.s32 v0, $0xE  }
0x2a: {  	v0 =	vand.u32 $0x3FFF, v0;
	[tilespmem:$0x9F90] =	vst v1  }
0x2b: {  	[tilespmem:$0xA010] =	vst v0  }
0x2c: {  	v0 =	vld [tilespmem:s30+$0xFFFFFFB0];
	_ =	sdelay $0x4  }
0x2d: {  	v1 =	vshra.s32 v0, $0xE  }
0x2e: {  	v0 =	vand.u32 $0x3FFF, v0;
	[tilespmem:$0x9FA0] =	vst v1  }
0x2f: {  	[tilespmem:$0xA020] =	vst v0  }
0x30: {  	v0 =	vld [tilespmem:s30+$0xFFFFFFC0];
	_ =	sdelay $0x4  }
0x31: {  	v1 =	vshra.s32 v0, $0xE  }
0x32: {  	v0 =	vand.u32 $0x3FFF, v0;
	[tilespmem:$0x9FB0] =	vst v1  }
0x33: {  	[tilespmem:$0xA030] =	vst v0  }
0x34: {  	v0 =	vld [tilespmem:s30+$0xFFFFFFD0];
	_ =	sdelay $0x4  }
0x35: {  	v1 =	vshra.s32 v0, $0xE  }
0x36: {  	v0 =	vand.u32 $0x3FFF, v0;
	[tilespmem:$0x9FC0] =	vst v1  }
0x37: {  	s0 =	simm.s32 @!p0 $0x3;
	[tilespmem:$0xA040] =	vst v0  }
0x38: {  	[tilespmem:s14], [sflag:$0x1] =	stream.indirect.gather [hbm4b:s4+s12], $0x80, s13, s12, $0xb8;
	[tilespmem:$0x1DE80] =	vst v63  }
0x39: {  	_ =	swait.ge @!p0 [sflag:s0], $0x2800  }
0x3a: {  	s1 =	simm.s32 @!p0 $0x5;
	[sflag:s0] =	ssyncset.done @!p0 $0x0  }
0x3b: {  	s25 =	simm.s32 @!p0 $0x7780;
	[sflag:s0] =	ssyncadd.s32 @!p0 $0xFFFFD800;
	s0 =	simm.s32 @!p0 $0xA200  }
0x3c: {  	[spmem:s2] =	stream.indirect.scatter.add.f32 @!p0 [tilespmem:s25], [sflag:$0x6], $0x80, s0, s31, $0xb8;
	[tilespmem:$0x1DE80] =	vst v63  }
0x3d: {  	_ =	swait.ge @!p0 [sflag:s1], $0x2800  }
0x3e: {  	[sflag:s1] =	ssyncset.done @!p0 $0x0  }
0x3f: {  	[sflag:s1] =	ssyncadd.s32 @!p0 $0xFFFFD800  }
0x40: {  	v0 =	vld [tilespmem:s30+$0xFFFFFFE0];
	_ =	sdelay $0x4  }
0x41: {  	v1 =	vshra.s32 v0, $0xE  }
0x42: {  	v0 =	vand.u32 $0x3FFF, v0;
	[tilespmem:$0xA080] =	vst v1  }
0x43: {  	[tilespmem:$0xA100] =	vst v0  }
0x44: {  	v0 =	vld [tilespmem:s30+$0xFFFFFFF0];
	_ =	sdelay $0x4  }
0x45: {  	v1 =	vshra.s32 v0, $0xE  }
0x46: {  	v0 =	vand.u32 $0x3FFF, v0;
	[tilespmem:$0xA090] =	vst v1  }
0x47: {  	[tilespmem:$0xA110] =	vst v0  }
0x48: {  	v0 =	vld [tilespmem:s30+$0x0];
	_ =	sdelay $0x4  }
0x49: {  	v1 =	vshra.s32 v0, $0xE  }
0x4a: {  	v0 =	vand.u32 $0x3FFF, v0;
	[tilespmem:$0xA0A0] =	vst v1  }
0x4b: {  	s25 =	sand.u32 $0x3FF0, s3;
	[tilespmem:$0xA120] =	vst v0  }
0x4c: {  	v0 =	vld [tilespmem:s25+$0x80];
	_ =	sdelay $0x4  }
0x4d: {  	v1 =	vshra.s32 v0, $0xE  }
0x4e: {  	v0 =	vand.u32 $0x3FFF, v0;
	[tilespmem:$0xA0B0] =	vst v1  }
0x4f: {  	[tilespmem:$0xA130] =	vst v0  }
0x50: {  	v0 =	vld [tilespmem:s30+$0x20];
	_ =	sdelay $0x4  }
0x51: {  	v1 =	vshra.s32 v0, $0xE  }
0x52: {  	v0 =	vand.u32 $0x3FFF, v0;
	[tilespmem:$0xA0C0] =	vst v1  }
0x53: {  	[tilespmem:$0xA140] =	vst v0  }
0x54: {  	[tilespmem:s16], [sflag:$0x2] =	stream.indirect.gather [hbm4b:s4+s12], $0x80, s15, s12, $0xb8;
	[tilespmem:$0x1DE80] =	vst v63  }
0x55: {  	_ =	swait.ge [sflag:s17], $0x2800  }
0x56: {  	[sflag:s17] =	ssyncset.done $0x0  }
0x57: {  	s0 =	simm.s32 @!p0 $0x6;
	[sflag:s17] =	ssyncadd.s32 $0xFFFFD800  }
0x58: {  	[spmem:s2] =	stream.indirect.scatter.add.f32 [tilespmem:s14], [sflag:$0x4], $0x80, s18, s12, $0xb8;
	[tilespmem:$0x1DE80] =	vst v63  }
0x59: {  	_ =	swait.ge @!p0 [sflag:s0], $0x2800  }
0x5a: {  	[sflag:s0] =	ssyncset.done @!p0 $0x0  }
0x5b: {  	[sflag:s0] =	ssyncadd.s32 @!p0 $0xFFFFD800  }
0x5c: {  	v0 =	vld [tilespmem:s30+$0x30];
	_ =	sdelay $0x4  }
0x5d: {  	v1 =	vshra.s32 v0, $0xE  }
0x5e: {  	v0 =	vand.u32 $0x3FFF, v0;
	[tilespmem:$0xA180] =	vst v1  }
0x5f: {  	[tilespmem:$0xA200] =	vst v0  }
0x60: {  	v0 =	vld [tilespmem:s30+$0x40];
	_ =	sdelay $0x4  }
0x61: {  	v1 =	vshra.s32 v0, $0xE  }
0x62: {  	v0 =	vand.u32 $0x3FFF, v0;
	[tilespmem:$0xA190] =	vst v1  }
0x63: {  	[tilespmem:$0xA210] =	vst v0  }
0x64: {  	v0 =	vld [tilespmem:s30+$0x50];
	_ =	sdelay $0x4  }
0x65: {  	v1 =	vshra.s32 v0, $0xE  }
0x66: {  	s31 =	simm.s32 $0x70;
	s0 =	simm.s32 $0xF0;
	v0 =	vand.u32 $0x3FFF, v0;
	[tilespmem:$0xA1A0] =	vst v1  }
.LBB2_2:
0x67: {  	[tilespmem:$0xA220] =	vst v0;
	s30 =	sadd.s32 $0xF0, s30;
	s1 =	smov.u32 s0;
	s0 =	sadd.s32 $0xF0, s0  }
0x68: {  	p0 =	sne.s32 s0, $0x2670;
	v0 =	vld [tilespmem:s31+$0x60];
	_ =	sdelay $0x4  }
0x69: {  	v1 =	vshra.s32 v0, $0xE;
	v0 =	vand.u32 $0x3FFF, v0  }
0x6a: {  	[tilespmem:$0xA1B0] =	vst v1  }
0x6b: {  	[tilespmem:$0xA230] =	vst v0  }
0x6c: {  	v0 =	vld [tilespmem:s31+$0x70];
	s31 =	smov.u32 s30;
	_ =	sdelay $0x4  }
0x6d: {  	p1 =	seq.s32 s1, $0x0;
	v1 =	vshra.s32 v0, $0xE;
	v0 =	vand.u32 $0x3FFF, v0  }
0x6e: {  	s3 =	simm.s32 @!p1 $0x2;
	[tilespmem:$0xA1C0] =	vst v1  }
0x6f: {  	[tilespmem:$0xA240] =	vst v0  }
0x70: {  	[tilespmem:s20], [sflag:$0x3] =	stream.indirect.gather [hbm4b:s4+s12], $0x80, s19, s12, $0xb8;
	[tilespmem:$0x1DE80] =	vst v63  }
0x71: {  	s5 =	simm.s32 @!p1 $0x4F80;
	s6 =	simm.s32 @!p1 $0x4;
	_ =	swait.ge @!p1 [sflag:s3], $0x2800  }
0x72: {  	s25 =	simm.s32 @!p1 $0x50;
	s7 =	simm.s32 @!p1 $0xA100;
	[sflag:s3] =	ssyncset.done @!p1 $0x0  }
0x73: {  	[sflag:s3] =	ssyncadd.s32 @!p1 $0xFFFFD800  }
0x74: {  	[spmem:s2] =	stream.indirect.scatter.add.f32 @!p1 [tilespmem:s5], [sflag:$0x5], $0x80, s7, s25, $0xb8;
	[tilespmem:$0x1DE80] =	vst v63  }
0x75: {  	_ =	swait.ge @!p1 [sflag:s6], $0x2800  }
0x76: {  	[sflag:s6] =	ssyncset.done @!p1 $0x0  }
0x77: {  	[sflag:s6] =	ssyncadd.s32 @!p1 $0xFFFFD800  }
0x78: {  	v0 =	vld [tilespmem:s30+$0xFFFFFF90];
	_ =	sdelay $0x4  }
0x79: {  	v1 =	vshra.s32 v0, $0xE;
	v0 =	vand.u32 $0x3FFF, v0  }
0x7a: {  	[tilespmem:$0x9F80] =	vst v1  }
0x7b: {  	[tilespmem:$0xA000] =	vst v0  }
0x7c: {  	v0 =	vld [tilespmem:s30+$0xFFFFFFA0];
	_ =	sdelay $0x4  }
0x7d: {  	v1 =	vshra.s32 v0, $0xE;
	v0 =	vand.u32 $0x3FFF, v0  }
0x7e: {  	[tilespmem:$0x9F90] =	vst v1  }
0x7f: {  	[tilespmem:$0xA010] =	vst v0  }
0x80: {  	v0 =	vld [tilespmem:s30+$0xFFFFFFB0];
	_ =	sdelay $0x4  }
0x81: {  	v1 =	vshra.s32 v0, $0xE;
	v0 =	vand.u32 $0x3FFF, v0  }
0x82: {  	[tilespmem:$0x9FA0] =	vst v1  }
0x83: {  	[tilespmem:$0xA020] =	vst v0  }
0x84: {  	v0 =	vld [tilespmem:s30+$0xFFFFFFC0];
	_ =	sdelay $0x4  }
0x85: {  	v1 =	vshra.s32 v0, $0xE;
	v0 =	vand.u32 $0x3FFF, v0  }
0x86: {  	[tilespmem:$0x9FB0] =	vst v1  }
0x87: {  	[tilespmem:$0xA030] =	vst v0  }
0x88: {  	v0 =	vld [tilespmem:s30+$0xFFFFFFD0];
	_ =	sdelay $0x4  }
0x89: {  	v1 =	vshra.s32 v0, $0xE;
	v0 =	vand.u32 $0x3FFF, v0  }
0x8a: {  	[tilespmem:$0x9FC0] =	vst v1  }
0x8b: {  	s3 =	simm.s32 @!p1 $0x3;
	[tilespmem:$0xA040] =	vst v0  }
0x8c: {  	[tilespmem:s14], [sflag:$0x1] =	stream.indirect.gather [hbm4b:s4+s12], $0x80, s13, s12, $0xb8;
	[tilespmem:$0x1DE80] =	vst v63  }
0x8d: {  	_ =	swait.ge @!p1 [sflag:s3], $0x2800  }
0x8e: {  	s5 =	simm.s32 @!p1 $0x5;
	[sflag:s3] =	ssyncset.done @!p1 $0x0  }
0x8f: {  	s6 =	simm.s32 @!p1 $0x7780;
	[sflag:s3] =	ssyncadd.s32 @!p1 $0xFFFFD800;
	s3 =	simm.s32 @!p1 $0xA200  }
0x90: {  	[spmem:s2] =	stream.indirect.scatter.add.f32 @!p1 [tilespmem:s6], [sflag:$0x6], $0x80, s3, s25, $0xb8;
	[tilespmem:$0x1DE80] =	vst v63  }
0x91: {  	_ =	swait.ge @!p1 [sflag:s5], $0x2800  }
0x92: {  	[sflag:s5] =	ssyncset.done @!p1 $0x0  }
0x93: {  	[sflag:s5] =	ssyncadd.s32 @!p1 $0xFFFFD800  }
0x94: {  	v0 =	vld [tilespmem:s30+$0xFFFFFFE0];
	_ =	sdelay $0x4  }
0x95: {  	v1 =	vshra.s32 v0, $0xE;
	v0 =	vand.u32 $0x3FFF, v0  }
0x96: {  	[tilespmem:$0xA080] =	vst v1  }
0x97: {  	[tilespmem:$0xA100] =	vst v0  }
0x98: {  	v0 =	vld [tilespmem:s30+$0xFFFFFFF0];
	_ =	sdelay $0x4  }
0x99: {  	v1 =	vshra.s32 v0, $0xE;
	v0 =	vand.u32 $0x3FFF, v0  }
0x9a: {  	[tilespmem:$0xA090] =	vst v1  }
0x9b: {  	[tilespmem:$0xA110] =	vst v0  }
0x9c: {  	v0 =	vld [tilespmem:s30+$0x0];
	_ =	sdelay $0x4  }
0x9d: {  	v1 =	vshra.s32 v0, $0xE;
	v0 =	vand.u32 $0x3FFF, v0  }
0x9e: {  	[tilespmem:$0xA0A0] =	vst v1  }
0x9f: {  	s1 =	sand.u32 $0x3FF0, s1;
	[tilespmem:$0xA120] =	vst v0  }
0xa0: {  	v0 =	vld [tilespmem:s1+$0x80];
	_ =	sdelay $0x4  }
0xa1: {  	v1 =	vshra.s32 v0, $0xE;
	v0 =	vand.u32 $0x3FFF, v0  }
0xa2: {  	[tilespmem:$0xA0B0] =	vst v1  }
0xa3: {  	[tilespmem:$0xA130] =	vst v0  }
0xa4: {  	v0 =	vld [tilespmem:s30+$0x20];
	_ =	sdelay $0x4  }
0xa5: {  	v1 =	vshra.s32 v0, $0xE;
	v0 =	vand.u32 $0x3FFF, v0  }
0xa6: {  	[tilespmem:$0xA0C0] =	vst v1  }
0xa7: {  	[tilespmem:$0xA140] =	vst v0  }
0xa8: {  	[tilespmem:s16], [sflag:$0x2] =	stream.indirect.gather [hbm4b:s4+s12], $0x80, s15, s12, $0xb8;
	[tilespmem:$0x1DE80] =	vst v63  }
0xa9: {  	_ =	swait.ge [sflag:s17], $0x2800  }
0xaa: {  	[sflag:s17] =	ssyncset.done $0x0  }
0xab: {  	s1 =	simm.s32 @!p1 $0x6;
	[sflag:s17] =	ssyncadd.s32 $0xFFFFD800  }
0xac: {  	[spmem:s2] =	stream.indirect.scatter.add.f32 [tilespmem:s14], [sflag:$0x4], $0x80, s18, s12, $0xb8;
	[tilespmem:$0x1DE80] =	vst v63  }
0xad: {  	_ =	swait.ge @!p1 [sflag:s1], $0x2800  }
0xae: {  	[sflag:s1] =	ssyncset.done @!p1 $0x0  }
0xaf: {  	[sflag:s1] =	ssyncadd.s32 @!p1 $0xFFFFD800  }
0xb0: {  	v0 =	vld [tilespmem:s30+$0x30];
	_ =	sdelay $0x4  }
0xb1: {  	v1 =	vshra.s32 v0, $0xE;
	v0 =	vand.u32 $0x3FFF, v0  }
0xb2: {  	[tilespmem:$0xA180] =	vst v1  }
0xb3: {  	[tilespmem:$0xA200] =	vst v0  }
0xb4: {  	v0 =	vld [tilespmem:s30+$0x40];
	_ =	sdelay $0x4  }
0xb5: {  	v1 =	vshra.s32 v0, $0xE;
	v0 =	vand.u32 $0x3FFF, v0  }
0xb6: {  	[tilespmem:$0xA190] =	vst v1  }
0xb7: {  	[tilespmem:$0xA210] =	vst v0  }
0xb8: {  	v0 =	vld [tilespmem:s30+$0x50];
	_ =	sdelay $0x1  }
.Ltmp0:
0xb9: {  	(pc) =	sbr.rel @p0 .LBB2_2-.Ltmp0, $3  }
0xba: {  	_ =	sdelay $0x1  }
0xbb: {  	v1 =	vshra.s32 v0, $0xE;
	v0 =	vand.u32 $0x3FFF, v0  }
0xbc: {  	[tilespmem:$0xA1A0] =	vst v1  }
0xbd: {  	[tilespmem:$0xA220] =	vst v0  }
0xbe: {  	v0 =	vld [tilespmem:s31+$0x60];
	_ =	sdelay $0x4  }
0xbf: {  	v1 =	vshra.s32 v0, $0xE  }
0xc0: {  	v0 =	vand.u32 $0x3FFF, v0;
	[tilespmem:$0xA1B0] =	vst v1  }
0xc1: {  	[tilespmem:$0xA230] =	vst v0  }
0xc2: {  	v0 =	vld [tilespmem:s31+$0x70];
	_ =	sdelay $0x4  }
0xc3: {  	v37 =	vshra.s32 v0, $0xE  }
0xc4: {  	v0 =	vand.u32 $0x3FFF, v0;
	[tilespmem:$0xA1C0] =	vst v37  }
0xc5: {  	[tilespmem:$0xA240] =	vst v0  }
0xc6: {  	[tilespmem:s20], [sflag:$0x3] =	stream.indirect.gather [hbm4b:s4+s12], $0x80, s19, s12, $0xb8;
	[tilespmem:$0x1DE80] =	vst v63  }
0xc7: {  	_ =	swait.ge [sflag:s21], $0x2800  }
0xc8: {  	[sflag:s21] =	ssyncset.done $0x0  }
0xc9: {  	[sflag:s21] =	ssyncadd.s32 $0xFFFFD800  }
0xca: {  	[spmem:s2] =	stream.indirect.scatter.add.f32 [tilespmem:s16], [sflag:$0x5], $0x80, s22, s12, $0xb8;
	[tilespmem:$0x1DE80] =	vst v63  }
0xcb: {  	_ =	swait.ge [sflag:s23], $0x2800  }
0xcc: {  	[sflag:s23] =	ssyncset.done $0x0  }
0xcd: {  	[sflag:s23] =	ssyncadd.s32 $0xFFFFD800  }
0xce: {  	v38 =	vld [tilespmem:$0x2670];
	_ =	sdelay $0x1  }
0xcf: {  	v39 =	vld [tilespmem:$0x2680];
	_ =	sdelay $0x1  }
0xd0: {  	v2 =	vld [tilespmem:$0x2690]  }
0xd1: {  	v3 =	vshra.s32 v38, $0xE  }
0xd2: {  	v40 =	vld [tilespmem:$0x26A0];
	v0 =	vand.u32 $0x3FFF, v38;
	[tilespmem:$0x9F80] =	vst v3  }
0xd3: {  	v41 =	vshra.s32 v39, $0xE;
	[tilespmem:$0xA000] =	vst v0  }
0xd4: {  	v43 =	vld [tilespmem:$0x26B0];
	v42 =	vand.u32 $0x3FFF, v39;
	[tilespmem:$0x9F90] =	vst v41  }
0xd5: {  	v44 =	vshra.s32 v2, $0xE;
	[tilespmem:$0xA010] =	vst v42  }
0xd6: {  	v45 =	vand.u32 $0x3FFF, v2;
	[tilespmem:$0x9FA0] =	vst v44  }
0xd7: {  	v46 =	vshra.s32 v40, $0xE;
	[tilespmem:$0xA020] =	vst v45  }
0xd8: {  	v47 =	vand.u32 $0x3FFF, v40;
	[tilespmem:$0x9FB0] =	vst v46  }
0xd9: {  	v48 =	vshra.s32 v43, $0xE;
	[tilespmem:$0xA030] =	vst v47  }
0xda: {  	v49 =	vand.u32 $0x3FFF, v43;
	[tilespmem:$0x9FC0] =	vst v48  }
0xdb: {  	[tilespmem:$0xA040] =	vst v49  }
0xdc: {  	[tilespmem:s14], [sflag:$0x1] =	stream.indirect.gather [hbm4b:s4+s12], $0x80, s13, s12, $0xb8;
	[tilespmem:$0x1DE80] =	vst v63  }
0xdd: {  	_ =	swait.ge [sflag:s24], $0x2800  }
0xde: {  	[sflag:s24] =	ssyncset.done $0x0  }
0xdf: {  	s0 =	simm.s32 $0xA200;
	[sflag:s24] =	ssyncadd.s32 $0xFFFFD800  }
0xe0: {  	[spmem:s2] =	stream.indirect.scatter.add.f32 [tilespmem:s20], [sflag:$0x6], $0x80, s0, s12, $0xb8;
	[tilespmem:$0x1DE80] =	vst v63  }
0xe1: {  	_ =	swait.ge [sflag:s26], $0x2800  }
0xe2: {  	[sflag:s26] =	ssyncset.done $0x0  }
0xe3: {  	[sflag:s26] =	ssyncadd.s32 $0xFFFFD800  }
0xe4: {  	v50 =	vld [tilespmem:$0x26C0];
	_ =	sdelay $0x1  }
0xe5: {  	v51 =	vld [tilespmem:$0x26D0];
	_ =	sdelay $0x1  }
0xe6: {  	v52 =	vld [tilespmem:$0x26E0]  }
0xe7: {  	v53 =	vshra.s32 v50, $0xE  }
0xe8: {  	v54 =	vld [tilespmem:$0x26F0];
	v0 =	vand.u32 $0x3FFF, v50;
	[tilespmem:$0xA080] =	vst v53  }
0xe9: {  	v55 =	vshra.s32 v51, $0xE;
	[tilespmem:$0xA100] =	vst v0  }
0xea: {  	v57 =	vld [tilespmem:$0x2700];
	v56 =	vand.u32 $0x3FFF, v51;
	[tilespmem:$0xA090] =	vst v55  }
0xeb: {  	v58 =	vshra.s32 v52, $0xE;
	[tilespmem:$0xA110] =	vst v56  }
0xec: {  	v59 =	vand.u32 $0x3FFF, v52;
	[tilespmem:$0xA0A0] =	vst v58  }
0xed: {  	v60 =	vshra.s32 v54, $0xE;
	[tilespmem:$0xA120] =	vst v59  }
0xee: {  	v61 =	vand.u32 $0x3FFF, v54;
	[tilespmem:$0xA0B0] =	vst v60  }
0xef: {  	v62 =	vshra.s32 v57, $0xE;
	[tilespmem:$0xA130] =	vst v61  }
0xf0: {  	v63 =	vand.u32 $0x3FFF, v57;
	[tilespmem:$0xA0C0] =	vst v62  }
0xf1: {  	[tilespmem:$0xA140] =	vst v63  }
0xf2: {  	[tilespmem:s16], [sflag:$0x2] =	stream.indirect.gather [hbm4b:s4+s12], $0x80, s15, s12, $0xb8;
	[tilespmem:$0x1DE80] =	vst v63  }
0xf3: {  	_ =	swait.ge [sflag:s17], $0x2800  }
0xf4: {  	[sflag:s17] =	ssyncset.done $0x0  }
0xf5: {  	[sflag:s17] =	ssyncadd.s32 $0xFFFFD800  }
0xf6: {  	[spmem:s2] =	stream.indirect.scatter.add.f32 [tilespmem:s14], [sflag:$0x4], $0x80, s18, s12, $0xb8;
	[tilespmem:$0x1DE80] =	vst v63  }
0xf7: {  	_ =	swait.ge [sflag:s21], $0x2800  }
0xf8: {  	[sflag:s21] =	ssyncset.done $0x0  }
0xf9: {  	[sflag:s21] =	ssyncadd.s32 $0xFFFFD800  }
0xfa: {  	[spmem:s2] =	stream.indirect.scatter.add.f32 [tilespmem:s16], [sflag:$0x5], $0x80, s22, s12, $0xb8;
	[tilespmem:$0x1DE80] =	vst v63  }
0xfb: {  	_ =	swait.ge [sflag:s23], $0x2800  }
0xfc: {  	[sflag:s23] =	ssyncset.done $0x0  }
0xfd: {  	[sflag:s23] =	ssyncadd.s32 $0xFFFFD800  }
0xfe: {  	_ =	swait.ge [sflag:s26], $0x2800  }
0xff: {  	[sflag:s26] =	ssyncset.done $0x0  }
0x100: {  	[sflag:s26] =	ssyncadd.s32 $0xFFFFD800  }
0x101: {  	_ =	swait.ge [sflag:s28], $0x2800  }
0x102: {  	[sflag:s28] =	ssyncset.done $0x0  }
0x103: {  	s29 =	sadd.s32 $0x1, s29;
	[sflag:s28] =	ssyncadd.s32 $0xFFFFD800  }
0x104: {  	p0 =	sne.s32 s29, s8;
	[bflag:$0x0] =	sbarrier.arrive $0xFFFF  }
.Ltmp1:
0x105: {  	s31 =	rddreg [dreg:$0x6];
	(pc) =	sbr.rel @p0 .LBB2_1-.Ltmp1, $4  }
0x106: {  	[hbm:s31], [sflag:s10] =	dma.local [spmem:s11], $0x2780  }
0x107: {  	_ =	swait.ge [sflag:s9], $0x2780  }
0x108: {  	[sflag:s9] =	ssyncset.done $0x0  }
0x109: {  	[sflag:s9] =	ssyncadd.s32 $0xFFFFD880  }
0x10a: {  	_ =	sfence.sel $0x180000  }
0x10b: {  	[bflag:$0x0] =	sbarrier.arrive $0xFFFF  }
0x10c: {  	_ =	strace $0x90000053  }
0x10d: {  	s0 =	stileid.u32;
	[bflag:$0x2] =	sbarrier.arrive $0xFFFF  }
0x10e: {  	p0 =	sne.s32 s0, $0x0;
	s0 =	rddreg [dreg:$0x3]  }
0x10f: {  	s0 =	sadd.s32 @!p0 $0x100000, s0  }
0x110: {  	[sflag:s0] =	ssyncadd.tile.s32 @!p0 $0x1;
	_ =	shalt  }
.Lfunc_end2:
_tile_overlayer_lowered:
.L_overlay_start_2:
0x111: {  	(tag) =	ssettag $0x2  }
0x112: {  	s0 =	rddreg [dreg:$0x0];
	s2 =	stileid.u32  }
0x113: {  	s1 =	rddreg [dreg:$0x1];
	p0 =	sne.s32 s2, $0x0  }
0x114: {  	s3 =	rddreg [dreg:$0x2];
	[bflag:$0x3] =	sbarrier.arrive $0xFFFF;
	s2 =	simm.s32 @!p0 $0x1C07  }
0x115: {  	[timem:s3], [sflag:s2] =	dma.local @!p0 [hbm:s0], s1  }
0x116: {  	s0 =	simm.s32 @!p0 $0x7  }
0x117: {  	_ =	swait.ge @!p0 [sflag:s0], s1  }
0x118: {  	s1 =	ssub.s32 @!p0 $0x0, s1;
	[sflag:s0] =	ssyncset.done @!p0 $0x0  }
0x119: {  	[sflag:s0] =	ssyncadd.s32 @!p0 s1  }
0x11a: {  	[bflag:$0x3] =	sbarrier.arrive $0xFFFF  }
0x11b: {  	_ =	shalt  }

</sc_bundles>
